<compile_context>
chip_gen: v7x
topology: tpu7x:2x2x1
jax: 0.10.2.dev20260603
libtpu: 0.0.44.dev20260713+nightly
codegen_flags: <defaults>
</compile_context>

<pallas_src>
import functools

import jax
import jax.numpy as jnp
from jax import lax
from jax.experimental import pallas as pl
from jax.experimental.pallas import tpu as pltpu
from jax.experimental.pallas import tpu_sc as plsc

ROWS = 128
N = 32768
NC = 2
NS = 16
NW = NC * NS
RPW = ROWS // NW
NV = N // 16
RADIX = 2048
SHIFTS = (0, 11, 22)
MASKS = (2047, 2047, 1023)
NPASS = 3
C = 8
CLEN = N // C
CV = NV // C
RV = RADIX // 16
SIGN = -2147483648


def _sort_body(x_hbm, out_hbm, bufa, bufb, hist, offs, tot, gt):
  wid = lax.axis_index("s") * NC + lax.axis_index("c")

  def scan_hist(rv):
    lane0 = lax.iota(jnp.int32, 16) == 0

    @plsc.parallel_loop(0, rv, unroll=8)
    def _(v):
      t = hist[pl.ds(v * 16, 16)]
      for c in range(1, C):
        t = t + hist[pl.ds(c * RADIX + v * 16, 16)]
      tot[pl.ds(v * 16, 16)] = t
      plsc.store_scatter(
          gt, [jnp.broadcast_to(v, (16,))],
          jnp.broadcast_to(jnp.sum(t), (16,)), mask=lane0)

    def excl(g, carry):
      t = gt[pl.ds(g * 16, 16)]
      gt[pl.ds(g * 16, 16)] = plsc.cumsum(t) - t + carry
      return carry + jnp.sum(t)

    lax.fori_loop(0, rv // 16, excl, jnp.int32(-1))

    @plsc.parallel_loop(0, rv, unroll=8)
    def _(v):
      t = tot[pl.ds(v * 16, 16)]
      base = plsc.load_gather(gt, [jnp.broadcast_to(v, (16,))])
      tot[pl.ds(v * 16, 16)] = plsc.cumsum(t) - t + base

    z = jnp.zeros((16,), jnp.int32)

    @plsc.parallel_loop(0, rv, unroll=4)
    def _(v):
      run = tot[pl.ds(v * 16, 16)]
      for c in range(C):
        offs[pl.ds(c * RADIX + v * 16, 16)] = run
        run = run + hist[pl.ds(c * RADIX + v * 16, 16)]
        hist[pl.ds(c * RADIX + v * 16, 16)] = z

  def do_row(row, _):
    pltpu.sync_copy(x_hbm.at[row], bufa)

    def h0(i, _):
      @plsc.parallel_loop(0, C, unroll=C)
      def _(c):
        k = bufa[pl.ds(c * CLEN + i * 16, 16)]
        k = k ^ (lax.shift_right_arithmetic(k, 31) | SIGN)
        d = (k & MASKS[0]) + c * RADIX
        cnt, last = plsc.scan_count(d)
        plsc.addupdate_scatter(hist, [d], cnt, mask=last)

      return 0

    lax.fori_loop(0, CV, h0, 0)

    for p in range(NPASS):
      src, dst = (bufa, bufb) if p % 2 == 0 else (bufb, bufa)
      shift, mask = SHIFTS[p], MASKS[p]
      scan_hist((MASKS[p] + 1) // 16)
      final = p == NPASS - 1

      def perm(i, _, src=src, dst=dst, shift=shift, mask=mask, final=final,
               first=(p == 0)):
        @plsc.parallel_loop(0, C, unroll=C)
        def _(c):
          k = src[pl.ds(c * CLEN + i * 16, 16)]
          if first:
            k = k ^ (lax.shift_right_arithmetic(k, 31) | SIGN)
          d = (lax.shift_right_logical(k, shift) & mask) + c * RADIX
          cnt, last = plsc.scan_count(d)
          pos = plsc.load_gather(offs, [d]) + cnt
          plsc.store_scatter(offs, [d], pos, mask=last)
          if final:
            out = k ^ (~lax.shift_right_arithmetic(k, 31) | SIGN)
          else:
            out = k
          plsc.store_scatter(dst, [pos], out)

        return 0

      lax.fori_loop(0, CV, perm, 0)

      if not final:
        shift2, mask2 = SHIFTS[p + 1], MASKS[p + 1]

        def hist_next(i, _, dst=dst, shift2=shift2, mask2=mask2):
          @plsc.parallel_loop(0, C, unroll=C)
          def _(c):
            k = dst[pl.ds(c * CLEN + i * 16, 16)]
            d = (lax.shift_right_logical(k, shift2) & mask2) + c * RADIX
            cnt, last = plsc.scan_count(d)
            plsc.addupdate_scatter(hist, [d], cnt, mask=last)

          return 0

        lax.fori_loop(0, CV, hist_next, 0)

    final_buf = bufb if NPASS % 2 == 1 else bufa
    pltpu.sync_copy(final_buf, out_hbm.at[row])
    return 0

  @plsc.parallel_loop(0, C * RV, unroll=8)
  def _(i):
    hist[pl.ds(i * 16, 16)] = jnp.zeros((16,), jnp.int32)

  lax.fori_loop(wid * RPW, (wid + 1) * RPW, do_row, 0)


@jax.jit
def kernel(x):
  mesh = plsc.VectorSubcoreMesh(
      core_axis_name="c", subcore_axis_name="s", num_cores=NC, num_subcores=NS
  )
  run = pl.kernel(
      _sort_body,
      out_type=jax.ShapeDtypeStruct((ROWS, N), jnp.int32),
      mesh=mesh,
      scratch_types=[
          pltpu.VMEM((N,), jnp.int32),
          pltpu.VMEM((N,), jnp.int32),
          pltpu.VMEM((C * RADIX,), jnp.int32),
          pltpu.VMEM((C * RADIX,), jnp.int32),
          pltpu.VMEM((RADIX,), jnp.int32),
          pltpu.VMEM((RV,), jnp.int32),
      ],
      compiler_params=pltpu.CompilerParams(needs_layout_passes=False),
  )
  out_i32 = run(lax.bitcast_convert_type(x, jnp.int32))
  return lax.bitcast_convert_type(out_i32, jnp.float32)

# --- scband reference (transcript-rebuilt; emitter-appended) ---
"""Pipeline reference for scband-sort-layer-53171695124887 (READ-ONLY COPY).

The authoritative reference and input builder live on the scoring server;
editing this copy changes nothing except your own understanding.
"""

import jax, jax.numpy as jnp
import numpy as np

def setup_inputs(seed: int = 0) -> dict:
    key = jax.random.key(seed)
    x = jax.random.normal(key, (128, 32768), dtype=jnp.float32)
    return {"x": x}

def reference(x):
    return jnp.sort(x, axis=1)

if __name__ == "__main__":
    import jax
    _d = setup_inputs()
    print(jax.jit(kernel)(*tuple(_d.values())))

</pallas_src>

<mosaic_0001>
#map = affine_map<(d0, d1) -> (0, 0)>
module attributes {stable_mosaic.version = 14 : i64} {
  func.func @_sort_body(%arg0: i32, %arg1: i32, %arg2: memref<128x32768xi32, #tpu.memory_space<hbm>>, %arg3: memref<128x32768xi32, #tpu.memory_space<hbm>>, %arg4: memref<32768xi32, #tpu.memory_space<vmem>>, %arg5: memref<32768xi32, #tpu.memory_space<vmem>>, %arg6: memref<16384xi32, #tpu.memory_space<vmem>>, %arg7: memref<16384xi32, #tpu.memory_space<vmem>>, %arg8: memref<2048xi32, #tpu.memory_space<vmem>>, %arg9: memref<128xi32, #tpu.memory_space<vmem>>) attributes {dimension_semantics = [#tpu.dimension_semantics<core_parallel>, #tpu.dimension_semantics<subcore_parallel>], iteration_bounds = array<i64: 2, 16>, scalar_prefetch = 0 : i64, scratch_operands = 6 : i64, tpu.core_type = #tpu.core_type<sc_vector_subcore>, window_params = [{transform_indices = #map}, {transform_indices = #map}]} {
    %mul3A = arith.constant 2 : i32
    %mul3A_0 = arith.muli %arg1, %mul3A : i32
    %add3A = arith.addi %mul3A_0, %arg0 : i32
    %parallel_loop3A = arith.constant 0 : i32
    %parallel_loop3A_1 = arith.constant 1024 : i32
    %parallel_loop3A_2 = arith.constant 1 : i32
    scf.for %parallel_loop3A_19 = %parallel_loop3A to %parallel_loop3A_1 step %parallel_loop3A_2  : i32 {
      %parallel_loop3A_20 = arith.constant 0 : i32
      %parallel_loop3A_21 = vector.broadcast %parallel_loop3A_20 : i32 to vector<16xi32>
      %parallel_loop3A_22 = arith.constant 16 : i32
      %parallel_loop3A_23 = arith.muli %parallel_loop3A_19, %parallel_loop3A_22 : i32
      %parallel_loop3A_24 = arith.index_cast %parallel_loop3A_23 : i32 to index
      %parallel_loop3A_25 = tpu.vector_load %arg6[%parallel_loop3A_24] {strides = array<i32>} : memref<16384xi32, #tpu.memory_space<vmem>>, vector<16xi32>,
      tpu.vector_store %arg6[%parallel_loop3A_24], %parallel_loop3A_21 {strides = array<i32>} : memref<16384xi32, #tpu.memory_space<vmem>>, vector<16xi32>,
    } {sc.loop_unroll_factor = 8 : i64, sc.parallel_access}
    %mul3A_3 = arith.constant 4 : i32
    %mul3A_4 = arith.muli %add3A, %mul3A_3 : i32
    %add3A_5 = arith.constant 1 : i32
    %add3A_6 = arith.addi %add3A, %add3A_5 : i32
    %mul3A_7 = arith.constant 4 : i32
    %mul3A_8 = arith.muli %add3A_6, %mul3A_7 : i32
    %while3A = arith.constant 0 : i32
    %while3A_9 = arith.subi %mul3A_8, %mul3A_4 : i32
    %while3A_10 = arith.addi %mul3A_4, %while3A_9 : i32
    %while3A_11 = arith.constant 1 : i32
    %while3A_12 = arith.divsi %while3A_9, %while3A_11 : i32
    %while3A_13 = arith.muli %while3A_12, %while3A_11 : i32
    %while3A_14 = arith.addi %mul3A_4, %while3A_13 : i32
    %while3A_15 = arith.constant 1 : i32
    %while3A_16 = scf.for %while3A_19 = %mul3A_4 to %while3A_14 step %while3A_15 iter_args(%while3A_20 = %while3A) -> (i32)  : i32 {
      "tpu.region"() ({
        %run_scoped3A = tpu.sem_alloc : memref<!tpu.dma_semaphore, #tpu.memory_space<semaphore_mem>>
        %dma_start3A = arith.constant 0 : i32
        %dma_start3A_126 = tpu.memref_slice %arg2[%while3A_19, %dma_start3A] : memref<128x32768xi32, #tpu.memory_space<hbm>> -> memref<1x32768xi32, #tpu.memory_space<hbm>>
        %dma_start3A_127 = tpu.memref_squeeze %dma_start3A_126 : memref<1x32768xi32, #tpu.memory_space<hbm>> -> memref<32768xi32, #tpu.memory_space<hbm>>
        %dma_start3A_128 = arith.constant 0 : i32
        %dma_start3A_129 = tpu.memref_slice %arg2[%while3A_19, %dma_start3A_128] : memref<128x32768xi32, #tpu.memory_space<hbm>> -> memref<1x32768xi32, #tpu.memory_space<hbm>>
        %dma_start3A_130 = tpu.memref_squeeze %dma_start3A_129 : memref<1x32768xi32, #tpu.memory_space<hbm>> -> memref<32768xi32, #tpu.memory_space<hbm>>
        tpu.enqueue_dma source(%dma_start3A_130 : memref<32768xi32, #tpu.memory_space<hbm>>) target(%arg4 : memref<32768xi32, #tpu.memory_space<vmem>>) target_semaphore(%run_scoped3A : memref<!tpu.dma_semaphore, #tpu.memory_space<semaphore_mem>>)
        %dma_wait3A = arith.constant 0 : i32
        %dma_wait3A_131 = tpu.memref_slice %arg2[%while3A_19, %dma_wait3A] : memref<128x32768xi32, #tpu.memory_space<hbm>> -> memref<1x32768xi32, #tpu.memory_space<hbm>>
        %dma_wait3A_132 = tpu.memref_squeeze %dma_wait3A_131 : memref<1x32768xi32, #tpu.memory_space<hbm>> -> memref<32768xi32, #tpu.memory_space<hbm>>
        %dma_wait3A_133 = arith.constant 0 : i32
        %dma_wait3A_134 = tpu.memref_slice %arg2[%while3A_19, %dma_wait3A_133] : memref<128x32768xi32, #tpu.memory_space<hbm>> -> memref<1x32768xi32, #tpu.memory_space<hbm>>
        %dma_wait3A_135 = tpu.memref_squeeze %dma_wait3A_134 : memref<1x32768xi32, #tpu.memory_space<hbm>> -> memref<32768xi32, #tpu.memory_space<hbm>>
        tpu.wait_dma2 semaphore(%run_scoped3A : memref<!tpu.dma_semaphore, #tpu.memory_space<semaphore_mem>>) src(%dma_wait3A_135 : memref<32768xi32, #tpu.memory_space<hbm>>) dst(%arg4 : memref<32768xi32, #tpu.memory_space<vmem>>)
        tpu.yield
      }) : () -> ()
      %scan3A = arith.constant 0 : i32
      %scan3A_21 = arith.constant 0 : i32
      %scan3A_22 = arith.constant 256 : i32
      %scan3A_23 = arith.addi %scan3A_21, %scan3A_22 : i32
      %scan3A_24 = arith.constant 1 : i32
      %scan3A_25 = scf.for %scan3A_126 = %scan3A_21 to %scan3A_23 step %scan3A_24 iter_args(%scan3A_127 = %scan3A) -> (i32)  : i32 {
        %parallel_loop3A_128 = arith.constant 0 : i32
        %parallel_loop3A_129 = arith.constant 8 : i32
        %parallel_loop3A_130 = arith.constant 1 : i32
        scf.for %parallel_loop3A_132 = %parallel_loop3A_128 to %parallel_loop3A_129 step %parallel_loop3A_130  : i32 {
          %parallel_loop3A_133 = arith.constant 4096 : i32
          %parallel_loop3A_134 = arith.muli %parallel_loop3A_132, %parallel_loop3A_133 : i32
          %parallel_loop3A_135 = arith.constant 16 : i32
          %parallel_loop3A_136 = arith.muli %scan3A_126, %parallel_loop3A_135 : i32
          %parallel_loop3A_137 = arith.addi %parallel_loop3A_134, %parallel_loop3A_136 : i32
          %parallel_loop3A_138 = arith.index_cast %parallel_loop3A_137 : i32 to index
          %parallel_loop3A_139 = tpu.vector_load %arg4[%parallel_loop3A_138] {strides = array<i32>} : memref<32768xi32, #tpu.memory_space<vmem>>, vector<16xi32>,
          %parallel_loop3A_140 = arith.constant 31 : i32
          %parallel_loop3A_141 = vector.broadcast %parallel_loop3A_140 : i32 to vector<16xi32>
          %parallel_loop3A_142 = arith.shrsi %parallel_loop3A_139, %parallel_loop3A_141 : vector<16xi32>
          %parallel_loop3A_143 = arith.constant -2147483648 : i32
          %parallel_loop3A_144 = vector.broadcast %parallel_loop3A_143 : i32 to vector<16xi32>
          %parallel_loop3A_145 = arith.ori %parallel_loop3A_142, %parallel_loop3A_144 : vector<16xi32>
          %parallel_loop3A_146 = arith.xori %parallel_loop3A_139, %parallel_loop3A_145 : vector<16xi32>
          %parallel_loop3A_147 = arith.constant 2047 : i32
          %parallel_loop3A_148 = vector.broadcast %parallel_loop3A_147 : i32 to vector<16xi32>
          %parallel_loop3A_149 = arith.andi %parallel_loop3A_146, %parallel_loop3A_148 : vector<16xi32>
          %parallel_loop3A_150 = arith.constant 2048 : i32
          %parallel_loop3A_151 = arith.muli %parallel_loop3A_132, %parallel_loop3A_150 : i32
          %parallel_loop3A_152 = vector.broadcast %parallel_loop3A_151 : i32 to vector<16xi32>
          %parallel_loop3A_153 = arith.addi %parallel_loop3A_149, %parallel_loop3A_152 : vector<16xi32>
          %parallel_loop3A_154 = arith.constant true
          %parallel_loop3A_155 = vector.broadcast %parallel_loop3A_154 : i1 to vector<16xi1>
          %parallel_loop3A_156, %parallel_loop3A_157 = tpu.scan_count mask(%parallel_loop3A_155 : vector<16xi1>) value(%parallel_loop3A_153 : vector<16xi32>) : vector<16xi1>, vector<16xi32>
          tpu.vector_store_idx %arg6[%parallel_loop3A_153], %parallel_loop3A_157 masked %parallel_loop3A_156 {add = true} : memref<16384xi32, #tpu.memory_space<vmem>>[vector<16xi32>], vector<16xi32>, vector<16xi1>
        } {sc.loop_unroll_factor = 8 : i64, sc.parallel_access}
        %scan3A_131 = arith.constant 0 : i32
        scf.yield %scan3A_131 : i32
      }
      %scan3A_26 = arith.constant 256 : i32
      %iota3A = tpu.iota {dimensions = array<i32: 0>} : vector<16xi32>
      %eq3A = arith.constant 0 : i32
      %eq3A_27 = vector.broadcast %eq3A : i32 to vector<16xi32>
      %eq3A_28 = arith.cmpi eq, %iota3A, %eq3A_27 : vector<16xi32>
      %parallel_loop3A_29 = arith.constant 0 : i32
      %parallel_loop3A_30 = arith.constant 128 : i32
      %parallel_loop3A_31 = arith.constant 1 : i32
      scf.for %parallel_loop3A_126 = %parallel_loop3A_29 to %parallel_loop3A_30 step %parallel_loop3A_31  : i32 {
        %parallel_loop3A_127 = arith.constant 16 : i32
        %parallel_loop3A_128 = arith.muli %parallel_loop3A_126, %parallel_loop3A_127 : i32
        %parallel_loop3A_129 = arith.index_cast %parallel_loop3A_128 : i32 to index
        %parallel_loop3A_130 = tpu.vector_load %arg6[%parallel_loop3A_129] {strides = array<i32>} : memref<16384xi32, #tpu.memory_space<vmem>>, vector<16xi32>,
        %parallel_loop3A_131 = arith.constant 16 : i32
        %parallel_loop3A_132 = arith.muli %parallel_loop3A_126, %parallel_loop3A_131 : i32
        %parallel_loop3A_133 = arith.constant 2048 : i32
        %parallel_loop3A_134 = arith.addi %parallel_loop3A_133, %parallel_loop3A_132 : i32
        %parallel_loop3A_135 = arith.index_cast %parallel_loop3A_134 : i32 to index
        %parallel_loop3A_136 = tpu.vector_load %arg6[%parallel_loop3A_135] {strides = array<i32>} : memref<16384xi32, #tpu.memory_space<vmem>>, vector<16xi32>,
        %parallel_loop3A_137 = arith.addi %parallel_loop3A_130, %parallel_loop3A_136 : vector<16xi32>
        %parallel_loop3A_138 = arith.constant 16 : i32
        %parallel_loop3A_139 = arith.muli %parallel_loop3A_126, %parallel_loop3A_138 : i32
        %parallel_loop3A_140 = arith.constant 4096 : i32
        %parallel_loop3A_141 = arith.addi %parallel_loop3A_140, %parallel_loop3A_139 : i32
        %parallel_loop3A_142 = arith.index_cast %parallel_loop3A_141 : i32 to index
        %parallel_loop3A_143 = tpu.vector_load %arg6[%parallel_loop3A_142] {strides = array<i32>} : memref<16384xi32, #tpu.memory_space<vmem>>, vector<16xi32>,
        %parallel_loop3A_144 = arith.addi %parallel_loop3A_137, %parallel_loop3A_143 : vector<16xi32>
        %parallel_loop3A_145 = arith.constant 16 : i32
        %parallel_loop3A_146 = arith.muli %parallel_loop3A_126, %parallel_loop3A_145 : i32
        %parallel_loop3A_147 = arith.constant 6144 : i32
        %parallel_loop3A_148 = arith.addi %parallel_loop3A_147, %parallel_loop3A_146 : i32
        %parallel_loop3A_149 = arith.index_cast %parallel_loop3A_148 : i32 to index
        %parallel_loop3A_150 = tpu.vector_load %arg6[%parallel_loop3A_149] {strides = array<i32>} : memref<16384xi32, #tpu.memory_space<vmem>>, vector<16xi32>,
        %parallel_loop3A_151 = arith.addi %parallel_loop3A_144, %parallel_loop3A_150 : vector<16xi32>
        %parallel_loop3A_152 = arith.constant 16 : i32
        %parallel_loop3A_153 = arith.muli %parallel_loop3A_126, %parallel_loop3A_152 : i32
        %parallel_loop3A_154 = arith.constant 8192 : i32
        %parallel_loop3A_155 = arith.addi %parallel_loop3A_154, %parallel_loop3A_153 : i32
        %parallel_loop3A_156 = arith.index_cast %parallel_loop3A_155 : i32 to index
        %parallel_loop3A_157 = tpu.vector_load %arg6[%parallel_loop3A_156] {strides = array<i32>} : memref<16384xi32, #tpu.memory_space<vmem>>, vector<16xi32>,
        %parallel_loop3A_158 = arith.addi %parallel_loop3A_151, %parallel_loop3A_157 : vector<16xi32>
        %parallel_loop3A_159 = arith.constant 16 : i32
        %parallel_loop3A_160 = arith.muli %parallel_loop3A_126, %parallel_loop3A_159 : i32
        %parallel_loop3A_161 = arith.constant 10240 : i32
        %parallel_loop3A_162 = arith.addi %parallel_loop3A_161, %parallel_loop3A_160 : i32
        %parallel_loop3A_163 = arith.index_cast %parallel_loop3A_162 : i32 to index
        %parallel_loop3A_164 = tpu.vector_load %arg6[%parallel_loop3A_163] {strides = array<i32>} : memref<16384xi32, #tpu.memory_space<vmem>>, vector<16xi32>,
        %parallel_loop3A_165 = arith.addi %parallel_loop3A_158, %parallel_loop3A_164 : vector<16xi32>
        %parallel_loop3A_166 = arith.constant 16 : i32
        %parallel_loop3A_167 = arith.muli %parallel_loop3A_126, %parallel_loop3A_166 : i32
        %parallel_loop3A_168 = arith.constant 12288 : i32
        %parallel_loop3A_169 = arith.addi %parallel_loop3A_168, %parallel_loop3A_167 : i32
        %parallel_loop3A_170 = arith.index_cast %parallel_loop3A_169 : i32 to index
        %parallel_loop3A_171 = tpu.vector_load %arg6[%parallel_loop3A_170] {strides = array<i32>} : memref<16384xi32, #tpu.memory_space<vmem>>, vector<16xi32>,
        %parallel_loop3A_172 = arith.addi %parallel_loop3A_165, %parallel_loop3A_171 : vector<16xi32>
        %parallel_loop3A_173 = arith.constant 16 : i32
        %parallel_loop3A_174 = arith.muli %parallel_loop3A_126, %parallel_loop3A_173 : i32
        %parallel_loop3A_175 = arith.constant 14336 : i32
        %parallel_loop3A_176 = arith.addi %parallel_loop3A_175, %parallel_loop3A_174 : i32
        %parallel_loop3A_177 = arith.index_cast %parallel_loop3A_176 : i32 to index
        %parallel_loop3A_178 = tpu.vector_load %arg6[%parallel_loop3A_177] {strides = array<i32>} : memref<16384xi32, #tpu.memory_space<vmem>>, vector<16xi32>,
        %parallel_loop3A_179 = arith.addi %parallel_loop3A_172, %parallel_loop3A_178 : vector<16xi32>
        %parallel_loop3A_180 = arith.constant 16 : i32
        %parallel_loop3A_181 = arith.muli %parallel_loop3A_126, %parallel_loop3A_180 : i32
        %parallel_loop3A_182 = arith.index_cast %parallel_loop3A_181 : i32 to index
        %parallel_loop3A_183 = tpu.vector_load %arg8[%parallel_loop3A_182] {strides = array<i32>} : memref<2048xi32, #tpu.memory_space<vmem>>, vector<16xi32>,
        tpu.vector_store %arg8[%parallel_loop3A_182], %parallel_loop3A_179 {strides = array<i32>} : memref<2048xi32, #tpu.memory_space<vmem>>, vector<16xi32>,
        %parallel_loop3A_184 = vector.broadcast %parallel_loop3A_126 : i32 to vector<16xi32>
        %parallel_loop3A_185 = arith.constant true
        %parallel_loop3A_186 = vector.broadcast %parallel_loop3A_185 : i1 to vector<16xi1>
        %parallel_loop3A_187 = tpu.scan <sum>, %parallel_loop3A_179 masked %parallel_loop3A_186 : vector<16xi32>, vector<16xi1> -> vector<16xi32>
        %parallel_loop3A_188 = vector.extract %parallel_loop3A_187[15] : i32 from vector<16xi32>
        %parallel_loop3A_189 = vector.broadcast %parallel_loop3A_188 : i32 to vector<16xi32>
        tpu.vector_store_idx %arg9[%parallel_loop3A_184], %parallel_loop3A_189 masked %eq3A_28 : memref<128xi32, #tpu.memory_space<vmem>>[vector<16xi32>], vector<16xi32>, vector<16xi1>
      } {sc.loop_unroll_factor = 8 : i64, sc.parallel_access}
      %scan3A_32 = arith.constant -1 : i32
      %scan3A_33 = arith.constant 0 : i32
      %scan3A_34 = arith.constant 8 : i32
      %scan3A_35 = arith.addi %scan3A_33, %scan3A_34 : i32
      %scan3A_36 = arith.constant 1 : i32
      %scan3A_37 = scf.for %scan3A_126 = %scan3A_33 to %scan3A_35 step %scan3A_36 iter_args(%scan3A_127 = %scan3A_32) -> (i32)  : i32 {
        %mul3A_128 = arith.constant 16 : i32
        %mul3A_129 = arith.muli %scan3A_126, %mul3A_128 : i32
        %get3A = arith.index_cast %mul3A_129 : i32 to index
        %get3A_130 = tpu.vector_load %arg9[%get3A] {strides = array<i32>} : memref<128xi32, #tpu.memory_space<vmem>>, vector<16xi32>,
        %broadcast_in_dim3A_131 = arith.constant true
        %broadcast_in_dim3A_132 = vector.broadcast %broadcast_in_dim3A_131 : i1 to vector<16xi1>
        %masked_cumsum3A = tpu.scan <sum>, %get3A_130 masked %broadcast_in_dim3A_132 : vector<16xi32>, vector<16xi1> -> vector<16xi32>
        %sub3A = arith.subi %masked_cumsum3A, %get3A_130 : vector<16xi32>
        %add3A_133 = vector.broadcast %scan3A_127 : i32 to vector<16xi32>
        %add3A_134 = arith.addi %sub3A, %add3A_133 : vector<16xi32>
        %mul3A_135 = arith.constant 16 : i32
        %mul3A_136 = arith.muli %scan3A_126, %mul3A_135 : i32
        %swap3A = arith.index_cast %mul3A_136 : i32 to index
        %swap3A_137 = tpu.vector_load %arg9[%swap3A] {strides = array<i32>} : memref<128xi32, #tpu.memory_space<vmem>>, vector<16xi32>,
        tpu.vector_store %arg9[%swap3A], %add3A_134 {strides = array<i32>} : memref<128xi32, #tpu.memory_space<vmem>>, vector<16xi32>,
        %reduce_sum3A = arith.constant true
        %reduce_sum3A_138 = vector.broadcast %reduce_sum3A : i1 to vector<16xi1>
        %reduce_sum3A_139 = tpu.scan <sum>, %get3A_130 masked %reduce_sum3A_138 : vector<16xi32>, vector<16xi1> -> vector<16xi32>
        %reduce_sum3A_140 = vector.extract %reduce_sum3A_139[15] : i32 from vector<16xi32>
        %add3A_141 = arith.addi %scan3A_127, %reduce_sum3A_140 : i32
        scf.yield %add3A_141 : i32
      }
      %scan3A_38 = arith.constant 8 : i32
      %parallel_loop3A_39 = arith.constant 0 : i32
      %parallel_loop3A_40 = arith.constant 128 : i32
      %parallel_loop3A_41 = arith.constant 1 : i32
      scf.for %parallel_loop3A_126 = %parallel_loop3A_39 to %parallel_loop3A_40 step %parallel_loop3A_41  : i32 {
        %parallel_loop3A_127 = arith.constant 16 : i32
        %parallel_loop3A_128 = arith.muli %parallel_loop3A_126, %parallel_loop3A_127 : i32
        %parallel_loop3A_129 = arith.index_cast %parallel_loop3A_128 : i32 to index
        %parallel_loop3A_130 = tpu.vector_load %arg8[%parallel_loop3A_129] {strides = array<i32>} : memref<2048xi32, #tpu.memory_space<vmem>>, vector<16xi32>,
        %parallel_loop3A_131 = vector.broadcast %parallel_loop3A_126 : i32 to vector<16xi32>
        %parallel_loop3A_132 = tpu.vector_load_idx %arg9[%parallel_loop3A_131] : memref<128xi32, #tpu.memory_space<vmem>>[vector<16xi32>], vector<16xi32>,
        %parallel_loop3A_133 = arith.constant true
        %parallel_loop3A_134 = vector.broadcast %parallel_loop3A_133 : i1 to vector<16xi1>
        %parallel_loop3A_135 = tpu.scan <sum>, %parallel_loop3A_130 masked %parallel_loop3A_134 : vector<16xi32>, vector<16xi1> -> vector<16xi32>
        %parallel_loop3A_136 = arith.subi %parallel_loop3A_135, %parallel_loop3A_130 : vector<16xi32>
        %parallel_loop3A_137 = arith.addi %parallel_loop3A_136, %parallel_loop3A_132 : vector<16xi32>
        %parallel_loop3A_138 = arith.constant 16 : i32
        %parallel_loop3A_139 = arith.muli %parallel_loop3A_126, %parallel_loop3A_138 : i32
        %parallel_loop3A_140 = arith.index_cast %parallel_loop3A_139 : i32 to index
        %parallel_loop3A_141 = tpu.vector_load %arg8[%parallel_loop3A_140] {strides = array<i32>} : memref<2048xi32, #tpu.memory_space<vmem>>, vector<16xi32>,
        tpu.vector_store %arg8[%parallel_loop3A_140], %parallel_loop3A_137 {strides = array<i32>} : memref<2048xi32, #tpu.memory_space<vmem>>, vector<16xi32>,
      } {sc.loop_unroll_factor = 8 : i64, sc.parallel_access}
      %broadcast_in_dim3A = arith.constant 0 : i32
      %broadcast_in_dim3A_42 = vector.broadcast %broadcast_in_dim3A : i32 to vector<16xi32>
      %parallel_loop3A_43 = arith.constant 0 : i32
      %parallel_loop3A_44 = arith.constant 128 : i32
      %parallel_loop3A_45 = arith.constant 1 : i32
      scf.for %parallel_loop3A_126 = %parallel_loop3A_43 to %parallel_loop3A_44 step %parallel_loop3A_45  : i32 {
        %parallel_loop3A_127 = arith.constant 16 : i32
        %parallel_loop3A_128 = arith.muli %parallel_loop3A_126, %parallel_loop3A_127 : i32
        %parallel_loop3A_129 = arith.index_cast %parallel_loop3A_128 : i32 to index
        %parallel_loop3A_130 = tpu.vector_load %arg8[%parallel_loop3A_129] {strides = array<i32>} : memref<2048xi32, #tpu.memory_space<vmem>>, vector<16xi32>,
        %parallel_loop3A_131 = arith.constant 16 : i32
        %parallel_loop3A_132 = arith.muli %parallel_loop3A_126, %parallel_loop3A_131 : i32
        %parallel_loop3A_133 = arith.constant 0 : i32
        %parallel_loop3A_134 = arith.addi %parallel_loop3A_133, %parallel_loop3A_132 : i32
        %parallel_loop3A_135 = arith.index_cast %parallel_loop3A_134 : i32 to index
        %parallel_loop3A_136 = tpu.vector_load %arg7[%parallel_loop3A_135] {strides = array<i32>} : memref<16384xi32, #tpu.memory_space<vmem>>, vector<16xi32>,
        tpu.vector_store %arg7[%parallel_loop3A_135], %parallel_loop3A_130 {strides = array<i32>} : memref<16384xi32, #tpu.memory_space<vmem>>, vector<16xi32>,
        %parallel_loop3A_137 = arith.constant 16 : i32
        %parallel_loop3A_138 = arith.muli %parallel_loop3A_126, %parallel_loop3A_137 : i32
        %parallel_loop3A_139 = arith.constant 0 : i32
        %parallel_loop3A_140 = arith.addi %parallel_loop3A_139, %parallel_loop3A_138 : i32
        %parallel_loop3A_141 = arith.index_cast %parallel_loop3A_140 : i32 to index
        %parallel_loop3A_142 = tpu.vector_load %arg6[%parallel_loop3A_141] {strides = array<i32>} : memref<16384xi32, #tpu.memory_space<vmem>>, vector<16xi32>,
        %parallel_loop3A_143 = arith.addi %parallel_loop3A_130, %parallel_loop3A_142 : vector<16xi32>
        %parallel_loop3A_144 = arith.constant 16 : i32
        %parallel_loop3A_145 = arith.muli %parallel_loop3A_126, %parallel_loop3A_144 : i32
        %parallel_loop3A_146 = arith.constant 0 : i32
        %parallel_loop3A_147 = arith.addi %parallel_loop3A_146, %parallel_loop3A_145 : i32
        %parallel_loop3A_148 = arith.index_cast %parallel_loop3A_147 : i32 to index
        %parallel_loop3A_149 = tpu.vector_load %arg6[%parallel_loop3A_148] {strides = array<i32>} : memref<16384xi32, #tpu.memory_space<vmem>>, vector<16xi32>,
        tpu.vector_store %arg6[%parallel_loop3A_148], %broadcast_in_dim3A_42 {strides = array<i32>} : memref<16384xi32, #tpu.memory_space<vmem>>, vector<16xi32>,
        %parallel_loop3A_150 = arith.constant 16 : i32
        %parallel_loop3A_151 = arith.muli %parallel_loop3A_126, %parallel_loop3A_150 : i32
        %parallel_loop3A_152 = arith.constant 2048 : i32
        %parallel_loop3A_153 = arith.addi %parallel_loop3A_152, %parallel_loop3A_151 : i32
        %parallel_loop3A_154 = arith.index_cast %parallel_loop3A_153 : i32 to index
        %parallel_loop3A_155 = tpu.vector_load %arg7[%parallel_loop3A_154] {strides = array<i32>} : memref<16384xi32, #tpu.memory_space<vmem>>, vector<16xi32>,
        tpu.vector_store %arg7[%parallel_loop3A_154], %parallel_loop3A_143 {strides = array<i32>} : memref<16384xi32, #tpu.memory_space<vmem>>, vector<16xi32>,
        %parallel_loop3A_156 = arith.constant 16 : i32
        %parallel_loop3A_157 = arith.muli %parallel_loop3A_126, %parallel_loop3A_156 : i32
        %parallel_loop3A_158 = arith.constant 2048 : i32
        %parallel_loop3A_159 = arith.addi %parallel_loop3A_158, %parallel_loop3A_157 : i32
        %parallel_loop3A_160 = arith.index_cast %parallel_loop3A_159 : i32 to index
        %parallel_loop3A_161 = tpu.vector_load %arg6[%parallel_loop3A_160] {strides = array<i32>} : memref<16384xi32, #tpu.memory_space<vmem>>, vector<16xi32>,
        %parallel_loop3A_162 = arith.addi %parallel_loop3A_143, %parallel_loop3A_161 : vector<16xi32>
        %parallel_loop3A_163 = arith.constant 16 : i32
        %parallel_loop3A_164 = arith.muli %parallel_loop3A_126, %parallel_loop3A_163 : i32
        %parallel_loop3A_165 = arith.constant 2048 : i32
        %parallel_loop3A_166 = arith.addi %parallel_loop3A_165, %parallel_loop3A_164 : i32
        %parallel_loop3A_167 = arith.index_cast %parallel_loop3A_166 : i32 to index
        %parallel_loop3A_168 = tpu.vector_load %arg6[%parallel_loop3A_167] {strides = array<i32>} : memref<16384xi32, #tpu.memory_space<vmem>>, vector<16xi32>,
        tpu.vector_store %arg6[%parallel_loop3A_167], %broadcast_in_dim3A_42 {strides = array<i32>} : memref<16384xi32, #tpu.memory_space<vmem>>, vector<16xi32>,
        %parallel_loop3A_169 = arith.constant 16 : i32
        %parallel_loop3A_170 = arith.muli %parallel_loop3A_126, %parallel_loop3A_169 : i32
        %parallel_loop3A_171 = arith.constant 4096 : i32
        %parallel_loop3A_172 = arith.addi %parallel_loop3A_171, %parallel_loop3A_170 : i32
        %parallel_loop3A_173 = arith.index_cast %parallel_loop3A_172 : i32 to index
        %parallel_loop3A_174 = tpu.vector_load %arg7[%parallel_loop3A_173] {strides = array<i32>} : memref<16384xi32, #tpu.memory_space<vmem>>, vector<16xi32>,
        tpu.vector_store %arg7[%parallel_loop3A_173], %parallel_loop3A_162 {strides = array<i32>} : memref<16384xi32, #tpu.memory_space<vmem>>, vector<16xi32>,
        %parallel_loop3A_175 = arith.constant 16 : i32
        %parallel_loop3A_176 = arith.muli %parallel_loop3A_126, %parallel_loop3A_175 : i32
        %parallel_loop3A_177 = arith.constant 4096 : i32
        %parallel_loop3A_178 = arith.addi %parallel_loop3A_177, %parallel_loop3A_176 : i32
        %parallel_loop3A_179 = arith.index_cast %parallel_loop3A_178 : i32 to index
        %parallel_loop3A_180 = tpu.vector_load %arg6[%parallel_loop3A_179] {strides = array<i32>} : memref<16384xi32, #tpu.memory_space<vmem>>, vector<16xi32>,
        %parallel_loop3A_181 = arith.addi %parallel_loop3A_162, %parallel_loop3A_180 : vector<16xi32>
        %parallel_loop3A_182 = arith.constant 16 : i32
        %parallel_loop3A_183 = arith.muli %parallel_loop3A_126, %parallel_loop3A_182 : i32
        %parallel_loop3A_184 = arith.constant 4096 : i32
        %parallel_loop3A_185 = arith.addi %parallel_loop3A_184, %parallel_loop3A_183 : i32
        %parallel_loop3A_186 = arith.index_cast %parallel_loop3A_185 : i32 to index
        %parallel_loop3A_187 = tpu.vector_load %arg6[%parallel_loop3A_186] {strides = array<i32>} : memref<16384xi32, #tpu.memory_space<vmem>>, vector<16xi32>,
        tpu.vector_store %arg6[%parallel_loop3A_186], %broadcast_in_dim3A_42 {strides = array<i32>} : memref<16384xi32, #tpu.memory_space<vmem>>, vector<16xi32>,
        %parallel_loop3A_188 = arith.constant 16 : i32
        %parallel_loop3A_189 = arith.muli %parallel_loop3A_126, %parallel_loop3A_188 : i32
        %parallel_loop3A_190 = arith.constant 6144 : i32
        %parallel_loop3A_191 = arith.addi %parallel_loop3A_190, %parallel_loop3A_189 : i32
        %parallel_loop3A_192 = arith.index_cast %parallel_loop3A_191 : i32 to index
        %parallel_loop3A_193 = tpu.vector_load %arg7[%parallel_loop3A_192] {strides = array<i32>} : memref<16384xi32, #tpu.memory_space<vmem>>, vector<16xi32>,
        tpu.vector_store %arg7[%parallel_loop3A_192], %parallel_loop3A_181 {strides = array<i32>} : memref<16384xi32, #tpu.memory_space<vmem>>, vector<16xi32>,
        %parallel_loop3A_194 = arith.constant 16 : i32
        %parallel_loop3A_195 = arith.muli %parallel_loop3A_126, %parallel_loop3A_194 : i32
        %parallel_loop3A_196 = arith.constant 6144 : i32
        %parallel_loop3A_197 = arith.addi %parallel_loop3A_196, %parallel_loop3A_195 : i32
        %parallel_loop3A_198 = arith.index_cast %parallel_loop3A_197 : i32 to index
        %parallel_loop3A_199 = tpu.vector_load %arg6[%parallel_loop3A_198] {strides = array<i32>} : memref<16384xi32, #tpu.memory_space<vmem>>, vector<16xi32>,
        %parallel_loop3A_200 = arith.addi %parallel_loop3A_181, %parallel_loop3A_199 : vector<16xi32>
        %parallel_loop3A_201 = arith.constant 16 : i32
        %parallel_loop3A_202 = arith.muli %parallel_loop3A_126, %parallel_loop3A_201 : i32
        %parallel_loop3A_203 = arith.constant 6144 : i32
        %parallel_loop3A_204 = arith.addi %parallel_loop3A_203, %parallel_loop3A_202 : i32
        %parallel_loop3A_205 = arith.index_cast %parallel_loop3A_204 : i32 to index
        %parallel_loop3A_206 = tpu.vector_load %arg6[%parallel_loop3A_205] {strides = array<i32>} : memref<16384xi32, #tpu.memory_space<vmem>>, vector<16xi32>,
        tpu.vector_store %arg6[%parallel_loop3A_205], %broadcast_in_dim3A_42 {strides = array<i32>} : memref<16384xi32, #tpu.memory_space<vmem>>, vector<16xi32>,
        %parallel_loop3A_207 = arith.constant 16 : i32
        %parallel_loop3A_208 = arith.muli %parallel_loop3A_126, %parallel_loop3A_207 : i32
        %parallel_loop3A_209 = arith.constant 8192 : i32
        %parallel_loop3A_210 = arith.addi %parallel_loop3A_209, %parallel_loop3A_208 : i32
        %parallel_loop3A_211 = arith.index_cast %parallel_loop3A_210 : i32 to index
        %parallel_loop3A_212 = tpu.vector_load %arg7[%parallel_loop3A_211] {strides = array<i32>} : memref<16384xi32, #tpu.memory_space<vmem>>, vector<16xi32>,
        tpu.vector_store %arg7[%parallel_loop3A_211], %parallel_loop3A_200 {strides = array<i32>} : memref<16384xi32, #tpu.memory_space<vmem>>, vector<16xi32>,
        %parallel_loop3A_213 = arith.constant 16 : i32
        %parallel_loop3A_214 = arith.muli %parallel_loop3A_126, %parallel_loop3A_213 : i32
        %parallel_loop3A_215 = arith.constant 8192 : i32
        %parallel_loop3A_216 = arith.addi %parallel_loop3A_215, %parallel_loop3A_214 : i32
        %parallel_loop3A_217 = arith.index_cast %parallel_loop3A_216 : i32 to index
        %parallel_loop3A_218 = tpu.vector_load %arg6[%parallel_loop3A_217] {strides = array<i32>} : memref<16384xi32, #tpu.memory_space<vmem>>, vector<16xi32>,
        %parallel_loop3A_219 = arith.addi %parallel_loop3A_200, %parallel_loop3A_218 : vector<16xi32>
        %parallel_loop3A_220 = arith.constant 16 : i32
        %parallel_loop3A_221 = arith.muli %parallel_loop3A_126, %parallel_loop3A_220 : i32
        %parallel_loop3A_222 = arith.constant 8192 : i32
        %parallel_loop3A_223 = arith.addi %parallel_loop3A_222, %parallel_loop3A_221 : i32
        %parallel_loop3A_224 = arith.index_cast %parallel_loop3A_223 : i32 to index
        %parallel_loop3A_225 = tpu.vector_load %arg6[%parallel_loop3A_224] {strides = array<i32>} : memref<16384xi32, #tpu.memory_space<vmem>>, vector<16xi32>,
        tpu.vector_store %arg6[%parallel_loop3A_224], %broadcast_in_dim3A_42 {strides = array<i32>} : memref<16384xi32, #tpu.memory_space<vmem>>, vector<16xi32>,
        %parallel_loop3A_226 = arith.constant 16 : i32
        %parallel_loop3A_227 = arith.muli %parallel_loop3A_126, %parallel_loop3A_226 : i32
        %parallel_loop3A_228 = arith.constant 10240 : i32
        %parallel_loop3A_229 = arith.addi %parallel_loop3A_228, %parallel_loop3A_227 : i32
        %parallel_loop3A_230 = arith.index_cast %parallel_loop3A_229 : i32 to index
        %parallel_loop3A_231 = tpu.vector_load %arg7[%parallel_loop3A_230] {strides = array<i32>} : memref<16384xi32, #tpu.memory_space<vmem>>, vector<16xi32>,
        tpu.vector_store %arg7[%parallel_loop3A_230], %parallel_loop3A_219 {strides = array<i32>} : memref<16384xi32, #tpu.memory_space<vmem>>, vector<16xi32>,
        %parallel_loop3A_232 = arith.constant 16 : i32
        %parallel_loop3A_233 = arith.muli %parallel_loop3A_126, %parallel_loop3A_232 : i32
        %parallel_loop3A_234 = arith.constant 10240 : i32
        %parallel_loop3A_235 = arith.addi %parallel_loop3A_234, %parallel_loop3A_233 : i32
        %parallel_loop3A_236 = arith.index_cast %parallel_loop3A_235 : i32 to index
        %parallel_loop3A_237 = tpu.vector_load %arg6[%parallel_loop3A_236] {strides = array<i32>} : memref<16384xi32, #tpu.memory_space<vmem>>, vector<16xi32>,
        %parallel_loop3A_238 = arith.addi %parallel_loop3A_219, %parallel_loop3A_237 : vector<16xi32>
        %parallel_loop3A_239 = arith.constant 16 : i32
        %parallel_loop3A_240 = arith.muli %parallel_loop3A_126, %parallel_loop3A_239 : i32
        %parallel_loop3A_241 = arith.constant 10240 : i32
        %parallel_loop3A_242 = arith.addi %parallel_loop3A_241, %parallel_loop3A_240 : i32
        %parallel_loop3A_243 = arith.index_cast %parallel_loop3A_242 : i32 to index
        %parallel_loop3A_244 = tpu.vector_load %arg6[%parallel_loop3A_243] {strides = array<i32>} : memref<16384xi32, #tpu.memory_space<vmem>>, vector<16xi32>,
        tpu.vector_store %arg6[%parallel_loop3A_243], %broadcast_in_dim3A_42 {strides = array<i32>} : memref<16384xi32, #tpu.memory_space<vmem>>, vector<16xi32>,
        %parallel_loop3A_245 = arith.constant 16 : i32
        %parallel_loop3A_246 = arith.muli %parallel_loop3A_126, %parallel_loop3A_245 : i32
        %parallel_loop3A_247 = arith.constant 12288 : i32
        %parallel_loop3A_248 = arith.addi %parallel_loop3A_247, %parallel_loop3A_246 : i32
        %parallel_loop3A_249 = arith.index_cast %parallel_loop3A_248 : i32 to index
        %parallel_loop3A_250 = tpu.vector_load %arg7[%parallel_loop3A_249] {strides = array<i32>} : memref<16384xi32, #tpu.memory_space<vmem>>, vector<16xi32>,
        tpu.vector_store %arg7[%parallel_loop3A_249], %parallel_loop3A_238 {strides = array<i32>} : memref<16384xi32, #tpu.memory_space<vmem>>, vector<16xi32>,
        %parallel_loop3A_251 = arith.constant 16 : i32
        %parallel_loop3A_252 = arith.muli %parallel_loop3A_126, %parallel_loop3A_251 : i32
        %parallel_loop3A_253 = arith.constant 12288 : i32
        %parallel_loop3A_254 = arith.addi %parallel_loop3A_253, %parallel_loop3A_252 : i32
        %parallel_loop3A_255 = arith.index_cast %parallel_loop3A_254 : i32 to index
        %parallel_loop3A_256 = tpu.vector_load %arg6[%parallel_loop3A_255] {strides = array<i32>} : memref<16384xi32, #tpu.memory_space<vmem>>, vector<16xi32>,
        %parallel_loop3A_257 = arith.addi %parallel_loop3A_238, %parallel_loop3A_256 : vector<16xi32>
        %parallel_loop3A_258 = arith.constant 16 : i32
        %parallel_loop3A_259 = arith.muli %parallel_loop3A_126, %parallel_loop3A_258 : i32
        %parallel_loop3A_260 = arith.constant 12288 : i32
        %parallel_loop3A_261 = arith.addi %parallel_loop3A_260, %parallel_loop3A_259 : i32
        %parallel_loop3A_262 = arith.index_cast %parallel_loop3A_261 : i32 to index
        %parallel_loop3A_263 = tpu.vector_load %arg6[%parallel_loop3A_262] {strides = array<i32>} : memref<16384xi32, #tpu.memory_space<vmem>>, vector<16xi32>,
        tpu.vector_store %arg6[%parallel_loop3A_262], %broadcast_in_dim3A_42 {strides = array<i32>} : memref<16384xi32, #tpu.memory_space<vmem>>, vector<16xi32>,
        %parallel_loop3A_264 = arith.constant 16 : i32
        %parallel_loop3A_265 = arith.muli %parallel_loop3A_126, %parallel_loop3A_264 : i32
        %parallel_loop3A_266 = arith.constant 14336 : i32
        %parallel_loop3A_267 = arith.addi %parallel_loop3A_266, %parallel_loop3A_265 : i32
        %parallel_loop3A_268 = arith.index_cast %parallel_loop3A_267 : i32 to index
        %parallel_loop3A_269 = tpu.vector_load %arg7[%parallel_loop3A_268] {strides = array<i32>} : memref<16384xi32, #tpu.memory_space<vmem>>, vector<16xi32>,
        tpu.vector_store %arg7[%parallel_loop3A_268], %parallel_loop3A_257 {strides = array<i32>} : memref<16384xi32, #tpu.memory_space<vmem>>, vector<16xi32>,
        %parallel_loop3A_270 = arith.constant 16 : i32
        %parallel_loop3A_271 = arith.muli %parallel_loop3A_126, %parallel_loop3A_270 : i32
        %parallel_loop3A_272 = arith.constant 14336 : i32
        %parallel_loop3A_273 = arith.addi %parallel_loop3A_272, %parallel_loop3A_271 : i32
        %parallel_loop3A_274 = arith.index_cast %parallel_loop3A_273 : i32 to index
        %parallel_loop3A_275 = tpu.vector_load %arg6[%parallel_loop3A_274] {strides = array<i32>} : memref<16384xi32, #tpu.memory_space<vmem>>, vector<16xi32>,
        %parallel_loop3A_276 = arith.addi %parallel_loop3A_257, %parallel_loop3A_275 : vector<16xi32>
        %parallel_loop3A_277 = arith.constant 16 : i32
        %parallel_loop3A_278 = arith.muli %parallel_loop3A_126, %parallel_loop3A_277 : i32
        %parallel_loop3A_279 = arith.constant 14336 : i32
        %parallel_loop3A_280 = arith.addi %parallel_loop3A_279, %parallel_loop3A_278 : i32
        %parallel_loop3A_281 = arith.index_cast %parallel_loop3A_280 : i32 to index
        %parallel_loop3A_282 = tpu.vector_load %arg6[%parallel_loop3A_281] {strides = array<i32>} : memref<16384xi32, #tpu.memory_space<vmem>>, vector<16xi32>,
        tpu.vector_store %arg6[%parallel_loop3A_281], %broadcast_in_dim3A_42 {strides = array<i32>} : memref<16384xi32, #tpu.memory_space<vmem>>, vector<16xi32>,
      } {sc.loop_unroll_factor = 4 : i64, sc.parallel_access}
      %scan3A_46 = arith.constant 0 : i32
      %scan3A_47 = arith.constant 0 : i32
      %scan3A_48 = arith.constant 256 : i32
      %scan3A_49 = arith.addi %scan3A_47, %scan3A_48 : i32
      %scan3A_50 = arith.constant 1 : i32
      %scan3A_51 = scf.for %scan3A_126 = %scan3A_47 to %scan3A_49 step %scan3A_50 iter_args(%scan3A_127 = %scan3A_46) -> (i32)  : i32 {
        %parallel_loop3A_128 = arith.constant 0 : i32
        %parallel_loop3A_129 = arith.constant 8 : i32
        %parallel_loop3A_130 = arith.constant 1 : i32
        scf.for %parallel_loop3A_132 = %parallel_loop3A_128 to %parallel_loop3A_129 step %parallel_loop3A_130  : i32 {
          %parallel_loop3A_133 = arith.constant 4096 : i32
          %parallel_loop3A_134 = arith.muli %parallel_loop3A_132, %parallel_loop3A_133 : i32
          %parallel_loop3A_135 = arith.constant 16 : i32
          %parallel_loop3A_136 = arith.muli %scan3A_126, %parallel_loop3A_135 : i32
          %parallel_loop3A_137 = arith.addi %parallel_loop3A_134, %parallel_loop3A_136 : i32
          %parallel_loop3A_138 = arith.index_cast %parallel_loop3A_137 : i32 to index
          %parallel_loop3A_139 = tpu.vector_load %arg4[%parallel_loop3A_138] {strides = array<i32>} : memref<32768xi32, #tpu.memory_space<vmem>>, vector<16xi32>,
          %parallel_loop3A_140 = arith.constant 31 : i32
          %parallel_loop3A_141 = vector.broadcast %parallel_loop3A_140 : i32 to vector<16xi32>
          %parallel_loop3A_142 = arith.shrsi %parallel_loop3A_139, %parallel_loop3A_141 : vector<16xi32>
          %parallel_loop3A_143 = arith.constant -2147483648 : i32
          %parallel_loop3A_144 = vector.broadcast %parallel_loop3A_143 : i32 to vector<16xi32>
          %parallel_loop3A_145 = arith.ori %parallel_loop3A_142, %parallel_loop3A_144 : vector<16xi32>
          %parallel_loop3A_146 = arith.xori %parallel_loop3A_139, %parallel_loop3A_145 : vector<16xi32>
          %parallel_loop3A_147 = arith.constant 0 : i32
          %parallel_loop3A_148 = vector.broadcast %parallel_loop3A_147 : i32 to vector<16xi32>
          %parallel_loop3A_149 = arith.shrui %parallel_loop3A_146, %parallel_loop3A_148 : vector<16xi32>
          %parallel_loop3A_150 = arith.constant 2047 : i32
          %parallel_loop3A_151 = vector.broadcast %parallel_loop3A_150 : i32 to vector<16xi32>
          %parallel_loop3A_152 = arith.andi %parallel_loop3A_149, %parallel_loop3A_151 : vector<16xi32>
          %parallel_loop3A_153 = arith.constant 2048 : i32
          %parallel_loop3A_154 = arith.muli %parallel_loop3A_132, %parallel_loop3A_153 : i32
          %parallel_loop3A_155 = vector.broadcast %parallel_loop3A_154 : i32 to vector<16xi32>
          %parallel_loop3A_156 = arith.addi %parallel_loop3A_152, %parallel_loop3A_155 : vector<16xi32>
          %parallel_loop3A_157 = arith.constant true
          %parallel_loop3A_158 = vector.broadcast %parallel_loop3A_157 : i1 to vector<16xi1>
          %parallel_loop3A_159, %parallel_loop3A_160 = tpu.scan_count mask(%parallel_loop3A_158 : vector<16xi1>) value(%parallel_loop3A_156 : vector<16xi32>) : vector<16xi1>, vector<16xi32>
          %parallel_loop3A_161 = tpu.vector_load_idx %arg7[%parallel_loop3A_156] : memref<16384xi32, #tpu.memory_space<vmem>>[vector<16xi32>], vector<16xi32>,
          %parallel_loop3A_162 = arith.addi %parallel_loop3A_161, %parallel_loop3A_160 : vector<16xi32>
          tpu.vector_store_idx %arg7[%parallel_loop3A_156], %parallel_loop3A_162 masked %parallel_loop3A_159 : memref<16384xi32, #tpu.memory_space<vmem>>[vector<16xi32>], vector<16xi32>, vector<16xi1>
          tpu.vector_store_idx %arg5[%parallel_loop3A_162], %parallel_loop3A_146 : memref<32768xi32, #tpu.memory_space<vmem>>[vector<16xi32>], vector<16xi32>,
        } {sc.loop_unroll_factor = 8 : i64, sc.parallel_access}
        %scan3A_131 = arith.constant 0 : i32
        scf.yield %scan3A_131 : i32
      }
      %scan3A_52 = arith.constant 256 : i32
      %scan3A_53 = arith.constant 0 : i32
      %scan3A_54 = arith.constant 0 : i32
      %scan3A_55 = arith.constant 256 : i32
      %scan3A_56 = arith.addi %scan3A_54, %scan3A_55 : i32
      %scan3A_57 = arith.constant 1 : i32
      %scan3A_58 = scf.for %scan3A_126 = %scan3A_54 to %scan3A_56 step %scan3A_57 iter_args(%scan3A_127 = %scan3A_53) -> (i32)  : i32 {
        %parallel_loop3A_128 = arith.constant 0 : i32
        %parallel_loop3A_129 = arith.constant 8 : i32
        %parallel_loop3A_130 = arith.constant 1 : i32
        scf.for %parallel_loop3A_132 = %parallel_loop3A_128 to %parallel_loop3A_129 step %parallel_loop3A_130  : i32 {
          %parallel_loop3A_133 = arith.constant 4096 : i32
          %parallel_loop3A_134 = arith.muli %parallel_loop3A_132, %parallel_loop3A_133 : i32
          %parallel_loop3A_135 = arith.constant 16 : i32
          %parallel_loop3A_136 = arith.muli %scan3A_126, %parallel_loop3A_135 : i32
          %parallel_loop3A_137 = arith.addi %parallel_loop3A_134, %parallel_loop3A_136 : i32
          %parallel_loop3A_138 = arith.index_cast %parallel_loop3A_137 : i32 to index
          %parallel_loop3A_139 = tpu.vector_load %arg5[%parallel_loop3A_138] {strides = array<i32>} : memref<32768xi32, #tpu.memory_space<vmem>>, vector<16xi32>,
          %parallel_loop3A_140 = arith.constant 11 : i32
          %parallel_loop3A_141 = vector.broadcast %parallel_loop3A_140 : i32 to vector<16xi32>
          %parallel_loop3A_142 = arith.shrui %parallel_loop3A_139, %parallel_loop3A_141 : vector<16xi32>
          %parallel_loop3A_143 = arith.constant 2047 : i32
          %parallel_loop3A_144 = vector.broadcast %parallel_loop3A_143 : i32 to vector<16xi32>
          %parallel_loop3A_145 = arith.andi %parallel_loop3A_142, %parallel_loop3A_144 : vector<16xi32>
          %parallel_loop3A_146 = arith.constant 2048 : i32
          %parallel_loop3A_147 = arith.muli %parallel_loop3A_132, %parallel_loop3A_146 : i32
          %parallel_loop3A_148 = vector.broadcast %parallel_loop3A_147 : i32 to vector<16xi32>
          %parallel_loop3A_149 = arith.addi %parallel_loop3A_145, %parallel_loop3A_148 : vector<16xi32>
          %parallel_loop3A_150 = arith.constant true
          %parallel_loop3A_151 = vector.broadcast %parallel_loop3A_150 : i1 to vector<16xi1>
          %parallel_loop3A_152, %parallel_loop3A_153 = tpu.scan_count mask(%parallel_loop3A_151 : vector<16xi1>) value(%parallel_loop3A_149 : vector<16xi32>) : vector<16xi1>, vector<16xi32>
          tpu.vector_store_idx %arg6[%parallel_loop3A_149], %parallel_loop3A_153 masked %parallel_loop3A_152 {add = true} : memref<16384xi32, #tpu.memory_space<vmem>>[vector<16xi32>], vector<16xi32>, vector<16xi1>
        } {sc.loop_unroll_factor = 8 : i64, sc.parallel_access}
        %scan3A_131 = arith.constant 0 : i32
        scf.yield %scan3A_131 : i32
      }
      %scan3A_59 = arith.constant 256 : i32
      %iota3A_60 = tpu.iota {dimensions = array<i32: 0>} : vector<16xi32>
      %eq3A_61 = arith.constant 0 : i32
      %eq3A_62 = vector.broadcast %eq3A_61 : i32 to vector<16xi32>
      %eq3A_63 = arith.cmpi eq, %iota3A_60, %eq3A_62 : vector<16xi32>
      %parallel_loop3A_64 = arith.constant 0 : i32
      %parallel_loop3A_65 = arith.constant 128 : i32
      %parallel_loop3A_66 = arith.constant 1 : i32
      scf.for %parallel_loop3A_126 = %parallel_loop3A_64 to %parallel_loop3A_65 step %parallel_loop3A_66  : i32 {
        %parallel_loop3A_127 = arith.constant 16 : i32
        %parallel_loop3A_128 = arith.muli %parallel_loop3A_126, %parallel_loop3A_127 : i32
        %parallel_loop3A_129 = arith.index_cast %parallel_loop3A_128 : i32 to index
        %parallel_loop3A_130 = tpu.vector_load %arg6[%parallel_loop3A_129] {strides = array<i32>} : memref<16384xi32, #tpu.memory_space<vmem>>, vector<16xi32>,
        %parallel_loop3A_131 = arith.constant 16 : i32
        %parallel_loop3A_132 = arith.muli %parallel_loop3A_126, %parallel_loop3A_131 : i32
        %parallel_loop3A_133 = arith.constant 2048 : i32
        %parallel_loop3A_134 = arith.addi %parallel_loop3A_133, %parallel_loop3A_132 : i32
        %parallel_loop3A_135 = arith.index_cast %parallel_loop3A_134 : i32 to index
        %parallel_loop3A_136 = tpu.vector_load %arg6[%parallel_loop3A_135] {strides = array<i32>} : memref<16384xi32, #tpu.memory_space<vmem>>, vector<16xi32>,
        %parallel_loop3A_137 = arith.addi %parallel_loop3A_130, %parallel_loop3A_136 : vector<16xi32>
        %parallel_loop3A_138 = arith.constant 16 : i32
        %parallel_loop3A_139 = arith.muli %parallel_loop3A_126, %parallel_loop3A_138 : i32
        %parallel_loop3A_140 = arith.constant 4096 : i32
        %parallel_loop3A_141 = arith.addi %parallel_loop3A_140, %parallel_loop3A_139 : i32
        %parallel_loop3A_142 = arith.index_cast %parallel_loop3A_141 : i32 to index
        %parallel_loop3A_143 = tpu.vector_load %arg6[%parallel_loop3A_142] {strides = array<i32>} : memref<16384xi32, #tpu.memory_space<vmem>>, vector<16xi32>,
        %parallel_loop3A_144 = arith.addi %parallel_loop3A_137, %parallel_loop3A_143 : vector<16xi32>
        %parallel_loop3A_145 = arith.constant 16 : i32
        %parallel_loop3A_146 = arith.muli %parallel_loop3A_126, %parallel_loop3A_145 : i32
        %parallel_loop3A_147 = arith.constant 6144 : i32
        %parallel_loop3A_148 = arith.addi %parallel_loop3A_147, %parallel_loop3A_146 : i32
        %parallel_loop3A_149 = arith.index_cast %parallel_loop3A_148 : i32 to index
        %parallel_loop3A_150 = tpu.vector_load %arg6[%parallel_loop3A_149] {strides = array<i32>} : memref<16384xi32, #tpu.memory_space<vmem>>, vector<16xi32>,
        %parallel_loop3A_151 = arith.addi %parallel_loop3A_144, %parallel_loop3A_150 : vector<16xi32>
        %parallel_loop3A_152 = arith.constant 16 : i32
        %parallel_loop3A_153 = arith.muli %parallel_loop3A_126, %parallel_loop3A_152 : i32
        %parallel_loop3A_154 = arith.constant 8192 : i32
        %parallel_loop3A_155 = arith.addi %parallel_loop3A_154, %parallel_loop3A_153 : i32
        %parallel_loop3A_156 = arith.index_cast %parallel_loop3A_155 : i32 to index
        %parallel_loop3A_157 = tpu.vector_load %arg6[%parallel_loop3A_156] {strides = array<i32>} : memref<16384xi32, #tpu.memory_space<vmem>>, vector<16xi32>,
        %parallel_loop3A_158 = arith.addi %parallel_loop3A_151, %parallel_loop3A_157 : vector<16xi32>
        %parallel_loop3A_159 = arith.constant 16 : i32
        %parallel_loop3A_160 = arith.muli %parallel_loop3A_126, %parallel_loop3A_159 : i32
        %parallel_loop3A_161 = arith.constant 10240 : i32
        %parallel_loop3A_162 = arith.addi %parallel_loop3A_161, %parallel_loop3A_160 : i32
        %parallel_loop3A_163 = arith.index_cast %parallel_loop3A_162 : i32 to index
        %parallel_loop3A_164 = tpu.vector_load %arg6[%parallel_loop3A_163] {strides = array<i32>} : memref<16384xi32, #tpu.memory_space<vmem>>, vector<16xi32>,
        %parallel_loop3A_165 = arith.addi %parallel_loop3A_158, %parallel_loop3A_164 : vector<16xi32>
        %parallel_loop3A_166 = arith.constant 16 : i32
        %parallel_loop3A_167 = arith.muli %parallel_loop3A_126, %parallel_loop3A_166 : i32
        %parallel_loop3A_168 = arith.constant 12288 : i32
        %parallel_loop3A_169 = arith.addi %parallel_loop3A_168, %parallel_loop3A_167 : i32
        %parallel_loop3A_170 = arith.index_cast %parallel_loop3A_169 : i32 to index
        %parallel_loop3A_171 = tpu.vector_load %arg6[%parallel_loop3A_170] {strides = array<i32>} : memref<16384xi32, #tpu.memory_space<vmem>>, vector<16xi32>,
        %parallel_loop3A_172 = arith.addi %parallel_loop3A_165, %parallel_loop3A_171 : vector<16xi32>
        %parallel_loop3A_173 = arith.constant 16 : i32
        %parallel_loop3A_174 = arith.muli %parallel_loop3A_126, %parallel_loop3A_173 : i32
        %parallel_loop3A_175 = arith.constant 14336 : i32
        %parallel_loop3A_176 = arith.addi %parallel_loop3A_175, %parallel_loop3A_174 : i32
        %parallel_loop3A_177 = arith.index_cast %parallel_loop3A_176 : i32 to index
        %parallel_loop3A_178 = tpu.vector_load %arg6[%parallel_loop3A_177] {strides = array<i32>} : memref<16384xi32, #tpu.memory_space<vmem>>, vector<16xi32>,
        %parallel_loop3A_179 = arith.addi %parallel_loop3A_172, %parallel_loop3A_178 : vector<16xi32>
        %parallel_loop3A_180 = arith.constant 16 : i32
        %parallel_loop3A_181 = arith.muli %parallel_loop3A_126, %parallel_loop3A_180 : i32
        %parallel_loop3A_182 = arith.index_cast %parallel_loop3A_181 : i32 to index
        %parallel_loop3A_183 = tpu.vector_load %arg8[%parallel_loop3A_182] {strides = array<i32>} : memref<2048xi32, #tpu.memory_space<vmem>>, vector<16xi32>,
        tpu.vector_store %arg8[%parallel_loop3A_182], %parallel_loop3A_179 {strides = array<i32>} : memref<2048xi32, #tpu.memory_space<vmem>>, vector<16xi32>,
        %parallel_loop3A_184 = vector.broadcast %parallel_loop3A_126 : i32 to vector<16xi32>
        %parallel_loop3A_185 = arith.constant true
        %parallel_loop3A_186 = vector.broadcast %parallel_loop3A_185 : i1 to vector<16xi1>
        %parallel_loop3A_187 = tpu.scan <sum>, %parallel_loop3A_179 masked %parallel_loop3A_186 : vector<16xi32>, vector<16xi1> -> vector<16xi32>
        %parallel_loop3A_188 = vector.extract %parallel_loop3A_187[15] : i32 from vector<16xi32>
        %parallel_loop3A_189 = vector.broadcast %parallel_loop3A_188 : i32 to vector<16xi32>
        tpu.vector_store_idx %arg9[%parallel_loop3A_184], %parallel_loop3A_189 masked %eq3A_63 : memref<128xi32, #tpu.memory_space<vmem>>[vector<16xi32>], vector<16xi32>, vector<16xi1>
      } {sc.loop_unroll_factor = 8 : i64, sc.parallel_access}
      %scan3A_67 = arith.constant -1 : i32
      %scan3A_68 = arith.constant 0 : i32
      %scan3A_69 = arith.constant 8 : i32
      %scan3A_70 = arith.addi %scan3A_68, %scan3A_69 : i32
      %scan3A_71 = arith.constant 1 : i32
      %scan3A_72 = scf.for %scan3A_126 = %scan3A_68 to %scan3A_70 step %scan3A_71 iter_args(%scan3A_127 = %scan3A_67) -> (i32)  : i32 {
        %mul3A_128 = arith.constant 16 : i32
        %mul3A_129 = arith.muli %scan3A_126, %mul3A_128 : i32
        %get3A = arith.index_cast %mul3A_129 : i32 to index
        %get3A_130 = tpu.vector_load %arg9[%get3A] {strides = array<i32>} : memref<128xi32, #tpu.memory_space<vmem>>, vector<16xi32>,
        %broadcast_in_dim3A_131 = arith.constant true
        %broadcast_in_dim3A_132 = vector.broadcast %broadcast_in_dim3A_131 : i1 to vector<16xi1>
        %masked_cumsum3A = tpu.scan <sum>, %get3A_130 masked %broadcast_in_dim3A_132 : vector<16xi32>, vector<16xi1> -> vector<16xi32>
        %sub3A = arith.subi %masked_cumsum3A, %get3A_130 : vector<16xi32>
        %add3A_133 = vector.broadcast %scan3A_127 : i32 to vector<16xi32>
        %add3A_134 = arith.addi %sub3A, %add3A_133 : vector<16xi32>
        %mul3A_135 = arith.constant 16 : i32
        %mul3A_136 = arith.muli %scan3A_126, %mul3A_135 : i32
        %swap3A = arith.index_cast %mul3A_136 : i32 to index
        %swap3A_137 = tpu.vector_load %arg9[%swap3A] {strides = array<i32>} : memref<128xi32, #tpu.memory_space<vmem>>, vector<16xi32>,
        tpu.vector_store %arg9[%swap3A], %add3A_134 {strides = array<i32>} : memref<128xi32, #tpu.memory_space<vmem>>, vector<16xi32>,
        %reduce_sum3A = arith.constant true
        %reduce_sum3A_138 = vector.broadcast %reduce_sum3A : i1 to vector<16xi1>
        %reduce_sum3A_139 = tpu.scan <sum>, %get3A_130 masked %reduce_sum3A_138 : vector<16xi32>, vector<16xi1> -> vector<16xi32>
        %reduce_sum3A_140 = vector.extract %reduce_sum3A_139[15] : i32 from vector<16xi32>
        %add3A_141 = arith.addi %scan3A_127, %reduce_sum3A_140 : i32
        scf.yield %add3A_141 : i32
      }
      %scan3A_73 = arith.constant 8 : i32
      %parallel_loop3A_74 = arith.constant 0 : i32
      %parallel_loop3A_75 = arith.constant 128 : i32
      %parallel_loop3A_76 = arith.constant 1 : i32
      scf.for %parallel_loop3A_126 = %parallel_loop3A_74 to %parallel_loop3A_75 step %parallel_loop3A_76  : i32 {
        %parallel_loop3A_127 = arith.constant 16 : i32
        %parallel_loop3A_128 = arith.muli %parallel_loop3A_126, %parallel_loop3A_127 : i32
        %parallel_loop3A_129 = arith.index_cast %parallel_loop3A_128 : i32 to index
        %parallel_loop3A_130 = tpu.vector_load %arg8[%parallel_loop3A_129] {strides = array<i32>} : memref<2048xi32, #tpu.memory_space<vmem>>, vector<16xi32>,
        %parallel_loop3A_131 = vector.broadcast %parallel_loop3A_126 : i32 to vector<16xi32>
        %parallel_loop3A_132 = tpu.vector_load_idx %arg9[%parallel_loop3A_131] : memref<128xi32, #tpu.memory_space<vmem>>[vector<16xi32>], vector<16xi32>,
        %parallel_loop3A_133 = arith.constant true
        %parallel_loop3A_134 = vector.broadcast %parallel_loop3A_133 : i1 to vector<16xi1>
        %parallel_loop3A_135 = tpu.scan <sum>, %parallel_loop3A_130 masked %parallel_loop3A_134 : vector<16xi32>, vector<16xi1> -> vector<16xi32>
        %parallel_loop3A_136 = arith.subi %parallel_loop3A_135, %parallel_loop3A_130 : vector<16xi32>
        %parallel_loop3A_137 = arith.addi %parallel_loop3A_136, %parallel_loop3A_132 : vector<16xi32>
        %parallel_loop3A_138 = arith.constant 16 : i32
        %parallel_loop3A_139 = arith.muli %parallel_loop3A_126, %parallel_loop3A_138 : i32
        %parallel_loop3A_140 = arith.index_cast %parallel_loop3A_139 : i32 to index
        %parallel_loop3A_141 = tpu.vector_load %arg8[%parallel_loop3A_140] {strides = array<i32>} : memref<2048xi32, #tpu.memory_space<vmem>>, vector<16xi32>,
        tpu.vector_store %arg8[%parallel_loop3A_140], %parallel_loop3A_137 {strides = array<i32>} : memref<2048xi32, #tpu.memory_space<vmem>>, vector<16xi32>,
      } {sc.loop_unroll_factor = 8 : i64, sc.parallel_access}
      %broadcast_in_dim3A_77 = arith.constant 0 : i32
      %broadcast_in_dim3A_78 = vector.broadcast %broadcast_in_dim3A_77 : i32 to vector<16xi32>
      %parallel_loop3A_79 = arith.constant 0 : i32
      %parallel_loop3A_80 = arith.constant 128 : i32
      %parallel_loop3A_81 = arith.constant 1 : i32
      scf.for %parallel_loop3A_126 = %parallel_loop3A_79 to %parallel_loop3A_80 step %parallel_loop3A_81  : i32 {
        %parallel_loop3A_127 = arith.constant 16 : i32
        %parallel_loop3A_128 = arith.muli %parallel_loop3A_126, %parallel_loop3A_127 : i32
        %parallel_loop3A_129 = arith.index_cast %parallel_loop3A_128 : i32 to index
        %parallel_loop3A_130 = tpu.vector_load %arg8[%parallel_loop3A_129] {strides = array<i32>} : memref<2048xi32, #tpu.memory_space<vmem>>, vector<16xi32>,
        %parallel_loop3A_131 = arith.constant 16 : i32
        %parallel_loop3A_132 = arith.muli %parallel_loop3A_126, %parallel_loop3A_131 : i32
        %parallel_loop3A_133 = arith.constant 0 : i32
        %parallel_loop3A_134 = arith.addi %parallel_loop3A_133, %parallel_loop3A_132 : i32
        %parallel_loop3A_135 = arith.index_cast %parallel_loop3A_134 : i32 to index
        %parallel_loop3A_136 = tpu.vector_load %arg7[%parallel_loop3A_135] {strides = array<i32>} : memref<16384xi32, #tpu.memory_space<vmem>>, vector<16xi32>,
        tpu.vector_store %arg7[%parallel_loop3A_135], %parallel_loop3A_130 {strides = array<i32>} : memref<16384xi32, #tpu.memory_space<vmem>>, vector<16xi32>,
        %parallel_loop3A_137 = arith.constant 16 : i32
        %parallel_loop3A_138 = arith.muli %parallel_loop3A_126, %parallel_loop3A_137 : i32
        %parallel_loop3A_139 = arith.constant 0 : i32
        %parallel_loop3A_140 = arith.addi %parallel_loop3A_139, %parallel_loop3A_138 : i32
        %parallel_loop3A_141 = arith.index_cast %parallel_loop3A_140 : i32 to index
        %parallel_loop3A_142 = tpu.vector_load %arg6[%parallel_loop3A_141] {strides = array<i32>} : memref<16384xi32, #tpu.memory_space<vmem>>, vector<16xi32>,
        %parallel_loop3A_143 = arith.addi %parallel_loop3A_130, %parallel_loop3A_142 : vector<16xi32>
        %parallel_loop3A_144 = arith.constant 16 : i32
        %parallel_loop3A_145 = arith.muli %parallel_loop3A_126, %parallel_loop3A_144 : i32
        %parallel_loop3A_146 = arith.constant 0 : i32
        %parallel_loop3A_147 = arith.addi %parallel_loop3A_146, %parallel_loop3A_145 : i32
        %parallel_loop3A_148 = arith.index_cast %parallel_loop3A_147 : i32 to index
        %parallel_loop3A_149 = tpu.vector_load %arg6[%parallel_loop3A_148] {strides = array<i32>} : memref<16384xi32, #tpu.memory_space<vmem>>, vector<16xi32>,
        tpu.vector_store %arg6[%parallel_loop3A_148], %broadcast_in_dim3A_78 {strides = array<i32>} : memref<16384xi32, #tpu.memory_space<vmem>>, vector<16xi32>,
        %parallel_loop3A_150 = arith.constant 16 : i32
        %parallel_loop3A_151 = arith.muli %parallel_loop3A_126, %parallel_loop3A_150 : i32
        %parallel_loop3A_152 = arith.constant 2048 : i32
        %parallel_loop3A_153 = arith.addi %parallel_loop3A_152, %parallel_loop3A_151 : i32
        %parallel_loop3A_154 = arith.index_cast %parallel_loop3A_153 : i32 to index
        %parallel_loop3A_155 = tpu.vector_load %arg7[%parallel_loop3A_154] {strides = array<i32>} : memref<16384xi32, #tpu.memory_space<vmem>>, vector<16xi32>,
        tpu.vector_store %arg7[%parallel_loop3A_154], %parallel_loop3A_143 {strides = array<i32>} : memref<16384xi32, #tpu.memory_space<vmem>>, vector<16xi32>,
        %parallel_loop3A_156 = arith.constant 16 : i32
        %parallel_loop3A_157 = arith.muli %parallel_loop3A_126, %parallel_loop3A_156 : i32
        %parallel_loop3A_158 = arith.constant 2048 : i32
        %parallel_loop3A_159 = arith.addi %parallel_loop3A_158, %parallel_loop3A_157 : i32
        %parallel_loop3A_160 = arith.index_cast %parallel_loop3A_159 : i32 to index
        %parallel_loop3A_161 = tpu.vector_load %arg6[%parallel_loop3A_160] {strides = array<i32>} : memref<16384xi32, #tpu.memory_space<vmem>>, vector<16xi32>,
        %parallel_loop3A_162 = arith.addi %parallel_loop3A_143, %parallel_loop3A_161 : vector<16xi32>
        %parallel_loop3A_163 = arith.constant 16 : i32
        %parallel_loop3A_164 = arith.muli %parallel_loop3A_126, %parallel_loop3A_163 : i32
        %parallel_loop3A_165 = arith.constant 2048 : i32
        %parallel_loop3A_166 = arith.addi %parallel_loop3A_165, %parallel_loop3A_164 : i32
        %parallel_loop3A_167 = arith.index_cast %parallel_loop3A_166 : i32 to index
        %parallel_loop3A_168 = tpu.vector_load %arg6[%parallel_loop3A_167] {strides = array<i32>} : memref<16384xi32, #tpu.memory_space<vmem>>, vector<16xi32>,
        tpu.vector_store %arg6[%parallel_loop3A_167], %broadcast_in_dim3A_78 {strides = array<i32>} : memref<16384xi32, #tpu.memory_space<vmem>>, vector<16xi32>,
        %parallel_loop3A_169 = arith.constant 16 : i32
        %parallel_loop3A_170 = arith.muli %parallel_loop3A_126, %parallel_loop3A_169 : i32
        %parallel_loop3A_171 = arith.constant 4096 : i32
        %parallel_loop3A_172 = arith.addi %parallel_loop3A_171, %parallel_loop3A_170 : i32
        %parallel_loop3A_173 = arith.index_cast %parallel_loop3A_172 : i32 to index
        %parallel_loop3A_174 = tpu.vector_load %arg7[%parallel_loop3A_173] {strides = array<i32>} : memref<16384xi32, #tpu.memory_space<vmem>>, vector<16xi32>,
        tpu.vector_store %arg7[%parallel_loop3A_173], %parallel_loop3A_162 {strides = array<i32>} : memref<16384xi32, #tpu.memory_space<vmem>>, vector<16xi32>,
        %parallel_loop3A_175 = arith.constant 16 : i32
        %parallel_loop3A_176 = arith.muli %parallel_loop3A_126, %parallel_loop3A_175 : i32
        %parallel_loop3A_177 = arith.constant 4096 : i32
        %parallel_loop3A_178 = arith.addi %parallel_loop3A_177, %parallel_loop3A_176 : i32
        %parallel_loop3A_179 = arith.index_cast %parallel_loop3A_178 : i32 to index
        %parallel_loop3A_180 = tpu.vector_load %arg6[%parallel_loop3A_179] {strides = array<i32>} : memref<16384xi32, #tpu.memory_space<vmem>>, vector<16xi32>,
        %parallel_loop3A_181 = arith.addi %parallel_loop3A_162, %parallel_loop3A_180 : vector<16xi32>
        %parallel_loop3A_182 = arith.constant 16 : i32
        %parallel_loop3A_183 = arith.muli %parallel_loop3A_126, %parallel_loop3A_182 : i32
        %parallel_loop3A_184 = arith.constant 4096 : i32
        %parallel_loop3A_185 = arith.addi %parallel_loop3A_184, %parallel_loop3A_183 : i32
        %parallel_loop3A_186 = arith.index_cast %parallel_loop3A_185 : i32 to index
        %parallel_loop3A_187 = tpu.vector_load %arg6[%parallel_loop3A_186] {strides = array<i32>} : memref<16384xi32, #tpu.memory_space<vmem>>, vector<16xi32>,
        tpu.vector_store %arg6[%parallel_loop3A_186], %broadcast_in_dim3A_78 {strides = array<i32>} : memref<16384xi32, #tpu.memory_space<vmem>>, vector<16xi32>,
        %parallel_loop3A_188 = arith.constant 16 : i32
        %parallel_loop3A_189 = arith.muli %parallel_loop3A_126, %parallel_loop3A_188 : i32
        %parallel_loop3A_190 = arith.constant 6144 : i32
        %parallel_loop3A_191 = arith.addi %parallel_loop3A_190, %parallel_loop3A_189 : i32
        %parallel_loop3A_192 = arith.index_cast %parallel_loop3A_191 : i32 to index
        %parallel_loop3A_193 = tpu.vector_load %arg7[%parallel_loop3A_192] {strides = array<i32>} : memref<16384xi32, #tpu.memory_space<vmem>>, vector<16xi32>,
        tpu.vector_store %arg7[%parallel_loop3A_192], %parallel_loop3A_181 {strides = array<i32>} : memref<16384xi32, #tpu.memory_space<vmem>>, vector<16xi32>,
        %parallel_loop3A_194 = arith.constant 16 : i32
        %parallel_loop3A_195 = arith.muli %parallel_loop3A_126, %parallel_loop3A_194 : i32
        %parallel_loop3A_196 = arith.constant 6144 : i32
        %parallel_loop3A_197 = arith.addi %parallel_loop3A_196, %parallel_loop3A_195 : i32
        %parallel_loop3A_198 = arith.index_cast %parallel_loop3A_197 : i32 to index
        %parallel_loop3A_199 = tpu.vector_load %arg6[%parallel_loop3A_198] {strides = array<i32>} : memref<16384xi32, #tpu.memory_space<vmem>>, vector<16xi32>,
        %parallel_loop3A_200 = arith.addi %parallel_loop3A_181, %parallel_loop3A_199 : vector<16xi32>
        %parallel_loop3A_201 = arith.constant 16 : i32
        %parallel_loop3A_202 = arith.muli %parallel_loop3A_126, %parallel_loop3A_201 : i32
        %parallel_loop3A_203 = arith.constant 6144 : i32
        %parallel_loop3A_204 = arith.addi %parallel_loop3A_203, %parallel_loop3A_202 : i32
        %parallel_loop3A_205 = arith.index_cast %parallel_loop3A_204 : i32 to index
        %parallel_loop3A_206 = tpu.vector_load %arg6[%parallel_loop3A_205] {strides = array<i32>} : memref<16384xi32, #tpu.memory_space<vmem>>, vector<16xi32>,
        tpu.vector_store %arg6[%parallel_loop3A_205], %broadcast_in_dim3A_78 {strides = array<i32>} : memref<16384xi32, #tpu.memory_space<vmem>>, vector<16xi32>,
        %parallel_loop3A_207 = arith.constant 16 : i32
        %parallel_loop3A_208 = arith.muli %parallel_loop3A_126, %parallel_loop3A_207 : i32
        %parallel_loop3A_209 = arith.constant 8192 : i32
        %parallel_loop3A_210 = arith.addi %parallel_loop3A_209, %parallel_loop3A_208 : i32
        %parallel_loop3A_211 = arith.index_cast %parallel_loop3A_210 : i32 to index
        %parallel_loop3A_212 = tpu.vector_load %arg7[%parallel_loop3A_211] {strides = array<i32>} : memref<16384xi32, #tpu.memory_space<vmem>>, vector<16xi32>,
        tpu.vector_store %arg7[%parallel_loop3A_211], %parallel_loop3A_200 {strides = array<i32>} : memref<16384xi32, #tpu.memory_space<vmem>>, vector<16xi32>,
        %parallel_loop3A_213 = arith.constant 16 : i32
        %parallel_loop3A_214 = arith.muli %parallel_loop3A_126, %parallel_loop3A_213 : i32
        %parallel_loop3A_215 = arith.constant 8192 : i32
        %parallel_loop3A_216 = arith.addi %parallel_loop3A_215, %parallel_loop3A_214 : i32
        %parallel_loop3A_217 = arith.index_cast %parallel_loop3A_216 : i32 to index
        %parallel_loop3A_218 = tpu.vector_load %arg6[%parallel_loop3A_217] {strides = array<i32>} : memref<16384xi32, #tpu.memory_space<vmem>>, vector<16xi32>,
        %parallel_loop3A_219 = arith.addi %parallel_loop3A_200, %parallel_loop3A_218 : vector<16xi32>
        %parallel_loop3A_220 = arith.constant 16 : i32
        %parallel_loop3A_221 = arith.muli %parallel_loop3A_126, %parallel_loop3A_220 : i32
        %parallel_loop3A_222 = arith.constant 8192 : i32
        %parallel_loop3A_223 = arith.addi %parallel_loop3A_222, %parallel_loop3A_221 : i32
        %parallel_loop3A_224 = arith.index_cast %parallel_loop3A_223 : i32 to index
        %parallel_loop3A_225 = tpu.vector_load %arg6[%parallel_loop3A_224] {strides = array<i32>} : memref<16384xi32, #tpu.memory_space<vmem>>, vector<16xi32>,
        tpu.vector_store %arg6[%parallel_loop3A_224], %broadcast_in_dim3A_78 {strides = array<i32>} : memref<16384xi32, #tpu.memory_space<vmem>>, vector<16xi32>,
        %parallel_loop3A_226 = arith.constant 16 : i32
        %parallel_loop3A_227 = arith.muli %parallel_loop3A_126, %parallel_loop3A_226 : i32
        %parallel_loop3A_228 = arith.constant 10240 : i32
        %parallel_loop3A_229 = arith.addi %parallel_loop3A_228, %parallel_loop3A_227 : i32
        %parallel_loop3A_230 = arith.index_cast %parallel_loop3A_229 : i32 to index
        %parallel_loop3A_231 = tpu.vector_load %arg7[%parallel_loop3A_230] {strides = array<i32>} : memref<16384xi32, #tpu.memory_space<vmem>>, vector<16xi32>,
        tpu.vector_store %arg7[%parallel_loop3A_230], %parallel_loop3A_219 {strides = array<i32>} : memref<16384xi32, #tpu.memory_space<vmem>>, vector<16xi32>,
        %parallel_loop3A_232 = arith.constant 16 : i32
        %parallel_loop3A_233 = arith.muli %parallel_loop3A_126, %parallel_loop3A_232 : i32
        %parallel_loop3A_234 = arith.constant 10240 : i32
        %parallel_loop3A_235 = arith.addi %parallel_loop3A_234, %parallel_loop3A_233 : i32
        %parallel_loop3A_236 = arith.index_cast %parallel_loop3A_235 : i32 to index
        %parallel_loop3A_237 = tpu.vector_load %arg6[%parallel_loop3A_236] {strides = array<i32>} : memref<16384xi32, #tpu.memory_space<vmem>>, vector<16xi32>,
        %parallel_loop3A_238 = arith.addi %parallel_loop3A_219, %parallel_loop3A_237 : vector<16xi32>
        %parallel_loop3A_239 = arith.constant 16 : i32
        %parallel_loop3A_240 = arith.muli %parallel_loop3A_126, %parallel_loop3A_239 : i32
        %parallel_loop3A_241 = arith.constant 10240 : i32
        %parallel_loop3A_242 = arith.addi %parallel_loop3A_241, %parallel_loop3A_240 : i32
        %parallel_loop3A_243 = arith.index_cast %parallel_loop3A_242 : i32 to index
        %parallel_loop3A_244 = tpu.vector_load %arg6[%parallel_loop3A_243] {strides = array<i32>} : memref<16384xi32, #tpu.memory_space<vmem>>, vector<16xi32>,
        tpu.vector_store %arg6[%parallel_loop3A_243], %broadcast_in_dim3A_78 {strides = array<i32>} : memref<16384xi32, #tpu.memory_space<vmem>>, vector<16xi32>,
        %parallel_loop3A_245 = arith.constant 16 : i32
        %parallel_loop3A_246 = arith.muli %parallel_loop3A_126, %parallel_loop3A_245 : i32
        %parallel_loop3A_247 = arith.constant 12288 : i32
        %parallel_loop3A_248 = arith.addi %parallel_loop3A_247, %parallel_loop3A_246 : i32
        %parallel_loop3A_249 = arith.index_cast %parallel_loop3A_248 : i32 to index
        %parallel_loop3A_250 = tpu.vector_load %arg7[%parallel_loop3A_249] {strides = array<i32>} : memref<16384xi32, #tpu.memory_space<vmem>>, vector<16xi32>,
        tpu.vector_store %arg7[%parallel_loop3A_249], %parallel_loop3A_238 {strides = array<i32>} : memref<16384xi32, #tpu.memory_space<vmem>>, vector<16xi32>,
        %parallel_loop3A_251 = arith.constant 16 : i32
        %parallel_loop3A_252 = arith.muli %parallel_loop3A_126, %parallel_loop3A_251 : i32
        %parallel_loop3A_253 = arith.constant 12288 : i32
        %parallel_loop3A_254 = arith.addi %parallel_loop3A_253, %parallel_loop3A_252 : i32
        %parallel_loop3A_255 = arith.index_cast %parallel_loop3A_254 : i32 to index
        %parallel_loop3A_256 = tpu.vector_load %arg6[%parallel_loop3A_255] {strides = array<i32>} : memref<16384xi32, #tpu.memory_space<vmem>>, vector<16xi32>,
        %parallel_loop3A_257 = arith.addi %parallel_loop3A_238, %parallel_loop3A_256 : vector<16xi32>
        %parallel_loop3A_258 = arith.constant 16 : i32
        %parallel_loop3A_259 = arith.muli %parallel_loop3A_126, %parallel_loop3A_258 : i32
        %parallel_loop3A_260 = arith.constant 12288 : i32
        %parallel_loop3A_261 = arith.addi %parallel_loop3A_260, %parallel_loop3A_259 : i32
        %parallel_loop3A_262 = arith.index_cast %parallel_loop3A_261 : i32 to index
        %parallel_loop3A_263 = tpu.vector_load %arg6[%parallel_loop3A_262] {strides = array<i32>} : memref<16384xi32, #tpu.memory_space<vmem>>, vector<16xi32>,
        tpu.vector_store %arg6[%parallel_loop3A_262], %broadcast_in_dim3A_78 {strides = array<i32>} : memref<16384xi32, #tpu.memory_space<vmem>>, vector<16xi32>,
        %parallel_loop3A_264 = arith.constant 16 : i32
        %parallel_loop3A_265 = arith.muli %parallel_loop3A_126, %parallel_loop3A_264 : i32
        %parallel_loop3A_266 = arith.constant 14336 : i32
        %parallel_loop3A_267 = arith.addi %parallel_loop3A_266, %parallel_loop3A_265 : i32
        %parallel_loop3A_268 = arith.index_cast %parallel_loop3A_267 : i32 to index
        %parallel_loop3A_269 = tpu.vector_load %arg7[%parallel_loop3A_268] {strides = array<i32>} : memref<16384xi32, #tpu.memory_space<vmem>>, vector<16xi32>,
        tpu.vector_store %arg7[%parallel_loop3A_268], %parallel_loop3A_257 {strides = array<i32>} : memref<16384xi32, #tpu.memory_space<vmem>>, vector<16xi32>,
        %parallel_loop3A_270 = arith.constant 16 : i32
        %parallel_loop3A_271 = arith.muli %parallel_loop3A_126, %parallel_loop3A_270 : i32
        %parallel_loop3A_272 = arith.constant 14336 : i32
        %parallel_loop3A_273 = arith.addi %parallel_loop3A_272, %parallel_loop3A_271 : i32
        %parallel_loop3A_274 = arith.index_cast %parallel_loop3A_273 : i32 to index
        %parallel_loop3A_275 = tpu.vector_load %arg6[%parallel_loop3A_274] {strides = array<i32>} : memref<16384xi32, #tpu.memory_space<vmem>>, vector<16xi32>,
        %parallel_loop3A_276 = arith.addi %parallel_loop3A_257, %parallel_loop3A_275 : vector<16xi32>
        %parallel_loop3A_277 = arith.constant 16 : i32
        %parallel_loop3A_278 = arith.muli %parallel_loop3A_126, %parallel_loop3A_277 : i32
        %parallel_loop3A_279 = arith.constant 14336 : i32
        %parallel_loop3A_280 = arith.addi %parallel_loop3A_279, %parallel_loop3A_278 : i32
        %parallel_loop3A_281 = arith.index_cast %parallel_loop3A_280 : i32 to index
        %parallel_loop3A_282 = tpu.vector_load %arg6[%parallel_loop3A_281] {strides = array<i32>} : memref<16384xi32, #tpu.memory_space<vmem>>, vector<16xi32>,
        tpu.vector_store %arg6[%parallel_loop3A_281], %broadcast_in_dim3A_78 {strides = array<i32>} : memref<16384xi32, #tpu.memory_space<vmem>>, vector<16xi32>,
      } {sc.loop_unroll_factor = 4 : i64, sc.parallel_access}
      %scan3A_82 = arith.constant 0 : i32
      %scan3A_83 = arith.constant 0 : i32
      %scan3A_84 = arith.constant 256 : i32
      %scan3A_85 = arith.addi %scan3A_83, %scan3A_84 : i32
      %scan3A_86 = arith.constant 1 : i32
      %scan3A_87 = scf.for %scan3A_126 = %scan3A_83 to %scan3A_85 step %scan3A_86 iter_args(%scan3A_127 = %scan3A_82) -> (i32)  : i32 {
        %parallel_loop3A_128 = arith.constant 0 : i32
        %parallel_loop3A_129 = arith.constant 8 : i32
        %parallel_loop3A_130 = arith.constant 1 : i32
        scf.for %parallel_loop3A_132 = %parallel_loop3A_128 to %parallel_loop3A_129 step %parallel_loop3A_130  : i32 {
          %parallel_loop3A_133 = arith.constant 4096 : i32
          %parallel_loop3A_134 = arith.muli %parallel_loop3A_132, %parallel_loop3A_133 : i32
          %parallel_loop3A_135 = arith.constant 16 : i32
          %parallel_loop3A_136 = arith.muli %scan3A_126, %parallel_loop3A_135 : i32
          %parallel_loop3A_137 = arith.addi %parallel_loop3A_134, %parallel_loop3A_136 : i32
          %parallel_loop3A_138 = arith.index_cast %parallel_loop3A_137 : i32 to index
          %parallel_loop3A_139 = tpu.vector_load %arg5[%parallel_loop3A_138] {strides = array<i32>} : memref<32768xi32, #tpu.memory_space<vmem>>, vector<16xi32>,
          %parallel_loop3A_140 = arith.constant 11 : i32
          %parallel_loop3A_141 = vector.broadcast %parallel_loop3A_140 : i32 to vector<16xi32>
          %parallel_loop3A_142 = arith.shrui %parallel_loop3A_139, %parallel_loop3A_141 : vector<16xi32>
          %parallel_loop3A_143 = arith.constant 2047 : i32
          %parallel_loop3A_144 = vector.broadcast %parallel_loop3A_143 : i32 to vector<16xi32>
          %parallel_loop3A_145 = arith.andi %parallel_loop3A_142, %parallel_loop3A_144 : vector<16xi32>
          %parallel_loop3A_146 = arith.constant 2048 : i32
          %parallel_loop3A_147 = arith.muli %parallel_loop3A_132, %parallel_loop3A_146 : i32
          %parallel_loop3A_148 = vector.broadcast %parallel_loop3A_147 : i32 to vector<16xi32>
          %parallel_loop3A_149 = arith.addi %parallel_loop3A_145, %parallel_loop3A_148 : vector<16xi32>
          %parallel_loop3A_150 = arith.constant true
          %parallel_loop3A_151 = vector.broadcast %parallel_loop3A_150 : i1 to vector<16xi1>
          %parallel_loop3A_152, %parallel_loop3A_153 = tpu.scan_count mask(%parallel_loop3A_151 : vector<16xi1>) value(%parallel_loop3A_149 : vector<16xi32>) : vector<16xi1>, vector<16xi32>
          %parallel_loop3A_154 = tpu.vector_load_idx %arg7[%parallel_loop3A_149] : memref<16384xi32, #tpu.memory_space<vmem>>[vector<16xi32>], vector<16xi32>,
          %parallel_loop3A_155 = arith.addi %parallel_loop3A_154, %parallel_loop3A_153 : vector<16xi32>
          tpu.vector_store_idx %arg7[%parallel_loop3A_149], %parallel_loop3A_155 masked %parallel_loop3A_152 : memref<16384xi32, #tpu.memory_space<vmem>>[vector<16xi32>], vector<16xi32>, vector<16xi1>
          tpu.vector_store_idx %arg4[%parallel_loop3A_155], %parallel_loop3A_139 : memref<32768xi32, #tpu.memory_space<vmem>>[vector<16xi32>], vector<16xi32>,
        } {sc.loop_unroll_factor = 8 : i64, sc.parallel_access}
        %scan3A_131 = arith.constant 0 : i32
        scf.yield %scan3A_131 : i32
      }
      %scan3A_88 = arith.constant 256 : i32
      %scan3A_89 = arith.constant 0 : i32
      %scan3A_90 = arith.constant 0 : i32
      %scan3A_91 = arith.constant 256 : i32
      %scan3A_92 = arith.addi %scan3A_90, %scan3A_91 : i32
      %scan3A_93 = arith.constant 1 : i32
      %scan3A_94 = scf.for %scan3A_126 = %scan3A_90 to %scan3A_92 step %scan3A_93 iter_args(%scan3A_127 = %scan3A_89) -> (i32)  : i32 {
        %parallel_loop3A_128 = arith.constant 0 : i32
        %parallel_loop3A_129 = arith.constant 8 : i32
        %parallel_loop3A_130 = arith.constant 1 : i32
        scf.for %parallel_loop3A_132 = %parallel_loop3A_128 to %parallel_loop3A_129 step %parallel_loop3A_130  : i32 {
          %parallel_loop3A_133 = arith.constant 4096 : i32
          %parallel_loop3A_134 = arith.muli %parallel_loop3A_132, %parallel_loop3A_133 : i32
          %parallel_loop3A_135 = arith.constant 16 : i32
          %parallel_loop3A_136 = arith.muli %scan3A_126, %parallel_loop3A_135 : i32
          %parallel_loop3A_137 = arith.addi %parallel_loop3A_134, %parallel_loop3A_136 : i32
          %parallel_loop3A_138 = arith.index_cast %parallel_loop3A_137 : i32 to index
          %parallel_loop3A_139 = tpu.vector_load %arg4[%parallel_loop3A_138] {strides = array<i32>} : memref<32768xi32, #tpu.memory_space<vmem>>, vector<16xi32>,
          %parallel_loop3A_140 = arith.constant 22 : i32
          %parallel_loop3A_141 = vector.broadcast %parallel_loop3A_140 : i32 to vector<16xi32>
          %parallel_loop3A_142 = arith.shrui %parallel_loop3A_139, %parallel_loop3A_141 : vector<16xi32>
          %parallel_loop3A_143 = arith.constant 1023 : i32
          %parallel_loop3A_144 = vector.broadcast %parallel_loop3A_143 : i32 to vector<16xi32>
          %parallel_loop3A_145 = arith.andi %parallel_loop3A_142, %parallel_loop3A_144 : vector<16xi32>
          %parallel_loop3A_146 = arith.constant 2048 : i32
          %parallel_loop3A_147 = arith.muli %parallel_loop3A_132, %parallel_loop3A_146 : i32
          %parallel_loop3A_148 = vector.broadcast %parallel_loop3A_147 : i32 to vector<16xi32>
          %parallel_loop3A_149 = arith.addi %parallel_loop3A_145, %parallel_loop3A_148 : vector<16xi32>
          %parallel_loop3A_150 = arith.constant true
          %parallel_loop3A_151 = vector.broadcast %parallel_loop3A_150 : i1 to vector<16xi1>
          %parallel_loop3A_152, %parallel_loop3A_153 = tpu.scan_count mask(%parallel_loop3A_151 : vector<16xi1>) value(%parallel_loop3A_149 : vector<16xi32>) : vector<16xi1>, vector<16xi32>
          tpu.vector_store_idx %arg6[%parallel_loop3A_149], %parallel_loop3A_153 masked %parallel_loop3A_152 {add = true} : memref<16384xi32, #tpu.memory_space<vmem>>[vector<16xi32>], vector<16xi32>, vector<16xi1>
        } {sc.loop_unroll_factor = 8 : i64, sc.parallel_access}
        %scan3A_131 = arith.constant 0 : i32
        scf.yield %scan3A_131 : i32
      }
      %scan3A_95 = arith.constant 256 : i32
      %iota3A_96 = tpu.iota {dimensions = array<i32: 0>} : vector<16xi32>
      %eq3A_97 = arith.constant 0 : i32
      %eq3A_98 = vector.broadcast %eq3A_97 : i32 to vector<16xi32>
      %eq3A_99 = arith.cmpi eq, %iota3A_96, %eq3A_98 : vector<16xi32>
      %parallel_loop3A_100 = arith.constant 0 : i32
      %parallel_loop3A_101 = arith.constant 64 : i32
      %parallel_loop3A_102 = arith.constant 1 : i32
      scf.for %parallel_loop3A_126 = %parallel_loop3A_100 to %parallel_loop3A_101 step %parallel_loop3A_102  : i32 {
        %parallel_loop3A_127 = arith.constant 16 : i32
        %parallel_loop3A_128 = arith.muli %parallel_loop3A_126, %parallel_loop3A_127 : i32
        %parallel_loop3A_129 = arith.index_cast %parallel_loop3A_128 : i32 to index
        %parallel_loop3A_130 = tpu.vector_load %arg6[%parallel_loop3A_129] {strides = array<i32>} : memref<16384xi32, #tpu.memory_space<vmem>>, vector<16xi32>,
        %parallel_loop3A_131 = arith.constant 16 : i32
        %parallel_loop3A_132 = arith.muli %parallel_loop3A_126, %parallel_loop3A_131 : i32
        %parallel_loop3A_133 = arith.constant 2048 : i32
        %parallel_loop3A_134 = arith.addi %parallel_loop3A_133, %parallel_loop3A_132 : i32
        %parallel_loop3A_135 = arith.index_cast %parallel_loop3A_134 : i32 to index
        %parallel_loop3A_136 = tpu.vector_load %arg6[%parallel_loop3A_135] {strides = array<i32>} : memref<16384xi32, #tpu.memory_space<vmem>>, vector<16xi32>,
        %parallel_loop3A_137 = arith.addi %parallel_loop3A_130, %parallel_loop3A_136 : vector<16xi32>
        %parallel_loop3A_138 = arith.constant 16 : i32
        %parallel_loop3A_139 = arith.muli %parallel_loop3A_126, %parallel_loop3A_138 : i32
        %parallel_loop3A_140 = arith.constant 4096 : i32
        %parallel_loop3A_141 = arith.addi %parallel_loop3A_140, %parallel_loop3A_139 : i32
        %parallel_loop3A_142 = arith.index_cast %parallel_loop3A_141 : i32 to index
        %parallel_loop3A_143 = tpu.vector_load %arg6[%parallel_loop3A_142] {strides = array<i32>} : memref<16384xi32, #tpu.memory_space<vmem>>, vector<16xi32>,
        %parallel_loop3A_144 = arith.addi %parallel_loop3A_137, %parallel_loop3A_143 : vector<16xi32>
        %parallel_loop3A_145 = arith.constant 16 : i32
        %parallel_loop3A_146 = arith.muli %parallel_loop3A_126, %parallel_loop3A_145 : i32
        %parallel_loop3A_147 = arith.constant 6144 : i32
        %parallel_loop3A_148 = arith.addi %parallel_loop3A_147, %parallel_loop3A_146 : i32
        %parallel_loop3A_149 = arith.index_cast %parallel_loop3A_148 : i32 to index
        %parallel_loop3A_150 = tpu.vector_load %arg6[%parallel_loop3A_149] {strides = array<i32>} : memref<16384xi32, #tpu.memory_space<vmem>>, vector<16xi32>,
        %parallel_loop3A_151 = arith.addi %parallel_loop3A_144, %parallel_loop3A_150 : vector<16xi32>
        %parallel_loop3A_152 = arith.constant 16 : i32
        %parallel_loop3A_153 = arith.muli %parallel_loop3A_126, %parallel_loop3A_152 : i32
        %parallel_loop3A_154 = arith.constant 8192 : i32
        %parallel_loop3A_155 = arith.addi %parallel_loop3A_154, %parallel_loop3A_153 : i32
        %parallel_loop3A_156 = arith.index_cast %parallel_loop3A_155 : i32 to index
        %parallel_loop3A_157 = tpu.vector_load %arg6[%parallel_loop3A_156] {strides = array<i32>} : memref<16384xi32, #tpu.memory_space<vmem>>, vector<16xi32>,
        %parallel_loop3A_158 = arith.addi %parallel_loop3A_151, %parallel_loop3A_157 : vector<16xi32>
        %parallel_loop3A_159 = arith.constant 16 : i32
        %parallel_loop3A_160 = arith.muli %parallel_loop3A_126, %parallel_loop3A_159 : i32
        %parallel_loop3A_161 = arith.constant 10240 : i32
        %parallel_loop3A_162 = arith.addi %parallel_loop3A_161, %parallel_loop3A_160 : i32
        %parallel_loop3A_163 = arith.index_cast %parallel_loop3A_162 : i32 to index
        %parallel_loop3A_164 = tpu.vector_load %arg6[%parallel_loop3A_163] {strides = array<i32>} : memref<16384xi32, #tpu.memory_space<vmem>>, vector<16xi32>,
        %parallel_loop3A_165 = arith.addi %parallel_loop3A_158, %parallel_loop3A_164 : vector<16xi32>
        %parallel_loop3A_166 = arith.constant 16 : i32
        %parallel_loop3A_167 = arith.muli %parallel_loop3A_126, %parallel_loop3A_166 : i32
        %parallel_loop3A_168 = arith.constant 12288 : i32
        %parallel_loop3A_169 = arith.addi %parallel_loop3A_168, %parallel_loop3A_167 : i32
        %parallel_loop3A_170 = arith.index_cast %parallel_loop3A_169 : i32 to index
        %parallel_loop3A_171 = tpu.vector_load %arg6[%parallel_loop3A_170] {strides = array<i32>} : memref<16384xi32, #tpu.memory_space<vmem>>, vector<16xi32>,
        %parallel_loop3A_172 = arith.addi %parallel_loop3A_165, %parallel_loop3A_171 : vector<16xi32>
        %parallel_loop3A_173 = arith.constant 16 : i32
        %parallel_loop3A_174 = arith.muli %parallel_loop3A_126, %parallel_loop3A_173 : i32
        %parallel_loop3A_175 = arith.constant 14336 : i32
        %parallel_loop3A_176 = arith.addi %parallel_loop3A_175, %parallel_loop3A_174 : i32
        %parallel_loop3A_177 = arith.index_cast %parallel_loop3A_176 : i32 to index
        %parallel_loop3A_178 = tpu.vector_load %arg6[%parallel_loop3A_177] {strides = array<i32>} : memref<16384xi32, #tpu.memory_space<vmem>>, vector<16xi32>,
        %parallel_loop3A_179 = arith.addi %parallel_loop3A_172, %parallel_loop3A_178 : vector<16xi32>
        %parallel_loop3A_180 = arith.constant 16 : i32
        %parallel_loop3A_181 = arith.muli %parallel_loop3A_126, %parallel_loop3A_180 : i32
        %parallel_loop3A_182 = arith.index_cast %parallel_loop3A_181 : i32 to index
        %parallel_loop3A_183 = tpu.vector_load %arg8[%parallel_loop3A_182] {strides = array<i32>} : memref<2048xi32, #tpu.memory_space<vmem>>, vector<16xi32>,
        tpu.vector_store %arg8[%parallel_loop3A_182], %parallel_loop3A_179 {strides = array<i32>} : memref<2048xi32, #tpu.memory_space<vmem>>, vector<16xi32>,
        %parallel_loop3A_184 = vector.broadcast %parallel_loop3A_126 : i32 to vector<16xi32>
        %parallel_loop3A_185 = arith.constant true
        %parallel_loop3A_186 = vector.broadcast %parallel_loop3A_185 : i1 to vector<16xi1>
        %parallel_loop3A_187 = tpu.scan <sum>, %parallel_loop3A_179 masked %parallel_loop3A_186 : vector<16xi32>, vector<16xi1> -> vector<16xi32>
        %parallel_loop3A_188 = vector.extract %parallel_loop3A_187[15] : i32 from vector<16xi32>
        %parallel_loop3A_189 = vector.broadcast %parallel_loop3A_188 : i32 to vector<16xi32>
        tpu.vector_store_idx %arg9[%parallel_loop3A_184], %parallel_loop3A_189 masked %eq3A_99 : memref<128xi32, #tpu.memory_space<vmem>>[vector<16xi32>], vector<16xi32>, vector<16xi1>
      } {sc.loop_unroll_factor = 8 : i64, sc.parallel_access}
      %scan3A_103 = arith.constant -1 : i32
      %scan3A_104 = arith.constant 0 : i32
      %scan3A_105 = arith.constant 4 : i32
      %scan3A_106 = arith.addi %scan3A_104, %scan3A_105 : i32
      %scan3A_107 = arith.constant 1 : i32
      %scan3A_108 = scf.for %scan3A_126 = %scan3A_104 to %scan3A_106 step %scan3A_107 iter_args(%scan3A_127 = %scan3A_103) -> (i32)  : i32 {
        %mul3A_128 = arith.constant 16 : i32
        %mul3A_129 = arith.muli %scan3A_126, %mul3A_128 : i32
        %get3A = arith.index_cast %mul3A_129 : i32 to index
        %get3A_130 = tpu.vector_load %arg9[%get3A] {strides = array<i32>} : memref<128xi32, #tpu.memory_space<vmem>>, vector<16xi32>,
        %broadcast_in_dim3A_131 = arith.constant true
        %broadcast_in_dim3A_132 = vector.broadcast %broadcast_in_dim3A_131 : i1 to vector<16xi1>
        %masked_cumsum3A = tpu.scan <sum>, %get3A_130 masked %broadcast_in_dim3A_132 : vector<16xi32>, vector<16xi1> -> vector<16xi32>
        %sub3A = arith.subi %masked_cumsum3A, %get3A_130 : vector<16xi32>
        %add3A_133 = vector.broadcast %scan3A_127 : i32 to vector<16xi32>
        %add3A_134 = arith.addi %sub3A, %add3A_133 : vector<16xi32>
        %mul3A_135 = arith.constant 16 : i32
        %mul3A_136 = arith.muli %scan3A_126, %mul3A_135 : i32
        %swap3A = arith.index_cast %mul3A_136 : i32 to index
        %swap3A_137 = tpu.vector_load %arg9[%swap3A] {strides = array<i32>} : memref<128xi32, #tpu.memory_space<vmem>>, vector<16xi32>,
        tpu.vector_store %arg9[%swap3A], %add3A_134 {strides = array<i32>} : memref<128xi32, #tpu.memory_space<vmem>>, vector<16xi32>,
        %reduce_sum3A = arith.constant true
        %reduce_sum3A_138 = vector.broadcast %reduce_sum3A : i1 to vector<16xi1>
        %reduce_sum3A_139 = tpu.scan <sum>, %get3A_130 masked %reduce_sum3A_138 : vector<16xi32>, vector<16xi1> -> vector<16xi32>
        %reduce_sum3A_140 = vector.extract %reduce_sum3A_139[15] : i32 from vector<16xi32>
        %add3A_141 = arith.addi %scan3A_127, %reduce_sum3A_140 : i32
        scf.yield %add3A_141 : i32
      }
      %scan3A_109 = arith.constant 4 : i32
      %parallel_loop3A_110 = arith.constant 0 : i32
      %parallel_loop3A_111 = arith.constant 64 : i32
      %parallel_loop3A_112 = arith.constant 1 : i32
      scf.for %parallel_loop3A_126 = %parallel_loop3A_110 to %parallel_loop3A_111 step %parallel_loop3A_112  : i32 {
        %parallel_loop3A_127 = arith.constant 16 : i32
        %parallel_loop3A_128 = arith.muli %parallel_loop3A_126, %parallel_loop3A_127 : i32
        %parallel_loop3A_129 = arith.index_cast %parallel_loop3A_128 : i32 to index
        %parallel_loop3A_130 = tpu.vector_load %arg8[%parallel_loop3A_129] {strides = array<i32>} : memref<2048xi32, #tpu.memory_space<vmem>>, vector<16xi32>,
        %parallel_loop3A_131 = vector.broadcast %parallel_loop3A_126 : i32 to vector<16xi32>
        %parallel_loop3A_132 = tpu.vector_load_idx %arg9[%parallel_loop3A_131] : memref<128xi32, #tpu.memory_space<vmem>>[vector<16xi32>], vector<16xi32>,
        %parallel_loop3A_133 = arith.constant true
        %parallel_loop3A_134 = vector.broadcast %parallel_loop3A_133 : i1 to vector<16xi1>
        %parallel_loop3A_135 = tpu.scan <sum>, %parallel_loop3A_130 masked %parallel_loop3A_134 : vector<16xi32>, vector<16xi1> -> vector<16xi32>
        %parallel_loop3A_136 = arith.subi %parallel_loop3A_135, %parallel_loop3A_130 : vector<16xi32>
        %parallel_loop3A_137 = arith.addi %parallel_loop3A_136, %parallel_loop3A_132 : vector<16xi32>
        %parallel_loop3A_138 = arith.constant 16 : i32
        %parallel_loop3A_139 = arith.muli %parallel_loop3A_126, %parallel_loop3A_138 : i32
        %parallel_loop3A_140 = arith.index_cast %parallel_loop3A_139 : i32 to index
        %parallel_loop3A_141 = tpu.vector_load %arg8[%parallel_loop3A_140] {strides = array<i32>} : memref<2048xi32, #tpu.memory_space<vmem>>, vector<16xi32>,
        tpu.vector_store %arg8[%parallel_loop3A_140], %parallel_loop3A_137 {strides = array<i32>} : memref<2048xi32, #tpu.memory_space<vmem>>, vector<16xi32>,
      } {sc.loop_unroll_factor = 8 : i64, sc.parallel_access}
      %broadcast_in_dim3A_113 = arith.constant 0 : i32
      %broadcast_in_dim3A_114 = vector.broadcast %broadcast_in_dim3A_113 : i32 to vector<16xi32>
      %parallel_loop3A_115 = arith.constant 0 : i32
      %parallel_loop3A_116 = arith.constant 64 : i32
      %parallel_loop3A_117 = arith.constant 1 : i32
      scf.for %parallel_loop3A_126 = %parallel_loop3A_115 to %parallel_loop3A_116 step %parallel_loop3A_117  : i32 {
        %parallel_loop3A_127 = arith.constant 16 : i32
        %parallel_loop3A_128 = arith.muli %parallel_loop3A_126, %parallel_loop3A_127 : i32
        %parallel_loop3A_129 = arith.index_cast %parallel_loop3A_128 : i32 to index
        %parallel_loop3A_130 = tpu.vector_load %arg8[%parallel_loop3A_129] {strides = array<i32>} : memref<2048xi32, #tpu.memory_space<vmem>>, vector<16xi32>,
        %parallel_loop3A_131 = arith.constant 16 : i32
        %parallel_loop3A_132 = arith.muli %parallel_loop3A_126, %parallel_loop3A_131 : i32
        %parallel_loop3A_133 = arith.constant 0 : i32
        %parallel_loop3A_134 = arith.addi %parallel_loop3A_133, %parallel_loop3A_132 : i32
        %parallel_loop3A_135 = arith.index_cast %parallel_loop3A_134 : i32 to index
        %parallel_loop3A_136 = tpu.vector_load %arg7[%parallel_loop3A_135] {strides = array<i32>} : memref<16384xi32, #tpu.memory_space<vmem>>, vector<16xi32>,
        tpu.vector_store %arg7[%parallel_loop3A_135], %parallel_loop3A_130 {strides = array<i32>} : memref<16384xi32, #tpu.memory_space<vmem>>, vector<16xi32>,
        %parallel_loop3A_137 = arith.constant 16 : i32
        %parallel_loop3A_138 = arith.muli %parallel_loop3A_126, %parallel_loop3A_137 : i32
        %parallel_loop3A_139 = arith.constant 0 : i32
        %parallel_loop3A_140 = arith.addi %parallel_loop3A_139, %parallel_loop3A_138 : i32
        %parallel_loop3A_141 = arith.index_cast %parallel_loop3A_140 : i32 to index
        %parallel_loop3A_142 = tpu.vector_load %arg6[%parallel_loop3A_141] {strides = array<i32>} : memref<16384xi32, #tpu.memory_space<vmem>>, vector<16xi32>,
        %parallel_loop3A_143 = arith.addi %parallel_loop3A_130, %parallel_loop3A_142 : vector<16xi32>
        %parallel_loop3A_144 = arith.constant 16 : i32
        %parallel_loop3A_145 = arith.muli %parallel_loop3A_126, %parallel_loop3A_144 : i32
        %parallel_loop3A_146 = arith.constant 0 : i32
        %parallel_loop3A_147 = arith.addi %parallel_loop3A_146, %parallel_loop3A_145 : i32
        %parallel_loop3A_148 = arith.index_cast %parallel_loop3A_147 : i32 to index
        %parallel_loop3A_149 = tpu.vector_load %arg6[%parallel_loop3A_148] {strides = array<i32>} : memref<16384xi32, #tpu.memory_space<vmem>>, vector<16xi32>,
        tpu.vector_store %arg6[%parallel_loop3A_148], %broadcast_in_dim3A_114 {strides = array<i32>} : memref<16384xi32, #tpu.memory_space<vmem>>, vector<16xi32>,
        %parallel_loop3A_150 = arith.constant 16 : i32
        %parallel_loop3A_151 = arith.muli %parallel_loop3A_126, %parallel_loop3A_150 : i32
        %parallel_loop3A_152 = arith.constant 2048 : i32
        %parallel_loop3A_153 = arith.addi %parallel_loop3A_152, %parallel_loop3A_151 : i32
        %parallel_loop3A_154 = arith.index_cast %parallel_loop3A_153 : i32 to index
        %parallel_loop3A_155 = tpu.vector_load %arg7[%parallel_loop3A_154] {strides = array<i32>} : memref<16384xi32, #tpu.memory_space<vmem>>, vector<16xi32>,
        tpu.vector_store %arg7[%parallel_loop3A_154], %parallel_loop3A_143 {strides = array<i32>} : memref<16384xi32, #tpu.memory_space<vmem>>, vector<16xi32>,
        %parallel_loop3A_156 = arith.constant 16 : i32
        %parallel_loop3A_157 = arith.muli %parallel_loop3A_126, %parallel_loop3A_156 : i32
        %parallel_loop3A_158 = arith.constant 2048 : i32
        %parallel_loop3A_159 = arith.addi %parallel_loop3A_158, %parallel_loop3A_157 : i32
        %parallel_loop3A_160 = arith.index_cast %parallel_loop3A_159 : i32 to index
        %parallel_loop3A_161 = tpu.vector_load %arg6[%parallel_loop3A_160] {strides = array<i32>} : memref<16384xi32, #tpu.memory_space<vmem>>, vector<16xi32>,
        %parallel_loop3A_162 = arith.addi %parallel_loop3A_143, %parallel_loop3A_161 : vector<16xi32>
        %parallel_loop3A_163 = arith.constant 16 : i32
        %parallel_loop3A_164 = arith.muli %parallel_loop3A_126, %parallel_loop3A_163 : i32
        %parallel_loop3A_165 = arith.constant 2048 : i32
        %parallel_loop3A_166 = arith.addi %parallel_loop3A_165, %parallel_loop3A_164 : i32
        %parallel_loop3A_167 = arith.index_cast %parallel_loop3A_166 : i32 to index
        %parallel_loop3A_168 = tpu.vector_load %arg6[%parallel_loop3A_167] {strides = array<i32>} : memref<16384xi32, #tpu.memory_space<vmem>>, vector<16xi32>,
        tpu.vector_store %arg6[%parallel_loop3A_167], %broadcast_in_dim3A_114 {strides = array<i32>} : memref<16384xi32, #tpu.memory_space<vmem>>, vector<16xi32>,
        %parallel_loop3A_169 = arith.constant 16 : i32
        %parallel_loop3A_170 = arith.muli %parallel_loop3A_126, %parallel_loop3A_169 : i32
        %parallel_loop3A_171 = arith.constant 4096 : i32
        %parallel_loop3A_172 = arith.addi %parallel_loop3A_171, %parallel_loop3A_170 : i32
        %parallel_loop3A_173 = arith.index_cast %parallel_loop3A_172 : i32 to index
        %parallel_loop3A_174 = tpu.vector_load %arg7[%parallel_loop3A_173] {strides = array<i32>} : memref<16384xi32, #tpu.memory_space<vmem>>, vector<16xi32>,
        tpu.vector_store %arg7[%parallel_loop3A_173], %parallel_loop3A_162 {strides = array<i32>} : memref<16384xi32, #tpu.memory_space<vmem>>, vector<16xi32>,
        %parallel_loop3A_175 = arith.constant 16 : i32
        %parallel_loop3A_176 = arith.muli %parallel_loop3A_126, %parallel_loop3A_175 : i32
        %parallel_loop3A_177 = arith.constant 4096 : i32
        %parallel_loop3A_178 = arith.addi %parallel_loop3A_177, %parallel_loop3A_176 : i32
        %parallel_loop3A_179 = arith.index_cast %parallel_loop3A_178 : i32 to index
        %parallel_loop3A_180 = tpu.vector_load %arg6[%parallel_loop3A_179] {strides = array<i32>} : memref<16384xi32, #tpu.memory_space<vmem>>, vector<16xi32>,
        %parallel_loop3A_181 = arith.addi %parallel_loop3A_162, %parallel_loop3A_180 : vector<16xi32>
        %parallel_loop3A_182 = arith.constant 16 : i32
        %parallel_loop3A_183 = arith.muli %parallel_loop3A_126, %parallel_loop3A_182 : i32
        %parallel_loop3A_184 = arith.constant 4096 : i32
        %parallel_loop3A_185 = arith.addi %parallel_loop3A_184, %parallel_loop3A_183 : i32
        %parallel_loop3A_186 = arith.index_cast %parallel_loop3A_185 : i32 to index
        %parallel_loop3A_187 = tpu.vector_load %arg6[%parallel_loop3A_186] {strides = array<i32>} : memref<16384xi32, #tpu.memory_space<vmem>>, vector<16xi32>,
        tpu.vector_store %arg6[%parallel_loop3A_186], %broadcast_in_dim3A_114 {strides = array<i32>} : memref<16384xi32, #tpu.memory_space<vmem>>, vector<16xi32>,
        %parallel_loop3A_188 = arith.constant 16 : i32
        %parallel_loop3A_189 = arith.muli %parallel_loop3A_126, %parallel_loop3A_188 : i32
        %parallel_loop3A_190 = arith.constant 6144 : i32
        %parallel_loop3A_191 = arith.addi %parallel_loop3A_190, %parallel_loop3A_189 : i32
        %parallel_loop3A_192 = arith.index_cast %parallel_loop3A_191 : i32 to index
        %parallel_loop3A_193 = tpu.vector_load %arg7[%parallel_loop3A_192] {strides = array<i32>} : memref<16384xi32, #tpu.memory_space<vmem>>, vector<16xi32>,
        tpu.vector_store %arg7[%parallel_loop3A_192], %parallel_loop3A_181 {strides = array<i32>} : memref<16384xi32, #tpu.memory_space<vmem>>, vector<16xi32>,
        %parallel_loop3A_194 = arith.constant 16 : i32
        %parallel_loop3A_195 = arith.muli %parallel_loop3A_126, %parallel_loop3A_194 : i32
        %parallel_loop3A_196 = arith.constant 6144 : i32
        %parallel_loop3A_197 = arith.addi %parallel_loop3A_196, %parallel_loop3A_195 : i32
        %parallel_loop3A_198 = arith.index_cast %parallel_loop3A_197 : i32 to index
        %parallel_loop3A_199 = tpu.vector_load %arg6[%parallel_loop3A_198] {strides = array<i32>} : memref<16384xi32, #tpu.memory_space<vmem>>, vector<16xi32>,
        %parallel_loop3A_200 = arith.addi %parallel_loop3A_181, %parallel_loop3A_199 : vector<16xi32>
        %parallel_loop3A_201 = arith.constant 16 : i32
        %parallel_loop3A_202 = arith.muli %parallel_loop3A_126, %parallel_loop3A_201 : i32
        %parallel_loop3A_203 = arith.constant 6144 : i32
        %parallel_loop3A_204 = arith.addi %parallel_loop3A_203, %parallel_loop3A_202 : i32
        %parallel_loop3A_205 = arith.index_cast %parallel_loop3A_204 : i32 to index
        %parallel_loop3A_206 = tpu.vector_load %arg6[%parallel_loop3A_205] {strides = array<i32>} : memref<16384xi32, #tpu.memory_space<vmem>>, vector<16xi32>,
        tpu.vector_store %arg6[%parallel_loop3A_205], %broadcast_in_dim3A_114 {strides = array<i32>} : memref<16384xi32, #tpu.memory_space<vmem>>, vector<16xi32>,
        %parallel_loop3A_207 = arith.constant 16 : i32
        %parallel_loop3A_208 = arith.muli %parallel_loop3A_126, %parallel_loop3A_207 : i32
        %parallel_loop3A_209 = arith.constant 8192 : i32
        %parallel_loop3A_210 = arith.addi %parallel_loop3A_209, %parallel_loop3A_208 : i32
        %parallel_loop3A_211 = arith.index_cast %parallel_loop3A_210 : i32 to index
        %parallel_loop3A_212 = tpu.vector_load %arg7[%parallel_loop3A_211] {strides = array<i32>} : memref<16384xi32, #tpu.memory_space<vmem>>, vector<16xi32>,
        tpu.vector_store %arg7[%parallel_loop3A_211], %parallel_loop3A_200 {strides = array<i32>} : memref<16384xi32, #tpu.memory_space<vmem>>, vector<16xi32>,
        %parallel_loop3A_213 = arith.constant 16 : i32
        %parallel_loop3A_214 = arith.muli %parallel_loop3A_126, %parallel_loop3A_213 : i32
        %parallel_loop3A_215 = arith.constant 8192 : i32
        %parallel_loop3A_216 = arith.addi %parallel_loop3A_215, %parallel_loop3A_214 : i32
        %parallel_loop3A_217 = arith.index_cast %parallel_loop3A_216 : i32 to index
        %parallel_loop3A_218 = tpu.vector_load %arg6[%parallel_loop3A_217] {strides = array<i32>} : memref<16384xi32, #tpu.memory_space<vmem>>, vector<16xi32>,
        %parallel_loop3A_219 = arith.addi %parallel_loop3A_200, %parallel_loop3A_218 : vector<16xi32>
        %parallel_loop3A_220 = arith.constant 16 : i32
        %parallel_loop3A_221 = arith.muli %parallel_loop3A_126, %parallel_loop3A_220 : i32
        %parallel_loop3A_222 = arith.constant 8192 : i32
        %parallel_loop3A_223 = arith.addi %parallel_loop3A_222, %parallel_loop3A_221 : i32
        %parallel_loop3A_224 = arith.index_cast %parallel_loop3A_223 : i32 to index
        %parallel_loop3A_225 = tpu.vector_load %arg6[%parallel_loop3A_224] {strides = array<i32>} : memref<16384xi32, #tpu.memory_space<vmem>>, vector<16xi32>,
        tpu.vector_store %arg6[%parallel_loop3A_224], %broadcast_in_dim3A_114 {strides = array<i32>} : memref<16384xi32, #tpu.memory_space<vmem>>, vector<16xi32>,
        %parallel_loop3A_226 = arith.constant 16 : i32
        %parallel_loop3A_227 = arith.muli %parallel_loop3A_126, %parallel_loop3A_226 : i32
        %parallel_loop3A_228 = arith.constant 10240 : i32
        %parallel_loop3A_229 = arith.addi %parallel_loop3A_228, %parallel_loop3A_227 : i32
        %parallel_loop3A_230 = arith.index_cast %parallel_loop3A_229 : i32 to index
        %parallel_loop3A_231 = tpu.vector_load %arg7[%parallel_loop3A_230] {strides = array<i32>} : memref<16384xi32, #tpu.memory_space<vmem>>, vector<16xi32>,
        tpu.vector_store %arg7[%parallel_loop3A_230], %parallel_loop3A_219 {strides = array<i32>} : memref<16384xi32, #tpu.memory_space<vmem>>, vector<16xi32>,
        %parallel_loop3A_232 = arith.constant 16 : i32
        %parallel_loop3A_233 = arith.muli %parallel_loop3A_126, %parallel_loop3A_232 : i32
        %parallel_loop3A_234 = arith.constant 10240 : i32
        %parallel_loop3A_235 = arith.addi %parallel_loop3A_234, %parallel_loop3A_233 : i32
        %parallel_loop3A_236 = arith.index_cast %parallel_loop3A_235 : i32 to index
        %parallel_loop3A_237 = tpu.vector_load %arg6[%parallel_loop3A_236] {strides = array<i32>} : memref<16384xi32, #tpu.memory_space<vmem>>, vector<16xi32>,
        %parallel_loop3A_238 = arith.addi %parallel_loop3A_219, %parallel_loop3A_237 : vector<16xi32>
        %parallel_loop3A_239 = arith.constant 16 : i32
        %parallel_loop3A_240 = arith.muli %parallel_loop3A_126, %parallel_loop3A_239 : i32
        %parallel_loop3A_241 = arith.constant 10240 : i32
        %parallel_loop3A_242 = arith.addi %parallel_loop3A_241, %parallel_loop3A_240 : i32
        %parallel_loop3A_243 = arith.index_cast %parallel_loop3A_242 : i32 to index
        %parallel_loop3A_244 = tpu.vector_load %arg6[%parallel_loop3A_243] {strides = array<i32>} : memref<16384xi32, #tpu.memory_space<vmem>>, vector<16xi32>,
        tpu.vector_store %arg6[%parallel_loop3A_243], %broadcast_in_dim3A_114 {strides = array<i32>} : memref<16384xi32, #tpu.memory_space<vmem>>, vector<16xi32>,
        %parallel_loop3A_245 = arith.constant 16 : i32
        %parallel_loop3A_246 = arith.muli %parallel_loop3A_126, %parallel_loop3A_245 : i32
        %parallel_loop3A_247 = arith.constant 12288 : i32
        %parallel_loop3A_248 = arith.addi %parallel_loop3A_247, %parallel_loop3A_246 : i32
        %parallel_loop3A_249 = arith.index_cast %parallel_loop3A_248 : i32 to index
        %parallel_loop3A_250 = tpu.vector_load %arg7[%parallel_loop3A_249] {strides = array<i32>} : memref<16384xi32, #tpu.memory_space<vmem>>, vector<16xi32>,
        tpu.vector_store %arg7[%parallel_loop3A_249], %parallel_loop3A_238 {strides = array<i32>} : memref<16384xi32, #tpu.memory_space<vmem>>, vector<16xi32>,
        %parallel_loop3A_251 = arith.constant 16 : i32
        %parallel_loop3A_252 = arith.muli %parallel_loop3A_126, %parallel_loop3A_251 : i32
        %parallel_loop3A_253 = arith.constant 12288 : i32
        %parallel_loop3A_254 = arith.addi %parallel_loop3A_253, %parallel_loop3A_252 : i32
        %parallel_loop3A_255 = arith.index_cast %parallel_loop3A_254 : i32 to index
        %parallel_loop3A_256 = tpu.vector_load %arg6[%parallel_loop3A_255] {strides = array<i32>} : memref<16384xi32, #tpu.memory_space<vmem>>, vector<16xi32>,
        %parallel_loop3A_257 = arith.addi %parallel_loop3A_238, %parallel_loop3A_256 : vector<16xi32>
        %parallel_loop3A_258 = arith.constant 16 : i32
        %parallel_loop3A_259 = arith.muli %parallel_loop3A_126, %parallel_loop3A_258 : i32
        %parallel_loop3A_260 = arith.constant 12288 : i32
        %parallel_loop3A_261 = arith.addi %parallel_loop3A_260, %parallel_loop3A_259 : i32
        %parallel_loop3A_262 = arith.index_cast %parallel_loop3A_261 : i32 to index
        %parallel_loop3A_263 = tpu.vector_load %arg6[%parallel_loop3A_262] {strides = array<i32>} : memref<16384xi32, #tpu.memory_space<vmem>>, vector<16xi32>,
        tpu.vector_store %arg6[%parallel_loop3A_262], %broadcast_in_dim3A_114 {strides = array<i32>} : memref<16384xi32, #tpu.memory_space<vmem>>, vector<16xi32>,
        %parallel_loop3A_264 = arith.constant 16 : i32
        %parallel_loop3A_265 = arith.muli %parallel_loop3A_126, %parallel_loop3A_264 : i32
        %parallel_loop3A_266 = arith.constant 14336 : i32
        %parallel_loop3A_267 = arith.addi %parallel_loop3A_266, %parallel_loop3A_265 : i32
        %parallel_loop3A_268 = arith.index_cast %parallel_loop3A_267 : i32 to index
        %parallel_loop3A_269 = tpu.vector_load %arg7[%parallel_loop3A_268] {strides = array<i32>} : memref<16384xi32, #tpu.memory_space<vmem>>, vector<16xi32>,
        tpu.vector_store %arg7[%parallel_loop3A_268], %parallel_loop3A_257 {strides = array<i32>} : memref<16384xi32, #tpu.memory_space<vmem>>, vector<16xi32>,
        %parallel_loop3A_270 = arith.constant 16 : i32
        %parallel_loop3A_271 = arith.muli %parallel_loop3A_126, %parallel_loop3A_270 : i32
        %parallel_loop3A_272 = arith.constant 14336 : i32
        %parallel_loop3A_273 = arith.addi %parallel_loop3A_272, %parallel_loop3A_271 : i32
        %parallel_loop3A_274 = arith.index_cast %parallel_loop3A_273 : i32 to index
        %parallel_loop3A_275 = tpu.vector_load %arg6[%parallel_loop3A_274] {strides = array<i32>} : memref<16384xi32, #tpu.memory_space<vmem>>, vector<16xi32>,
        %parallel_loop3A_276 = arith.addi %parallel_loop3A_257, %parallel_loop3A_275 : vector<16xi32>
        %parallel_loop3A_277 = arith.constant 16 : i32
        %parallel_loop3A_278 = arith.muli %parallel_loop3A_126, %parallel_loop3A_277 : i32
        %parallel_loop3A_279 = arith.constant 14336 : i32
        %parallel_loop3A_280 = arith.addi %parallel_loop3A_279, %parallel_loop3A_278 : i32
        %parallel_loop3A_281 = arith.index_cast %parallel_loop3A_280 : i32 to index
        %parallel_loop3A_282 = tpu.vector_load %arg6[%parallel_loop3A_281] {strides = array<i32>} : memref<16384xi32, #tpu.memory_space<vmem>>, vector<16xi32>,
        tpu.vector_store %arg6[%parallel_loop3A_281], %broadcast_in_dim3A_114 {strides = array<i32>} : memref<16384xi32, #tpu.memory_space<vmem>>, vector<16xi32>,
      } {sc.loop_unroll_factor = 4 : i64, sc.parallel_access}
      %scan3A_118 = arith.constant 0 : i32
      %scan3A_119 = arith.constant 0 : i32
      %scan3A_120 = arith.constant 256 : i32
      %scan3A_121 = arith.addi %scan3A_119, %scan3A_120 : i32
      %scan3A_122 = arith.constant 1 : i32
      %scan3A_123 = scf.for %scan3A_126 = %scan3A_119 to %scan3A_121 step %scan3A_122 iter_args(%scan3A_127 = %scan3A_118) -> (i32)  : i32 {
        %parallel_loop3A_128 = arith.constant 0 : i32
        %parallel_loop3A_129 = arith.constant 8 : i32
        %parallel_loop3A_130 = arith.constant 1 : i32
        scf.for %parallel_loop3A_132 = %parallel_loop3A_128 to %parallel_loop3A_129 step %parallel_loop3A_130  : i32 {
          %parallel_loop3A_133 = arith.constant 4096 : i32
          %parallel_loop3A_134 = arith.muli %parallel_loop3A_132, %parallel_loop3A_133 : i32
          %parallel_loop3A_135 = arith.constant 16 : i32
          %parallel_loop3A_136 = arith.muli %scan3A_126, %parallel_loop3A_135 : i32
          %parallel_loop3A_137 = arith.addi %parallel_loop3A_134, %parallel_loop3A_136 : i32
          %parallel_loop3A_138 = arith.index_cast %parallel_loop3A_137 : i32 to index
          %parallel_loop3A_139 = tpu.vector_load %arg4[%parallel_loop3A_138] {strides = array<i32>} : memref<32768xi32, #tpu.memory_space<vmem>>, vector<16xi32>,
          %parallel_loop3A_140 = arith.constant 22 : i32
          %parallel_loop3A_141 = vector.broadcast %parallel_loop3A_140 : i32 to vector<16xi32>
          %parallel_loop3A_142 = arith.shrui %parallel_loop3A_139, %parallel_loop3A_141 : vector<16xi32>
          %parallel_loop3A_143 = arith.constant 1023 : i32
          %parallel_loop3A_144 = vector.broadcast %parallel_loop3A_143 : i32 to vector<16xi32>
          %parallel_loop3A_145 = arith.andi %parallel_loop3A_142, %parallel_loop3A_144 : vector<16xi32>
          %parallel_loop3A_146 = arith.constant 2048 : i32
          %parallel_loop3A_147 = arith.muli %parallel_loop3A_132, %parallel_loop3A_146 : i32
          %parallel_loop3A_148 = vector.broadcast %parallel_loop3A_147 : i32 to vector<16xi32>
          %parallel_loop3A_149 = arith.addi %parallel_loop3A_145, %parallel_loop3A_148 : vector<16xi32>
          %parallel_loop3A_150 = arith.constant true
          %parallel_loop3A_151 = vector.broadcast %parallel_loop3A_150 : i1 to vector<16xi1>
          %parallel_loop3A_152, %parallel_loop3A_153 = tpu.scan_count mask(%parallel_loop3A_151 : vector<16xi1>) value(%parallel_loop3A_149 : vector<16xi32>) : vector<16xi1>, vector<16xi32>
          %parallel_loop3A_154 = tpu.vector_load_idx %arg7[%parallel_loop3A_149] : memref<16384xi32, #tpu.memory_space<vmem>>[vector<16xi32>], vector<16xi32>,
          %parallel_loop3A_155 = arith.addi %parallel_loop3A_154, %parallel_loop3A_153 : vector<16xi32>
          tpu.vector_store_idx %arg7[%parallel_loop3A_149], %parallel_loop3A_155 masked %parallel_loop3A_152 : memref<16384xi32, #tpu.memory_space<vmem>>[vector<16xi32>], vector<16xi32>, vector<16xi1>
          %parallel_loop3A_156 = arith.constant 31 : i32
          %parallel_loop3A_157 = vector.broadcast %parallel_loop3A_156 : i32 to vector<16xi32>
          %parallel_loop3A_158 = arith.shrsi %parallel_loop3A_139, %parallel_loop3A_157 : vector<16xi32>
          %parallel_loop3A_159 = arith.constant dense<-1> : vector<16xi32>
          %parallel_loop3A_160 = arith.xori %parallel_loop3A_158, %parallel_loop3A_159 : vector<16xi32>
          %parallel_loop3A_161 = arith.constant -2147483648 : i32
          %parallel_loop3A_162 = vector.broadcast %parallel_loop3A_161 : i32 to vector<16xi32>
          %parallel_loop3A_163 = arith.ori %parallel_loop3A_160, %parallel_loop3A_162 : vector<16xi32>
          %parallel_loop3A_164 = arith.xori %parallel_loop3A_139, %parallel_loop3A_163 : vector<16xi32>
          tpu.vector_store_idx %arg5[%parallel_loop3A_155], %parallel_loop3A_164 : memref<32768xi32, #tpu.memory_space<vmem>>[vector<16xi32>], vector<16xi32>,
        } {sc.loop_unroll_factor = 8 : i64, sc.parallel_access}
        %scan3A_131 = arith.constant 0 : i32
        scf.yield %scan3A_131 : i32
      }
      %scan3A_124 = arith.constant 256 : i32
      "tpu.region"() ({
        %run_scoped3A = tpu.sem_alloc : memref<!tpu.dma_semaphore, #tpu.memory_space<semaphore_mem>>
        %dma_start3A = arith.constant 0 : i32
        %dma_start3A_126 = tpu.memref_slice %arg3[%while3A_19, %dma_start3A] : memref<128x32768xi32, #tpu.memory_space<hbm>> -> memref<1x32768xi32, #tpu.memory_space<hbm>>
        %dma_start3A_127 = tpu.memref_squeeze %dma_start3A_126 : memref<1x32768xi32, #tpu.memory_space<hbm>> -> memref<32768xi32, #tpu.memory_space<hbm>>
        %dma_start3A_128 = arith.constant 0 : i32
        %dma_start3A_129 = tpu.memref_slice %arg3[%while3A_19, %dma_start3A_128] : memref<128x32768xi32, #tpu.memory_space<hbm>> -> memref<1x32768xi32, #tpu.memory_space<hbm>>
        %dma_start3A_130 = tpu.memref_squeeze %dma_start3A_129 : memref<1x32768xi32, #tpu.memory_space<hbm>> -> memref<32768xi32, #tpu.memory_space<hbm>>
        tpu.enqueue_dma source(%arg5 : memref<32768xi32, #tpu.memory_space<vmem>>) target(%dma_start3A_130 : memref<32768xi32, #tpu.memory_space<hbm>>) target_semaphore(%run_scoped3A : memref<!tpu.dma_semaphore, #tpu.memory_space<semaphore_mem>>)
        %dma_wait3A = arith.constant 0 : i32
        %dma_wait3A_131 = tpu.memref_slice %arg3[%while3A_19, %dma_wait3A] : memref<128x32768xi32, #tpu.memory_space<hbm>> -> memref<1x32768xi32, #tpu.memory_space<hbm>>
        %dma_wait3A_132 = tpu.memref_squeeze %dma_wait3A_131 : memref<1x32768xi32, #tpu.memory_space<hbm>> -> memref<32768xi32, #tpu.memory_space<hbm>>
        %dma_wait3A_133 = arith.constant 0 : i32
        %dma_wait3A_134 = tpu.memref_slice %arg3[%while3A_19, %dma_wait3A_133] : memref<128x32768xi32, #tpu.memory_space<hbm>> -> memref<1x32768xi32, #tpu.memory_space<hbm>>
        %dma_wait3A_135 = tpu.memref_squeeze %dma_wait3A_134 : memref<1x32768xi32, #tpu.memory_space<hbm>> -> memref<32768xi32, #tpu.memory_space<hbm>>
        tpu.wait_dma2 semaphore(%run_scoped3A : memref<!tpu.dma_semaphore, #tpu.memory_space<semaphore_mem>>) src(%arg5 : memref<32768xi32, #tpu.memory_space<vmem>>) dst(%dma_wait3A_135 : memref<32768xi32, #tpu.memory_space<hbm>>)
        tpu.yield
      }) : () -> ()
      %while3A_125 = arith.constant 0 : i32
      scf.yield %while3A_125 : i32
    }
    %while3A_17 = arith.constant 1 : i32
    %while3A_18 = scf.for %while3A_19 = %while3A_14 to %while3A_10 step %while3A_17 iter_args(%while3A_20 = %while3A_16) -> (i32)  : i32 {
      "tpu.region"() ({
        %run_scoped3A = tpu.sem_alloc : memref<!tpu.dma_semaphore, #tpu.memory_space<semaphore_mem>>
        %dma_start3A = arith.constant 0 : i32
        %dma_start3A_126 = tpu.memref_slice %arg2[%while3A_19, %dma_start3A] : memref<128x32768xi32, #tpu.memory_space<hbm>> -> memref<1x32768xi32, #tpu.memory_space<hbm>>
        %dma_start3A_127 = tpu.memref_squeeze %dma_start3A_126 : memref<1x32768xi32, #tpu.memory_space<hbm>> -> memref<32768xi32, #tpu.memory_space<hbm>>
        %dma_start3A_128 = arith.constant 0 : i32
        %dma_start3A_129 = tpu.memref_slice %arg2[%while3A_19, %dma_start3A_128] : memref<128x32768xi32, #tpu.memory_space<hbm>> -> memref<1x32768xi32, #tpu.memory_space<hbm>>
        %dma_start3A_130 = tpu.memref_squeeze %dma_start3A_129 : memref<1x32768xi32, #tpu.memory_space<hbm>> -> memref<32768xi32, #tpu.memory_space<hbm>>
        tpu.enqueue_dma source(%dma_start3A_130 : memref<32768xi32, #tpu.memory_space<hbm>>) target(%arg4 : memref<32768xi32, #tpu.memory_space<vmem>>) target_semaphore(%run_scoped3A : memref<!tpu.dma_semaphore, #tpu.memory_space<semaphore_mem>>)
        %dma_wait3A = arith.constant 0 : i32
        %dma_wait3A_131 = tpu.memref_slice %arg2[%while3A_19, %dma_wait3A] : memref<128x32768xi32, #tpu.memory_space<hbm>> -> memref<1x32768xi32, #tpu.memory_space<hbm>>
        %dma_wait3A_132 = tpu.memref_squeeze %dma_wait3A_131 : memref<1x32768xi32, #tpu.memory_space<hbm>> -> memref<32768xi32, #tpu.memory_space<hbm>>
        %dma_wait3A_133 = arith.constant 0 : i32
        %dma_wait3A_134 = tpu.memref_slice %arg2[%while3A_19, %dma_wait3A_133] : memref<128x32768xi32, #tpu.memory_space<hbm>> -> memref<1x32768xi32, #tpu.memory_space<hbm>>
        %dma_wait3A_135 = tpu.memref_squeeze %dma_wait3A_134 : memref<1x32768xi32, #tpu.memory_space<hbm>> -> memref<32768xi32, #tpu.memory_space<hbm>>
        tpu.wait_dma2 semaphore(%run_scoped3A : memref<!tpu.dma_semaphore, #tpu.memory_space<semaphore_mem>>) src(%dma_wait3A_135 : memref<32768xi32, #tpu.memory_space<hbm>>) dst(%arg4 : memref<32768xi32, #tpu.memory_space<vmem>>)
        tpu.yield
      }) : () -> ()
      %scan3A = arith.constant 0 : i32
      %scan3A_21 = arith.constant 0 : i32
      %scan3A_22 = arith.constant 256 : i32
      %scan3A_23 = arith.addi %scan3A_21, %scan3A_22 : i32
      %scan3A_24 = arith.constant 1 : i32
      %scan3A_25 = scf.for %scan3A_126 = %scan3A_21 to %scan3A_23 step %scan3A_24 iter_args(%scan3A_127 = %scan3A) -> (i32)  : i32 {
        %parallel_loop3A_128 = arith.constant 0 : i32
        %parallel_loop3A_129 = arith.constant 8 : i32
        %parallel_loop3A_130 = arith.constant 1 : i32
        scf.for %parallel_loop3A_132 = %parallel_loop3A_128 to %parallel_loop3A_129 step %parallel_loop3A_130  : i32 {
          %parallel_loop3A_133 = arith.constant 4096 : i32
          %parallel_loop3A_134 = arith.muli %parallel_loop3A_132, %parallel_loop3A_133 : i32
          %parallel_loop3A_135 = arith.constant 16 : i32
          %parallel_loop3A_136 = arith.muli %scan3A_126, %parallel_loop3A_135 : i32
          %parallel_loop3A_137 = arith.addi %parallel_loop3A_134, %parallel_loop3A_136 : i32
          %parallel_loop3A_138 = arith.index_cast %parallel_loop3A_137 : i32 to index
          %parallel_loop3A_139 = tpu.vector_load %arg4[%parallel_loop3A_138] {strides = array<i32>} : memref<32768xi32, #tpu.memory_space<vmem>>, vector<16xi32>,
          %parallel_loop3A_140 = arith.constant 31 : i32
          %parallel_loop3A_141 = vector.broadcast %parallel_loop3A_140 : i32 to vector<16xi32>
          %parallel_loop3A_142 = arith.shrsi %parallel_loop3A_139, %parallel_loop3A_141 : vector<16xi32>
          %parallel_loop3A_143 = arith.constant -2147483648 : i32
          %parallel_loop3A_144 = vector.broadcast %parallel_loop3A_143 : i32 to vector<16xi32>
          %parallel_loop3A_145 = arith.ori %parallel_loop3A_142, %parallel_loop3A_144 : vector<16xi32>
          %parallel_loop3A_146 = arith.xori %parallel_loop3A_139, %parallel_loop3A_145 : vector<16xi32>
          %parallel_loop3A_147 = arith.constant 2047 : i32
          %parallel_loop3A_148 = vector.broadcast %parallel_loop3A_147 : i32 to vector<16xi32>
          %parallel_loop3A_149 = arith.andi %parallel_loop3A_146, %parallel_loop3A_148 : vector<16xi32>
          %parallel_loop3A_150 = arith.constant 2048 : i32
          %parallel_loop3A_151 = arith.muli %parallel_loop3A_132, %parallel_loop3A_150 : i32
          %parallel_loop3A_152 = vector.broadcast %parallel_loop3A_151 : i32 to vector<16xi32>
          %parallel_loop3A_153 = arith.addi %parallel_loop3A_149, %parallel_loop3A_152 : vector<16xi32>
          %parallel_loop3A_154 = arith.constant true
          %parallel_loop3A_155 = vector.broadcast %parallel_loop3A_154 : i1 to vector<16xi1>
          %parallel_loop3A_156, %parallel_loop3A_157 = tpu.scan_count mask(%parallel_loop3A_155 : vector<16xi1>) value(%parallel_loop3A_153 : vector<16xi32>) : vector<16xi1>, vector<16xi32>
          tpu.vector_store_idx %arg6[%parallel_loop3A_153], %parallel_loop3A_157 masked %parallel_loop3A_156 {add = true} : memref<16384xi32, #tpu.memory_space<vmem>>[vector<16xi32>], vector<16xi32>, vector<16xi1>
        } {sc.loop_unroll_factor = 8 : i64, sc.parallel_access}
        %scan3A_131 = arith.constant 0 : i32
        scf.yield %scan3A_131 : i32
      }
      %scan3A_26 = arith.constant 256 : i32
      %iota3A = tpu.iota {dimensions = array<i32: 0>} : vector<16xi32>
      %eq3A = arith.constant 0 : i32
      %eq3A_27 = vector.broadcast %eq3A : i32 to vector<16xi32>
      %eq3A_28 = arith.cmpi eq, %iota3A, %eq3A_27 : vector<16xi32>
      %parallel_loop3A_29 = arith.constant 0 : i32
      %parallel_loop3A_30 = arith.constant 128 : i32
      %parallel_loop3A_31 = arith.constant 1 : i32
      scf.for %parallel_loop3A_126 = %parallel_loop3A_29 to %parallel_loop3A_30 step %parallel_loop3A_31  : i32 {
        %parallel_loop3A_127 = arith.constant 16 : i32
        %parallel_loop3A_128 = arith.muli %parallel_loop3A_126, %parallel_loop3A_127 : i32
        %parallel_loop3A_129 = arith.index_cast %parallel_loop3A_128 : i32 to index
        %parallel_loop3A_130 = tpu.vector_load %arg6[%parallel_loop3A_129] {strides = array<i32>} : memref<16384xi32, #tpu.memory_space<vmem>>, vector<16xi32>,
        %parallel_loop3A_131 = arith.constant 16 : i32
        %parallel_loop3A_132 = arith.muli %parallel_loop3A_126, %parallel_loop3A_131 : i32
        %parallel_loop3A_133 = arith.constant 2048 : i32
        %parallel_loop3A_134 = arith.addi %parallel_loop3A_133, %parallel_loop3A_132 : i32
        %parallel_loop3A_135 = arith.index_cast %parallel_loop3A_134 : i32 to index
        %parallel_loop3A_136 = tpu.vector_load %arg6[%parallel_loop3A_135] {strides = array<i32>} : memref<16384xi32, #tpu.memory_space<vmem>>, vector<16xi32>,
        %parallel_loop3A_137 = arith.addi %parallel_loop3A_130, %parallel_loop3A_136 : vector<16xi32>
        %parallel_loop3A_138 = arith.constant 16 : i32
        %parallel_loop3A_139 = arith.muli %parallel_loop3A_126, %parallel_loop3A_138 : i32
        %parallel_loop3A_140 = arith.constant 4096 : i32
        %parallel_loop3A_141 = arith.addi %parallel_loop3A_140, %parallel_loop3A_139 : i32
        %parallel_loop3A_142 = arith.index_cast %parallel_loop3A_141 : i32 to index
        %parallel_loop3A_143 = tpu.vector_load %arg6[%parallel_loop3A_142] {strides = array<i32>} : memref<16384xi32, #tpu.memory_space<vmem>>, vector<16xi32>,
        %parallel_loop3A_144 = arith.addi %parallel_loop3A_137, %parallel_loop3A_143 : vector<16xi32>
        %parallel_loop3A_145 = arith.constant 16 : i32
        %parallel_loop3A_146 = arith.muli %parallel_loop3A_126, %parallel_loop3A_145 : i32
        %parallel_loop3A_147 = arith.constant 6144 : i32
        %parallel_loop3A_148 = arith.addi %parallel_loop3A_147, %parallel_loop3A_146 : i32
        %parallel_loop3A_149 = arith.index_cast %parallel_loop3A_148 : i32 to index
        %parallel_loop3A_150 = tpu.vector_load %arg6[%parallel_loop3A_149] {strides = array<i32>} : memref<16384xi32, #tpu.memory_space<vmem>>, vector<16xi32>,
        %parallel_loop3A_151 = arith.addi %parallel_loop3A_144, %parallel_loop3A_150 : vector<16xi32>
        %parallel_loop3A_152 = arith.constant 16 : i32
        %parallel_loop3A_153 = arith.muli %parallel_loop3A_126, %parallel_loop3A_152 : i32
        %parallel_loop3A_154 = arith.constant 8192 : i32
        %parallel_loop3A_155 = arith.addi %parallel_loop3A_154, %parallel_loop3A_153 : i32
        %parallel_loop3A_156 = arith.index_cast %parallel_loop3A_155 : i32 to index
        %parallel_loop3A_157 = tpu.vector_load %arg6[%parallel_loop3A_156] {strides = array<i32>} : memref<16384xi32, #tpu.memory_space<vmem>>, vector<16xi32>,
        %parallel_loop3A_158 = arith.addi %parallel_loop3A_151, %parallel_loop3A_157 : vector<16xi32>
        %parallel_loop3A_159 = arith.constant 16 : i32
        %parallel_loop3A_160 = arith.muli %parallel_loop3A_126, %parallel_loop3A_159 : i32
        %parallel_loop3A_161 = arith.constant 10240 : i32
        %parallel_loop3A_162 = arith.addi %parallel_loop3A_161, %parallel_loop3A_160 : i32
        %parallel_loop3A_163 = arith.index_cast %parallel_loop3A_162 : i32 to index
        %parallel_loop3A_164 = tpu.vector_load %arg6[%parallel_loop3A_163] {strides = array<i32>} : memref<16384xi32, #tpu.memory_space<vmem>>, vector<16xi32>,
        %parallel_loop3A_165 = arith.addi %parallel_loop3A_158, %parallel_loop3A_164 : vector<16xi32>
        %parallel_loop3A_166 = arith.constant 16 : i32
        %parallel_loop3A_167 = arith.muli %parallel_loop3A_126, %parallel_loop3A_166 : i32
        %parallel_loop3A_168 = arith.constant 12288 : i32
        %parallel_loop3A_169 = arith.addi %parallel_loop3A_168, %parallel_loop3A_167 : i32
        %parallel_loop3A_170 = arith.index_cast %parallel_loop3A_169 : i32 to index
        %parallel_loop3A_171 = tpu.vector_load %arg6[%parallel_loop3A_170] {strides = array<i32>} : memref<16384xi32, #tpu.memory_space<vmem>>, vector<16xi32>,
        %parallel_loop3A_172 = arith.addi %parallel_loop3A_165, %parallel_loop3A_171 : vector<16xi32>
        %parallel_loop3A_173 = arith.constant 16 : i32
        %parallel_loop3A_174 = arith.muli %parallel_loop3A_126, %parallel_loop3A_173 : i32
        %parallel_loop3A_175 = arith.constant 14336 : i32
        %parallel_loop3A_176 = arith.addi %parallel_loop3A_175, %parallel_loop3A_174 : i32
        %parallel_loop3A_177 = arith.index_cast %parallel_loop3A_176 : i32 to index
        %parallel_loop3A_178 = tpu.vector_load %arg6[%parallel_loop3A_177] {strides = array<i32>} : memref<16384xi32, #tpu.memory_space<vmem>>, vector<16xi32>,
        %parallel_loop3A_179 = arith.addi %parallel_loop3A_172, %parallel_loop3A_178 : vector<16xi32>
        %parallel_loop3A_180 = arith.constant 16 : i32
        %parallel_loop3A_181 = arith.muli %parallel_loop3A_126, %parallel_loop3A_180 : i32
        %parallel_loop3A_182 = arith.index_cast %parallel_loop3A_181 : i32 to index
        %parallel_loop3A_183 = tpu.vector_load %arg8[%parallel_loop3A_182] {strides = array<i32>} : memref<2048xi32, #tpu.memory_space<vmem>>, vector<16xi32>,
        tpu.vector_store %arg8[%parallel_loop3A_182], %parallel_loop3A_179 {strides = array<i32>} : memref<2048xi32, #tpu.memory_space<vmem>>, vector<16xi32>,
        %parallel_loop3A_184 = vector.broadcast %parallel_loop3A_126 : i32 to vector<16xi32>
        %parallel_loop3A_185 = arith.constant true
        %parallel_loop3A_186 = vector.broadcast %parallel_loop3A_185 : i1 to vector<16xi1>
        %parallel_loop3A_187 = tpu.scan <sum>, %parallel_loop3A_179 masked %parallel_loop3A_186 : vector<16xi32>, vector<16xi1> -> vector<16xi32>
        %parallel_loop3A_188 = vector.extract %parallel_loop3A_187[15] : i32 from vector<16xi32>
        %parallel_loop3A_189 = vector.broadcast %parallel_loop3A_188 : i32 to vector<16xi32>
        tpu.vector_store_idx %arg9[%parallel_loop3A_184], %parallel_loop3A_189 masked %eq3A_28 : memref<128xi32, #tpu.memory_space<vmem>>[vector<16xi32>], vector<16xi32>, vector<16xi1>
      } {sc.loop_unroll_factor = 8 : i64, sc.parallel_access}
      %scan3A_32 = arith.constant -1 : i32
      %scan3A_33 = arith.constant 0 : i32
      %scan3A_34 = arith.constant 8 : i32
      %scan3A_35 = arith.addi %scan3A_33, %scan3A_34 : i32
      %scan3A_36 = arith.constant 1 : i32
      %scan3A_37 = scf.for %scan3A_126 = %scan3A_33 to %scan3A_35 step %scan3A_36 iter_args(%scan3A_127 = %scan3A_32) -> (i32)  : i32 {
        %mul3A_128 = arith.constant 16 : i32
        %mul3A_129 = arith.muli %scan3A_126, %mul3A_128 : i32
        %get3A = arith.index_cast %mul3A_129 : i32 to index
        %get3A_130 = tpu.vector_load %arg9[%get3A] {strides = array<i32>} : memref<128xi32, #tpu.memory_space<vmem>>, vector<16xi32>,
        %broadcast_in_dim3A_131 = arith.constant true
        %broadcast_in_dim3A_132 = vector.broadcast %broadcast_in_dim3A_131 : i1 to vector<16xi1>
        %masked_cumsum3A = tpu.scan <sum>, %get3A_130 masked %broadcast_in_dim3A_132 : vector<16xi32>, vector<16xi1> -> vector<16xi32>
        %sub3A = arith.subi %masked_cumsum3A, %get3A_130 : vector<16xi32>
        %add3A_133 = vector.broadcast %scan3A_127 : i32 to vector<16xi32>
        %add3A_134 = arith.addi %sub3A, %add3A_133 : vector<16xi32>
        %mul3A_135 = arith.constant 16 : i32
        %mul3A_136 = arith.muli %scan3A_126, %mul3A_135 : i32
        %swap3A = arith.index_cast %mul3A_136 : i32 to index
        %swap3A_137 = tpu.vector_load %arg9[%swap3A] {strides = array<i32>} : memref<128xi32, #tpu.memory_space<vmem>>, vector<16xi32>,
        tpu.vector_store %arg9[%swap3A], %add3A_134 {strides = array<i32>} : memref<128xi32, #tpu.memory_space<vmem>>, vector<16xi32>,
        %reduce_sum3A = arith.constant true
        %reduce_sum3A_138 = vector.broadcast %reduce_sum3A : i1 to vector<16xi1>
        %reduce_sum3A_139 = tpu.scan <sum>, %get3A_130 masked %reduce_sum3A_138 : vector<16xi32>, vector<16xi1> -> vector<16xi32>
        %reduce_sum3A_140 = vector.extract %reduce_sum3A_139[15] : i32 from vector<16xi32>
        %add3A_141 = arith.addi %scan3A_127, %reduce_sum3A_140 : i32
        scf.yield %add3A_141 : i32
      }
      %scan3A_38 = arith.constant 8 : i32
      %parallel_loop3A_39 = arith.constant 0 : i32
      %parallel_loop3A_40 = arith.constant 128 : i32
      %parallel_loop3A_41 = arith.constant 1 : i32
      scf.for %parallel_loop3A_126 = %parallel_loop3A_39 to %parallel_loop3A_40 step %parallel_loop3A_41  : i32 {
        %parallel_loop3A_127 = arith.constant 16 : i32
        %parallel_loop3A_128 = arith.muli %parallel_loop3A_126, %parallel_loop3A_127 : i32
        %parallel_loop3A_129 = arith.index_cast %parallel_loop3A_128 : i32 to index
        %parallel_loop3A_130 = tpu.vector_load %arg8[%parallel_loop3A_129] {strides = array<i32>} : memref<2048xi32, #tpu.memory_space<vmem>>, vector<16xi32>,
        %parallel_loop3A_131 = vector.broadcast %parallel_loop3A_126 : i32 to vector<16xi32>
        %parallel_loop3A_132 = tpu.vector_load_idx %arg9[%parallel_loop3A_131] : memref<128xi32, #tpu.memory_space<vmem>>[vector<16xi32>], vector<16xi32>,
        %parallel_loop3A_133 = arith.constant true
        %parallel_loop3A_134 = vector.broadcast %parallel_loop3A_133 : i1 to vector<16xi1>
        %parallel_loop3A_135 = tpu.scan <sum>, %parallel_loop3A_130 masked %parallel_loop3A_134 : vector<16xi32>, vector<16xi1> -> vector<16xi32>
        %parallel_loop3A_136 = arith.subi %parallel_loop3A_135, %parallel_loop3A_130 : vector<16xi32>
        %parallel_loop3A_137 = arith.addi %parallel_loop3A_136, %parallel_loop3A_132 : vector<16xi32>
        %parallel_loop3A_138 = arith.constant 16 : i32
        %parallel_loop3A_139 = arith.muli %parallel_loop3A_126, %parallel_loop3A_138 : i32
        %parallel_loop3A_140 = arith.index_cast %parallel_loop3A_139 : i32 to index
        %parallel_loop3A_141 = tpu.vector_load %arg8[%parallel_loop3A_140] {strides = array<i32>} : memref<2048xi32, #tpu.memory_space<vmem>>, vector<16xi32>,
        tpu.vector_store %arg8[%parallel_loop3A_140], %parallel_loop3A_137 {strides = array<i32>} : memref<2048xi32, #tpu.memory_space<vmem>>, vector<16xi32>,
      } {sc.loop_unroll_factor = 8 : i64, sc.parallel_access}
      %broadcast_in_dim3A = arith.constant 0 : i32
      %broadcast_in_dim3A_42 = vector.broadcast %broadcast_in_dim3A : i32 to vector<16xi32>
      %parallel_loop3A_43 = arith.constant 0 : i32
      %parallel_loop3A_44 = arith.constant 128 : i32
      %parallel_loop3A_45 = arith.constant 1 : i32
      scf.for %parallel_loop3A_126 = %parallel_loop3A_43 to %parallel_loop3A_44 step %parallel_loop3A_45  : i32 {
        %parallel_loop3A_127 = arith.constant 16 : i32
        %parallel_loop3A_128 = arith.muli %parallel_loop3A_126, %parallel_loop3A_127 : i32
        %parallel_loop3A_129 = arith.index_cast %parallel_loop3A_128 : i32 to index
        %parallel_loop3A_130 = tpu.vector_load %arg8[%parallel_loop3A_129] {strides = array<i32>} : memref<2048xi32, #tpu.memory_space<vmem>>, vector<16xi32>,
        %parallel_loop3A_131 = arith.constant 16 : i32
        %parallel_loop3A_132 = arith.muli %parallel_loop3A_126, %parallel_loop3A_131 : i32
        %parallel_loop3A_133 = arith.constant 0 : i32
        %parallel_loop3A_134 = arith.addi %parallel_loop3A_133, %parallel_loop3A_132 : i32
        %parallel_loop3A_135 = arith.index_cast %parallel_loop3A_134 : i32 to index
        %parallel_loop3A_136 = tpu.vector_load %arg7[%parallel_loop3A_135] {strides = array<i32>} : memref<16384xi32, #tpu.memory_space<vmem>>, vector<16xi32>,
        tpu.vector_store %arg7[%parallel_loop3A_135], %parallel_loop3A_130 {strides = array<i32>} : memref<16384xi32, #tpu.memory_space<vmem>>, vector<16xi32>,
        %parallel_loop3A_137 = arith.constant 16 : i32
        %parallel_loop3A_138 = arith.muli %parallel_loop3A_126, %parallel_loop3A_137 : i32
        %parallel_loop3A_139 = arith.constant 0 : i32
        %parallel_loop3A_140 = arith.addi %parallel_loop3A_139, %parallel_loop3A_138 : i32
        %parallel_loop3A_141 = arith.index_cast %parallel_loop3A_140 : i32 to index
        %parallel_loop3A_142 = tpu.vector_load %arg6[%parallel_loop3A_141] {strides = array<i32>} : memref<16384xi32, #tpu.memory_space<vmem>>, vector<16xi32>,
        %parallel_loop3A_143 = arith.addi %parallel_loop3A_130, %parallel_loop3A_142 : vector<16xi32>
        %parallel_loop3A_144 = arith.constant 16 : i32
        %parallel_loop3A_145 = arith.muli %parallel_loop3A_126, %parallel_loop3A_144 : i32
        %parallel_loop3A_146 = arith.constant 0 : i32
        %parallel_loop3A_147 = arith.addi %parallel_loop3A_146, %parallel_loop3A_145 : i32
        %parallel_loop3A_148 = arith.index_cast %parallel_loop3A_147 : i32 to index
        %parallel_loop3A_149 = tpu.vector_load %arg6[%parallel_loop3A_148] {strides = array<i32>} : memref<16384xi32, #tpu.memory_space<vmem>>, vector<16xi32>,
        tpu.vector_store %arg6[%parallel_loop3A_148], %broadcast_in_dim3A_42 {strides = array<i32>} : memref<16384xi32, #tpu.memory_space<vmem>>, vector<16xi32>,
        %parallel_loop3A_150 = arith.constant 16 : i32
        %parallel_loop3A_151 = arith.muli %parallel_loop3A_126, %parallel_loop3A_150 : i32
        %parallel_loop3A_152 = arith.constant 2048 : i32
        %parallel_loop3A_153 = arith.addi %parallel_loop3A_152, %parallel_loop3A_151 : i32
        %parallel_loop3A_154 = arith.index_cast %parallel_loop3A_153 : i32 to index
        %parallel_loop3A_155 = tpu.vector_load %arg7[%parallel_loop3A_154] {strides = array<i32>} : memref<16384xi32, #tpu.memory_space<vmem>>, vector<16xi32>,
        tpu.vector_store %arg7[%parallel_loop3A_154], %parallel_loop3A_143 {strides = array<i32>} : memref<16384xi32, #tpu.memory_space<vmem>>, vector<16xi32>,
        %parallel_loop3A_156 = arith.constant 16 : i32
        %parallel_loop3A_157 = arith.muli %parallel_loop3A_126, %parallel_loop3A_156 : i32
        %parallel_loop3A_158 = arith.constant 2048 : i32
        %parallel_loop3A_159 = arith.addi %parallel_loop3A_158, %parallel_loop3A_157 : i32
        %parallel_loop3A_160 = arith.index_cast %parallel_loop3A_159 : i32 to index
        %parallel_loop3A_161 = tpu.vector_load %arg6[%parallel_loop3A_160] {strides = array<i32>} : memref<16384xi32, #tpu.memory_space<vmem>>, vector<16xi32>,
        %parallel_loop3A_162 = arith.addi %parallel_loop3A_143, %parallel_loop3A_161 : vector<16xi32>
        %parallel_loop3A_163 = arith.constant 16 : i32
        %parallel_loop3A_164 = arith.muli %parallel_loop3A_126, %parallel_loop3A_163 : i32
        %parallel_loop3A_165 = arith.constant 2048 : i32
        %parallel_loop3A_166 = arith.addi %parallel_loop3A_165, %parallel_loop3A_164 : i32
        %parallel_loop3A_167 = arith.index_cast %parallel_loop3A_166 : i32 to index
        %parallel_loop3A_168 = tpu.vector_load %arg6[%parallel_loop3A_167] {strides = array<i32>} : memref<16384xi32, #tpu.memory_space<vmem>>, vector<16xi32>,
        tpu.vector_store %arg6[%parallel_loop3A_167], %broadcast_in_dim3A_42 {strides = array<i32>} : memref<16384xi32, #tpu.memory_space<vmem>>, vector<16xi32>,
        %parallel_loop3A_169 = arith.constant 16 : i32
        %parallel_loop3A_170 = arith.muli %parallel_loop3A_126, %parallel_loop3A_169 : i32
        %parallel_loop3A_171 = arith.constant 4096 : i32
        %parallel_loop3A_172 = arith.addi %parallel_loop3A_171, %parallel_loop3A_170 : i32
        %parallel_loop3A_173 = arith.index_cast %parallel_loop3A_172 : i32 to index
        %parallel_loop3A_174 = tpu.vector_load %arg7[%parallel_loop3A_173] {strides = array<i32>} : memref<16384xi32, #tpu.memory_space<vmem>>, vector<16xi32>,
        tpu.vector_store %arg7[%parallel_loop3A_173], %parallel_loop3A_162 {strides = array<i32>} : memref<16384xi32, #tpu.memory_space<vmem>>, vector<16xi32>,
        %parallel_loop3A_175 = arith.constant 16 : i32
        %parallel_loop3A_176 = arith.muli %parallel_loop3A_126, %parallel_loop3A_175 : i32
        %parallel_loop3A_177 = arith.constant 4096 : i32
        %parallel_loop3A_178 = arith.addi %parallel_loop3A_177, %parallel_loop3A_176 : i32
        %parallel_loop3A_179 = arith.index_cast %parallel_loop3A_178 : i32 to index
        %parallel_loop3A_180 = tpu.vector_load %arg6[%parallel_loop3A_179] {strides = array<i32>} : memref<16384xi32, #tpu.memory_space<vmem>>, vector<16xi32>,
        %parallel_loop3A_181 = arith.addi %parallel_loop3A_162, %parallel_loop3A_180 : vector<16xi32>
        %parallel_loop3A_182 = arith.constant 16 : i32
        %parallel_loop3A_183 = arith.muli %parallel_loop3A_126, %parallel_loop3A_182 : i32
        %parallel_loop3A_184 = arith.constant 4096 : i32
        %parallel_loop3A_185 = arith.addi %parallel_loop3A_184, %parallel_loop3A_183 : i32
        %parallel_loop3A_186 = arith.index_cast %parallel_loop3A_185 : i32 to index
        %parallel_loop3A_187 = tpu.vector_load %arg6[%parallel_loop3A_186] {strides = array<i32>} : memref<16384xi32, #tpu.memory_space<vmem>>, vector<16xi32>,
        tpu.vector_store %arg6[%parallel_loop3A_186], %broadcast_in_dim3A_42 {strides = array<i32>} : memref<16384xi32, #tpu.memory_space<vmem>>, vector<16xi32>,
        %parallel_loop3A_188 = arith.constant 16 : i32
        %parallel_loop3A_189 = arith.muli %parallel_loop3A_126, %parallel_loop3A_188 : i32
        %parallel_loop3A_190 = arith.constant 6144 : i32
        %parallel_loop3A_191 = arith.addi %parallel_loop3A_190, %parallel_loop3A_189 : i32
        %parallel_loop3A_192 = arith.index_cast %parallel_loop3A_191 : i32 to index
        %parallel_loop3A_193 = tpu.vector_load %arg7[%parallel_loop3A_192] {strides = array<i32>} : memref<16384xi32, #tpu.memory_space<vmem>>, vector<16xi32>,
        tpu.vector_store %arg7[%parallel_loop3A_192], %parallel_loop3A_181 {strides = array<i32>} : memref<16384xi32, #tpu.memory_space<vmem>>, vector<16xi32>,
        %parallel_loop3A_194 = arith.constant 16 : i32
        %parallel_loop3A_195 = arith.muli %parallel_loop3A_126, %parallel_loop3A_194 : i32
        %parallel_loop3A_196 = arith.constant 6144 : i32
        %parallel_loop3A_197 = arith.addi %parallel_loop3A_196, %parallel_loop3A_195 : i32
        %parallel_loop3A_198 = arith.index_cast %parallel_loop3A_197 : i32 to index
        %parallel_loop3A_199 = tpu.vector_load %arg6[%parallel_loop3A_198] {strides = array<i32>} : memref<16384xi32, #tpu.memory_space<vmem>>, vector<16xi32>,
        %parallel_loop3A_200 = arith.addi %parallel_loop3A_181, %parallel_loop3A_199 : vector<16xi32>
        %parallel_loop3A_201 = arith.constant 16 : i32
        %parallel_loop3A_202 = arith.muli %parallel_loop3A_126, %parallel_loop3A_201 : i32
        %parallel_loop3A_203 = arith.constant 6144 : i32
        %parallel_loop3A_204 = arith.addi %parallel_loop3A_203, %parallel_loop3A_202 : i32
        %parallel_loop3A_205 = arith.index_cast %parallel_loop3A_204 : i32 to index
        %parallel_loop3A_206 = tpu.vector_load %arg6[%parallel_loop3A_205] {strides = array<i32>} : memref<16384xi32, #tpu.memory_space<vmem>>, vector<16xi32>,
        tpu.vector_store %arg6[%parallel_loop3A_205], %broadcast_in_dim3A_42 {strides = array<i32>} : memref<16384xi32, #tpu.memory_space<vmem>>, vector<16xi32>,
        %parallel_loop3A_207 = arith.constant 16 : i32
        %parallel_loop3A_208 = arith.muli %parallel_loop3A_126, %parallel_loop3A_207 : i32
        %parallel_loop3A_209 = arith.constant 8192 : i32
        %parallel_loop3A_210 = arith.addi %parallel_loop3A_209, %parallel_loop3A_208 : i32
        %parallel_loop3A_211 = arith.index_cast %parallel_loop3A_210 : i32 to index
        %parallel_loop3A_212 = tpu.vector_load %arg7[%parallel_loop3A_211] {strides = array<i32>} : memref<16384xi32, #tpu.memory_space<vmem>>, vector<16xi32>,
        tpu.vector_store %arg7[%parallel_loop3A_211], %parallel_loop3A_200 {strides = array<i32>} : memref<16384xi32, #tpu.memory_space<vmem>>, vector<16xi32>,
        %parallel_loop3A_213 = arith.constant 16 : i32
        %parallel_loop3A_214 = arith.muli %parallel_loop3A_126, %parallel_loop3A_213 : i32
        %parallel_loop3A_215 = arith.constant 8192 : i32
        %parallel_loop3A_216 = arith.addi %parallel_loop3A_215, %parallel_loop3A_214 : i32
        %parallel_loop3A_217 = arith.index_cast %parallel_loop3A_216 : i32 to index
        %parallel_loop3A_218 = tpu.vector_load %arg6[%parallel_loop3A_217] {strides = array<i32>} : memref<16384xi32, #tpu.memory_space<vmem>>, vector<16xi32>,
        %parallel_loop3A_219 = arith.addi %parallel_loop3A_200, %parallel_loop3A_218 : vector<16xi32>
        %parallel_loop3A_220 = arith.constant 16 : i32
        %parallel_loop3A_221 = arith.muli %parallel_loop3A_126, %parallel_loop3A_220 : i32
        %parallel_loop3A_222 = arith.constant 8192 : i32
        %parallel_loop3A_223 = arith.addi %parallel_loop3A_222, %parallel_loop3A_221 : i32
        %parallel_loop3A_224 = arith.index_cast %parallel_loop3A_223 : i32 to index
        %parallel_loop3A_225 = tpu.vector_load %arg6[%parallel_loop3A_224] {strides = array<i32>} : memref<16384xi32, #tpu.memory_space<vmem>>, vector<16xi32>,
        tpu.vector_store %arg6[%parallel_loop3A_224], %broadcast_in_dim3A_42 {strides = array<i32>} : memref<16384xi32, #tpu.memory_space<vmem>>, vector<16xi32>,
        %parallel_loop3A_226 = arith.constant 16 : i32
        %parallel_loop3A_227 = arith.muli %parallel_loop3A_126, %parallel_loop3A_226 : i32
        %parallel_loop3A_228 = arith.constant 10240 : i32
        %parallel_loop3A_229 = arith.addi %parallel_loop3A_228, %parallel_loop3A_227 : i32
        %parallel_loop3A_230 = arith.index_cast %parallel_loop3A_229 : i32 to index
        %parallel_loop3A_231 = tpu.vector_load %arg7[%parallel_loop3A_230] {strides = array<i32>} : memref<16384xi32, #tpu.memory_space<vmem>>, vector<16xi32>,
        tpu.vector_store %arg7[%parallel_loop3A_230], %parallel_loop3A_219 {strides = array<i32>} : memref<16384xi32, #tpu.memory_space<vmem>>, vector<16xi32>,
        %parallel_loop3A_232 = arith.constant 16 : i32
        %parallel_loop3A_233 = arith.muli %parallel_loop3A_126, %parallel_loop3A_232 : i32
        %parallel_loop3A_234 = arith.constant 10240 : i32
        %parallel_loop3A_235 = arith.addi %parallel_loop3A_234, %parallel_loop3A_233 : i32
        %parallel_loop3A_236 = arith.index_cast %parallel_loop3A_235 : i32 to index
        %parallel_loop3A_237 = tpu.vector_load %arg6[%parallel_loop3A_236] {strides = array<i32>} : memref<16384xi32, #tpu.memory_space<vmem>>, vector<16xi32>,
        %parallel_loop3A_238 = arith.addi %parallel_loop3A_219, %parallel_loop3A_237 : vector<16xi32>
        %parallel_loop3A_239 = arith.constant 16 : i32
        %parallel_loop3A_240 = arith.muli %parallel_loop3A_126, %parallel_loop3A_239 : i32
        %parallel_loop3A_241 = arith.constant 10240 : i32
        %parallel_loop3A_242 = arith.addi %parallel_loop3A_241, %parallel_loop3A_240 : i32
        %parallel_loop3A_243 = arith.index_cast %parallel_loop3A_242 : i32 to index
        %parallel_loop3A_244 = tpu.vector_load %arg6[%parallel_loop3A_243] {strides = array<i32>} : memref<16384xi32, #tpu.memory_space<vmem>>, vector<16xi32>,
        tpu.vector_store %arg6[%parallel_loop3A_243], %broadcast_in_dim3A_42 {strides = array<i32>} : memref<16384xi32, #tpu.memory_space<vmem>>, vector<16xi32>,
        %parallel_loop3A_245 = arith.constant 16 : i32
        %parallel_loop3A_246 = arith.muli %parallel_loop3A_126, %parallel_loop3A_245 : i32
        %parallel_loop3A_247 = arith.constant 12288 : i32
        %parallel_loop3A_248 = arith.addi %parallel_loop3A_247, %parallel_loop3A_246 : i32
        %parallel_loop3A_249 = arith.index_cast %parallel_loop3A_248 : i32 to index
        %parallel_loop3A_250 = tpu.vector_load %arg7[%parallel_loop3A_249] {strides = array<i32>} : memref<16384xi32, #tpu.memory_space<vmem>>, vector<16xi32>,
        tpu.vector_store %arg7[%parallel_loop3A_249], %parallel_loop3A_238 {strides = array<i32>} : memref<16384xi32, #tpu.memory_space<vmem>>, vector<16xi32>,
        %parallel_loop3A_251 = arith.constant 16 : i32
        %parallel_loop3A_252 = arith.muli %parallel_loop3A_126, %parallel_loop3A_251 : i32
        %parallel_loop3A_253 = arith.constant 12288 : i32
        %parallel_loop3A_254 = arith.addi %parallel_loop3A_253, %parallel_loop3A_252 : i32
        %parallel_loop3A_255 = arith.index_cast %parallel_loop3A_254 : i32 to index
        %parallel_loop3A_256 = tpu.vector_load %arg6[%parallel_loop3A_255] {strides = array<i32>} : memref<16384xi32, #tpu.memory_space<vmem>>, vector<16xi32>,
        %parallel_loop3A_257 = arith.addi %parallel_loop3A_238, %parallel_loop3A_256 : vector<16xi32>
        %parallel_loop3A_258 = arith.constant 16 : i32
        %parallel_loop3A_259 = arith.muli %parallel_loop3A_126, %parallel_loop3A_258 : i32
        %parallel_loop3A_260 = arith.constant 12288 : i32
        %parallel_loop3A_261 = arith.addi %parallel_loop3A_260, %parallel_loop3A_259 : i32
        %parallel_loop3A_262 = arith.index_cast %parallel_loop3A_261 : i32 to index
        %parallel_loop3A_263 = tpu.vector_load %arg6[%parallel_loop3A_262] {strides = array<i32>} : memref<16384xi32, #tpu.memory_space<vmem>>, vector<16xi32>,
        tpu.vector_store %arg6[%parallel_loop3A_262], %broadcast_in_dim3A_42 {strides = array<i32>} : memref<16384xi32, #tpu.memory_space<vmem>>, vector<16xi32>,
        %parallel_loop3A_264 = arith.constant 16 : i32
        %parallel_loop3A_265 = arith.muli %parallel_loop3A_126, %parallel_loop3A_264 : i32
        %parallel_loop3A_266 = arith.constant 14336 : i32
        %parallel_loop3A_267 = arith.addi %parallel_loop3A_266, %parallel_loop3A_265 : i32
        %parallel_loop3A_268 = arith.index_cast %parallel_loop3A_267 : i32 to index
        %parallel_loop3A_269 = tpu.vector_load %arg7[%parallel_loop3A_268] {strides = array<i32>} : memref<16384xi32, #tpu.memory_space<vmem>>, vector<16xi32>,
        tpu.vector_store %arg7[%parallel_loop3A_268], %parallel_loop3A_257 {strides = array<i32>} : memref<16384xi32, #tpu.memory_space<vmem>>, vector<16xi32>,
        %parallel_loop3A_270 = arith.constant 16 : i32
        %parallel_loop3A_271 = arith.muli %parallel_loop3A_126, %parallel_loop3A_270 : i32
        %parallel_loop3A_272 = arith.constant 14336 : i32
        %parallel_loop3A_273 = arith.addi %parallel_loop3A_272, %parallel_loop3A_271 : i32
        %parallel_loop3A_274 = arith.index_cast %parallel_loop3A_273 : i32 to index
        %parallel_loop3A_275 = tpu.vector_load %arg6[%parallel_loop3A_274] {strides = array<i32>} : memref<16384xi32, #tpu.memory_space<vmem>>, vector<16xi32>,
        %parallel_loop3A_276 = arith.addi %parallel_loop3A_257, %parallel_loop3A_275 : vector<16xi32>
        %parallel_loop3A_277 = arith.constant 16 : i32
        %parallel_loop3A_278 = arith.muli %parallel_loop3A_126, %parallel_loop3A_277 : i32
        %parallel_loop3A_279 = arith.constant 14336 : i32
        %parallel_loop3A_280 = arith.addi %parallel_loop3A_279, %parallel_loop3A_278 : i32
        %parallel_loop3A_281 = arith.index_cast %parallel_loop3A_280 : i32 to index
        %parallel_loop3A_282 = tpu.vector_load %arg6[%parallel_loop3A_281] {strides = array<i32>} : memref<16384xi32, #tpu.memory_space<vmem>>, vector<16xi32>,
        tpu.vector_store %arg6[%parallel_loop3A_281], %broadcast_in_dim3A_42 {strides = array<i32>} : memref<16384xi32, #tpu.memory_space<vmem>>, vector<16xi32>,
      } {sc.loop_unroll_factor = 4 : i64, sc.parallel_access}
      %scan3A_46 = arith.constant 0 : i32
      %scan3A_47 = arith.constant 0 : i32
      %scan3A_48 = arith.constant 256 : i32
      %scan3A_49 = arith.addi %scan3A_47, %scan3A_48 : i32
      %scan3A_50 = arith.constant 1 : i32
      %scan3A_51 = scf.for %scan3A_126 = %scan3A_47 to %scan3A_49 step %scan3A_50 iter_args(%scan3A_127 = %scan3A_46) -> (i32)  : i32 {
        %parallel_loop3A_128 = arith.constant 0 : i32
        %parallel_loop3A_129 = arith.constant 8 : i32
        %parallel_loop3A_130 = arith.constant 1 : i32
        scf.for %parallel_loop3A_132 = %parallel_loop3A_128 to %parallel_loop3A_129 step %parallel_loop3A_130  : i32 {
          %parallel_loop3A_133 = arith.constant 4096 : i32
          %parallel_loop3A_134 = arith.muli %parallel_loop3A_132, %parallel_loop3A_133 : i32
          %parallel_loop3A_135 = arith.constant 16 : i32
          %parallel_loop3A_136 = arith.muli %scan3A_126, %parallel_loop3A_135 : i32
          %parallel_loop3A_137 = arith.addi %parallel_loop3A_134, %parallel_loop3A_136 : i32
          %parallel_loop3A_138 = arith.index_cast %parallel_loop3A_137 : i32 to index
          %parallel_loop3A_139 = tpu.vector_load %arg4[%parallel_loop3A_138] {strides = array<i32>} : memref<32768xi32, #tpu.memory_space<vmem>>, vector<16xi32>,
          %parallel_loop3A_140 = arith.constant 31 : i32
          %parallel_loop3A_141 = vector.broadcast %parallel_loop3A_140 : i32 to vector<16xi32>
          %parallel_loop3A_142 = arith.shrsi %parallel_loop3A_139, %parallel_loop3A_141 : vector<16xi32>
          %parallel_loop3A_143 = arith.constant -2147483648 : i32
          %parallel_loop3A_144 = vector.broadcast %parallel_loop3A_143 : i32 to vector<16xi32>
          %parallel_loop3A_145 = arith.ori %parallel_loop3A_142, %parallel_loop3A_144 : vector<16xi32>
          %parallel_loop3A_146 = arith.xori %parallel_loop3A_139, %parallel_loop3A_145 : vector<16xi32>
          %parallel_loop3A_147 = arith.constant 0 : i32
          %parallel_loop3A_148 = vector.broadcast %parallel_loop3A_147 : i32 to vector<16xi32>
          %parallel_loop3A_149 = arith.shrui %parallel_loop3A_146, %parallel_loop3A_148 : vector<16xi32>
          %parallel_loop3A_150 = arith.constant 2047 : i32
          %parallel_loop3A_151 = vector.broadcast %parallel_loop3A_150 : i32 to vector<16xi32>
          %parallel_loop3A_152 = arith.andi %parallel_loop3A_149, %parallel_loop3A_151 : vector<16xi32>
          %parallel_loop3A_153 = arith.constant 2048 : i32
          %parallel_loop3A_154 = arith.muli %parallel_loop3A_132, %parallel_loop3A_153 : i32
          %parallel_loop3A_155 = vector.broadcast %parallel_loop3A_154 : i32 to vector<16xi32>
          %parallel_loop3A_156 = arith.addi %parallel_loop3A_152, %parallel_loop3A_155 : vector<16xi32>
          %parallel_loop3A_157 = arith.constant true
          %parallel_loop3A_158 = vector.broadcast %parallel_loop3A_157 : i1 to vector<16xi1>
          %parallel_loop3A_159, %parallel_loop3A_160 = tpu.scan_count mask(%parallel_loop3A_158 : vector<16xi1>) value(%parallel_loop3A_156 : vector<16xi32>) : vector<16xi1>, vector<16xi32>
          %parallel_loop3A_161 = tpu.vector_load_idx %arg7[%parallel_loop3A_156] : memref<16384xi32, #tpu.memory_space<vmem>>[vector<16xi32>], vector<16xi32>,
          %parallel_loop3A_162 = arith.addi %parallel_loop3A_161, %parallel_loop3A_160 : vector<16xi32>
          tpu.vector_store_idx %arg7[%parallel_loop3A_156], %parallel_loop3A_162 masked %parallel_loop3A_159 : memref<16384xi32, #tpu.memory_space<vmem>>[vector<16xi32>], vector<16xi32>, vector<16xi1>
          tpu.vector_store_idx %arg5[%parallel_loop3A_162], %parallel_loop3A_146 : memref<32768xi32, #tpu.memory_space<vmem>>[vector<16xi32>], vector<16xi32>,
        } {sc.loop_unroll_factor = 8 : i64, sc.parallel_access}
        %scan3A_131 = arith.constant 0 : i32
        scf.yield %scan3A_131 : i32
      }
      %scan3A_52 = arith.constant 256 : i32
      %scan3A_53 = arith.constant 0 : i32
      %scan3A_54 = arith.constant 0 : i32
      %scan3A_55 = arith.constant 256 : i32
      %scan3A_56 = arith.addi %scan3A_54, %scan3A_55 : i32
      %scan3A_57 = arith.constant 1 : i32
      %scan3A_58 = scf.for %scan3A_126 = %scan3A_54 to %scan3A_56 step %scan3A_57 iter_args(%scan3A_127 = %scan3A_53) -> (i32)  : i32 {
        %parallel_loop3A_128 = arith.constant 0 : i32
        %parallel_loop3A_129 = arith.constant 8 : i32
        %parallel_loop3A_130 = arith.constant 1 : i32
        scf.for %parallel_loop3A_132 = %parallel_loop3A_128 to %parallel_loop3A_129 step %parallel_loop3A_130  : i32 {
          %parallel_loop3A_133 = arith.constant 4096 : i32
          %parallel_loop3A_134 = arith.muli %parallel_loop3A_132, %parallel_loop3A_133 : i32
          %parallel_loop3A_135 = arith.constant 16 : i32
          %parallel_loop3A_136 = arith.muli %scan3A_126, %parallel_loop3A_135 : i32
          %parallel_loop3A_137 = arith.addi %parallel_loop3A_134, %parallel_loop3A_136 : i32
          %parallel_loop3A_138 = arith.index_cast %parallel_loop3A_137 : i32 to index
          %parallel_loop3A_139 = tpu.vector_load %arg5[%parallel_loop3A_138] {strides = array<i32>} : memref<32768xi32, #tpu.memory_space<vmem>>, vector<16xi32>,
          %parallel_loop3A_140 = arith.constant 11 : i32
          %parallel_loop3A_141 = vector.broadcast %parallel_loop3A_140 : i32 to vector<16xi32>
          %parallel_loop3A_142 = arith.shrui %parallel_loop3A_139, %parallel_loop3A_141 : vector<16xi32>
          %parallel_loop3A_143 = arith.constant 2047 : i32
          %parallel_loop3A_144 = vector.broadcast %parallel_loop3A_143 : i32 to vector<16xi32>
          %parallel_loop3A_145 = arith.andi %parallel_loop3A_142, %parallel_loop3A_144 : vector<16xi32>
          %parallel_loop3A_146 = arith.constant 2048 : i32
          %parallel_loop3A_147 = arith.muli %parallel_loop3A_132, %parallel_loop3A_146 : i32
          %parallel_loop3A_148 = vector.broadcast %parallel_loop3A_147 : i32 to vector<16xi32>
          %parallel_loop3A_149 = arith.addi %parallel_loop3A_145, %parallel_loop3A_148 : vector<16xi32>
          %parallel_loop3A_150 = arith.constant true
          %parallel_loop3A_151 = vector.broadcast %parallel_loop3A_150 : i1 to vector<16xi1>
          %parallel_loop3A_152, %parallel_loop3A_153 = tpu.scan_count mask(%parallel_loop3A_151 : vector<16xi1>) value(%parallel_loop3A_149 : vector<16xi32>) : vector<16xi1>, vector<16xi32>
          tpu.vector_store_idx %arg6[%parallel_loop3A_149], %parallel_loop3A_153 masked %parallel_loop3A_152 {add = true} : memref<16384xi32, #tpu.memory_space<vmem>>[vector<16xi32>], vector<16xi32>, vector<16xi1>
        } {sc.loop_unroll_factor = 8 : i64, sc.parallel_access}
        %scan3A_131 = arith.constant 0 : i32
        scf.yield %scan3A_131 : i32
      }
      %scan3A_59 = arith.constant 256 : i32
      %iota3A_60 = tpu.iota {dimensions = array<i32: 0>} : vector<16xi32>
      %eq3A_61 = arith.constant 0 : i32
      %eq3A_62 = vector.broadcast %eq3A_61 : i32 to vector<16xi32>
      %eq3A_63 = arith.cmpi eq, %iota3A_60, %eq3A_62 : vector<16xi32>
      %parallel_loop3A_64 = arith.constant 0 : i32
      %parallel_loop3A_65 = arith.constant 128 : i32
      %parallel_loop3A_66 = arith.constant 1 : i32
      scf.for %parallel_loop3A_126 = %parallel_loop3A_64 to %parallel_loop3A_65 step %parallel_loop3A_66  : i32 {
        %parallel_loop3A_127 = arith.constant 16 : i32
        %parallel_loop3A_128 = arith.muli %parallel_loop3A_126, %parallel_loop3A_127 : i32
        %parallel_loop3A_129 = arith.index_cast %parallel_loop3A_128 : i32 to index
        %parallel_loop3A_130 = tpu.vector_load %arg6[%parallel_loop3A_129] {strides = array<i32>} : memref<16384xi32, #tpu.memory_space<vmem>>, vector<16xi32>,
        %parallel_loop3A_131 = arith.constant 16 : i32
        %parallel_loop3A_132 = arith.muli %parallel_loop3A_126, %parallel_loop3A_131 : i32
        %parallel_loop3A_133 = arith.constant 2048 : i32
        %parallel_loop3A_134 = arith.addi %parallel_loop3A_133, %parallel_loop3A_132 : i32
        %parallel_loop3A_135 = arith.index_cast %parallel_loop3A_134 : i32 to index
        %parallel_loop3A_136 = tpu.vector_load %arg6[%parallel_loop3A_135] {strides = array<i32>} : memref<16384xi32, #tpu.memory_space<vmem>>, vector<16xi32>,
        %parallel_loop3A_137 = arith.addi %parallel_loop3A_130, %parallel_loop3A_136 : vector<16xi32>
        %parallel_loop3A_138 = arith.constant 16 : i32
        %parallel_loop3A_139 = arith.muli %parallel_loop3A_126, %parallel_loop3A_138 : i32
        %parallel_loop3A_140 = arith.constant 4096 : i32
        %parallel_loop3A_141 = arith.addi %parallel_loop3A_140, %parallel_loop3A_139 : i32
        %parallel_loop3A_142 = arith.index_cast %parallel_loop3A_141 : i32 to index
        %parallel_loop3A_143 = tpu.vector_load %arg6[%parallel_loop3A_142] {strides = array<i32>} : memref<16384xi32, #tpu.memory_space<vmem>>, vector<16xi32>,
        %parallel_loop3A_144 = arith.addi %parallel_loop3A_137, %parallel_loop3A_143 : vector<16xi32>
        %parallel_loop3A_145 = arith.constant 16 : i32
        %parallel_loop3A_146 = arith.muli %parallel_loop3A_126, %parallel_loop3A_145 : i32
        %parallel_loop3A_147 = arith.constant 6144 : i32
        %parallel_loop3A_148 = arith.addi %parallel_loop3A_147, %parallel_loop3A_146 : i32
        %parallel_loop3A_149 = arith.index_cast %parallel_loop3A_148 : i32 to index
        %parallel_loop3A_150 = tpu.vector_load %arg6[%parallel_loop3A_149] {strides = array<i32>} : memref<16384xi32, #tpu.memory_space<vmem>>, vector<16xi32>,
        %parallel_loop3A_151 = arith.addi %parallel_loop3A_144, %parallel_loop3A_150 : vector<16xi32>
        %parallel_loop3A_152 = arith.constant 16 : i32
        %parallel_loop3A_153 = arith.muli %parallel_loop3A_126, %parallel_loop3A_152 : i32
        %parallel_loop3A_154 = arith.constant 8192 : i32
        %parallel_loop3A_155 = arith.addi %parallel_loop3A_154, %parallel_loop3A_153 : i32
        %parallel_loop3A_156 = arith.index_cast %parallel_loop3A_155 : i32 to index
        %parallel_loop3A_157 = tpu.vector_load %arg6[%parallel_loop3A_156] {strides = array<i32>} : memref<16384xi32, #tpu.memory_space<vmem>>, vector<16xi32>,
        %parallel_loop3A_158 = arith.addi %parallel_loop3A_151, %parallel_loop3A_157 : vector<16xi32>
        %parallel_loop3A_159 = arith.constant 16 : i32
        %parallel_loop3A_160 = arith.muli %parallel_loop3A_126, %parallel_loop3A_159 : i32
        %parallel_loop3A_161 = arith.constant 10240 : i32
        %parallel_loop3A_162 = arith.addi %parallel_loop3A_161, %parallel_loop3A_160 : i32
        %parallel_loop3A_163 = arith.index_cast %parallel_loop3A_162 : i32 to index
        %parallel_loop3A_164 = tpu.vector_load %arg6[%parallel_loop3A_163] {strides = array<i32>} : memref<16384xi32, #tpu.memory_space<vmem>>, vector<16xi32>,
        %parallel_loop3A_165 = arith.addi %parallel_loop3A_158, %parallel_loop3A_164 : vector<16xi32>
        %parallel_loop3A_166 = arith.constant 16 : i32
        %parallel_loop3A_167 = arith.muli %parallel_loop3A_126, %parallel_loop3A_166 : i32
        %parallel_loop3A_168 = arith.constant 12288 : i32
        %parallel_loop3A_169 = arith.addi %parallel_loop3A_168, %parallel_loop3A_167 : i32
        %parallel_loop3A_170 = arith.index_cast %parallel_loop3A_169 : i32 to index
        %parallel_loop3A_171 = tpu.vector_load %arg6[%parallel_loop3A_170] {strides = array<i32>} : memref<16384xi32, #tpu.memory_space<vmem>>, vector<16xi32>,
        %parallel_loop3A_172 = arith.addi %parallel_loop3A_165, %parallel_loop3A_171 : vector<16xi32>
        %parallel_loop3A_173 = arith.constant 16 : i32
        %parallel_loop3A_174 = arith.muli %parallel_loop3A_126, %parallel_loop3A_173 : i32
        %parallel_loop3A_175 = arith.constant 14336 : i32
        %parallel_loop3A_176 = arith.addi %parallel_loop3A_175, %parallel_loop3A_174 : i32
        %parallel_loop3A_177 = arith.index_cast %parallel_loop3A_176 : i32 to index
        %parallel_loop3A_178 = tpu.vector_load %arg6[%parallel_loop3A_177] {strides = array<i32>} : memref<16384xi32, #tpu.memory_space<vmem>>, vector<16xi32>,
        %parallel_loop3A_179 = arith.addi %parallel_loop3A_172, %parallel_loop3A_178 : vector<16xi32>
        %parallel_loop3A_180 = arith.constant 16 : i32
        %parallel_loop3A_181 = arith.muli %parallel_loop3A_126, %parallel_loop3A_180 : i32
        %parallel_loop3A_182 = arith.index_cast %parallel_loop3A_181 : i32 to index
        %parallel_loop3A_183 = tpu.vector_load %arg8[%parallel_loop3A_182] {strides = array<i32>} : memref<2048xi32, #tpu.memory_space<vmem>>, vector<16xi32>,
        tpu.vector_store %arg8[%parallel_loop3A_182], %parallel_loop3A_179 {strides = array<i32>} : memref<2048xi32, #tpu.memory_space<vmem>>, vector<16xi32>,
        %parallel_loop3A_184 = vector.broadcast %parallel_loop3A_126 : i32 to vector<16xi32>
        %parallel_loop3A_185 = arith.constant true
        %parallel_loop3A_186 = vector.broadcast %parallel_loop3A_185 : i1 to vector<16xi1>
        %parallel_loop3A_187 = tpu.scan <sum>, %parallel_loop3A_179 masked %parallel_loop3A_186 : vector<16xi32>, vector<16xi1> -> vector<16xi32>
        %parallel_loop3A_188 = vector.extract %parallel_loop3A_187[15] : i32 from vector<16xi32>
        %parallel_loop3A_189 = vector.broadcast %parallel_loop3A_188 : i32 to vector<16xi32>
        tpu.vector_store_idx %arg9[%parallel_loop3A_184], %parallel_loop3A_189 masked %eq3A_63 : memref<128xi32, #tpu.memory_space<vmem>>[vector<16xi32>], vector<16xi32>, vector<16xi1>
      } {sc.loop_unroll_factor = 8 : i64, sc.parallel_access}
      %scan3A_67 = arith.constant -1 : i32
      %scan3A_68 = arith.constant 0 : i32
      %scan3A_69 = arith.constant 8 : i32
      %scan3A_70 = arith.addi %scan3A_68, %scan3A_69 : i32
      %scan3A_71 = arith.constant 1 : i32
      %scan3A_72 = scf.for %scan3A_126 = %scan3A_68 to %scan3A_70 step %scan3A_71 iter_args(%scan3A_127 = %scan3A_67) -> (i32)  : i32 {
        %mul3A_128 = arith.constant 16 : i32
        %mul3A_129 = arith.muli %scan3A_126, %mul3A_128 : i32
        %get3A = arith.index_cast %mul3A_129 : i32 to index
        %get3A_130 = tpu.vector_load %arg9[%get3A] {strides = array<i32>} : memref<128xi32, #tpu.memory_space<vmem>>, vector<16xi32>,
        %broadcast_in_dim3A_131 = arith.constant true
        %broadcast_in_dim3A_132 = vector.broadcast %broadcast_in_dim3A_131 : i1 to vector<16xi1>
        %masked_cumsum3A = tpu.scan <sum>, %get3A_130 masked %broadcast_in_dim3A_132 : vector<16xi32>, vector<16xi1> -> vector<16xi32>
        %sub3A = arith.subi %masked_cumsum3A, %get3A_130 : vector<16xi32>
        %add3A_133 = vector.broadcast %scan3A_127 : i32 to vector<16xi32>
        %add3A_134 = arith.addi %sub3A, %add3A_133 : vector<16xi32>
        %mul3A_135 = arith.constant 16 : i32
        %mul3A_136 = arith.muli %scan3A_126, %mul3A_135 : i32
        %swap3A = arith.index_cast %mul3A_136 : i32 to index
        %swap3A_137 = tpu.vector_load %arg9[%swap3A] {strides = array<i32>} : memref<128xi32, #tpu.memory_space<vmem>>, vector<16xi32>,
        tpu.vector_store %arg9[%swap3A], %add3A_134 {strides = array<i32>} : memref<128xi32, #tpu.memory_space<vmem>>, vector<16xi32>,
        %reduce_sum3A = arith.constant true
        %reduce_sum3A_138 = vector.broadcast %reduce_sum3A : i1 to vector<16xi1>
        %reduce_sum3A_139 = tpu.scan <sum>, %get3A_130 masked %reduce_sum3A_138 : vector<16xi32>, vector<16xi1> -> vector<16xi32>
        %reduce_sum3A_140 = vector.extract %reduce_sum3A_139[15] : i32 from vector<16xi32>
        %add3A_141 = arith.addi %scan3A_127, %reduce_sum3A_140 : i32
        scf.yield %add3A_141 : i32
      }
      %scan3A_73 = arith.constant 8 : i32
      %parallel_loop3A_74 = arith.constant 0 : i32
      %parallel_loop3A_75 = arith.constant 128 : i32
      %parallel_loop3A_76 = arith.constant 1 : i32
      scf.for %parallel_loop3A_126 = %parallel_loop3A_74 to %parallel_loop3A_75 step %parallel_loop3A_76  : i32 {
        %parallel_loop3A_127 = arith.constant 16 : i32
        %parallel_loop3A_128 = arith.muli %parallel_loop3A_126, %parallel_loop3A_127 : i32
        %parallel_loop3A_129 = arith.index_cast %parallel_loop3A_128 : i32 to index
        %parallel_loop3A_130 = tpu.vector_load %arg8[%parallel_loop3A_129] {strides = array<i32>} : memref<2048xi32, #tpu.memory_space<vmem>>, vector<16xi32>,
        %parallel_loop3A_131 = vector.broadcast %parallel_loop3A_126 : i32 to vector<16xi32>
        %parallel_loop3A_132 = tpu.vector_load_idx %arg9[%parallel_loop3A_131] : memref<128xi32, #tpu.memory_space<vmem>>[vector<16xi32>], vector<16xi32>,
        %parallel_loop3A_133 = arith.constant true
        %parallel_loop3A_134 = vector.broadcast %parallel_loop3A_133 : i1 to vector<16xi1>
        %parallel_loop3A_135 = tpu.scan <sum>, %parallel_loop3A_130 masked %parallel_loop3A_134 : vector<16xi32>, vector<16xi1> -> vector<16xi32>
        %parallel_loop3A_136 = arith.subi %parallel_loop3A_135, %parallel_loop3A_130 : vector<16xi32>
        %parallel_loop3A_137 = arith.addi %parallel_loop3A_136, %parallel_loop3A_132 : vector<16xi32>
        %parallel_loop3A_138 = arith.constant 16 : i32
        %parallel_loop3A_139 = arith.muli %parallel_loop3A_126, %parallel_loop3A_138 : i32
        %parallel_loop3A_140 = arith.index_cast %parallel_loop3A_139 : i32 to index
        %parallel_loop3A_141 = tpu.vector_load %arg8[%parallel_loop3A_140] {strides = array<i32>} : memref<2048xi32, #tpu.memory_space<vmem>>, vector<16xi32>,
        tpu.vector_store %arg8[%parallel_loop3A_140], %parallel_loop3A_137 {strides = array<i32>} : memref<2048xi32, #tpu.memory_space<vmem>>, vector<16xi32>,
      } {sc.loop_unroll_factor = 8 : i64, sc.parallel_access}
      %broadcast_in_dim3A_77 = arith.constant 0 : i32
      %broadcast_in_dim3A_78 = vector.broadcast %broadcast_in_dim3A_77 : i32 to vector<16xi32>
      %parallel_loop3A_79 = arith.constant 0 : i32
      %parallel_loop3A_80 = arith.constant 128 : i32
      %parallel_loop3A_81 = arith.constant 1 : i32
      scf.for %parallel_loop3A_126 = %parallel_loop3A_79 to %parallel_loop3A_80 step %parallel_loop3A_81  : i32 {
        %parallel_loop3A_127 = arith.constant 16 : i32
        %parallel_loop3A_128 = arith.muli %parallel_loop3A_126, %parallel_loop3A_127 : i32
        %parallel_loop3A_129 = arith.index_cast %parallel_loop3A_128 : i32 to index
        %parallel_loop3A_130 = tpu.vector_load %arg8[%parallel_loop3A_129] {strides = array<i32>} : memref<2048xi32, #tpu.memory_space<vmem>>, vector<16xi32>,
        %parallel_loop3A_131 = arith.constant 16 : i32
        %parallel_loop3A_132 = arith.muli %parallel_loop3A_126, %parallel_loop3A_131 : i32
        %parallel_loop3A_133 = arith.constant 0 : i32
        %parallel_loop3A_134 = arith.addi %parallel_loop3A_133, %parallel_loop3A_132 : i32
        %parallel_loop3A_135 = arith.index_cast %parallel_loop3A_134 : i32 to index
        %parallel_loop3A_136 = tpu.vector_load %arg7[%parallel_loop3A_135] {strides = array<i32>} : memref<16384xi32, #tpu.memory_space<vmem>>, vector<16xi32>,
        tpu.vector_store %arg7[%parallel_loop3A_135], %parallel_loop3A_130 {strides = array<i32>} : memref<16384xi32, #tpu.memory_space<vmem>>, vector<16xi32>,
        %parallel_loop3A_137 = arith.constant 16 : i32
        %parallel_loop3A_138 = arith.muli %parallel_loop3A_126, %parallel_loop3A_137 : i32
        %parallel_loop3A_139 = arith.constant 0 : i32
        %parallel_loop3A_140 = arith.addi %parallel_loop3A_139, %parallel_loop3A_138 : i32
        %parallel_loop3A_141 = arith.index_cast %parallel_loop3A_140 : i32 to index
        %parallel_loop3A_142 = tpu.vector_load %arg6[%parallel_loop3A_141] {strides = array<i32>} : memref<16384xi32, #tpu.memory_space<vmem>>, vector<16xi32>,
        %parallel_loop3A_143 = arith.addi %parallel_loop3A_130, %parallel_loop3A_142 : vector<16xi32>
        %parallel_loop3A_144 = arith.constant 16 : i32
        %parallel_loop3A_145 = arith.muli %parallel_loop3A_126, %parallel_loop3A_144 : i32
        %parallel_loop3A_146 = arith.constant 0 : i32
        %parallel_loop3A_147 = arith.addi %parallel_loop3A_146, %parallel_loop3A_145 : i32
        %parallel_loop3A_148 = arith.index_cast %parallel_loop3A_147 : i32 to index
        %parallel_loop3A_149 = tpu.vector_load %arg6[%parallel_loop3A_148] {strides = array<i32>} : memref<16384xi32, #tpu.memory_space<vmem>>, vector<16xi32>,
        tpu.vector_store %arg6[%parallel_loop3A_148], %broadcast_in_dim3A_78 {strides = array<i32>} : memref<16384xi32, #tpu.memory_space<vmem>>, vector<16xi32>,
        %parallel_loop3A_150 = arith.constant 16 : i32
        %parallel_loop3A_151 = arith.muli %parallel_loop3A_126, %parallel_loop3A_150 : i32
        %parallel_loop3A_152 = arith.constant 2048 : i32
        %parallel_loop3A_153 = arith.addi %parallel_loop3A_152, %parallel_loop3A_151 : i32
        %parallel_loop3A_154 = arith.index_cast %parallel_loop3A_153 : i32 to index
        %parallel_loop3A_155 = tpu.vector_load %arg7[%parallel_loop3A_154] {strides = array<i32>} : memref<16384xi32, #tpu.memory_space<vmem>>, vector<16xi32>,
        tpu.vector_store %arg7[%parallel_loop3A_154], %parallel_loop3A_143 {strides = array<i32>} : memref<16384xi32, #tpu.memory_space<vmem>>, vector<16xi32>,
        %parallel_loop3A_156 = arith.constant 16 : i32
        %parallel_loop3A_157 = arith.muli %parallel_loop3A_126, %parallel_loop3A_156 : i32
        %parallel_loop3A_158 = arith.constant 2048 : i32
        %parallel_loop3A_159 = arith.addi %parallel_loop3A_158, %parallel_loop3A_157 : i32
        %parallel_loop3A_160 = arith.index_cast %parallel_loop3A_159 : i32 to index
        %parallel_loop3A_161 = tpu.vector_load %arg6[%parallel_loop3A_160] {strides = array<i32>} : memref<16384xi32, #tpu.memory_space<vmem>>, vector<16xi32>,
        %parallel_loop3A_162 = arith.addi %parallel_loop3A_143, %parallel_loop3A_161 : vector<16xi32>
        %parallel_loop3A_163 = arith.constant 16 : i32
        %parallel_loop3A_164 = arith.muli %parallel_loop3A_126, %parallel_loop3A_163 : i32
        %parallel_loop3A_165 = arith.constant 2048 : i32
        %parallel_loop3A_166 = arith.addi %parallel_loop3A_165, %parallel_loop3A_164 : i32
        %parallel_loop3A_167 = arith.index_cast %parallel_loop3A_166 : i32 to index
        %parallel_loop3A_168 = tpu.vector_load %arg6[%parallel_loop3A_167] {strides = array<i32>} : memref<16384xi32, #tpu.memory_space<vmem>>, vector<16xi32>,
        tpu.vector_store %arg6[%parallel_loop3A_167], %broadcast_in_dim3A_78 {strides = array<i32>} : memref<16384xi32, #tpu.memory_space<vmem>>, vector<16xi32>,
        %parallel_loop3A_169 = arith.constant 16 : i32
        %parallel_loop3A_170 = arith.muli %parallel_loop3A_126, %parallel_loop3A_169 : i32
        %parallel_loop3A_171 = arith.constant 4096 : i32
        %parallel_loop3A_172 = arith.addi %parallel_loop3A_171, %parallel_loop3A_170 : i32
        %parallel_loop3A_173 = arith.index_cast %parallel_loop3A_172 : i32 to index
        %parallel_loop3A_174 = tpu.vector_load %arg7[%parallel_loop3A_173] {strides = array<i32>} : memref<16384xi32, #tpu.memory_space<vmem>>, vector<16xi32>,
        tpu.vector_store %arg7[%parallel_loop3A_173], %parallel_loop3A_162 {strides = array<i32>} : memref<16384xi32, #tpu.memory_space<vmem>>, vector<16xi32>,
        %parallel_loop3A_175 = arith.constant 16 : i32
        %parallel_loop3A_176 = arith.muli %parallel_loop3A_126, %parallel_loop3A_175 : i32
        %parallel_loop3A_177 = arith.constant 4096 : i32
        %parallel_loop3A_178 = arith.addi %parallel_loop3A_177, %parallel_loop3A_176 : i32
        %parallel_loop3A_179 = arith.index_cast %parallel_loop3A_178 : i32 to index
        %parallel_loop3A_180 = tpu.vector_load %arg6[%parallel_loop3A_179] {strides = array<i32>} : memref<16384xi32, #tpu.memory_space<vmem>>, vector<16xi32>,
        %parallel_loop3A_181 = arith.addi %parallel_loop3A_162, %parallel_loop3A_180 : vector<16xi32>
        %parallel_loop3A_182 = arith.constant 16 : i32
        %parallel_loop3A_183 = arith.muli %parallel_loop3A_126, %parallel_loop3A_182 : i32
        %parallel_loop3A_184 = arith.constant 4096 : i32
        %parallel_loop3A_185 = arith.addi %parallel_loop3A_184, %parallel_loop3A_183 : i32
        %parallel_loop3A_186 = arith.index_cast %parallel_loop3A_185 : i32 to index
        %parallel_loop3A_187 = tpu.vector_load %arg6[%parallel_loop3A_186] {strides = array<i32>} : memref<16384xi32, #tpu.memory_space<vmem>>, vector<16xi32>,
        tpu.vector_store %arg6[%parallel_loop3A_186], %broadcast_in_dim3A_78 {strides = array<i32>} : memref<16384xi32, #tpu.memory_space<vmem>>, vector<16xi32>,
        %parallel_loop3A_188 = arith.constant 16 : i32
        %parallel_loop3A_189 = arith.muli %parallel_loop3A_126, %parallel_loop3A_188 : i32
        %parallel_loop3A_190 = arith.constant 6144 : i32
        %parallel_loop3A_191 = arith.addi %parallel_loop3A_190, %parallel_loop3A_189 : i32
        %parallel_loop3A_192 = arith.index_cast %parallel_loop3A_191 : i32 to index
        %parallel_loop3A_193 = tpu.vector_load %arg7[%parallel_loop3A_192] {strides = array<i32>} : memref<16384xi32, #tpu.memory_space<vmem>>, vector<16xi32>,
        tpu.vector_store %arg7[%parallel_loop3A_192], %parallel_loop3A_181 {strides = array<i32>} : memref<16384xi32, #tpu.memory_space<vmem>>, vector<16xi32>,
        %parallel_loop3A_194 = arith.constant 16 : i32
        %parallel_loop3A_195 = arith.muli %parallel_loop3A_126, %parallel_loop3A_194 : i32
        %parallel_loop3A_196 = arith.constant 6144 : i32
        %parallel_loop3A_197 = arith.addi %parallel_loop3A_196, %parallel_loop3A_195 : i32
        %parallel_loop3A_198 = arith.index_cast %parallel_loop3A_197 : i32 to index
        %parallel_loop3A_199 = tpu.vector_load %arg6[%parallel_loop3A_198] {strides = array<i32>} : memref<16384xi32, #tpu.memory_space<vmem>>, vector<16xi32>,
        %parallel_loop3A_200 = arith.addi %parallel_loop3A_181, %parallel_loop3A_199 : vector<16xi32>
        %parallel_loop3A_201 = arith.constant 16 : i32
        %parallel_loop3A_202 = arith.muli %parallel_loop3A_126, %parallel_loop3A_201 : i32
        %parallel_loop3A_203 = arith.constant 6144 : i32
        %parallel_loop3A_204 = arith.addi %parallel_loop3A_203, %parallel_loop3A_202 : i32
        %parallel_loop3A_205 = arith.index_cast %parallel_loop3A_204 : i32 to index
        %parallel_loop3A_206 = tpu.vector_load %arg6[%parallel_loop3A_205] {strides = array<i32>} : memref<16384xi32, #tpu.memory_space<vmem>>, vector<16xi32>,
        tpu.vector_store %arg6[%parallel_loop3A_205], %broadcast_in_dim3A_78 {strides = array<i32>} : memref<16384xi32, #tpu.memory_space<vmem>>, vector<16xi32>,
        %parallel_loop3A_207 = arith.constant 16 : i32
        %parallel_loop3A_208 = arith.muli %parallel_loop3A_126, %parallel_loop3A_207 : i32
        %parallel_loop3A_209 = arith.constant 8192 : i32
        %parallel_loop3A_210 = arith.addi %parallel_loop3A_209, %parallel_loop3A_208 : i32
        %parallel_loop3A_211 = arith.index_cast %parallel_loop3A_210 : i32 to index
        %parallel_loop3A_212 = tpu.vector_load %arg7[%parallel_loop3A_211] {strides = array<i32>} : memref<16384xi32, #tpu.memory_space<vmem>>, vector<16xi32>,
        tpu.vector_store %arg7[%parallel_loop3A_211], %parallel_loop3A_200 {strides = array<i32>} : memref<16384xi32, #tpu.memory_space<vmem>>, vector<16xi32>,
        %parallel_loop3A_213 = arith.constant 16 : i32
        %parallel_loop3A_214 = arith.muli %parallel_loop3A_126, %parallel_loop3A_213 : i32
        %parallel_loop3A_215 = arith.constant 8192 : i32
        %parallel_loop3A_216 = arith.addi %parallel_loop3A_215, %parallel_loop3A_214 : i32
        %parallel_loop3A_217 = arith.index_cast %parallel_loop3A_216 : i32 to index
        %parallel_loop3A_218 = tpu.vector_load %arg6[%parallel_loop3A_217] {strides = array<i32>} : memref<16384xi32, #tpu.memory_space<vmem>>, vector<16xi32>,
        %parallel_loop3A_219 = arith.addi %parallel_loop3A_200, %parallel_loop3A_218 : vector<16xi32>
        %parallel_loop3A_220 = arith.constant 16 : i32
        %parallel_loop3A_221 = arith.muli %parallel_loop3A_126, %parallel_loop3A_220 : i32
        %parallel_loop3A_222 = arith.constant 8192 : i32
        %parallel_loop3A_223 = arith.addi %parallel_loop3A_222, %parallel_loop3A_221 : i32
        %parallel_loop3A_224 = arith.index_cast %parallel_loop3A_223 : i32 to index
        %parallel_loop3A_225 = tpu.vector_load %arg6[%parallel_loop3A_224] {strides = array<i32>} : memref<16384xi32, #tpu.memory_space<vmem>>, vector<16xi32>,
        tpu.vector_store %arg6[%parallel_loop3A_224], %broadcast_in_dim3A_78 {strides = array<i32>} : memref<16384xi32, #tpu.memory_space<vmem>>, vector<16xi32>,
        %parallel_loop3A_226 = arith.constant 16 : i32
        %parallel_loop3A_227 = arith.muli %parallel_loop3A_126, %parallel_loop3A_226 : i32
        %parallel_loop3A_228 = arith.constant 10240 : i32
        %parallel_loop3A_229 = arith.addi %parallel_loop3A_228, %parallel_loop3A_227 : i32
        %parallel_loop3A_230 = arith.index_cast %parallel_loop3A_229 : i32 to index
        %parallel_loop3A_231 = tpu.vector_load %arg7[%parallel_loop3A_230] {strides = array<i32>} : memref<16384xi32, #tpu.memory_space<vmem>>, vector<16xi32>,
        tpu.vector_store %arg7[%parallel_loop3A_230], %parallel_loop3A_219 {strides = array<i32>} : memref<16384xi32, #tpu.memory_space<vmem>>, vector<16xi32>,
        %parallel_loop3A_232 = arith.constant 16 : i32
        %parallel_loop3A_233 = arith.muli %parallel_loop3A_126, %parallel_loop3A_232 : i32
        %parallel_loop3A_234 = arith.constant 10240 : i32
        %parallel_loop3A_235 = arith.addi %parallel_loop3A_234, %parallel_loop3A_233 : i32
        %parallel_loop3A_236 = arith.index_cast %parallel_loop3A_235 : i32 to index
        %parallel_loop3A_237 = tpu.vector_load %arg6[%parallel_loop3A_236] {strides = array<i32>} : memref<16384xi32, #tpu.memory_space<vmem>>, vector<16xi32>,
        %parallel_loop3A_238 = arith.addi %parallel_loop3A_219, %parallel_loop3A_237 : vector<16xi32>
        %parallel_loop3A_239 = arith.constant 16 : i32
        %parallel_loop3A_240 = arith.muli %parallel_loop3A_126, %parallel_loop3A_239 : i32
        %parallel_loop3A_241 = arith.constant 10240 : i32
        %parallel_loop3A_242 = arith.addi %parallel_loop3A_241, %parallel_loop3A_240 : i32
        %parallel_loop3A_243 = arith.index_cast %parallel_loop3A_242 : i32 to index
        %parallel_loop3A_244 = tpu.vector_load %arg6[%parallel_loop3A_243] {strides = array<i32>} : memref<16384xi32, #tpu.memory_space<vmem>>, vector<16xi32>,
        tpu.vector_store %arg6[%parallel_loop3A_243], %broadcast_in_dim3A_78 {strides = array<i32>} : memref<16384xi32, #tpu.memory_space<vmem>>, vector<16xi32>,
        %parallel_loop3A_245 = arith.constant 16 : i32
        %parallel_loop3A_246 = arith.muli %parallel_loop3A_126, %parallel_loop3A_245 : i32
        %parallel_loop3A_247 = arith.constant 12288 : i32
        %parallel_loop3A_248 = arith.addi %parallel_loop3A_247, %parallel_loop3A_246 : i32
        %parallel_loop3A_249 = arith.index_cast %parallel_loop3A_248 : i32 to index
        %parallel_loop3A_250 = tpu.vector_load %arg7[%parallel_loop3A_249] {strides = array<i32>} : memref<16384xi32, #tpu.memory_space<vmem>>, vector<16xi32>,
        tpu.vector_store %arg7[%parallel_loop3A_249], %parallel_loop3A_238 {strides = array<i32>} : memref<16384xi32, #tpu.memory_space<vmem>>, vector<16xi32>,
        %parallel_loop3A_251 = arith.constant 16 : i32
        %parallel_loop3A_252 = arith.muli %parallel_loop3A_126, %parallel_loop3A_251 : i32
        %parallel_loop3A_253 = arith.constant 12288 : i32
        %parallel_loop3A_254 = arith.addi %parallel_loop3A_253, %parallel_loop3A_252 : i32
        %parallel_loop3A_255 = arith.index_cast %parallel_loop3A_254 : i32 to index
        %parallel_loop3A_256 = tpu.vector_load %arg6[%parallel_loop3A_255] {strides = array<i32>} : memref<16384xi32, #tpu.memory_space<vmem>>, vector<16xi32>,
        %parallel_loop3A_257 = arith.addi %parallel_loop3A_238, %parallel_loop3A_256 : vector<16xi32>
        %parallel_loop3A_258 = arith.constant 16 : i32
        %parallel_loop3A_259 = arith.muli %parallel_loop3A_126, %parallel_loop3A_258 : i32
        %parallel_loop3A_260 = arith.constant 12288 : i32
        %parallel_loop3A_261 = arith.addi %parallel_loop3A_260, %parallel_loop3A_259 : i32
        %parallel_loop3A_262 = arith.index_cast %parallel_loop3A_261 : i32 to index
        %parallel_loop3A_263 = tpu.vector_load %arg6[%parallel_loop3A_262] {strides = array<i32>} : memref<16384xi32, #tpu.memory_space<vmem>>, vector<16xi32>,
        tpu.vector_store %arg6[%parallel_loop3A_262], %broadcast_in_dim3A_78 {strides = array<i32>} : memref<16384xi32, #tpu.memory_space<vmem>>, vector<16xi32>,
        %parallel_loop3A_264 = arith.constant 16 : i32
        %parallel_loop3A_265 = arith.muli %parallel_loop3A_126, %parallel_loop3A_264 : i32
        %parallel_loop3A_266 = arith.constant 14336 : i32
        %parallel_loop3A_267 = arith.addi %parallel_loop3A_266, %parallel_loop3A_265 : i32
        %parallel_loop3A_268 = arith.index_cast %parallel_loop3A_267 : i32 to index
        %parallel_loop3A_269 = tpu.vector_load %arg7[%parallel_loop3A_268] {strides = array<i32>} : memref<16384xi32, #tpu.memory_space<vmem>>, vector<16xi32>,
        tpu.vector_store %arg7[%parallel_loop3A_268], %parallel_loop3A_257 {strides = array<i32>} : memref<16384xi32, #tpu.memory_space<vmem>>, vector<16xi32>,
        %parallel_loop3A_270 = arith.constant 16 : i32
        %parallel_loop3A_271 = arith.muli %parallel_loop3A_126, %parallel_loop3A_270 : i32
        %parallel_loop3A_272 = arith.constant 14336 : i32
        %parallel_loop3A_273 = arith.addi %parallel_loop3A_272, %parallel_loop3A_271 : i32
        %parallel_loop3A_274 = arith.index_cast %parallel_loop3A_273 : i32 to index
        %parallel_loop3A_275 = tpu.vector_load %arg6[%parallel_loop3A_274] {strides = array<i32>} : memref<16384xi32, #tpu.memory_space<vmem>>, vector<16xi32>,
        %parallel_loop3A_276 = arith.addi %parallel_loop3A_257, %parallel_loop3A_275 : vector<16xi32>
        %parallel_loop3A_277 = arith.constant 16 : i32
        %parallel_loop3A_278 = arith.muli %parallel_loop3A_126, %parallel_loop3A_277 : i32
        %parallel_loop3A_279 = arith.constant 14336 : i32
        %parallel_loop3A_280 = arith.addi %parallel_loop3A_279, %parallel_loop3A_278 : i32
        %parallel_loop3A_281 = arith.index_cast %parallel_loop3A_280 : i32 to index
        %parallel_loop3A_282 = tpu.vector_load %arg6[%parallel_loop3A_281] {strides = array<i32>} : memref<16384xi32, #tpu.memory_space<vmem>>, vector<16xi32>,
        tpu.vector_store %arg6[%parallel_loop3A_281], %broadcast_in_dim3A_78 {strides = array<i32>} : memref<16384xi32, #tpu.memory_space<vmem>>, vector<16xi32>,
      } {sc.loop_unroll_factor = 4 : i64, sc.parallel_access}
      %scan3A_82 = arith.constant 0 : i32
      %scan3A_83 = arith.constant 0 : i32
      %scan3A_84 = arith.constant 256 : i32
      %scan3A_85 = arith.addi %scan3A_83, %scan3A_84 : i32
      %scan3A_86 = arith.constant 1 : i32
      %scan3A_87 = scf.for %scan3A_126 = %scan3A_83 to %scan3A_85 step %scan3A_86 iter_args(%scan3A_127 = %scan3A_82) -> (i32)  : i32 {
        %parallel_loop3A_128 = arith.constant 0 : i32
        %parallel_loop3A_129 = arith.constant 8 : i32
        %parallel_loop3A_130 = arith.constant 1 : i32
        scf.for %parallel_loop3A_132 = %parallel_loop3A_128 to %parallel_loop3A_129 step %parallel_loop3A_130  : i32 {
          %parallel_loop3A_133 = arith.constant 4096 : i32
          %parallel_loop3A_134 = arith.muli %parallel_loop3A_132, %parallel_loop3A_133 : i32
          %parallel_loop3A_135 = arith.constant 16 : i32
          %parallel_loop3A_136 = arith.muli %scan3A_126, %parallel_loop3A_135 : i32
          %parallel_loop3A_137 = arith.addi %parallel_loop3A_134, %parallel_loop3A_136 : i32
          %parallel_loop3A_138 = arith.index_cast %parallel_loop3A_137 : i32 to index
          %parallel_loop3A_139 = tpu.vector_load %arg5[%parallel_loop3A_138] {strides = array<i32>} : memref<32768xi32, #tpu.memory_space<vmem>>, vector<16xi32>,
          %parallel_loop3A_140 = arith.constant 11 : i32
          %parallel_loop3A_141 = vector.broadcast %parallel_loop3A_140 : i32 to vector<16xi32>
          %parallel_loop3A_142 = arith.shrui %parallel_loop3A_139, %parallel_loop3A_141 : vector<16xi32>
          %parallel_loop3A_143 = arith.constant 2047 : i32
          %parallel_loop3A_144 = vector.broadcast %parallel_loop3A_143 : i32 to vector<16xi32>
          %parallel_loop3A_145 = arith.andi %parallel_loop3A_142, %parallel_loop3A_144 : vector<16xi32>
          %parallel_loop3A_146 = arith.constant 2048 : i32
          %parallel_loop3A_147 = arith.muli %parallel_loop3A_132, %parallel_loop3A_146 : i32
          %parallel_loop3A_148 = vector.broadcast %parallel_loop3A_147 : i32 to vector<16xi32>
          %parallel_loop3A_149 = arith.addi %parallel_loop3A_145, %parallel_loop3A_148 : vector<16xi32>
          %parallel_loop3A_150 = arith.constant true
          %parallel_loop3A_151 = vector.broadcast %parallel_loop3A_150 : i1 to vector<16xi1>
          %parallel_loop3A_152, %parallel_loop3A_153 = tpu.scan_count mask(%parallel_loop3A_151 : vector<16xi1>) value(%parallel_loop3A_149 : vector<16xi32>) : vector<16xi1>, vector<16xi32>
          %parallel_loop3A_154 = tpu.vector_load_idx %arg7[%parallel_loop3A_149] : memref<16384xi32, #tpu.memory_space<vmem>>[vector<16xi32>], vector<16xi32>,
          %parallel_loop3A_155 = arith.addi %parallel_loop3A_154, %parallel_loop3A_153 : vector<16xi32>
          tpu.vector_store_idx %arg7[%parallel_loop3A_149], %parallel_loop3A_155 masked %parallel_loop3A_152 : memref<16384xi32, #tpu.memory_space<vmem>>[vector<16xi32>], vector<16xi32>, vector<16xi1>
          tpu.vector_store_idx %arg4[%parallel_loop3A_155], %parallel_loop3A_139 : memref<32768xi32, #tpu.memory_space<vmem>>[vector<16xi32>], vector<16xi32>,
        } {sc.loop_unroll_factor = 8 : i64, sc.parallel_access}
        %scan3A_131 = arith.constant 0 : i32
        scf.yield %scan3A_131 : i32
      }
      %scan3A_88 = arith.constant 256 : i32
      %scan3A_89 = arith.constant 0 : i32
      %scan3A_90 = arith.constant 0 : i32
      %scan3A_91 = arith.constant 256 : i32
      %scan3A_92 = arith.addi %scan3A_90, %scan3A_91 : i32
      %scan3A_93 = arith.constant 1 : i32
      %scan3A_94 = scf.for %scan3A_126 = %scan3A_90 to %scan3A_92 step %scan3A_93 iter_args(%scan3A_127 = %scan3A_89) -> (i32)  : i32 {
        %parallel_loop3A_128 = arith.constant 0 : i32
        %parallel_loop3A_129 = arith.constant 8 : i32
        %parallel_loop3A_130 = arith.constant 1 : i32
        scf.for %parallel_loop3A_132 = %parallel_loop3A_128 to %parallel_loop3A_129 step %parallel_loop3A_130  : i32 {
          %parallel_loop3A_133 = arith.constant 4096 : i32
          %parallel_loop3A_134 = arith.muli %parallel_loop3A_132, %parallel_loop3A_133 : i32
          %parallel_loop3A_135 = arith.constant 16 : i32
          %parallel_loop3A_136 = arith.muli %scan3A_126, %parallel_loop3A_135 : i32
          %parallel_loop3A_137 = arith.addi %parallel_loop3A_134, %parallel_loop3A_136 : i32
          %parallel_loop3A_138 = arith.index_cast %parallel_loop3A_137 : i32 to index
          %parallel_loop3A_139 = tpu.vector_load %arg4[%parallel_loop3A_138] {strides = array<i32>} : memref<32768xi32, #tpu.memory_space<vmem>>, vector<16xi32>,
          %parallel_loop3A_140 = arith.constant 22 : i32
          %parallel_loop3A_141 = vector.broadcast %parallel_loop3A_140 : i32 to vector<16xi32>
          %parallel_loop3A_142 = arith.shrui %parallel_loop3A_139, %parallel_loop3A_141 : vector<16xi32>
          %parallel_loop3A_143 = arith.constant 1023 : i32
          %parallel_loop3A_144 = vector.broadcast %parallel_loop3A_143 : i32 to vector<16xi32>
          %parallel_loop3A_145 = arith.andi %parallel_loop3A_142, %parallel_loop3A_144 : vector<16xi32>
          %parallel_loop3A_146 = arith.constant 2048 : i32
          %parallel_loop3A_147 = arith.muli %parallel_loop3A_132, %parallel_loop3A_146 : i32
          %parallel_loop3A_148 = vector.broadcast %parallel_loop3A_147 : i32 to vector<16xi32>
          %parallel_loop3A_149 = arith.addi %parallel_loop3A_145, %parallel_loop3A_148 : vector<16xi32>
          %parallel_loop3A_150 = arith.constant true
          %parallel_loop3A_151 = vector.broadcast %parallel_loop3A_150 : i1 to vector<16xi1>
          %parallel_loop3A_152, %parallel_loop3A_153 = tpu.scan_count mask(%parallel_loop3A_151 : vector<16xi1>) value(%parallel_loop3A_149 : vector<16xi32>) : vector<16xi1>, vector<16xi32>
          tpu.vector_store_idx %arg6[%parallel_loop3A_149], %parallel_loop3A_153 masked %parallel_loop3A_152 {add = true} : memref<16384xi32, #tpu.memory_space<vmem>>[vector<16xi32>], vector<16xi32>, vector<16xi1>
        } {sc.loop_unroll_factor = 8 : i64, sc.parallel_access}
        %scan3A_131 = arith.constant 0 : i32
        scf.yield %scan3A_131 : i32
      }
      %scan3A_95 = arith.constant 256 : i32
      %iota3A_96 = tpu.iota {dimensions = array<i32: 0>} : vector<16xi32>
      %eq3A_97 = arith.constant 0 : i32
      %eq3A_98 = vector.broadcast %eq3A_97 : i32 to vector<16xi32>
      %eq3A_99 = arith.cmpi eq, %iota3A_96, %eq3A_98 : vector<16xi32>
      %parallel_loop3A_100 = arith.constant 0 : i32
      %parallel_loop3A_101 = arith.constant 64 : i32
      %parallel_loop3A_102 = arith.constant 1 : i32
      scf.for %parallel_loop3A_126 = %parallel_loop3A_100 to %parallel_loop3A_101 step %parallel_loop3A_102  : i32 {
        %parallel_loop3A_127 = arith.constant 16 : i32
        %parallel_loop3A_128 = arith.muli %parallel_loop3A_126, %parallel_loop3A_127 : i32
        %parallel_loop3A_129 = arith.index_cast %parallel_loop3A_128 : i32 to index
        %parallel_loop3A_130 = tpu.vector_load %arg6[%parallel_loop3A_129] {strides = array<i32>} : memref<16384xi32, #tpu.memory_space<vmem>>, vector<16xi32>,
        %parallel_loop3A_131 = arith.constant 16 : i32
        %parallel_loop3A_132 = arith.muli %parallel_loop3A_126, %parallel_loop3A_131 : i32
        %parallel_loop3A_133 = arith.constant 2048 : i32
        %parallel_loop3A_134 = arith.addi %parallel_loop3A_133, %parallel_loop3A_132 : i32
        %parallel_loop3A_135 = arith.index_cast %parallel_loop3A_134 : i32 to index
        %parallel_loop3A_136 = tpu.vector_load %arg6[%parallel_loop3A_135] {strides = array<i32>} : memref<16384xi32, #tpu.memory_space<vmem>>, vector<16xi32>,
        %parallel_loop3A_137 = arith.addi %parallel_loop3A_130, %parallel_loop3A_136 : vector<16xi32>
        %parallel_loop3A_138 = arith.constant 16 : i32
        %parallel_loop3A_139 = arith.muli %parallel_loop3A_126, %parallel_loop3A_138 : i32
        %parallel_loop3A_140 = arith.constant 4096 : i32
        %parallel_loop3A_141 = arith.addi %parallel_loop3A_140, %parallel_loop3A_139 : i32
        %parallel_loop3A_142 = arith.index_cast %parallel_loop3A_141 : i32 to index
        %parallel_loop3A_143 = tpu.vector_load %arg6[%parallel_loop3A_142] {strides = array<i32>} : memref<16384xi32, #tpu.memory_space<vmem>>, vector<16xi32>,
        %parallel_loop3A_144 = arith.addi %parallel_loop3A_137, %parallel_loop3A_143 : vector<16xi32>
        %parallel_loop3A_145 = arith.constant 16 : i32
        %parallel_loop3A_146 = arith.muli %parallel_loop3A_126, %parallel_loop3A_145 : i32
        %parallel_loop3A_147 = arith.constant 6144 : i32
        %parallel_loop3A_148 = arith.addi %parallel_loop3A_147, %parallel_loop3A_146 : i32
        %parallel_loop3A_149 = arith.index_cast %parallel_loop3A_148 : i32 to index
        %parallel_loop3A_150 = tpu.vector_load %arg6[%parallel_loop3A_149] {strides = array<i32>} : memref<16384xi32, #tpu.memory_space<vmem>>, vector<16xi32>,
        %parallel_loop3A_151 = arith.addi %parallel_loop3A_144, %parallel_loop3A_150 : vector<16xi32>
        %parallel_loop3A_152 = arith.constant 16 : i32
        %parallel_loop3A_153 = arith.muli %parallel_loop3A_126, %parallel_loop3A_152 : i32
        %parallel_loop3A_154 = arith.constant 8192 : i32
        %parallel_loop3A_155 = arith.addi %parallel_loop3A_154, %parallel_loop3A_153 : i32
        %parallel_loop3A_156 = arith.index_cast %parallel_loop3A_155 : i32 to index
        %parallel_loop3A_157 = tpu.vector_load %arg6[%parallel_loop3A_156] {strides = array<i32>} : memref<16384xi32, #tpu.memory_space<vmem>>, vector<16xi32>,
        %parallel_loop3A_158 = arith.addi %parallel_loop3A_151, %parallel_loop3A_157 : vector<16xi32>
        %parallel_loop3A_159 = arith.constant 16 : i32
        %parallel_loop3A_160 = arith.muli %parallel_loop3A_126, %parallel_loop3A_159 : i32
        %parallel_loop3A_161 = arith.constant 10240 : i32
        %parallel_loop3A_162 = arith.addi %parallel_loop3A_161, %parallel_loop3A_160 : i32
        %parallel_loop3A_163 = arith.index_cast %parallel_loop3A_162 : i32 to index
        %parallel_loop3A_164 = tpu.vector_load %arg6[%parallel_loop3A_163] {strides = array<i32>} : memref<16384xi32, #tpu.memory_space<vmem>>, vector<16xi32>,
        %parallel_loop3A_165 = arith.addi %parallel_loop3A_158, %parallel_loop3A_164 : vector<16xi32>
        %parallel_loop3A_166 = arith.constant 16 : i32
        %parallel_loop3A_167 = arith.muli %parallel_loop3A_126, %parallel_loop3A_166 : i32
        %parallel_loop3A_168 = arith.constant 12288 : i32
        %parallel_loop3A_169 = arith.addi %parallel_loop3A_168, %parallel_loop3A_167 : i32
        %parallel_loop3A_170 = arith.index_cast %parallel_loop3A_169 : i32 to index
        %parallel_loop3A_171 = tpu.vector_load %arg6[%parallel_loop3A_170] {strides = array<i32>} : memref<16384xi32, #tpu.memory_space<vmem>>, vector<16xi32>,
        %parallel_loop3A_172 = arith.addi %parallel_loop3A_165, %parallel_loop3A_171 : vector<16xi32>
        %parallel_loop3A_173 = arith.constant 16 : i32
        %parallel_loop3A_174 = arith.muli %parallel_loop3A_126, %parallel_loop3A_173 : i32
        %parallel_loop3A_175 = arith.constant 14336 : i32
        %parallel_loop3A_176 = arith.addi %parallel_loop3A_175, %parallel_loop3A_174 : i32
        %parallel_loop3A_177 = arith.index_cast %parallel_loop3A_176 : i32 to index
        %parallel_loop3A_178 = tpu.vector_load %arg6[%parallel_loop3A_177] {strides = array<i32>} : memref<16384xi32, #tpu.memory_space<vmem>>, vector<16xi32>,
        %parallel_loop3A_179 = arith.addi %parallel_loop3A_172, %parallel_loop3A_178 : vector<16xi32>
        %parallel_loop3A_180 = arith.constant 16 : i32
        %parallel_loop3A_181 = arith.muli %parallel_loop3A_126, %parallel_loop3A_180 : i32
        %parallel_loop3A_182 = arith.index_cast %parallel_loop3A_181 : i32 to index
        %parallel_loop3A_183 = tpu.vector_load %arg8[%parallel_loop3A_182] {strides = array<i32>} : memref<2048xi32, #tpu.memory_space<vmem>>, vector<16xi32>,
        tpu.vector_store %arg8[%parallel_loop3A_182], %parallel_loop3A_179 {strides = array<i32>} : memref<2048xi32, #tpu.memory_space<vmem>>, vector<16xi32>,
        %parallel_loop3A_184 = vector.broadcast %parallel_loop3A_126 : i32 to vector<16xi32>
        %parallel_loop3A_185 = arith.constant true
        %parallel_loop3A_186 = vector.broadcast %parallel_loop3A_185 : i1 to vector<16xi1>
        %parallel_loop3A_187 = tpu.scan <sum>, %parallel_loop3A_179 masked %parallel_loop3A_186 : vector<16xi32>, vector<16xi1> -> vector<16xi32>
        %parallel_loop3A_188 = vector.extract %parallel_loop3A_187[15] : i32 from vector<16xi32>
        %parallel_loop3A_189 = vector.broadcast %parallel_loop3A_188 : i32 to vector<16xi32>
        tpu.vector_store_idx %arg9[%parallel_loop3A_184], %parallel_loop3A_189 masked %eq3A_99 : memref<128xi32, #tpu.memory_space<vmem>>[vector<16xi32>], vector<16xi32>, vector<16xi1>
      } {sc.loop_unroll_factor = 8 : i64, sc.parallel_access}
      %scan3A_103 = arith.constant -1 : i32
      %scan3A_104 = arith.constant 0 : i32
      %scan3A_105 = arith.constant 4 : i32
      %scan3A_106 = arith.addi %scan3A_104, %scan3A_105 : i32
      %scan3A_107 = arith.constant 1 : i32
      %scan3A_108 = scf.for %scan3A_126 = %scan3A_104 to %scan3A_106 step %scan3A_107 iter_args(%scan3A_127 = %scan3A_103) -> (i32)  : i32 {
        %mul3A_128 = arith.constant 16 : i32
        %mul3A_129 = arith.muli %scan3A_126, %mul3A_128 : i32
        %get3A = arith.index_cast %mul3A_129 : i32 to index
        %get3A_130 = tpu.vector_load %arg9[%get3A] {strides = array<i32>} : memref<128xi32, #tpu.memory_space<vmem>>, vector<16xi32>,
        %broadcast_in_dim3A_131 = arith.constant true
        %broadcast_in_dim3A_132 = vector.broadcast %broadcast_in_dim3A_131 : i1 to vector<16xi1>
        %masked_cumsum3A = tpu.scan <sum>, %get3A_130 masked %broadcast_in_dim3A_132 : vector<16xi32>, vector<16xi1> -> vector<16xi32>
        %sub3A = arith.subi %masked_cumsum3A, %get3A_130 : vector<16xi32>
        %add3A_133 = vector.broadcast %scan3A_127 : i32 to vector<16xi32>
        %add3A_134 = arith.addi %sub3A, %add3A_133 : vector<16xi32>
        %mul3A_135 = arith.constant 16 : i32
        %mul3A_136 = arith.muli %scan3A_126, %mul3A_135 : i32
        %swap3A = arith.index_cast %mul3A_136 : i32 to index
        %swap3A_137 = tpu.vector_load %arg9[%swap3A] {strides = array<i32>} : memref<128xi32, #tpu.memory_space<vmem>>, vector<16xi32>,
        tpu.vector_store %arg9[%swap3A], %add3A_134 {strides = array<i32>} : memref<128xi32, #tpu.memory_space<vmem>>, vector<16xi32>,
        %reduce_sum3A = arith.constant true
        %reduce_sum3A_138 = vector.broadcast %reduce_sum3A : i1 to vector<16xi1>
        %reduce_sum3A_139 = tpu.scan <sum>, %get3A_130 masked %reduce_sum3A_138 : vector<16xi32>, vector<16xi1> -> vector<16xi32>
        %reduce_sum3A_140 = vector.extract %reduce_sum3A_139[15] : i32 from vector<16xi32>
        %add3A_141 = arith.addi %scan3A_127, %reduce_sum3A_140 : i32
        scf.yield %add3A_141 : i32
      }
      %scan3A_109 = arith.constant 4 : i32
      %parallel_loop3A_110 = arith.constant 0 : i32
      %parallel_loop3A_111 = arith.constant 64 : i32
      %parallel_loop3A_112 = arith.constant 1 : i32
      scf.for %parallel_loop3A_126 = %parallel_loop3A_110 to %parallel_loop3A_111 step %parallel_loop3A_112  : i32 {
        %parallel_loop3A_127 = arith.constant 16 : i32
        %parallel_loop3A_128 = arith.muli %parallel_loop3A_126, %parallel_loop3A_127 : i32
        %parallel_loop3A_129 = arith.index_cast %parallel_loop3A_128 : i32 to index
        %parallel_loop3A_130 = tpu.vector_load %arg8[%parallel_loop3A_129] {strides = array<i32>} : memref<2048xi32, #tpu.memory_space<vmem>>, vector<16xi32>,
        %parallel_loop3A_131 = vector.broadcast %parallel_loop3A_126 : i32 to vector<16xi32>
        %parallel_loop3A_132 = tpu.vector_load_idx %arg9[%parallel_loop3A_131] : memref<128xi32, #tpu.memory_space<vmem>>[vector<16xi32>], vector<16xi32>,
        %parallel_loop3A_133 = arith.constant true
        %parallel_loop3A_134 = vector.broadcast %parallel_loop3A_133 : i1 to vector<16xi1>
        %parallel_loop3A_135 = tpu.scan <sum>, %parallel_loop3A_130 masked %parallel_loop3A_134 : vector<16xi32>, vector<16xi1> -> vector<16xi32>
        %parallel_loop3A_136 = arith.subi %parallel_loop3A_135, %parallel_loop3A_130 : vector<16xi32>
        %parallel_loop3A_137 = arith.addi %parallel_loop3A_136, %parallel_loop3A_132 : vector<16xi32>
        %parallel_loop3A_138 = arith.constant 16 : i32
        %parallel_loop3A_139 = arith.muli %parallel_loop3A_126, %parallel_loop3A_138 : i32
        %parallel_loop3A_140 = arith.index_cast %parallel_loop3A_139 : i32 to index
        %parallel_loop3A_141 = tpu.vector_load %arg8[%parallel_loop3A_140] {strides = array<i32>} : memref<2048xi32, #tpu.memory_space<vmem>>, vector<16xi32>,
        tpu.vector_store %arg8[%parallel_loop3A_140], %parallel_loop3A_137 {strides = array<i32>} : memref<2048xi32, #tpu.memory_space<vmem>>, vector<16xi32>,
      } {sc.loop_unroll_factor = 8 : i64, sc.parallel_access}
      %broadcast_in_dim3A_113 = arith.constant 0 : i32
      %broadcast_in_dim3A_114 = vector.broadcast %broadcast_in_dim3A_113 : i32 to vector<16xi32>
      %parallel_loop3A_115 = arith.constant 0 : i32
      %parallel_loop3A_116 = arith.constant 64 : i32
      %parallel_loop3A_117 = arith.constant 1 : i32
      scf.for %parallel_loop3A_126 = %parallel_loop3A_115 to %parallel_loop3A_116 step %parallel_loop3A_117  : i32 {
        %parallel_loop3A_127 = arith.constant 16 : i32
        %parallel_loop3A_128 = arith.muli %parallel_loop3A_126, %parallel_loop3A_127 : i32
        %parallel_loop3A_129 = arith.index_cast %parallel_loop3A_128 : i32 to index
        %parallel_loop3A_130 = tpu.vector_load %arg8[%parallel_loop3A_129] {strides = array<i32>} : memref<2048xi32, #tpu.memory_space<vmem>>, vector<16xi32>,
        %parallel_loop3A_131 = arith.constant 16 : i32
        %parallel_loop3A_132 = arith.muli %parallel_loop3A_126, %parallel_loop3A_131 : i32
        %parallel_loop3A_133 = arith.constant 0 : i32
        %parallel_loop3A_134 = arith.addi %parallel_loop3A_133, %parallel_loop3A_132 : i32
        %parallel_loop3A_135 = arith.index_cast %parallel_loop3A_134 : i32 to index
        %parallel_loop3A_136 = tpu.vector_load %arg7[%parallel_loop3A_135] {strides = array<i32>} : memref<16384xi32, #tpu.memory_space<vmem>>, vector<16xi32>,
        tpu.vector_store %arg7[%parallel_loop3A_135], %parallel_loop3A_130 {strides = array<i32>} : memref<16384xi32, #tpu.memory_space<vmem>>, vector<16xi32>,
        %parallel_loop3A_137 = arith.constant 16 : i32
        %parallel_loop3A_138 = arith.muli %parallel_loop3A_126, %parallel_loop3A_137 : i32
        %parallel_loop3A_139 = arith.constant 0 : i32
        %parallel_loop3A_140 = arith.addi %parallel_loop3A_139, %parallel_loop3A_138 : i32
        %parallel_loop3A_141 = arith.index_cast %parallel_loop3A_140 : i32 to index
        %parallel_loop3A_142 = tpu.vector_load %arg6[%parallel_loop3A_141] {strides = array<i32>} : memref<16384xi32, #tpu.memory_space<vmem>>, vector<16xi32>,
        %parallel_loop3A_143 = arith.addi %parallel_loop3A_130, %parallel_loop3A_142 : vector<16xi32>
        %parallel_loop3A_144 = arith.constant 16 : i32
        %parallel_loop3A_145 = arith.muli %parallel_loop3A_126, %parallel_loop3A_144 : i32
        %parallel_loop3A_146 = arith.constant 0 : i32
        %parallel_loop3A_147 = arith.addi %parallel_loop3A_146, %parallel_loop3A_145 : i32
        %parallel_loop3A_148 = arith.index_cast %parallel_loop3A_147 : i32 to index
        %parallel_loop3A_149 = tpu.vector_load %arg6[%parallel_loop3A_148] {strides = array<i32>} : memref<16384xi32, #tpu.memory_space<vmem>>, vector<16xi32>,
        tpu.vector_store %arg6[%parallel_loop3A_148], %broadcast_in_dim3A_114 {strides = array<i32>} : memref<16384xi32, #tpu.memory_space<vmem>>, vector<16xi32>,
        %parallel_loop3A_150 = arith.constant 16 : i32
        %parallel_loop3A_151 = arith.muli %parallel_loop3A_126, %parallel_loop3A_150 : i32
        %parallel_loop3A_152 = arith.constant 2048 : i32
        %parallel_loop3A_153 = arith.addi %parallel_loop3A_152, %parallel_loop3A_151 : i32
        %parallel_loop3A_154 = arith.index_cast %parallel_loop3A_153 : i32 to index
        %parallel_loop3A_155 = tpu.vector_load %arg7[%parallel_loop3A_154] {strides = array<i32>} : memref<16384xi32, #tpu.memory_space<vmem>>, vector<16xi32>,
        tpu.vector_store %arg7[%parallel_loop3A_154], %parallel_loop3A_143 {strides = array<i32>} : memref<16384xi32, #tpu.memory_space<vmem>>, vector<16xi32>,
        %parallel_loop3A_156 = arith.constant 16 : i32
        %parallel_loop3A_157 = arith.muli %parallel_loop3A_126, %parallel_loop3A_156 : i32
        %parallel_loop3A_158 = arith.constant 2048 : i32
        %parallel_loop3A_159 = arith.addi %parallel_loop3A_158, %parallel_loop3A_157 : i32
        %parallel_loop3A_160 = arith.index_cast %parallel_loop3A_159 : i32 to index
        %parallel_loop3A_161 = tpu.vector_load %arg6[%parallel_loop3A_160] {strides = array<i32>} : memref<16384xi32, #tpu.memory_space<vmem>>, vector<16xi32>,
        %parallel_loop3A_162 = arith.addi %parallel_loop3A_143, %parallel_loop3A_161 : vector<16xi32>
        %parallel_loop3A_163 = arith.constant 16 : i32
        %parallel_loop3A_164 = arith.muli %parallel_loop3A_126, %parallel_loop3A_163 : i32
        %parallel_loop3A_165 = arith.constant 2048 : i32
        %parallel_loop3A_166 = arith.addi %parallel_loop3A_165, %parallel_loop3A_164 : i32
        %parallel_loop3A_167 = arith.index_cast %parallel_loop3A_166 : i32 to index
        %parallel_loop3A_168 = tpu.vector_load %arg6[%parallel_loop3A_167] {strides = array<i32>} : memref<16384xi32, #tpu.memory_space<vmem>>, vector<16xi32>,
        tpu.vector_store %arg6[%parallel_loop3A_167], %broadcast_in_dim3A_114 {strides = array<i32>} : memref<16384xi32, #tpu.memory_space<vmem>>, vector<16xi32>,
        %parallel_loop3A_169 = arith.constant 16 : i32
        %parallel_loop3A_170 = arith.muli %parallel_loop3A_126, %parallel_loop3A_169 : i32
        %parallel_loop3A_171 = arith.constant 4096 : i32
        %parallel_loop3A_172 = arith.addi %parallel_loop3A_171, %parallel_loop3A_170 : i32
        %parallel_loop3A_173 = arith.index_cast %parallel_loop3A_172 : i32 to index
        %parallel_loop3A_174 = tpu.vector_load %arg7[%parallel_loop3A_173] {strides = array<i32>} : memref<16384xi32, #tpu.memory_space<vmem>>, vector<16xi32>,
        tpu.vector_store %arg7[%parallel_loop3A_173], %parallel_loop3A_162 {strides = array<i32>} : memref<16384xi32, #tpu.memory_space<vmem>>, vector<16xi32>,
        %parallel_loop3A_175 = arith.constant 16 : i32
        %parallel_loop3A_176 = arith.muli %parallel_loop3A_126, %parallel_loop3A_175 : i32
        %parallel_loop3A_177 = arith.constant 4096 : i32
        %parallel_loop3A_178 = arith.addi %parallel_loop3A_177, %parallel_loop3A_176 : i32
        %parallel_loop3A_179 = arith.index_cast %parallel_loop3A_178 : i32 to index
        %parallel_loop3A_180 = tpu.vector_load %arg6[%parallel_loop3A_179] {strides = array<i32>} : memref<16384xi32, #tpu.memory_space<vmem>>, vector<16xi32>,
        %parallel_loop3A_181 = arith.addi %parallel_loop3A_162, %parallel_loop3A_180 : vector<16xi32>
        %parallel_loop3A_182 = arith.constant 16 : i32
        %parallel_loop3A_183 = arith.muli %parallel_loop3A_126, %parallel_loop3A_182 : i32
        %parallel_loop3A_184 = arith.constant 4096 : i32
        %parallel_loop3A_185 = arith.addi %parallel_loop3A_184, %parallel_loop3A_183 : i32
        %parallel_loop3A_186 = arith.index_cast %parallel_loop3A_185 : i32 to index
        %parallel_loop3A_187 = tpu.vector_load %arg6[%parallel_loop3A_186] {strides = array<i32>} : memref<16384xi32, #tpu.memory_space<vmem>>, vector<16xi32>,
        tpu.vector_store %arg6[%parallel_loop3A_186], %broadcast_in_dim3A_114 {strides = array<i32>} : memref<16384xi32, #tpu.memory_space<vmem>>, vector<16xi32>,
        %parallel_loop3A_188 = arith.constant 16 : i32
        %parallel_loop3A_189 = arith.muli %parallel_loop3A_126, %parallel_loop3A_188 : i32
        %parallel_loop3A_190 = arith.constant 6144 : i32
        %parallel_loop3A_191 = arith.addi %parallel_loop3A_190, %parallel_loop3A_189 : i32
        %parallel_loop3A_192 = arith.index_cast %parallel_loop3A_191 : i32 to index
        %parallel_loop3A_193 = tpu.vector_load %arg7[%parallel_loop3A_192] {strides = array<i32>} : memref<16384xi32, #tpu.memory_space<vmem>>, vector<16xi32>,
        tpu.vector_store %arg7[%parallel_loop3A_192], %parallel_loop3A_181 {strides = array<i32>} : memref<16384xi32, #tpu.memory_space<vmem>>, vector<16xi32>,
        %parallel_loop3A_194 = arith.constant 16 : i32
        %parallel_loop3A_195 = arith.muli %parallel_loop3A_126, %parallel_loop3A_194 : i32
        %parallel_loop3A_196 = arith.constant 6144 : i32
        %parallel_loop3A_197 = arith.addi %parallel_loop3A_196, %parallel_loop3A_195 : i32
        %parallel_loop3A_198 = arith.index_cast %parallel_loop3A_197 : i32 to index
        %parallel_loop3A_199 = tpu.vector_load %arg6[%parallel_loop3A_198] {strides = array<i32>} : memref<16384xi32, #tpu.memory_space<vmem>>, vector<16xi32>,
        %parallel_loop3A_200 = arith.addi %parallel_loop3A_181, %parallel_loop3A_199 : vector<16xi32>
        %parallel_loop3A_201 = arith.constant 16 : i32
        %parallel_loop3A_202 = arith.muli %parallel_loop3A_126, %parallel_loop3A_201 : i32
        %parallel_loop3A_203 = arith.constant 6144 : i32
        %parallel_loop3A_204 = arith.addi %parallel_loop3A_203, %parallel_loop3A_202 : i32
        %parallel_loop3A_205 = arith.index_cast %parallel_loop3A_204 : i32 to index
        %parallel_loop3A_206 = tpu.vector_load %arg6[%parallel_loop3A_205] {strides = array<i32>} : memref<16384xi32, #tpu.memory_space<vmem>>, vector<16xi32>,
        tpu.vector_store %arg6[%parallel_loop3A_205], %broadcast_in_dim3A_114 {strides = array<i32>} : memref<16384xi32, #tpu.memory_space<vmem>>, vector<16xi32>,
        %parallel_loop3A_207 = arith.constant 16 : i32
        %parallel_loop3A_208 = arith.muli %parallel_loop3A_126, %parallel_loop3A_207 : i32
        %parallel_loop3A_209 = arith.constant 8192 : i32
        %parallel_loop3A_210 = arith.addi %parallel_loop3A_209, %parallel_loop3A_208 : i32
        %parallel_loop3A_211 = arith.index_cast %parallel_loop3A_210 : i32 to index
        %parallel_loop3A_212 = tpu.vector_load %arg7[%parallel_loop3A_211] {strides = array<i32>} : memref<16384xi32, #tpu.memory_space<vmem>>, vector<16xi32>,
        tpu.vector_store %arg7[%parallel_loop3A_211], %parallel_loop3A_200 {strides = array<i32>} : memref<16384xi32, #tpu.memory_space<vmem>>, vector<16xi32>,
        %parallel_loop3A_213 = arith.constant 16 : i32
        %parallel_loop3A_214 = arith.muli %parallel_loop3A_126, %parallel_loop3A_213 : i32
        %parallel_loop3A_215 = arith.constant 8192 : i32
        %parallel_loop3A_216 = arith.addi %parallel_loop3A_215, %parallel_loop3A_214 : i32
        %parallel_loop3A_217 = arith.index_cast %parallel_loop3A_216 : i32 to index
        %parallel_loop3A_218 = tpu.vector_load %arg6[%parallel_loop3A_217] {strides = array<i32>} : memref<16384xi32, #tpu.memory_space<vmem>>, vector<16xi32>,
        %parallel_loop3A_219 = arith.addi %parallel_loop3A_200, %parallel_loop3A_218 : vector<16xi32>
        %parallel_loop3A_220 = arith.constant 16 : i32
        %parallel_loop3A_221 = arith.muli %parallel_loop3A_126, %parallel_loop3A_220 : i32
        %parallel_loop3A_222 = arith.constant 8192 : i32
        %parallel_loop3A_223 = arith.addi %parallel_loop3A_222, %parallel_loop3A_221 : i32
        %parallel_loop3A_224 = arith.index_cast %parallel_loop3A_223 : i32 to index
        %parallel_loop3A_225 = tpu.vector_load %arg6[%parallel_loop3A_224] {strides = array<i32>} : memref<16384xi32, #tpu.memory_space<vmem>>, vector<16xi32>,
        tpu.vector_store %arg6[%parallel_loop3A_224], %broadcast_in_dim3A_114 {strides = array<i32>} : memref<16384xi32, #tpu.memory_space<vmem>>, vector<16xi32>,
        %parallel_loop3A_226 = arith.constant 16 : i32
        %parallel_loop3A_227 = arith.muli %parallel_loop3A_126, %parallel_loop3A_226 : i32
        %parallel_loop3A_228 = arith.constant 10240 : i32
        %parallel_loop3A_229 = arith.addi %parallel_loop3A_228, %parallel_loop3A_227 : i32
        %parallel_loop3A_230 = arith.index_cast %parallel_loop3A_229 : i32 to index
        %parallel_loop3A_231 = tpu.vector_load %arg7[%parallel_loop3A_230] {strides = array<i32>} : memref<16384xi32, #tpu.memory_space<vmem>>, vector<16xi32>,
        tpu.vector_store %arg7[%parallel_loop3A_230], %parallel_loop3A_219 {strides = array<i32>} : memref<16384xi32, #tpu.memory_space<vmem>>, vector<16xi32>,
        %parallel_loop3A_232 = arith.constant 16 : i32
        %parallel_loop3A_233 = arith.muli %parallel_loop3A_126, %parallel_loop3A_232 : i32
        %parallel_loop3A_234 = arith.constant 10240 : i32
        %parallel_loop3A_235 = arith.addi %parallel_loop3A_234, %parallel_loop3A_233 : i32
        %parallel_loop3A_236 = arith.index_cast %parallel_loop3A_235 : i32 to index
        %parallel_loop3A_237 = tpu.vector_load %arg6[%parallel_loop3A_236] {strides = array<i32>} : memref<16384xi32, #tpu.memory_space<vmem>>, vector<16xi32>,
        %parallel_loop3A_238 = arith.addi %parallel_loop3A_219, %parallel_loop3A_237 : vector<16xi32>
        %parallel_loop3A_239 = arith.constant 16 : i32
        %parallel_loop3A_240 = arith.muli %parallel_loop3A_126, %parallel_loop3A_239 : i32
        %parallel_loop3A_241 = arith.constant 10240 : i32
        %parallel_loop3A_242 = arith.addi %parallel_loop3A_241, %parallel_loop3A_240 : i32
        %parallel_loop3A_243 = arith.index_cast %parallel_loop3A_242 : i32 to index
        %parallel_loop3A_244 = tpu.vector_load %arg6[%parallel_loop3A_243] {strides = array<i32>} : memref<16384xi32, #tpu.memory_space<vmem>>, vector<16xi32>,
        tpu.vector_store %arg6[%parallel_loop3A_243], %broadcast_in_dim3A_114 {strides = array<i32>} : memref<16384xi32, #tpu.memory_space<vmem>>, vector<16xi32>,
        %parallel_loop3A_245 = arith.constant 16 : i32
        %parallel_loop3A_246 = arith.muli %parallel_loop3A_126, %parallel_loop3A_245 : i32
        %parallel_loop3A_247 = arith.constant 12288 : i32
        %parallel_loop3A_248 = arith.addi %parallel_loop3A_247, %parallel_loop3A_246 : i32
        %parallel_loop3A_249 = arith.index_cast %parallel_loop3A_248 : i32 to index
        %parallel_loop3A_250 = tpu.vector_load %arg7[%parallel_loop3A_249] {strides = array<i32>} : memref<16384xi32, #tpu.memory_space<vmem>>, vector<16xi32>,
        tpu.vector_store %arg7[%parallel_loop3A_249], %parallel_loop3A_238 {strides = array<i32>} : memref<16384xi32, #tpu.memory_space<vmem>>, vector<16xi32>,
        %parallel_loop3A_251 = arith.constant 16 : i32
        %parallel_loop3A_252 = arith.muli %parallel_loop3A_126, %parallel_loop3A_251 : i32
        %parallel_loop3A_253 = arith.constant 12288 : i32
        %parallel_loop3A_254 = arith.addi %parallel_loop3A_253, %parallel_loop3A_252 : i32
        %parallel_loop3A_255 = arith.index_cast %parallel_loop3A_254 : i32 to index
        %parallel_loop3A_256 = tpu.vector_load %arg6[%parallel_loop3A_255] {strides = array<i32>} : memref<16384xi32, #tpu.memory_space<vmem>>, vector<16xi32>,
        %parallel_loop3A_257 = arith.addi %parallel_loop3A_238, %parallel_loop3A_256 : vector<16xi32>
        %parallel_loop3A_258 = arith.constant 16 : i32
        %parallel_loop3A_259 = arith.muli %parallel_loop3A_126, %parallel_loop3A_258 : i32
        %parallel_loop3A_260 = arith.constant 12288 : i32
        %parallel_loop3A_261 = arith.addi %parallel_loop3A_260, %parallel_loop3A_259 : i32
        %parallel_loop3A_262 = arith.index_cast %parallel_loop3A_261 : i32 to index
        %parallel_loop3A_263 = tpu.vector_load %arg6[%parallel_loop3A_262] {strides = array<i32>} : memref<16384xi32, #tpu.memory_space<vmem>>, vector<16xi32>,
        tpu.vector_store %arg6[%parallel_loop3A_262], %broadcast_in_dim3A_114 {strides = array<i32>} : memref<16384xi32, #tpu.memory_space<vmem>>, vector<16xi32>,
        %parallel_loop3A_264 = arith.constant 16 : i32
        %parallel_loop3A_265 = arith.muli %parallel_loop3A_126, %parallel_loop3A_264 : i32
        %parallel_loop3A_266 = arith.constant 14336 : i32
        %parallel_loop3A_267 = arith.addi %parallel_loop3A_266, %parallel_loop3A_265 : i32
        %parallel_loop3A_268 = arith.index_cast %parallel_loop3A_267 : i32 to index
        %parallel_loop3A_269 = tpu.vector_load %arg7[%parallel_loop3A_268] {strides = array<i32>} : memref<16384xi32, #tpu.memory_space<vmem>>, vector<16xi32>,
        tpu.vector_store %arg7[%parallel_loop3A_268], %parallel_loop3A_257 {strides = array<i32>} : memref<16384xi32, #tpu.memory_space<vmem>>, vector<16xi32>,
        %parallel_loop3A_270 = arith.constant 16 : i32
        %parallel_loop3A_271 = arith.muli %parallel_loop3A_126, %parallel_loop3A_270 : i32
        %parallel_loop3A_272 = arith.constant 14336 : i32
        %parallel_loop3A_273 = arith.addi %parallel_loop3A_272, %parallel_loop3A_271 : i32
        %parallel_loop3A_274 = arith.index_cast %parallel_loop3A_273 : i32 to index
        %parallel_loop3A_275 = tpu.vector_load %arg6[%parallel_loop3A_274] {strides = array<i32>} : memref<16384xi32, #tpu.memory_space<vmem>>, vector<16xi32>,
        %parallel_loop3A_276 = arith.addi %parallel_loop3A_257, %parallel_loop3A_275 : vector<16xi32>
        %parallel_loop3A_277 = arith.constant 16 : i32
        %parallel_loop3A_278 = arith.muli %parallel_loop3A_126, %parallel_loop3A_277 : i32
        %parallel_loop3A_279 = arith.constant 14336 : i32
        %parallel_loop3A_280 = arith.addi %parallel_loop3A_279, %parallel_loop3A_278 : i32
        %parallel_loop3A_281 = arith.index_cast %parallel_loop3A_280 : i32 to index
        %parallel_loop3A_282 = tpu.vector_load %arg6[%parallel_loop3A_281] {strides = array<i32>} : memref<16384xi32, #tpu.memory_space<vmem>>, vector<16xi32>,
        tpu.vector_store %arg6[%parallel_loop3A_281], %broadcast_in_dim3A_114 {strides = array<i32>} : memref<16384xi32, #tpu.memory_space<vmem>>, vector<16xi32>,
      } {sc.loop_unroll_factor = 4 : i64, sc.parallel_access}
      %scan3A_118 = arith.constant 0 : i32
      %scan3A_119 = arith.constant 0 : i32
      %scan3A_120 = arith.constant 256 : i32
      %scan3A_121 = arith.addi %scan3A_119, %scan3A_120 : i32
      %scan3A_122 = arith.constant 1 : i32
      %scan3A_123 = scf.for %scan3A_126 = %scan3A_119 to %scan3A_121 step %scan3A_122 iter_args(%scan3A_127 = %scan3A_118) -> (i32)  : i32 {
        %parallel_loop3A_128 = arith.constant 0 : i32
        %parallel_loop3A_129 = arith.constant 8 : i32
        %parallel_loop3A_130 = arith.constant 1 : i32
        scf.for %parallel_loop3A_132 = %parallel_loop3A_128 to %parallel_loop3A_129 step %parallel_loop3A_130  : i32 {
          %parallel_loop3A_133 = arith.constant 4096 : i32
          %parallel_loop3A_134 = arith.muli %parallel_loop3A_132, %parallel_loop3A_133 : i32
          %parallel_loop3A_135 = arith.constant 16 : i32
          %parallel_loop3A_136 = arith.muli %scan3A_126, %parallel_loop3A_135 : i32
          %parallel_loop3A_137 = arith.addi %parallel_loop3A_134, %parallel_loop3A_136 : i32
          %parallel_loop3A_138 = arith.index_cast %parallel_loop3A_137 : i32 to index
          %parallel_loop3A_139 = tpu.vector_load %arg4[%parallel_loop3A_138] {strides = array<i32>} : memref<32768xi32, #tpu.memory_space<vmem>>, vector<16xi32>,
          %parallel_loop3A_140 = arith.constant 22 : i32
          %parallel_loop3A_141 = vector.broadcast %parallel_loop3A_140 : i32 to vector<16xi32>
          %parallel_loop3A_142 = arith.shrui %parallel_loop3A_139, %parallel_loop3A_141 : vector<16xi32>
          %parallel_loop3A_143 = arith.constant 1023 : i32
          %parallel_loop3A_144 = vector.broadcast %parallel_loop3A_143 : i32 to vector<16xi32>
          %parallel_loop3A_145 = arith.andi %parallel_loop3A_142, %parallel_loop3A_144 : vector<16xi32>
          %parallel_loop3A_146 = arith.constant 2048 : i32
          %parallel_loop3A_147 = arith.muli %parallel_loop3A_132, %parallel_loop3A_146 : i32
          %parallel_loop3A_148 = vector.broadcast %parallel_loop3A_147 : i32 to vector<16xi32>
          %parallel_loop3A_149 = arith.addi %parallel_loop3A_145, %parallel_loop3A_148 : vector<16xi32>
          %parallel_loop3A_150 = arith.constant true
          %parallel_loop3A_151 = vector.broadcast %parallel_loop3A_150 : i1 to vector<16xi1>
          %parallel_loop3A_152, %parallel_loop3A_153 = tpu.scan_count mask(%parallel_loop3A_151 : vector<16xi1>) value(%parallel_loop3A_149 : vector<16xi32>) : vector<16xi1>, vector<16xi32>
          %parallel_loop3A_154 = tpu.vector_load_idx %arg7[%parallel_loop3A_149] : memref<16384xi32, #tpu.memory_space<vmem>>[vector<16xi32>], vector<16xi32>,
          %parallel_loop3A_155 = arith.addi %parallel_loop3A_154, %parallel_loop3A_153 : vector<16xi32>
          tpu.vector_store_idx %arg7[%parallel_loop3A_149], %parallel_loop3A_155 masked %parallel_loop3A_152 : memref<16384xi32, #tpu.memory_space<vmem>>[vector<16xi32>], vector<16xi32>, vector<16xi1>
          %parallel_loop3A_156 = arith.constant 31 : i32
          %parallel_loop3A_157 = vector.broadcast %parallel_loop3A_156 : i32 to vector<16xi32>
          %parallel_loop3A_158 = arith.shrsi %parallel_loop3A_139, %parallel_loop3A_157 : vector<16xi32>
          %parallel_loop3A_159 = arith.constant dense<-1> : vector<16xi32>
          %parallel_loop3A_160 = arith.xori %parallel_loop3A_158, %parallel_loop3A_159 : vector<16xi32>
          %parallel_loop3A_161 = arith.constant -2147483648 : i32
          %parallel_loop3A_162 = vector.broadcast %parallel_loop3A_161 : i32 to vector<16xi32>
          %parallel_loop3A_163 = arith.ori %parallel_loop3A_160, %parallel_loop3A_162 : vector<16xi32>
          %parallel_loop3A_164 = arith.xori %parallel_loop3A_139, %parallel_loop3A_163 : vector<16xi32>
          tpu.vector_store_idx %arg5[%parallel_loop3A_155], %parallel_loop3A_164 : memref<32768xi32, #tpu.memory_space<vmem>>[vector<16xi32>], vector<16xi32>,
        } {sc.loop_unroll_factor = 8 : i64, sc.parallel_access}
        %scan3A_131 = arith.constant 0 : i32
        scf.yield %scan3A_131 : i32
      }
      %scan3A_124 = arith.constant 256 : i32
      "tpu.region"() ({
        %run_scoped3A = tpu.sem_alloc : memref<!tpu.dma_semaphore, #tpu.memory_space<semaphore_mem>>
        %dma_start3A = arith.constant 0 : i32
        %dma_start3A_126 = tpu.memref_slice %arg3[%while3A_19, %dma_start3A] : memref<128x32768xi32, #tpu.memory_space<hbm>> -> memref<1x32768xi32, #tpu.memory_space<hbm>>
        %dma_start3A_127 = tpu.memref_squeeze %dma_start3A_126 : memref<1x32768xi32, #tpu.memory_space<hbm>> -> memref<32768xi32, #tpu.memory_space<hbm>>
        %dma_start3A_128 = arith.constant 0 : i32
        %dma_start3A_129 = tpu.memref_slice %arg3[%while3A_19, %dma_start3A_128] : memref<128x32768xi32, #tpu.memory_space<hbm>> -> memref<1x32768xi32, #tpu.memory_space<hbm>>
        %dma_start3A_130 = tpu.memref_squeeze %dma_start3A_129 : memref<1x32768xi32, #tpu.memory_space<hbm>> -> memref<32768xi32, #tpu.memory_space<hbm>>
        tpu.enqueue_dma source(%arg5 : memref<32768xi32, #tpu.memory_space<vmem>>) target(%dma_start3A_130 : memref<32768xi32, #tpu.memory_space<hbm>>) target_semaphore(%run_scoped3A : memref<!tpu.dma_semaphore, #tpu.memory_space<semaphore_mem>>)
        %dma_wait3A = arith.constant 0 : i32
        %dma_wait3A_131 = tpu.memref_slice %arg3[%while3A_19, %dma_wait3A] : memref<128x32768xi32, #tpu.memory_space<hbm>> -> memref<1x32768xi32, #tpu.memory_space<hbm>>
        %dma_wait3A_132 = tpu.memref_squeeze %dma_wait3A_131 : memref<1x32768xi32, #tpu.memory_space<hbm>> -> memref<32768xi32, #tpu.memory_space<hbm>>
        %dma_wait3A_133 = arith.constant 0 : i32
        %dma_wait3A_134 = tpu.memref_slice %arg3[%while3A_19, %dma_wait3A_133] : memref<128x32768xi32, #tpu.memory_space<hbm>> -> memref<1x32768xi32, #tpu.memory_space<hbm>>
        %dma_wait3A_135 = tpu.memref_squeeze %dma_wait3A_134 : memref<1x32768xi32, #tpu.memory_space<hbm>> -> memref<32768xi32, #tpu.memory_space<hbm>>
        tpu.wait_dma2 semaphore(%run_scoped3A : memref<!tpu.dma_semaphore, #tpu.memory_space<semaphore_mem>>) src(%arg5 : memref<32768xi32, #tpu.memory_space<vmem>>) dst(%dma_wait3A_135 : memref<32768xi32, #tpu.memory_space<hbm>>)
        tpu.yield
      }) : () -> ()
      %while3A_125 = arith.constant 0 : i32
      scf.yield %while3A_125 : i32
    }
    return
  }
}

</mosaic_0001>

<sc_bundles>
// kernel: kernel.3.cloned.1.call-start
scs
__scs_entry_jumppad:
0x0: {  	(pc) =	sbr.rel $0x88, $3  }
0x1: {  	(tag) =	ssettag $0x0;
	lr =	simm.s32 $0x1  }
0x2: {  	[smem:$0x3FA0] =	sst lr;
	_ =	strace $0xD0000000  }
0x3: {  	_ = 	snop  }
0x4: {  	_ = 	snop  }
0x5: {  	_ = 	snop  }
0x6: {  	_ = 	snop  }
0x7: {  	_ = 	snop  }
__scs_overlays_trampoline_lowered:
0x8: {  	[smem:$0x3FAF] =	sst s0  }
0x9: {  	[smem:$0x3FB0] =	sst s1  }
0xa: {  	[smem:$0x3FB1] =	sst s2  }
0xb: {  	[smem:$0x3FB2] =	sst s3  }
0xc: {  	[smem:$0x3FB3] =	sst s4  }
0xd: {  	[smem:$0x3FB4] =	sst s5  }
0xe: {  	[smem:$0x3FB5] =	sst s6  }
0xf: {  	[smem:$0x3FB6] =	sst s7  }
0x10: {  	[smem:$0x3FB7] =	sst s8  }
0x11: {  	[smem:$0x3FB8] =	sst s9;
	s0 =	simm.s32 @!p0 $0x0  }
0x12: {  	s1 =	sld [smem:$0x3F9E];
	s0 =	simm.s32 @p0 $0x1  }
0x13: {  	[smem:$0x3FB9] =	sst s0;
	s0 =	simm.s32 @!p1 $0x0  }
0x14: {  	s2 =	sld [smem:$0x3F9D];
	s0 =	simm.s32 @p1 $0x1  }
0x15: {  	[smem:$0x3FBA] =	sst s0;
	s0 =	simm.s32 @!p2 $0x0  }
0x16: {  	s3 =	sld [smem:$0x3FDB];
	s0 =	simm.s32 @p2 $0x1  }
0x17: {  	s4 =	simm.s32 $0x1BF5;
	[smem:$0x3FBC] =	sst s0  }
0x18: {  	s0 =	sld [smem:$0x3F9F];
	_ =	swait.ge [sflag:s4], $0x0  }
0x19: {  	s7 =	sld [smem:$0x3FA0]  }
0x1a: {  	s8 =	sadd.s32 $0xFFFFE003, lr  }
0x1b: {  	s9 =	sadd.s32 $0xFFFFFEF7, lr;
	s5 =	simm.s32 $0xFFFFFFFF;
	p2 =	slt.u32 s8, $0xFFFFF086  }
0x1c: {  	p1 =	slt.u32 s9, $0xF7A;
	s5 =	simm.s32 @!p2 $0x0  }
0x1d: {  	s5 =	simm.s32 @p1 $0x1;
	p0 =	seq.s32 s7, s2  }
0x1e: {  	s7 =	smul.u32 @!p0 $0xF7A, s2;
	p2 =	seq.s32 @!p0 s5, $0x0  }
0x1f: {  	s9 =	smul.u32 $0xF7A, s1;
	s8 =	simm.s32 @!p0 $0x1BF5;
	p2 =	por !p2, p0  }
0x20: {  	[sflag:s8] =	ssyncset.s32 @!p0 $0xFFFFF086;
	s6 =	sadd.s32 @!p0 s3, s7;
	s7 =	simm.s32 @!p0 $0x108  }
0x21: {  	s3 =	sadd.s32 s3, s9;
	s6 =	sadd.s32 @!p0 $0x88, s6;
	s7 =	simm.s32 @p2 $0x1082  }
0x22: {  	[simem:s7], [sflag:s8] =	dma.local @!p0 [hbm:s6], $0xF7A  }
0x23: {  	s9 =	sor.u32 $0xD0000000, s2;
	s6 =	simm.s32 $0x108;
	_ =	swait.ge @!p0 [sflag:s8], $0x0  }
0x24: {  	s3 =	sadd.s32 $0x88, s3;
	s6 =	simm.s32 @!p1 $0x1082;
	[sflag:s4] =	ssyncset.s32 $0xFFFFF086  }
0x25: {  	[simem:s6], [sflag:s4] =	dma.local [hbm:s3], $0xF7A  }
0x26: {  	[smem:$0x3FA0] =	sst s1;
	(tag) =	ssettag s2;
	_ =	strace s9  }
0x27: {  	s1 =	sld [smem:$0x3FB0]  }
0x28: {  	s2 =	sld [smem:$0x3FB1]  }
0x29: {  	s4 =	sld [smem:$0x3FB3]  }
0x2a: {  	p0 =	seq.s32 s5, $0x0;
	s5 =	sld [smem:$0x3FB4]  }
0x2b: {  	s6 =	sld [smem:$0x3FB5]  }
0x2c: {  	s7 =	sld [smem:$0x3FB6]  }
0x2d: {  	s3 =	simm.s32 $0x108;
	s8 =	sld [smem:$0x3FB7]  }
0x2e: {  	s3 =	simm.s32 @!p0 $0x1082;
	s9 =	sld [smem:$0x3FB8]  }
0x2f: {  	lr =	sadd.s32 s0, s3;
	s0 =	sld [smem:$0x3FAF]  }
0x30: {  	s3 =	sld [smem:$0x3FB2]  }
0x31: {  	[smem:$0x3FBB] =	sst s10  }
0x32: {  	s10 =	sld [smem:$0x3FB9];
	_ =	sdelay $0x3  }
0x33: {  	p0 =	seq.s32 s10, $0x1;
	s10 =	sld [smem:$0x3FBB];
	_ =	sdelay $0x3  }
0x34: {  	[smem:$0x3FBB] =	sst s10  }
0x35: {  	s10 =	sld [smem:$0x3FBA];
	_ =	sdelay $0x3  }
0x36: {  	p1 =	seq.s32 s10, $0x1;
	s10 =	sld [smem:$0x3FBB];
	_ =	sdelay $0x3  }
0x37: {  	[smem:$0x3FBB] =	sst s10  }
0x38: {  	s10 =	sld [smem:$0x3FBC]  }
0x39: {  	_ = 	snop;
	(pc) =	sbr.ind lr, $3  }
0x3a: {  	_ = 	snop  }
0x3b: {  	_ = 	snop  }
0x3c: {  	p2 =	seq.s32 s10, $0x1;
	s10 =	sld [smem:$0x3FBB]  }
0x3d: {  	_ =	shalt  }
0x3e: {  	_ =	shalt  }
0x3f: {  	_ =	shalt  }
0x40: {  	_ =	shalt  }
0x41: {  	_ =	shalt  }
0x42: {  	_ =	shalt  }
0x43: {  	_ =	shalt  }
0x44: {  	_ =	shalt  }
0x45: {  	_ =	shalt  }
0x46: {  	_ =	shalt  }
0x47: {  	_ =	shalt  }
0x48: {  	_ =	shalt  }
0x49: {  	_ =	shalt  }
0x4a: {  	_ =	shalt  }
0x4b: {  	_ =	shalt  }
0x4c: {  	_ =	shalt  }
0x4d: {  	_ =	shalt  }
0x4e: {  	_ =	shalt  }
0x4f: {  	_ =	shalt  }
0x50: {  	_ =	shalt  }
0x51: {  	_ =	shalt  }
0x52: {  	_ =	shalt  }
0x53: {  	_ =	shalt  }
0x54: {  	_ =	shalt  }
0x55: {  	_ =	shalt  }
0x56: {  	_ =	shalt  }
0x57: {  	_ =	shalt  }
0x58: {  	_ =	shalt  }
0x59: {  	_ =	shalt  }
0x5a: {  	_ =	shalt  }
0x5b: {  	_ =	shalt  }
0x5c: {  	_ =	shalt  }
0x5d: {  	_ =	shalt  }
0x5e: {  	_ =	shalt  }
0x5f: {  	_ =	shalt  }
0x60: {  	_ =	shalt  }
0x61: {  	_ =	shalt  }
0x62: {  	_ =	shalt  }
0x63: {  	_ =	shalt  }
0x64: {  	_ =	shalt  }
0x65: {  	_ =	shalt  }
0x66: {  	_ =	shalt  }
0x67: {  	_ =	shalt  }
0x68: {  	_ =	shalt  }
0x69: {  	_ =	shalt  }
0x6a: {  	_ =	shalt  }
0x6b: {  	_ =	shalt  }
0x6c: {  	_ =	shalt  }
0x6d: {  	_ =	shalt  }
0x6e: {  	_ =	shalt  }
0x6f: {  	_ =	shalt  }
0x70: {  	_ =	shalt  }
0x71: {  	_ =	shalt  }
0x72: {  	_ =	shalt  }
0x73: {  	_ =	shalt  }
0x74: {  	_ =	shalt  }
0x75: {  	_ =	shalt  }
0x76: {  	_ =	shalt  }
0x77: {  	_ =	shalt  }
0x78: {  	_ =	shalt  }
0x79: {  	_ =	shalt  }
0x7a: {  	_ =	shalt  }
0x7b: {  	_ =	shalt  }
0x7c: {  	_ =	shalt  }
0x7d: {  	_ =	shalt  }
0x7e: {  	_ =	shalt  }
0x7f: {  	_ =	shalt  }
0x80: {  	_ =	shalt  }
0x81: {  	_ =	shalt  }
0x82: {  	_ =	shalt  }
0x83: {  	_ =	shalt  }
0x84: {  	_ =	shalt  }
0x85: {  	_ =	shalt  }
0x86: {  	_ =	shalt  }
0x87: {  	_ =	shalt  }
.Lfunc_end0:
.L_simem_size_0:
called_computation_lowered:
.L_overlay_start_0:
0x88: {  	s2 =	sld [smem:$0x3FD9]  }
0x89: {  	s3 =	sld [smem:$0x3FFE];
	_ =	sdelay $0x1  }
0x8a: {  	s1 =	srdreg.scid  }
0x8b: {  	s0 =	sand.u32 $0x1, s1  }
0x8c: {  	s17 =	sshll.u32 s0, $0xA;
	s2 =	sadd.s32 s3, s2  }
0x8d: {  	s2 =	sadd.s32 s2, s17  }
0x8e: {  	[smem:$0x3FC7] =	sst s2  }
0x8f: {  	_ = 	snop  }
0x90: {  	s2 =	sld [smem:$0x3FD0];
	(tm) =	ssettm $0x1  }
0x91: {  	s18 =	sld [smem:$0x3FFB];
	_ =	sdelay $0x3  }
0x92: {  	_ =	strace s18  }
0x93: {  	s3 =	sld [smem:$0x3FFC];
	_ =	sdelay $0x3  }
0x94: {  	_ =	strace s3  }
0x95: {  	s3 =	sld [smem:$0x3FFD];
	_ =	sdelay $0x3  }
0x96: {  	_ =	strace s3  }
0x97: {  	_ =	strace $0x8FFFFFFF  }
0x98: {  	s19 =	sld [smem:$0x3FDB];
	_ =	sdelay $0x1  }
0x99: {  	s4 =	simm.s32 $_scs_section_size  }
0x9a: {  	s5 =	simm.s32 $_size__tile_overlayer_lowered;
	s6 =	simm.s32 $_tile_overlayer_lowered  }
0x9b: {  	s22 =	simm.s32 $0x1BFF;
	s21 =	sshll.u32 s6, $0x1;
	s3 =	sadd.s32 s4, s19  }
0x9c: {  	s7 =	simm.s32 $0x0;
	s20 =	sshll.u32 s5, $0x1;
	s5 =	sadd.s32 s21, s3  }
0x9d: {  	[timem:s7], [sflag:s22] =	dma.local [hbm:s5], s20  }
0x9e: {  	_ =	swait.ge [sflag:s22], s20  }
0x9f: {  	s4 =	ssub.s32 $0x0, s20;
	[sflag:s22] =	ssyncset.done $0x0  }
0xa0: {  	[sflag:s22] =	ssyncadd.s32 s4;
	_ =	sdelay $0x1  }
0xa1: {  	s23 =	simm.s32 $0x1B8B  }
0xa2: {  	_ =	swait.ge [sflag:s23], $0x1  }
0xa3: {  	[sflag:s23] =	ssyncset.done $0x0  }
0xa4: {  	s25 =	simm.s32 $0x1B8E;
	s24 =	sld [smem:$0x3FFE];
	[sflag:s23] =	ssyncadd.s32 $0xFFFFFFFF  }
0xa5: {  	s26 =	simm.s32 $execute0_lowered;
	[smem:$0x3FD2] =	sst s25  }
0xa6: {  	s5 =	sshll.u32 s26, $0x1;
	_ =	strace $0x80000046;
	[dreg:$0x1] =	wrdreg $0xFFFFFFFF  }
0xa7: {  	s28 =	simm.s32 $_size_execute0_lowered;
	s3 =	sadd.s32 s3, s5;
	[dreg:$0x0] =	wrdreg $0x0  }
0xa8: {  	s5 =	sshll.u32 s28, $0x1;
	[dreg:$0x2] =	wrdreg s3  }
0xa9: {  	[dreg:$0x3] =	wrdreg s5  }
0xaa: {  	[dreg:$0x4] =	wrdreg $0xC0  }
0xab: {  	_ =	task [dreg:s7], $0x5FFFF  }
0xac: {  	[dreg:$0x1] =	wrdreg $0xFFFFFFFF  }
0xad: {  	[dreg:$0x0] =	wrdreg $0x60  }
0xae: {  	[dreg:$0x2] =	wrdreg s2  }
0xaf: {  	[dreg:$0x3] =	wrdreg s24  }
0xb0: {  	[dreg:$0x4] =	wrdreg $0x9  }
0xb1: {  	_ =	task.clear_ibuf [dreg:s7], $0x5FFFF;
	_ =	strace $0x90000046  }
0xb2: {  	s29 =	simm.s32 $0x9;
	_ =	strace $0x80000048  }
0xb3: {  	_ =	swait.ge [sflag:s29], $0x1  }
0xb4: {  	[sflag:s29] =	ssyncadd.s32 $0xFFFFFFFF  }
0xb5: {  	_ =	strace $0x90000048  }
0xb6: {  	_ =	sfence  }
0xb7: {  	s30 =	sld [smem:$0x0];
	_ =	sdelay $0x2  }
0xb8: {  	s31 =	sshll.u32 s1, $0xD;
	s1 =	sshrl.u32 s1, $0x2  }
0xb9: {  	s3 =	sand.u32 $0x4000, s31;
	s1 =	sadd.s32 s1, s30  }
0xba: {  	s0 =	sor.u32 s3, s0;
	s1 =	sshll.u32 s1, $0x11  }
0xbb: {  	s0 =	sor.u32 s1, s0  }
0xbc: {  	s0 =	sadd.s32 $0x8F2B, s0  }
0xbd: {  	[sflag:s0] =	ssyncadd.remote.s32 $0x1  }
0xbe: {  	_ =	sfence.sel $0xFFFF  }
0xbf: {  	[dreg:$0x0] =	wrdreg $0xFFFFFFFF;
	(pc) =	sbr.abs _section_cstart, $3  }
0xc0: {  	[dreg:$0x1] =	wrdreg $0xFFFFFFFF  }
0xc1: {  	_ =	task.clear_ibuf [dreg:s7], $0x2FFFF;
	_ =	strace $0x9FFFFFFF  }
0xc2: {  	(tm) =	ssettm $0x7FFFFFFF  }
0xc3: {  	_ =	shalt  }
tec
execute0_lowered:
.L_overlay_start_1:
0x0: {  	(tag) =	ssettag $0x1  }
0x1: {  	s1 =	rddreg [dreg:$0x0]  }
0x2: {  	s4 =	rddreg [dreg:$0x1]  }
0x3: {  	s0 =	rddreg [dreg:$0x2];
	s2 =	simm.s32 $0x0;
	s3 =	srdreg.scid  }
0x4: {  	s9 =	simm.s32 $0x400;
	s10 =	simm.s32 $0x1;
	s11 =	simm.s32 $0x10000  }
0x5: {  	s12 =	simm.s32 $0x18800;
	s13 =	simm.s32 $0x14000;
	s14 =	simm.s32 $0x8000  }
.Ltmp0:
0x6: {  	[smem:$0x7FF] =	sst s2;
	s5 =	sand.u32 $0x1, s3;
	(pc) =	sbr.rel .LBB2_1-.Ltmp0, $4  }
0x7: {  	s3 =	stileid.u32;
	s4 =	sadd.s32 $0x400, s4;
	s6 =	ssub.s32 $0x2, s5  }
0x8: {  	s8 =	sshll.u32 s3, $0x3;
	s5 =	sshll.u32 s5, $0x2;
	s7 =	sshrl.u32 s6, $0x1  }
0x9: {  	_ =	strace $0x80000047;
	s5 =	sor.u32 s5, s8;
	s7 =	ssub.s32 s6, s7  }
0xa: {  	v0 =	vimm.s32 $0x0;
	v1 =	vimm.s32 $0x80000000;
	s8 =	simm.s32 $0x80;
	s6 =	sadd.s32 $0x4, s5;
	s7 =	smax.u32 s7, $0x1  }
.LBB2_47:
0xb: {  	s2 =	sadd.s32 $0x1, s2  }
0xc: {  	p0 =	sne.s32 s2, s7  }
.Ltmp1:
0xd: {  	_ = 	snop;
	(pc) =	sbr.rel @!p0 .LBB2_48-.Ltmp1, $1  }
0xe: {  	_ =	sdelay $0x3  }
.LBB2_1:
0xf: {  	s15 =	simm.s32 $0x10040  }
0x10: {  	[tilespmem:s15+$0xFFFFFFC0] =	vst v0  }
0x11: {  	[tilespmem:s15+$0x30] =	vst v0  }
0x12: {  	[tilespmem:s15+$0x20] =	vst v0  }
0x13: {  	[tilespmem:s15+$0x10] =	vst v0  }
0x14: {  	[tilespmem:s15+$0x0] =	vst v0  }
0x15: {  	[tilespmem:s15+$0xFFFFFFF0] =	vst v0  }
0x16: {  	s16 =	simm.s32 $0x0;
	[tilespmem:s15+$0xFFFFFFE0] =	vst v0  }
.LBB2_2:
0x17: {  	s16 =	sadd.s32 $0x8, s16;
	[tilespmem:s15+$0xFFFFFFD0] =	vst v0;
	s15 =	sadd.s32 $0x80, s15  }
0x18: {  	[tilespmem:s15+$0xFFFFFFC0] =	vst v0;
	p0 =	slt.u32 s16, $0x3F8  }
0x19: {  	[tilespmem:s15+$0x30] =	vst v0  }
.Ltmp2:
0x1a: {  	[tilespmem:s15+$0x20] =	vst v0;
	(pc) =	sbr.rel @p0 .LBB2_2-.Ltmp2, $4  }
0x1b: {  	[tilespmem:s15+$0x10] =	vst v0  }
0x1c: {  	[tilespmem:s15+$0x0] =	vst v0  }
0x1d: {  	[tilespmem:s15+$0xFFFFFFF0] =	vst v0  }
0x1e: {  	[tilespmem:s15+$0xFFFFFFE0] =	vst v0  }
0x1f: {  	[tilespmem:s15+$0xFFFFFFD0] =	vst v0;
	s15 =	smov.u32 s5  }
.LBB2_4:
0x20: {  	s16 =	sshll.u32 s15, $0xF;
	s17 =	sshll.u32 s15, $0x7  }
0x21: {  	s16 =	sand.u32 $0xFFFC0000, s16;
	s17 =	sand.u32 $0x380, s17  }
0x22: {  	s16 =	sor.u32 s17, s16  }
0x23: {  	s16 =	sshrl.u32 s16, $0x3  }
0x24: {  	s17 =	simm.s32 $0x0;
	s18 =	sadd.s32 s1, s16  }
0x25: {  	[tilespmem:s17], [sflag:$0x1] =	stream.strided.gather [hbm4b:s18+s8], $0x8000, s9, s8, $0x38;
	[tilespmem:$0x18880] =	vst v63  }
0x26: {  	_ =	swait.ge [sflag:s10], $0x8000  }
0x27: {  	[sflag:s10] =	ssyncset.done $0x0  }
0x28: {  	[sflag:s10] =	ssyncadd.s32 $0xFFFF8000  }
0x29: {  	v2 =	vld [tilespmem:s17+$0x0];
	_ =	sdelay $0x1  }
0x2a: {  	s31 =	sand.u32 $0xFF0, s17  }
0x2b: {  	v3 =	vld [tilespmem:s31+$0x6000];
	_ =	sdelay $0x1  }
0x2c: {  	v4 =	vshra.s32 v2, $0x1F  }
0x2d: {  	v2 =	vxor.u32 v2, v4  }
0x2e: {  	v2 =	vand.u32 $0x7FF, v2  }
0x2f: {  	v5 =	vshra.s32 v3, $0x1F;
	(xrf1) =	vunique.msk.u32 $0xffff, v2  }
0x30: {  	v6 =	vxor.u32 v3, v5  }
0x31: {  	v4 =	vld [tilespmem:s31+$0x7000];
	v3 =	vand.u32 $0x7FF, v6  }
0x32: {  	v11 =	vld [tilespmem:s31+$0x5000];
	v3 =	vor.u32 $0x3000, v3  }
0x33: {  	v5 =	vld [tilespmem:s31+$0x3000];
	(xrf1) =	vunique.msk.u32 $0xffff, v3;
	_ =	sdelay $0x1  }
0x34: {  	v7 =	vld [tilespmem:s31+$0x2000]  }
0x35: {  	v8 =	vshra.s32 v4, $0x1F  }
0x36: {  	v4 =	vxor.u32 v4, v8  }
0x37: {  	v16 =	vld [tilespmem:s31+$0x4000];
	v15 =	vshra.s32 v11, $0x1F;
	v8 =	vshra.s32 v5, $0x1F;
	v9 =	vand.u32 $0x7FF, v4  }
0x38: {  	v12 =	vand.u32 $0x3780, v3;
	v3 =	vxor.u32 v5, v8;
	v8 =	vld [tilespmem:s31+$0x1000];
	v13 =	vor.u32 $0x3800, v9  }
0x39: {  	v5 =	vshra.s32 v7, $0x1F;
	v10 =	vand.u32 $0x7FF, v3;
	(xrf1) =	vunique.msk.u32 $0xffff, v13  }
0x3a: {  	v5 =	vxor.u32 v7, v5;
	v14 =	vor.u32 $0x1800, v10  }
0x3b: {  	v6 =	vand.u32 $0x7F, v6;
	v9 =	vand.u32 $0x3F80, v13;
	v7 =	vand.u32 $0x7FF, v5;
	(xrf1) =	vunique.msk.u32 $0xffff, v14  }
0x3c: {  	v10 =	vand.u32 $0x1F80, v14;
	v17 =	vor.u32 $0x1000, v7;
	v7 =	vxor.u32 v11, v15;
	_, v15, vm0 =	vpop (xrf1)  }
0x3d: {  	v14 =	vor.u32 v6, v12;
	v6 =	vshra.s32 v16, $0x1F;
	v13 =	vshra.s32 v8, $0x1F;
	(xrf1) =	vunique.msk.u32 $0xffff, v17  }
0x3e: {  	v11 =	vand.u32 $0x1780, v17;
	v18 =	vand.u32 $0x7FF, v7;
	v8 =	vxor.u32 v8, v13  }
0x3f: {  	v6 =	vxor.u32 v16, v6;
	v13 =	vor.u32 $0x2800, v18;
	v17 =	vand.u32 $0x7FF, v8  }
0x40: {  	s19 =	simm.s32 $0x0;
	s18 =	simm.s32 $0x10;
	v12 =	vand.u32 $0x2F80, v13;
	(xrf1) =	vunique.msk.u32 $0xffff, v13;
	_, v16, vm1 =	vpop (xrf1);
	v13 =	vor.u32 $0x800, v17;
	v17 =	vand.u32 $0x7FF, v6  }
.LBB2_5:
0x41: {  	p0 =	sne.s32 s18, $0xFF0  }
0x42: {  	[tilespmem:v2+s11+$0x0] =	vst.idx.add.s32.msk vm0, v15;
	v2 =	vor.u32 $0x2000, v17;
	s19 =	sadd.s32 $0x10, s19;
	(xrf1) =	vunique.msk.u32 $0xffff, v13;
	s20 =	smov.u32 s18;
	s18 =	sadd.s32 $0x10, s18  }
0x43: {  	s20 =	sand.u32 $0xFF0, s20;
	v15 =	vand.u32 $0x2780, v2;
	(xrf1) =	vunique.msk.u32 $0xffff, v2  }
0x44: {  	v2 =	vld [tilespmem:s19+$0x0];
	_ =	sdelay $0x1  }
0x45: {  	[tilespmem:v14+s11+$0x0] =	vst.idx.add.s32.msk vm1, v16  }
0x46: {  	v4 =	vand.u32 $0x7F, v4;
	_, v14, vm0 =	vpop (xrf1)  }
0x47: {  	v4 =	vor.u32 v4, v9;
	v16 =	vld [tilespmem:s20+$0x6000]  }
0x48: {  	_, v9, vm1 =	vpop (xrf1)  }
0x49: {  	v3 =	vand.u32 $0x7F, v3;
	v17 =	vshra.s32 v2, $0x1F  }
0x4a: {  	v3 =	vor.u32 v3, v10;
	v2 =	vxor.u32 v2, v17;
	_, v10, vm2 =	vpop (xrf1)  }
0x4b: {  	v5 =	vand.u32 $0x7F, v5;
	v2 =	vand.u32 $0x7FF, v2  }
0x4c: {  	v5 =	vor.u32 v5, v11;
	v17 =	vshra.s32 v16, $0x1F;
	(xrf1) =	vunique.msk.u32 $0xffff, v2;
	[tilespmem:v4+s11+$0x0] =	vst.idx.add.s32.msk vm0, v14  }
0x4d: {  	v4 =	vand.u32 $0x7F, v7;
	v11 =	vxor.u32 v16, v17;
	_, v7, vm0 =	vpop (xrf1)  }
0x4e: {  	v4 =	vor.u32 v4, v12;
	v14 =	vand.u32 $0x7FF, v11;
	v16 =	vld [tilespmem:s20+$0x7000]  }
0x4f: {  	v13 =	vand.u32 $0xF80, v13;
	v8 =	vand.u32 $0x7F, v8;
	v17 =	vor.u32 $0x3000, v14;
	[tilespmem:v3+s11+$0x0] =	vst.idx.add.s32.msk vm1, v9;
	_, v3, vm1 =	vpop (xrf1)  }
0x50: {  	v6 =	vand.u32 $0x7F, v6;
	v8 =	vor.u32 v8, v13;
	v9 =	vld [tilespmem:s20+$0x3000];
	v14 =	vand.u32 $0x3780, v17;
	(xrf1) =	vunique.msk.u32 $0xffff, v17;
	_, v12, vm3 =	vpop (xrf1)  }
0x51: {  	[tilespmem:v5+s11+$0x0] =	vst.idx.add.s32.msk vm2, v10;
	v5 =	vor.u32 v6, v15  }
0x52: {  	v6 =	vld [tilespmem:s20+$0x2000]  }
0x53: {  	v10 =	vshra.s32 v16, $0x1F;
	[tilespmem:v4+s11+$0x0] =	vst.idx.add.s32.msk vm0, v7  }
0x54: {  	v7 =	vld [tilespmem:s20+$0x5000];
	v4 =	vxor.u32 v16, v10  }
0x55: {  	v10 =	vshra.s32 v9, $0x1F;
	v13 =	vand.u32 $0x7FF, v4;
	[tilespmem:v8+s11+$0x0] =	vst.idx.add.s32.msk vm1, v3  }
0x56: {  	v3 =	vxor.u32 v9, v10;
	v8 =	vor.u32 $0x3800, v13;
	[tilespmem:v5+s11+$0x0] =	vst.idx.add.s32.msk vm3, v12  }
0x57: {  	v12 =	vld [tilespmem:s20+$0x1000];
	v5 =	vshra.s32 v6, $0x1F;
	v10 =	vand.u32 $0x7FF, v3;
	v9 =	vand.u32 $0x3F80, v8;
	(xrf1) =	vunique.msk.u32 $0xffff, v8  }
0x58: {  	v5 =	vxor.u32 v6, v5;
	v6 =	vor.u32 $0x1800, v10;
	v13 =	vld [tilespmem:s20+$0x4000]  }
0x59: {  	v8 =	vand.u32 $0x7FF, v5;
	v10 =	vand.u32 $0x1F80, v6;
	(xrf1) =	vunique.msk.u32 $0xffff, v6  }
0x5a: {  	v16 =	vand.u32 $0x7F, v11;
	v6 =	vor.u32 $0x1000, v8;
	v8 =	vshra.s32 v7, $0x1F;
	_, v15, vm0 =	vpop (xrf1)  }
.Ltmp3:
0x5b: {  	v11 =	vand.u32 $0x1780, v6;
	v7 =	vxor.u32 v7, v8;
	(xrf1) =	vunique.msk.u32 $0xffff, v6;
	(pc) =	sbr.rel @p0 .LBB2_5-.Ltmp3, $4  }
0x5c: {  	v14 =	vor.u32 v16, v14;
	v6 =	vshra.s32 v12, $0x1F;
	v17 =	vand.u32 $0x7FF, v7  }
0x5d: {  	v8 =	vxor.u32 v12, v6;
	v6 =	vshra.s32 v13, $0x1F;
	v18 =	vor.u32 $0x2800, v17  }
0x5e: {  	v17 =	vand.u32 $0x7FF, v8;
	v6 =	vxor.u32 v13, v6;
	v12 =	vand.u32 $0x2F80, v18;
	(xrf1) =	vunique.msk.u32 $0xffff, v18;
	_, v16, vm1 =	vpop (xrf1)  }
0x5f: {  	v13 =	vor.u32 $0x800, v17;
	v17 =	vand.u32 $0x7FF, v6  }
0x60: {  	v17 =	vor.u32 $0x2000, v17;
	(xrf1) =	vunique.msk.u32 $0xffff, v13  }
0x61: {  	(xrf1) =	vunique.msk.u32 $0xffff, v17;
	_ =	sdelay $0x8  }
0x62: {  	v4 =	vand.u32 $0x7F, v4;
	_, v18, vm2 =	vpop (xrf1)  }
0x63: {  	v3 =	vand.u32 $0x7F, v3;
	v8 =	vand.u32 $0x7F, v8;
	v4 =	vor.u32 v4, v9;
	_, v9, vm3 =	vpop (xrf1)  }
0x64: {  	v5 =	vand.u32 $0x7F, v5;
	v3 =	vor.u32 v3, v10;
	_, v10, vm4 =	vpop (xrf1)  }
0x65: {  	v7 =	vand.u32 $0x7F, v7;
	v5 =	vor.u32 v5, v11;
	_, v11, vm5 =	vpop (xrf1)  }
0x66: {  	[tilespmem:v2+s11+$0x0] =	vst.idx.add.s32.msk vm0, v15;
	v2 =	vor.u32 v7, v12;
	v7 =	vand.u32 $0xF80, v13;
	_, v12, vm14 =	vpop (xrf1)  }
0x67: {  	[tilespmem:v14+s11+$0x0] =	vst.idx.add.s32.msk vm1, v16;
	v6 =	vand.u32 $0x7F, v6;
	v13 =	vand.u32 $0x2780, v17;
	v7 =	vor.u32 v8, v7;
	_, v8, vm15 =	vpop (xrf1)  }
0x68: {  	[tilespmem:v4+s11+$0x0] =	vst.idx.add.s32.msk vm2, v18;
	v4 =	vor.u32 v6, v13  }
0x69: {  	[tilespmem:v3+s11+$0x0] =	vst.idx.add.s32.msk vm3, v9  }
0x6a: {  	[tilespmem:v5+s11+$0x0] =	vst.idx.add.s32.msk vm4, v10  }
0x6b: {  	[tilespmem:v2+s11+$0x0] =	vst.idx.add.s32.msk vm5, v11  }
0x6c: {  	[tilespmem:v7+s11+$0x0] =	vst.idx.add.s32.msk vm14, v12  }
0x6d: {  	s19 =	simm.s32 $0x12000;
	[tilespmem:v4+s11+$0x0] =	vst.idx.add.s32.msk vm15, v8  }
0x6e: {  	v2 =	vld [tilespmem:s19+$0xFFFFE070]  }
0x6f: {  	v3 =	vld [tilespmem:s19+$0xFFFFE870]  }
0x70: {  	v4 =	vld [tilespmem:s19+$0xFFFFF070]  }
0x71: {  	v5 =	vld [tilespmem:s19+$0xFFFFF870]  }
0x72: {  	v6 =	vld [tilespmem:s19+$0x70]  }
0x73: {  	v7 =	vld [tilespmem:s19+$0x870]  }
0x74: {  	v8 =	vld [tilespmem:s19+$0x1070]  }
0x75: {  	v9 =	vld [tilespmem:s19+$0x1870]  }
0x76: {  	v10 =	vld [tilespmem:s19+$0xFFFFE800]  }
0x77: {  	v11 =	vld [tilespmem:s19+$0xFFFFE010]  }
0x78: {  	v12 =	vld [tilespmem:s19+$0xFFFFE810]  }
0x79: {  	v13 =	vld [tilespmem:s19+$0xFFFFE020]  }
0x7a: {  	v14 =	vld [tilespmem:s19+$0xFFFFE820]  }
0x7b: {  	v15 =	vld [tilespmem:s19+$0xFFFFE030]  }
0x7c: {  	v16 =	vld [tilespmem:s19+$0xFFFFE830]  }
0x7d: {  	v17 =	vld [tilespmem:s19+$0xFFFFE040]  }
0x7e: {  	v18 =	vld [tilespmem:s19+$0xFFFFE840]  }
0x7f: {  	v19 =	vld [tilespmem:s19+$0xFFFFE050]  }
0x80: {  	v20 =	vld [tilespmem:s19+$0xFFFFE850]  }
0x81: {  	v21 =	vld [tilespmem:s19+$0xFFFFE060]  }
0x82: {  	v22 =	vld [tilespmem:s19+$0xFFFFE860]  }
0x83: {  	v23 =	vld [tilespmem:s19+$0xFFFFE000]  }
0x84: {  	v24 =	vld [tilespmem:s19+$0xFFFFF000]  }
0x85: {  	v25 =	vld [tilespmem:s19+$0xFFFFF010]  }
0x86: {  	v26 =	vld [tilespmem:s19+$0xFFFFF020]  }
0x87: {  	v27 =	vld [tilespmem:s19+$0xFFFFF030]  }
0x88: {  	v28 =	vld [tilespmem:s19+$0xFFFFF040]  }
0x89: {  	v29 =	vld [tilespmem:s19+$0xFFFFF050]  }
0x8a: {  	v30 =	vld [tilespmem:s19+$0xFFFFF060]  }
0x8b: {  	v31 =	vld [tilespmem:s19+$0xFFFFF800]  }
0x8c: {  	v32 =	vld [tilespmem:s19+$0xFFFFF810]  }
0x8d: {  	v33 =	vld [tilespmem:s19+$0xFFFFF820]  }
0x8e: {  	v34 =	vld [tilespmem:s19+$0xFFFFF830]  }
0x8f: {  	v35 =	vld [tilespmem:s19+$0xFFFFF840]  }
0x90: {  	v36 =	vld [tilespmem:s19+$0xFFFFF850]  }
0x91: {  	v37 =	vld [tilespmem:s19+$0xFFFFF860]  }
0x92: {  	v38 =	vld [tilespmem:s19+$0x0]  }
0x93: {  	v39 =	vld [tilespmem:s19+$0x10]  }
0x94: {  	v54 =	vld [tilespmem:s19+$0x850]  }
0x95: {  	v55 =	vld [tilespmem:s19+$0x860]  }
0x96: {  	v56 =	vld [tilespmem:s19+$0x1000];
	v2 =	vadd.s32 v2, v3  }
0x97: {  	v57 =	vld [tilespmem:s19+$0x1010];
	v2 =	vadd.s32 v4, v2  }
0x98: {  	v3 =	vld [tilespmem:s19+$0x20];
	v2 =	vadd.s32 v5, v2  }
0x99: {  	s28 =	simm.s32 $0x2;
	v10 =	vadd.s32 v23, v10;
	v4 =	vld [tilespmem:s19+$0x30];
	v2 =	vadd.s32 v6, v2  }
0x9a: {  	s20 =	simm.s32 $0x4;
	v62 =	vmov s28;
	v10 =	vadd.s32 v24, v10;
	v5 =	vld [tilespmem:s19+$0x40];
	v2 =	vadd.s32 v7, v2  }
0x9b: {  	v63 =	vmov s20;
	v10 =	vadd.s32 v31, v10;
	v6 =	vld [tilespmem:s19+$0x50];
	v2 =	vadd.s32 v8, v2  }
0x9c: {  	v10 =	vadd.s32 v38, v10;
	v7 =	vld [tilespmem:s19+$0x60];
	v2 =	vadd.s32 v9, v2;
	v9 =	vadd.s32 v11, v12  }
0x9d: {  	v8 =	vld [tilespmem:s19+$0x800];
	v12 =	vadd.s32 v13, v14;
	v13 =	vadd.s32 v15, v16;
	v14 =	vadd.s32 v17, v18  }
0x9e: {  	v11 =	vld [tilespmem:s19+$0x810];
	v16 =	vadd.s32 v19, v20;
	v17 =	vadd.s32 v21, v22;
	v9 =	vadd.s32 v25, v9  }
0x9f: {  	v15 =	vld [tilespmem:s19+$0x820];
	v12 =	vadd.s32 v26, v12;
	v13 =	vadd.s32 v27, v13;
	v14 =	vadd.s32 v28, v14  }
0xa0: {  	v18 =	vld [tilespmem:s19+$0x830];
	v16 =	vadd.s32 v29, v16;
	v17 =	vadd.s32 v30, v17;
	v9 =	vadd.s32 v32, v9  }
0xa1: {  	v19 =	vld [tilespmem:s19+$0x840];
	(xrf0) =	vadd.scan.msk.s32 $0xffff, v2;
	v12 =	vadd.s32 v33, v12;
	v13 =	vadd.s32 v34, v13;
	v14 =	vadd.s32 v35, v14  }
0xa2: {  	v16 =	vadd.s32 v36, v16;
	v17 =	vadd.s32 v37, v17;
	v3 =	vadd.s32 v3, v12;
	v12 =	vld [tilespmem:s19+$0x1020]  }
0xa3: {  	v9 =	vadd.s32 v39, v9;
	v4 =	vadd.s32 v4, v13;
	v5 =	vadd.s32 v5, v14;
	v14 =	vld [tilespmem:s19+$0x1030]  }
0xa4: {  	s18 =	simm.s32 $0x7;
	v6 =	vadd.s32 v6, v16;
	v7 =	vadd.s32 v7, v17;
	v8 =	vadd.s32 v8, v10;
	v10 =	vld [tilespmem:s19+$0x1040]  }
0xa5: {  	s31 =	simm.s32 $0x6;
	v16 =	vmov s18;
	s18 =	simm.s32 $0x18040;
	v7 =	vadd.s32 v55, v7;
	v9 =	vadd.s32 v11, v9;
	v11 =	vld [tilespmem:s19+$0x1050]  }
0xa6: {  	[tilespmem:s18+$0x30] =	vst v2;
	v2 =	vmov s31;
	v3 =	vadd.s32 v15, v3;
	v4 =	vadd.s32 v18, v4;
	v15 =	vld [tilespmem:s19+$0x1060]  }
0xa7: {  	v5 =	vadd.s32 v19, v5;
	v18 =	vadd.s32 v56, v8;
	v19 =	vld [tilespmem:s19+$0x1800];
	v9 =	vadd.s32 v57, v9;
	v13, _, _ =	vpop (xrf0)  }
0xa8: {  	s26 =	simm.s32 $0x1;
	v59 =	vld [tilespmem:s19+$0x1810];
	v17 =	vbroadcast v13, $0xF;
	v13 =	vadd.s32 v54, v6;
	v6 =	vmov s17  }
0xa9: {  	s30 =	simm.s32 $0x5;
	v61 =	vld [tilespmem:s19+$0x1820];
	v58 =	vadd.s32 v12, v3;
	v60 =	vadd.s32 v14, v4;
	v14 =	vmov s26  }
0xaa: {  	s29 =	simm.s32 $0x3;
	v4 =	vmov s30;
	v3 =	vand.u32 $0xFFFFFFF8, v6;
	v6 =	vadd.s32 v10, v5;
	v5 =	vld [tilespmem:s19+$0x1830]  }
0xab: {  	v10 =	vmov s29;
	v8 =	vadd.s32 v11, v13;
	v13 =	vld [tilespmem:s19+$0x1840];
	v12 =	vadd.s32 v15, v7  }
0xac: {  	[tilespmem:v16+s12+$0x0] =	vst.idx.msk $0x1, v17;
	v7 =	vadd.s32 v19, v18;
	v3 =	vbroadcast v3, $0x0;
	v11 =	vand.u32 $0xFFFFFFF9, v14;
	v14 =	vld [tilespmem:s19+$0x1850]  }
0xad: {  	s17 =	simm.s32 $0x12080;
	v17 =	vadd.s32 v59, v9;
	v9 =	vand.u32 $0xFFFFFFFA, v62;
	v15 =	vld [tilespmem:s19+$0x1860];
	[tilespmem:s18+$0xFFFFFFC0] =	vst v7;
	(xrf0) =	vadd.scan.msk.s32 $0xffff, v7  }
0xae: {  	v16 =	vld [tilespmem:s17+$0xFFFFE070];
	v18 =	vadd.s32 v61, v58;
	v10 =	vand.u32 $0xFFFFFFFB, v10;
	[tilespmem:s18+$0xFFFFFFD0] =	vst v17;
	(xrf0) =	vadd.scan.msk.s32 $0xffff, v17  }
0xaf: {  	s20 =	simm.s32 $0x10;
	s19 =	simm.s32 $0x8;
	[tilespmem:s18+$0xFFFFFFE0] =	vst v18;
	v17 =	vld [tilespmem:s17+$0xFFFFE870];
	(xrf0) =	vadd.scan.msk.s32 $0xffff, v18;
	v7 =	vadd.s32 v5, v60;
	v5 =	vand.u32 $0xFFFFFFFC, v63  }
.LBB2_7:
0xb0: {  	p0 =	slt.u32 s20, $0x78;
	v18 =	vld [tilespmem:s17+$0xFFFFF070];
	[tilespmem:s18+$0xFFFFFFF0] =	vst v7;
	v6 =	vadd.s32 v13, v6;
	v4 =	vand.u32 $0xFFFFFFFD, v4;
	(xrf0) =	vadd.scan.msk.s32 $0xffff, v7  }
0xb1: {  	v11 =	vbroadcast v11, $0x0;
	v7 =	vld [tilespmem:s17+$0xFFFFF870];
	[tilespmem:s18+$0x0] =	vst v6;
	v8 =	vadd.s32 v14, v8;
	(xrf0) =	vadd.scan.msk.s32 $0xffff, v6  }
0xb2: {  	v9 =	vbroadcast v9, $0x0;
	v6 =	vld [tilespmem:s17+$0x70];
	[tilespmem:s18+$0x10] =	vst v8;
	v12 =	vadd.s32 v15, v12;
	(xrf0) =	vadd.scan.msk.s32 $0xffff, v8  }
0xb3: {  	v10 =	vbroadcast v10, $0x0;
	v2 =	vand.u32 $0xFFFFFFFE, v2;
	v8 =	vld [tilespmem:s17+$0x870];
	[tilespmem:s18+$0x20] =	vst v12;
	v13, _, _ =	vpop (xrf0);
	(xrf0) =	vadd.scan.msk.s32 $0xffff, v12  }
0xb4: {  	v5 =	vbroadcast v5, $0x0;
	v20 =	vadd.s32 v16, v17;
	v14 =	vld [tilespmem:s17+$0x1070];
	v13 =	vbroadcast v13, $0xF;
	v15, _, _ =	vpop (xrf0)  }
0xb5: {  	v4 =	vbroadcast v4, $0x0;
	v19 =	vadd.s32 v18, v20;
	v16 =	vld [tilespmem:s17+$0x1870];
	v15 =	vbroadcast v15, $0xF;
	v17, _, _ =	vpop (xrf0)  }
0xb6: {  	v2 =	vbroadcast v2, $0x0;
	v18 =	vld [tilespmem:s17+$0xFFFFE800];
	v7 =	vadd.s32 v7, v19;
	[tilespmem:v3+s12+$0x0] =	vst.idx.msk $0x1, v13;
	v3 =	vbroadcast v17, $0xF;
	v12, _, _ =	vpop (xrf0)  }
0xb7: {  	v13 =	vld [tilespmem:s17+$0xFFFFE010];
	v6 =	vadd.s32 v6, v7;
	[tilespmem:v11+s12+$0x0] =	vst.idx.msk $0x1, v15;
	v7 =	vbroadcast v12, $0xF;
	v11, _, _ =	vpop (xrf0)  }
0xb8: {  	v12 =	vld [tilespmem:s17+$0xFFFFE810];
	v6 =	vadd.s32 v8, v6;
	[tilespmem:v9+s12+$0x0] =	vst.idx.msk $0x1, v3;
	v3 =	vbroadcast v11, $0xF;
	v8, _, _ =	vpop (xrf0)  }
0xb9: {  	v9 =	vld [tilespmem:s17+$0xFFFFE020];
	v6 =	vadd.s32 v14, v6;
	[tilespmem:v10+s12+$0x0] =	vst.idx.msk $0x1, v7;
	v7 =	vbroadcast v8, $0xF;
	v8, _, _ =	vpop (xrf0)  }
0xba: {  	v10 =	vld [tilespmem:s17+$0xFFFFE820];
	v6 =	vadd.s32 v16, v6;
	[tilespmem:v5+s12+$0x0] =	vst.idx.msk $0x1, v3;
	v3 =	vbroadcast v8, $0xF  }
0xbb: {  	v5 =	vld [tilespmem:s17+$0xFFFFE030];
	(xrf0) =	vadd.scan.msk.s32 $0xffff, v6;
	[tilespmem:v4+s12+$0x0] =	vst.idx.msk $0x1, v7  }
0xbc: {  	v4 =	vld [tilespmem:s17+$0xFFFFE830];
	[tilespmem:v2+s12+$0x0] =	vst.idx.msk $0x1, v3  }
0xbd: {  	v2 =	vadd.s32 v13, v12;
	v3 =	vld [tilespmem:s17+$0xFFFFE040]  }
0xbe: {  	s21 =	sadd.s32 $0x7, s19;
	v7 =	vld [tilespmem:s17+$0xFFFFE840]  }
0xbf: {  	v8 =	vadd.s32 v9, v10;
	v9 =	vld [tilespmem:s17+$0xFFFFE050];
	v10 =	vmov s21  }
0xc0: {  	v11 =	vld [tilespmem:s17+$0xFFFFE850]  }
0xc1: {  	v4 =	vadd.s32 v5, v4;
	v5 =	vld [tilespmem:s17+$0xFFFFE060];
	v12, _, _ =	vpop (xrf0)  }
0xc2: {  	s18 =	sadd.s32 $0x80, s18;
	v13 =	vld [tilespmem:s17+$0xFFFFE860];
	v12 =	vbroadcast v12, $0xF  }
0xc3: {  	v14 =	vld [tilespmem:s17+$0xFFFFE000];
	v3 =	vadd.s32 v3, v7;
	[tilespmem:s18+$0x30] =	vst v6  }
0xc4: {  	v6 =	vld [tilespmem:s17+$0xFFFFF000];
	[tilespmem:v10+s12+$0x0] =	vst.idx.msk $0x1, v12  }
0xc5: {  	v7 =	vld [tilespmem:s17+$0xFFFFF010];
	v9 =	vadd.s32 v9, v11  }
0xc6: {  	v10 =	vld [tilespmem:s17+$0xFFFFF020]  }
0xc7: {  	v11 =	vld [tilespmem:s17+$0xFFFFF030];
	v5 =	vadd.s32 v5, v13  }
0xc8: {  	v12 =	vadd.s32 v14, v18;
	v13 =	vld [tilespmem:s17+$0xFFFFF040]  }
0xc9: {  	v6 =	vadd.s32 v6, v12;
	v12 =	vld [tilespmem:s17+$0xFFFFF050]  }
0xca: {  	v2 =	vadd.s32 v7, v2;
	v7 =	vld [tilespmem:s17+$0xFFFFF060]  }
0xcb: {  	v14 =	vld [tilespmem:s17+$0xFFFFF800];
	v8 =	vadd.s32 v10, v8  }
0xcc: {  	v10 =	vld [tilespmem:s17+$0xFFFFF810];
	v4 =	vadd.s32 v11, v4  }
0xcd: {  	v11 =	vld [tilespmem:s17+$0xFFFFF820];
	v3 =	vadd.s32 v13, v3  }
0xce: {  	v13 =	vld [tilespmem:s17+$0xFFFFF830];
	v9 =	vadd.s32 v12, v9  }
0xcf: {  	v12 =	vld [tilespmem:s17+$0xFFFFF840];
	v5 =	vadd.s32 v7, v5  }
0xd0: {  	v6 =	vadd.s32 v14, v6;
	v7 =	vld [tilespmem:s17+$0xFFFFF850]  }
0xd1: {  	v2 =	vadd.s32 v10, v2;
	v10 =	vld [tilespmem:s17+$0xFFFFF860]  }
0xd2: {  	v14 =	vld [tilespmem:s17+$0x0];
	v8 =	vadd.s32 v11, v8  }
0xd3: {  	v11 =	vld [tilespmem:s17+$0x10];
	v4 =	vadd.s32 v13, v4  }
0xd4: {  	v13 =	vld [tilespmem:s17+$0x20];
	v3 =	vadd.s32 v12, v3  }
0xd5: {  	v12 =	vld [tilespmem:s17+$0x30];
	v7 =	vadd.s32 v7, v9  }
0xd6: {  	v9 =	vld [tilespmem:s17+$0x40];
	v5 =	vadd.s32 v10, v5  }
0xd7: {  	v6 =	vadd.s32 v14, v6;
	v10 =	vld [tilespmem:s17+$0x50]  }
0xd8: {  	v2 =	vadd.s32 v11, v2;
	v11 =	vld [tilespmem:s17+$0x60]  }
0xd9: {  	v14 =	vld [tilespmem:s17+$0x800];
	v8 =	vadd.s32 v13, v8  }
0xda: {  	v13 =	vld [tilespmem:s17+$0x810];
	v4 =	vadd.s32 v12, v4  }
0xdb: {  	v12 =	vld [tilespmem:s17+$0x820];
	v3 =	vadd.s32 v9, v3  }
0xdc: {  	v9 =	vld [tilespmem:s17+$0x830];
	v7 =	vadd.s32 v10, v7  }
0xdd: {  	v10 =	vld [tilespmem:s17+$0x840];
	v5 =	vadd.s32 v11, v5  }
0xde: {  	v6 =	vadd.s32 v14, v6;
	v11 =	vld [tilespmem:s17+$0x850]  }
0xdf: {  	v2 =	vadd.s32 v13, v2;
	v13 =	vld [tilespmem:s17+$0x860]  }
0xe0: {  	v14 =	vld [tilespmem:s17+$0x1000];
	v8 =	vadd.s32 v12, v8  }
0xe1: {  	v12 =	vld [tilespmem:s17+$0x1010];
	v4 =	vadd.s32 v9, v4  }
0xe2: {  	v9 =	vld [tilespmem:s17+$0x1020];
	v3 =	vadd.s32 v10, v3  }
0xe3: {  	v10 =	vld [tilespmem:s17+$0x1030];
	v7 =	vadd.s32 v11, v7  }
0xe4: {  	v11 =	vld [tilespmem:s17+$0x1040];
	v5 =	vadd.s32 v13, v5  }
0xe5: {  	v14 =	vadd.s32 v14, v6;
	v13 =	vld [tilespmem:s17+$0x1050]  }
0xe6: {  	v15 =	vadd.s32 v12, v2;
	v2 =	vld [tilespmem:s17+$0x1060]  }
0xe7: {  	v6 =	vmov s19;
	v16 =	vld [tilespmem:s17+$0x1800];
	v17 =	vadd.s32 v9, v8  }
0xe8: {  	s22 =	sadd.s32 $0x2, s19;
	s21 =	sadd.s32 $0x1, s19;
	v9 =	vand.u32 $0xFFFFFFF8, v6;
	v18 =	vld [tilespmem:s17+$0x1810];
	v19 =	vadd.s32 v10, v4  }
0xe9: {  	v21 =	vmov s22;
	s22 =	sadd.s32 $0x4, s19;
	v10 =	vmov s21;
	s21 =	sadd.s32 $0x3, s19;
	v20 =	vld [tilespmem:s17+$0x1820];
	v6 =	vadd.s32 v11, v3  }
0xea: {  	v24 =	vmov s22;
	s22 =	sadd.s32 $0x6, s19;
	v23 =	vmov s21;
	s21 =	sadd.s32 $0x5, s19;
	s19 =	smov.u32 s20;
	v22 =	vld [tilespmem:s17+$0x1830];
	v8 =	vadd.s32 v13, v7  }
.Ltmp4:
0xeb: {  	v4 =	vmov s21;
	v13 =	vld [tilespmem:s17+$0x1840];
	v12 =	vadd.s32 v2, v5;
	v2 =	vmov s22;
	(pc) =	sbr.rel @p0 .LBB2_7-.Ltmp4, $4  }
0xec: {  	v3 =	vbroadcast v9, $0x0;
	v11 =	vand.u32 $0xFFFFFFF9, v10;
	v5 =	vadd.s32 v16, v14;
	v14 =	vld [tilespmem:s17+$0x1850]  }
0xed: {  	v9 =	vand.u32 $0xFFFFFFFA, v21;
	[tilespmem:s18+$0xFFFFFFC0] =	vst v5;
	v7 =	vadd.s32 v18, v15;
	v15 =	vld [tilespmem:s17+$0x1860];
	s17 =	sadd.s32 $0x80, s17;
	(xrf0) =	vadd.scan.msk.s32 $0xffff, v5  }
0xee: {  	v10 =	vand.u32 $0xFFFFFFFB, v23;
	v16 =	vld [tilespmem:s17+$0xFFFFE070];
	[tilespmem:s18+$0xFFFFFFD0] =	vst v7;
	v18 =	vadd.s32 v20, v17;
	(xrf0) =	vadd.scan.msk.s32 $0xffff, v7  }
0xef: {  	s20 =	sadd.s32 $0x8, s20;
	v5 =	vand.u32 $0xFFFFFFFC, v24;
	v17 =	vld [tilespmem:s17+$0xFFFFE870];
	[tilespmem:s18+$0xFFFFFFE0] =	vst v18;
	v7 =	vadd.s32 v22, v19;
	(xrf0) =	vadd.scan.msk.s32 $0xffff, v18  }
0xf0: {  	v18 =	vld [tilespmem:s17+$0xFFFFF070]  }
0xf1: {  	v19 =	vld [tilespmem:s17+$0xFFFFF870]  }
0xf2: {  	v20 =	vld [tilespmem:s17+$0x70]  }
0xf3: {  	v21 =	vld [tilespmem:s17+$0x870]  }
0xf4: {  	v22 =	vld [tilespmem:s17+$0x1070]  }
0xf5: {  	v23 =	vld [tilespmem:s17+$0x1870]  }
0xf6: {  	v24 =	vld [tilespmem:s17+$0xFFFFE800]  }
0xf7: {  	v25 =	vld [tilespmem:s17+$0xFFFFE010]  }
0xf8: {  	v26 =	vld [tilespmem:s17+$0xFFFFE810]  }
0xf9: {  	v27 =	vld [tilespmem:s17+$0xFFFFE020]  }
0xfa: {  	v28 =	vld [tilespmem:s17+$0xFFFFE820]  }
0xfb: {  	v29 =	vld [tilespmem:s17+$0xFFFFE030]  }
0xfc: {  	v30 =	vld [tilespmem:s17+$0xFFFFE830]  }
0xfd: {  	v31 =	vld [tilespmem:s17+$0xFFFFE040]  }
0xfe: {  	v32 =	vld [tilespmem:s17+$0xFFFFE840]  }
0xff: {  	v33 =	vld [tilespmem:s17+$0xFFFFE050]  }
0x100: {  	v34 =	vld [tilespmem:s17+$0xFFFFE850]  }
0x101: {  	v35 =	vld [tilespmem:s17+$0xFFFFE060]  }
0x102: {  	v36 =	vld [tilespmem:s17+$0xFFFFE860]  }
0x103: {  	v37 =	vld [tilespmem:s17+$0xFFFFE000]  }
0x104: {  	v38 =	vld [tilespmem:s17+$0xFFFFF000]  }
0x105: {  	v39 =	vld [tilespmem:s17+$0xFFFFF010]  }
0x106: {  	v40 =	vld [tilespmem:s17+$0xFFFFF020]  }
0x107: {  	v41 =	vld [tilespmem:s17+$0xFFFFF030]  }
0x108: {  	v42 =	vld [tilespmem:s17+$0xFFFFF040]  }
0x109: {  	v43 =	vld [tilespmem:s17+$0xFFFFF050]  }
0x10a: {  	v44 =	vld [tilespmem:s17+$0xFFFFF060]  }
0x10b: {  	v45 =	vld [tilespmem:s17+$0xFFFFF800]  }
0x10c: {  	v46 =	vld [tilespmem:s17+$0xFFFFF810]  }
0x10d: {  	v47 =	vld [tilespmem:s17+$0xFFFFF820]  }
0x10e: {  	v48 =	vld [tilespmem:s17+$0xFFFFF830]  }
0x10f: {  	v49 =	vld [tilespmem:s17+$0xFFFFF840]  }
0x110: {  	v51 =	vld [tilespmem:s17+$0x30]  }
0x111: {  	v52 =	vld [tilespmem:s17+$0x40]  }
0x112: {  	v56 =	vld [tilespmem:s17+$0x50]  }
0x113: {  	v59 =	vld [tilespmem:s17+$0x60]  }
0x114: {  	v6 =	vadd.s32 v13, v6;
	v62 =	vld [tilespmem:s17+$0x800];
	v11 =	vbroadcast v11, $0x0;
	v9 =	vbroadcast v9, $0x0  }
0x115: {  	v63 =	vld [tilespmem:s17+$0x810];
	v4 =	vand.u32 $0xFFFFFFFD, v4;
	v10 =	vbroadcast v10, $0x0;
	v5 =	vbroadcast v5, $0x0  }
0x116: {  	v2 =	vand.u32 $0xFFFFFFFE, v2;
	v8 =	vadd.s32 v14, v8;
	v16 =	vadd.s32 v16, v17;
	v17 =	vld [tilespmem:s17+$0xFFFFF850]  }
0x117: {  	v4 =	vbroadcast v4, $0x0;
	v2 =	vbroadcast v2, $0x0;
	v16 =	vadd.s32 v18, v16;
	v18 =	vld [tilespmem:s17+$0xFFFFF860]  }
0x118: {  	v12 =	vadd.s32 v15, v12;
	v53 =	vadd.s32 v25, v26;
	v60 =	vadd.s32 v35, v36;
	v36 =	vld [tilespmem:s17+$0x820]  }
0x119: {  	v61, _, _ =	vpop (xrf0);
	v54 =	vadd.s32 v27, v28;
	v55 =	vadd.s32 v29, v30;
	v24 =	vadd.s32 v37, v24;
	v37 =	vld [tilespmem:s17+$0x830]  }
0x11a: {  	(xrf0) =	vadd.scan.msk.s32 $0xffff, v7;
	v57 =	vadd.s32 v31, v32;
	v58 =	vadd.s32 v33, v34;
	v30 =	vbroadcast v61, $0xF;
	v61 =	vld [tilespmem:s17+$0x1050]  }
0x11b: {  	(xrf0) =	vadd.scan.msk.s32 $0xffff, v6;
	v29 =	vld [tilespmem:s17+$0x1060];
	v33 =	vmov s19;
	v16 =	vadd.s32 v19, v16;
	v24 =	vadd.s32 v38, v24  }
0x11c: {  	[tilespmem:s18+$0x0] =	vst v6;
	v31 =	vld [tilespmem:s17+$0x1800];
	v15 =	vadd.s32 v39, v53;
	v26 =	vadd.s32 v42, v57;
	v27 =	vadd.s32 v43, v58  }
0x11d: {  	v19 =	vld [tilespmem:s17+$0x0];
	v6 =	vand.u32 $0xFFFFFFF8, v33;
	v16 =	vadd.s32 v20, v16;
	[tilespmem:v3+s12+$0x0] =	vst.idx.msk $0x1, v30;
	v3 =	vadd.s32 v44, v60  }
0x11e: {  	s20 =	sadd.s32 $0x7, s19;
	v38 =	vld [tilespmem:s17+$0x840];
	v39, _, _ =	vpop (xrf0);
	v24 =	vadd.s32 v45, v24;
	v15 =	vadd.s32 v46, v15;
	v26 =	vadd.s32 v49, v26  }
0x11f: {  	v20 =	vld [tilespmem:s17+$0x10];
	v34 =	vbroadcast v39, $0xF;
	v30 =	vmov s20;
	v16 =	vadd.s32 v21, v16  }
0x120: {  	v42 =	vld [tilespmem:s17+$0x860];
	v6 =	vbroadcast v6, $0x0;
	v50 =	vadd.s32 v22, v16;
	v22 =	vadd.s32 v40, v54  }
0x121: {  	v21 =	vld [tilespmem:s17+$0x20];
	v17 =	vadd.s32 v17, v27;
	v13 =	vadd.s32 v23, v50;
	v23 =	vadd.s32 v41, v55  }
0x122: {  	[tilespmem:s18+$0xFFFFFFF0] =	vst v7;
	v43 =	vld [tilespmem:s17+$0x1000];
	v22 =	vadd.s32 v47, v22;
	v41, _, _ =	vpop (xrf0);
	v3 =	vadd.s32 v18, v3;
	v17 =	vadd.s32 v56, v17  }
0x123: {  	s29 =	sadd.s32 $0x4, s19;
	(xrf0) =	vadd.scan.msk.s32 $0xffff, v8;
	v53 =	vld [tilespmem:s17+$0x1030];
	v23 =	vadd.s32 v48, v23;
	v27 =	vbroadcast v41, $0xF;
	v19 =	vadd.s32 v19, v24  }
0x124: {  	[tilespmem:s18+$0x10] =	vst v8;
	v57 =	vld [tilespmem:s17+$0x1040];
	v45, _, _ =	vpop (xrf0);
	v3 =	vadd.s32 v59, v3;
	v41 =	vmov s29;
	v44 =	vadd.s32 v20, v15  }
0x125: {  	(xrf0) =	vadd.scan.msk.s32 $0xffff, v12;
	v40 =	vld [tilespmem:s17+$0x850];
	v48 =	vbroadcast v45, $0xF;
	v49 =	vadd.s32 v51, v23;
	v51 =	vadd.s32 v52, v26  }
0x126: {  	[tilespmem:s18+$0x20] =	vst v12;
	v47 =	vld [tilespmem:s17+$0x1010];
	v52, _, _ =	vpop (xrf0);
	v56 =	vadd.s32 v62, v19;
	v3 =	vadd.s32 v42, v3;
	v46 =	vadd.s32 v21, v22  }
0x127: {  	s25 =	sadd.s32 $0x1, s19;
	[tilespmem:v11+s12+$0x0] =	vst.idx.msk $0x1, v34;
	v50 =	vld [tilespmem:s17+$0x1020];
	v54 =	vbroadcast v52, $0xF;
	v59 =	vadd.s32 v63, v44;
	v63 =	vadd.s32 v37, v49  }
0x128: {  	s21 =	sadd.s32 $0x2, s19;
	s26 =	sadd.s32 $0x80, s18;
	s30 =	sadd.s32 $0x5, s19;
	v39 =	vld [tilespmem:s17+$0x1830];
	(xrf0) =	vadd.scan.msk.s32 $0xffff, v13;
	v7 =	vadd.s32 v38, v51;
	v32 =	vadd.s32 v43, v56;
	v37 =	vmov s25  }
0x129: {  	v34 =	vld [tilespmem:s17+$0x1810];
	[tilespmem:s26+$0x30] =	vst v13;
	v55, _, _ =	vpop (xrf0);
	v38 =	vmov s21;
	v44 =	vmov s30;
	v3 =	vadd.s32 v29, v3  }
0x12a: {  	s28 =	sadd.s32 $0x3, s19;
	s31 =	sadd.s32 $0x6, s19;
	[tilespmem:v9+s12+$0x0] =	vst.idx.msk $0x1, v27;
	v58 =	vbroadcast v55, $0xF;
	v20 =	vadd.s32 v36, v46;
	v17 =	vadd.s32 v40, v17;
	v36 =	vld [tilespmem:s17+$0x1820]  }
0x12b: {  	v42 =	vld [tilespmem:s17+$0x1840];
	[tilespmem:v10+s12+$0x0] =	vst.idx.msk $0x1, v48;
	v60, _, _ =	vpop (xrf0);
	v7 =	vadd.s32 v57, v7;
	v40 =	vmov s28;
	v46 =	vmov s31  }
0x12c: {  	v45 =	vld [tilespmem:s17+$0x1850];
	[tilespmem:v5+s12+$0x0] =	vst.idx.msk $0x1, v54;
	v62 =	vbroadcast v60, $0xF;
	v10 =	vadd.s32 v47, v59;
	v35 =	vadd.s32 v50, v20  }
0x12d: {  	v48 =	vand.u32 $0xFFFFFFFA, v38;
	v43 =	vadd.s32 v61, v17;
	[tilespmem:v4+s12+$0x0] =	vst.idx.msk $0x1, v58;
	v4 =	vadd.s32 v31, v32  }
0x12e: {  	v47 =	vld [tilespmem:s17+$0x1860];
	v5 =	vand.u32 $0xFFFFFFF9, v37;
	v10 =	vadd.s32 v34, v10;
	[tilespmem:v2+s12+$0x0] =	vst.idx.msk $0x1, v62;
	(xrf0) =	vadd.scan.msk.s32 $0xffff, v4  }
0x12f: {  	v2 =	vadd.s32 v53, v63;
	[tilespmem:s26+$0xFFFFFFC0] =	vst v4;
	(xrf0) =	vadd.scan.msk.s32 $0xffff, v10;
	v12 =	vadd.s32 v36, v35  }
0x130: {  	[tilespmem:s26+$0xFFFFFFD0] =	vst v10;
	v7 =	vadd.s32 v42, v7;
	v2 =	vadd.s32 v39, v2;
	(xrf0) =	vadd.scan.msk.s32 $0xffff, v12  }
0x131: {  	v49 =	vand.u32 $0xFFFFFFFB, v40;
	v28, _, _ =	vpop (xrf0);
	v8 =	vadd.s32 v45, v43;
	[tilespmem:s26+$0x0] =	vst v7;
	(xrf0) =	vadd.scan.msk.s32 $0xffff, v2  }
0x132: {  	v5 =	vbroadcast v5, $0x0;
	v11 =	vbroadcast v28, $0xF;
	[tilespmem:s26+$0x10] =	vst v8;
	(xrf0) =	vadd.scan.msk.s32 $0xffff, v7  }
0x133: {  	[tilespmem:s26+$0xFFFFFFF0] =	vst v2;
	v3 =	vadd.s32 v47, v3;
	v2 =	vbroadcast v48, $0x0;
	(xrf0) =	vadd.scan.msk.s32 $0xffff, v8  }
0x134: {  	v50 =	vand.u32 $0xFFFFFFFC, v41;
	v51 =	vbroadcast v49, $0x0;
	[tilespmem:v30+s12+$0x0] =	vst.idx.msk $0x1, v11;
	v52, _, _ =	vpop (xrf0);
	(xrf0) =	vadd.scan.msk.s32 $0xffff, v3  }
0x135: {  	v53 =	vand.u32 $0xFFFFFFFD, v44;
	v4 =	vbroadcast v50, $0x0;
	[tilespmem:s26+$0xFFFFFFE0] =	vst v12;
	v54 =	vbroadcast v52, $0xF;
	v55, _, _ =	vpop (xrf0)  }
0x136: {  	v10 =	vbroadcast v53, $0x0;
	[tilespmem:s26+$0x20] =	vst v3;
	v3 =	vand.u32 $0xFFFFFFFE, v46;
	v9 =	vbroadcast v55, $0xF;
	v56, _, _ =	vpop (xrf0)  }
0x137: {  	v3 =	vbroadcast v3, $0x0;
	[tilespmem:v6+s12+$0x0] =	vst.idx.msk $0x1, v54;
	v57 =	vbroadcast v56, $0xF;
	v58, _, _ =	vpop (xrf0)  }
0x138: {  	p1 =	por $0x1, $0x1;
	[tilespmem:v5+s12+$0x0] =	vst.idx.msk $0x1, v9;
	v59 =	vbroadcast v58, $0xF;
	v60, _, _ =	vpop (xrf0)  }
.Ltmp5:
0x139: {  	[tilespmem:v2+s12+$0x0] =	vst.idx.msk $0x1, v57;
	v2 =	vbroadcast v60, $0xF;
	v61, _, _ =	vpop (xrf0);
	(pc) =	sbr.rel @!p1 .LBB2_9-.Ltmp5, $4  }
0x13a: {  	[tilespmem:v51+s12+$0x0] =	vst.idx.msk $0x1, v59;
	v62 =	vbroadcast v61, $0xF;
	v63, _, _ =	vpop (xrf0)  }
0x13b: {  	[tilespmem:v4+s12+$0x0] =	vst.idx.msk $0x1, v2;
	v2 =	vbroadcast v63, $0xF  }
0x13c: {  	p0 =	por $0x0, $0x0;
	[tilespmem:v10+s12+$0x0] =	vst.idx.msk $0x1, v62  }
0x13d: {  	s18 =	simm.s32 $0x0;
	s20 =	simm.s32 $0x0;
	s17 =	simm.s32 $0xFFFFFFFF;
	[tilespmem:v3+s12+$0x0] =	vst.idx.msk $0x1, v2  }
0x13e: {  	v2 =	vld [tilespmem:s20+$0x18800];
	_ =	sdelay $0x4  }
0x13f: {  	(xrf0) =	vadd.scan.msk.s32 $0xffff, v2;
	_ =	sdelay $0x4  }
0x140: {  	p2 =	por $0x1, $0x1  }
.Ltmp6:
0x141: {  	v3, _, _ =	vpop (xrf0);
	(pc) =	sbr.rel @!p2 .LBB2_11-.Ltmp6, $4  }
0x142: {  	(v2sf) =	vpush v3, $0xF  }
0x143: {  	v2 =	vsub.s32 s17, v2  }
0x144: {  	s21 =	simm.s32 $0x10;
	v2 =	vadd.s32 v3, v2  }
0x145: {  	s22 =	simm.s32 $0x80;
	p1 =	por $0x1, $0x1;
	s19 =	simm.s32 $0xFFFFFFFF;
	[tilespmem:s20+$0x18800] =	vst v2  }
.LBB2_12:
0x146: {  	p2 =	sne.s32 s22, $0x1C0;
	v2 =	vld [tilespmem:s21+$0x18800];
	_ =	sdelay $0x4  }
0x147: {  	(xrf0) =	vadd.scan.msk.s32 $0xffff, v2;
	_ =	sdelay $0x5  }
.Ltmp7:
0x148: {  	v3, _, _ =	vpop (xrf0);
	s20 =	spop (v2sf);
	(pc) =	sbr.rel @p2 .LBB2_12-.Ltmp7, $4  }
0x149: {  	(v2sf) =	vpush v3, $0xF;
	s19 =	sadd.s32 s19, s20  }
0x14a: {  	v2 =	vsub.s32 s19, v2  }
0x14b: {  	v2 =	vadd.s32 v3, v2  }
0x14c: {  	[tilespmem:s21+$0x18800] =	vst v2;
	s21 =	sshra.s32 s22, $0x2;
	s22 =	sadd.s32 $0x40, s22  }
0x14d: {  	s20 =	smov.u32 s21  }
.LBB2_14:
0x14e: {  	v2 =	vld [tilespmem:s20+$0x18800];
	_ =	sdelay $0x4  }
0x14f: {  	(xrf0) =	vadd.scan.msk.s32 $0xffff, v2;
	_ =	sdelay $0x5  }
0x150: {  	v3, _, _ =	vpop (xrf0)  }
0x151: {  	(v2sf) =	vpush v3, $0xF;
	_ =	sdelay $0x4  }
0x152: {  	v4 =	vmov s18;
	s25 =	simm.s32 $0x1;
	s21 =	simm.s32 $0x7;
	s18 =	spop @p1 (v2sf)  }
0x153: {  	s26 =	simm.s32 $0x2;
	v5 =	vmov s25;
	v4 =	vand.u32 $0xFFFFFFF8, v4;
	v6 =	vmov s21;
	s18 =	sadd.s32 @p1 s19, s18  }
0x154: {  	v7 =	vmov s26;
	v4 =	vbroadcast v4, $0x0;
	v5 =	vand.u32 $0xFFFFFFF9, v5;
	s17 =	smov.u32 @p1 s18  }
0x155: {  	v8 =	vbroadcast v5, $0x0;
	v5 =	vand.u32 $0xFFFFFFFA, v7;
	v2 =	vsub.s32 s17, v2  }
0x156: {  	v9 =	vbroadcast v5, $0x0;
	v2 =	vadd.s32 v3, v2  }
0x157: {  	p1 =	por $0x1, $0x1;
	[tilespmem:s20+$0x18800] =	vst v2  }
.Ltmp8:
0x158: {  	s28 =	simm.s32 $0x3;
	v2 =	vld.idx.msk [tilespmem:v6+s12+$0x0], $0xffff;
	(pc) =	sbr.rel @!p1 .LBB2_15-.Ltmp8, $4  }
0x159: {  	s29 =	simm.s32 $0x4;
	s30 =	simm.s32 $0x5;
	v3 =	vmov s28  }
0x15a: {  	v10 =	vmov s30;
	v7 =	vmov s29;
	v3 =	vand.u32 $0xFFFFFFFB, v3;
	v5 =	vld.idx.msk [tilespmem:v4+s12+$0x0], $0xffff  }
0x15b: {  	s21 =	simm.s32 $0x6;
	v10 =	vand.u32 $0xFFFFFFFD, v10;
	v6 =	vbroadcast v3, $0x0;
	v4 =	vand.u32 $0xFFFFFFFC, v7;
	v3 =	vld.idx.msk [tilespmem:v8+s12+$0x0], $0xffff  }
0x15c: {  	s18 =	simm.s32 $0x8;
	s17 =	simm.s32 $0x18040;
	v8 =	vbroadcast v10, $0x0;
	v7 =	vbroadcast v4, $0x0;
	v4 =	vld.idx.msk [tilespmem:v9+s12+$0x0], $0xffff;
	s31 =	spop (v2sf)  }
0x15d: {  	_ =	sdelay $0x3  }
0x15e: {  	v10 =	vld.idx.msk [tilespmem:v6+s12+$0x0], $0xffff  }
0x15f: {  	v6 =	vmov s21;
	v18 =	vld [tilespmem:s17+$0x20]  }
0x160: {  	v14 =	vld [tilespmem:s17+$0xFFFFFFE0];
	v6 =	vand.u32 $0xFFFFFFFE, v6  }
0x161: {  	v16 =	vld [tilespmem:s17+$0xFFFFFFF0];
	v6 =	vbroadcast v6, $0x0  }
0x162: {  	v12 =	vld.idx.msk [tilespmem:v7+s12+$0x0], $0xffff  }
0x163: {  	v9 =	vmov s18;
	s26 =	simm.s32 $0x9;
	v7 =	vld [tilespmem:s17+$0xFFFFFFD0]  }
0x164: {  	s28 =	simm.s32 $0xA;
	v20 =	vld [tilespmem:s17+$0x0];
	v9 =	vand.u32 $0xFFFFFFF8, v9;
	v11 =	vmov s26  }
0x165: {  	s19 =	simm.s32 $0xF;
	v24 =	vld [tilespmem:s17+$0x10];
	v13 =	vmov s28;
	v19 =	vbroadcast v9, $0x0;
	v9 =	vand.u32 $0xFFFFFFF9, v11  }
0x166: {  	s29 =	simm.s32 $0xB;
	s30 =	simm.s32 $0xC;
	v8 =	vld.idx.msk [tilespmem:v8+s12+$0x0], $0xffff;
	v15 =	vmov s19;
	v21 =	vbroadcast v9, $0x0;
	v9 =	vand.u32 $0xFFFFFFFA, v13  }
0x167: {  	v17 =	vmov s30;
	v23 =	vbroadcast v9, $0x0;
	(xrf0) =	vadd.scan.msk.s32 $0xffff, v18;
	v22 =	vld.idx.msk [tilespmem:v6+s12+$0x0], $0xffff;
	v6 =	vmov s29  }
0x168: {  	s31 =	simm.s32 $0xD;
	v13 =	vsub.s32 v4, v14;
	v4 =	vand.u32 $0xFFFFFFFC, v17;
	(xrf0) =	vadd.scan.msk.s32 $0xffff, v7;
	v6 =	vand.u32 $0xFFFFFFFB, v6  }
0x169: {  	v25 =	vld [tilespmem:s17+$0xFFFFFFC0];
	p1 =	por $0x1, $0x1;
	v11 =	vsub.s32 v3, v7;
	v3 =	vmov s31;
	(xrf0) =	vadd.scan.msk.s32 $0xffff, v14;
	v6 =	vbroadcast v6, $0x0  }
.Ltmp9:
0x16a: {  	v9 =	vld [tilespmem:s17+$0x30];
	v7 =	vbroadcast v4, $0x0;
	v4 =	vand.u32 $0xFFFFFFFD, v3;
	(xrf0) =	vadd.scan.msk.s32 $0xffff, v16;
	(pc) =	sbr.rel @!p1 .LBB2_17-.Ltmp9, $4  }
0x16b: {  	v17 =	vld.idx.msk [tilespmem:v15+s12+$0x0], $0xffff;
	v15 =	vsub.s32 v10, v16;
	v10 =	vsub.s32 v8, v24;
	v8 =	vbroadcast v4, $0x0;
	(xrf0) =	vadd.scan.msk.s32 $0xffff, v20  }
0x16c: {  	v16 =	vld.idx.msk [tilespmem:v19+s12+$0x0], $0xffff  }
0x16d: {  	s21 =	simm.s32 $0xE;
	s20 =	simm.s32 $0x10;
	v14 =	vsub.s32 v12, v20;
	v3 =	vld.idx.msk [tilespmem:v21+s12+$0x0], $0xffff;
	(xrf0) =	vadd.scan.msk.s32 $0xffff, v24;
	v19, _, _ =	vpop (xrf0);
	v18 =	vsub.s32 v22, v18  }
0x16e: {  	p0 =	por $0x1, $0x1;
	s18 =	simm.s32 $0x18040;
	s19 =	simm.s32 $0x18040;
	v12 =	vsub.s32 v5, v25;
	v4 =	vld.idx.msk [tilespmem:v23+s12+$0x0], $0xffff;
	(xrf0) =	vadd.scan.msk.s32 $0xffff, v25;
	v20, _, _ =	vpop (xrf0);
	v19 =	vadd.s32 v19, v18  }
.LBB2_18:
0x16f: {  	p1 =	slt.u32 s20, $0x78;
	v5 =	vld.idx.msk [tilespmem:v6+s12+$0x0], $0xffff;
	v6 =	vmov s21;
	[tilespmem:s19+$0x20] =	vst v19;
	v18 =	vsub.s32 v2, v9;
	v2, _, _ =	vpop (xrf0);
	(xrf0) =	vadd.scan.msk.s32 $0xffff, v9  }
0x170: {  	v19 =	vld.idx.msk [tilespmem:v7+s12+$0x0], $0xffff;
	v6 =	vand.u32 $0xFFFFFFFE, v6;
	v7 =	vadd.s32 v20, v11;
	v9 =	vadd.s32 v2, v13;
	v2, _, _ =	vpop (xrf0)  }
0x171: {  	s19 =	sadd.s32 $0x80, s19;
	v20 =	vld.idx.msk [tilespmem:v8+s12+$0x0], $0xffff;
	v6 =	vbroadcast v6, $0x0;
	[tilespmem:s18+$0xFFFFFFD0] =	vst v7;
	v15 =	vadd.s32 v2, v15;
	v8, _, _ =	vpop (xrf0);
	v2 =	vmov v17  }
0x172: {  	s21 =	sadd.s32 $0x1, s20;
	s22 =	sadd.s32 $0x7, s20;
	v11 =	vmov s20;
	v22 =	vmov v16;
	v21 =	vld [tilespmem:s19+$0x20];
	[tilespmem:s18+$0xFFFFFFE0] =	vst v9;
	v23 =	vadd.s32 v8, v14  }
0x173: {  	s23 =	sadd.s32 $0x3, s20;
	v9 =	vand.u32 $0xFFFFFFF8, v11;
	v11 =	vmov s21;
	s21 =	sadd.s32 $0x2, s20;
	v14 =	vmov s22;
	v13 =	vld [tilespmem:s19+$0xFFFFFFD0];
	[tilespmem:s18+$0xFFFFFFF0] =	vst v15;
	v7, _, _ =	vpop (xrf0)  }
0x174: {  	v16 =	vmov s23;
	s22 =	sadd.s32 $0x5, s20;
	v15 =	vmov s21;
	s21 =	sadd.s32 $0x4, s20;
	v17 =	vld [tilespmem:s19+$0xFFFFFFE0];
	[tilespmem:s18+$0x0] =	vst v23;
	v25 =	vadd.s32 v7, v10;
	v8, _, _ =	vpop (xrf0)  }
0x175: {  	v10 =	vmov s21;
	v23 =	vmov s22;
	v24 =	vld [tilespmem:s19+$0xFFFFFFF0];
	v8 =	vadd.s32 v8, v12;
	[tilespmem:s18+$0x10] =	vst v25;
	v7, _, _ =	vpop (xrf0)  }
0x176: {  	v12 =	vbroadcast v9, $0x0;
	v9 =	vand.u32 $0xFFFFFFF9, v11;
	v25 =	vld [tilespmem:s19+$0x0];
	[tilespmem:s18+$0xFFFFFFC0] =	vst v8;
	v7 =	vadd.s32 v7, v18  }
0x177: {  	v18 =	vbroadcast v9, $0x0;
	v8 =	vand.u32 $0xFFFFFFFA, v15;
	v26 =	vld.idx.msk [tilespmem:v6+s12+$0x0], $0xffff;
	(xrf0) =	vadd.scan.msk.s32 $0xffff, v21;
	[tilespmem:s18+$0x30] =	vst v7;
	s18 =	smov.u32 s19  }
0x178: {  	v27 =	vbroadcast v8, $0x0;
	v6 =	vand.u32 $0xFFFFFFFB, v16;
	v11 =	vsub.s32 v3, v13;
	v28 =	vld [tilespmem:s19+$0x10];
	(xrf0) =	vadd.scan.msk.s32 $0xffff, v13  }
0x179: {  	v6 =	vbroadcast v6, $0x0;
	v3 =	vand.u32 $0xFFFFFFFC, v10;
	v29 =	vld [tilespmem:s19+$0xFFFFFFC0];
	v13 =	vsub.s32 v4, v17;
	(xrf0) =	vadd.scan.msk.s32 $0xffff, v17  }
.Ltmp10:
0x17a: {  	v7 =	vbroadcast v3, $0x0;
	v3 =	vand.u32 $0xFFFFFFFD, v23;
	v15 =	vsub.s32 v5, v24;
	v9 =	vld [tilespmem:s19+$0x30];
	(xrf0) =	vadd.scan.msk.s32 $0xffff, v24;
	(pc) =	sbr.rel @p1 .LBB2_18-.Ltmp10, $4  }
0x17b: {  	v8 =	vbroadcast v3, $0x0;
	v17 =	vld.idx.msk [tilespmem:v14+s12+$0x0], $0xffff;
	v14 =	vsub.s32 v19, v25;
	(xrf0) =	vadd.scan.msk.s32 $0xffff, v25  }
0x17c: {  	v16 =	vld.idx.msk [tilespmem:v12+s12+$0x0], $0xffff  }
0x17d: {  	v5 =	vsub.s32 v26, v21;
	v3 =	vld.idx.msk [tilespmem:v18+s12+$0x0], $0xffff;
	v10 =	vsub.s32 v20, v28;
	(xrf0) =	vadd.scan.msk.s32 $0xffff, v28;
	v18, _, _ =	vpop (xrf0)  }
0x17e: {  	s21 =	sadd.s32 $0x6, s20;
	s20 =	sadd.s32 $0x8, s20;
	v4 =	vld.idx.msk [tilespmem:v27+s12+$0x0], $0xffff;
	v12 =	vsub.s32 v22, v29;
	v19 =	vadd.s32 v18, v5;
	(xrf0) =	vadd.scan.msk.s32 $0xffff, v29;
	v20, _, _ =	vpop (xrf0)  }
0x17f: {  	_ =	sdelay $0x1  }
0x180: {  	v18 =	vmov v2;
	v2 =	vmov v17;
	v5 =	vmov v16  }
.LBB2_20:
0x181: {  	s20 =	sadd.s32 @p0 $0x80, s19  }
0x182: {  	s17 =	smov.u32 @p0 s20  }
0x183: {  	v17 =	vld [tilespmem:s17+$0x20]  }
0x184: {  	[tilespmem:s19+$0x20] =	vst @p0 v19;
	v19, _, _ =	vpop @p0 (xrf0);
	v21 =	vld [tilespmem:s17+$0xFFFFFFD0]  }
0x185: {  	v13 =	vadd.s32 @p0 v19, v13;
	v19, _, _ =	vpop @p0 (xrf0);
	v22 =	vld [tilespmem:s17+$0xFFFFFFE0]  }
0x186: {  	v23 =	vld [tilespmem:s17+$0xFFFFFFF0];
	v15 =	vadd.s32 @p0 v19, v15  }
0x187: {  	(xrf0) =	vadd.scan.msk.s32 @p0 $0xffff, v9  }
0x188: {  	v19, _, _ =	vpop @p0 (xrf0);
	(xrf0) =	vadd.scan.msk.s32 $0xffff, v17  }
0x189: {  	v16 =	vmov s21;
	v24 =	vld [tilespmem:s17+$0x0];
	v14 =	vadd.s32 @p0 v19, v14;
	[tilespmem:s18+$0xFFFFFFF0] =	vst @p0 v15;
	v15, _, _ =	vpop @p0 (xrf0);
	(xrf0) =	vadd.scan.msk.s32 $0xffff, v21  }
0x18a: {  	v16 =	vand.u32 $0xFFFFFFFE, v16;
	v43 =	vld [tilespmem:s17+$0x10];
	v10 =	vadd.s32 @p0 v15, v10;
	(xrf0) =	vadd.scan.msk.s32 $0xffff, v22  }
0x18b: {  	v16 =	vbroadcast v16, $0x0;
	(xrf0) =	vadd.scan.msk.s32 $0xffff, v23  }
0x18c: {  	v6 =	vld.idx.msk [tilespmem:v6+s12+$0x0], $0xffff;
	[tilespmem:s18+$0x0] =	vst @p0 v14;
	v14, _, _ =	vpop @p0 (xrf0)  }
0x18d: {  	v44 =	vld [tilespmem:s17+$0xFFFFFFC0];
	[tilespmem:s18+$0x10] =	vst @p0 v10;
	v10, _, _ =	vpop @p0 (xrf0)  }
0x18e: {  	v11 =	vadd.s32 @p0 v20, v11;
	v45 =	vld [tilespmem:s17+$0x30];
	(xrf0) =	vadd.scan.msk.s32 $0xffff, v24;
	v47, _, _ =	vpop (xrf0)  }
0x18f: {  	v7 =	vld.idx.msk [tilespmem:v7+s12+$0x0], $0xffff;
	[tilespmem:s18+$0xFFFFFFD0] =	vst @p0 v11;
	(xrf0) =	vadd.scan.msk.s32 $0xffff, v43;
	v49, _, _ =	vpop (xrf0)  }
0x190: {  	v8 =	vld.idx.msk [tilespmem:v8+s12+$0x0], $0xffff;
	[tilespmem:s18+$0xFFFFFFE0] =	vst @p0 v13;
	v12 =	vadd.s32 @p0 v14, v12;
	v50, _, _ =	vpop (xrf0)  }
0x191: {  	v3 =	vsub.s32 v3, v21;
	v4 =	vsub.s32 v4, v22;
	v6 =	vsub.s32 v6, v23;
	v16 =	vld.idx.msk [tilespmem:v16+s12+$0x0], $0xffff;
	v51, _, _ =	vpop (xrf0)  }
0x192: {  	[tilespmem:s18+$0xFFFFFFC0] =	vst @p0 v12;
	(xrf0) =	vadd.scan.msk.s32 $0xffff, v44;
	v3 =	vadd.s32 v49, v3;
	v6 =	vadd.s32 v51, v6  }
0x193: {  	(xrf0) =	vadd.scan.msk.s32 $0xffff, v45;
	v4 =	vadd.s32 v50, v4;
	[tilespmem:s17+$0xFFFFFFD0] =	vst v3  }
0x194: {  	v3 =	vsub.s32 v7, v24;
	v7, _, _ =	vpop (xrf0);
	[tilespmem:s17+$0xFFFFFFE0] =	vst v4  }
0x195: {  	v9 =	vsub.s32 @p0 v18, v9;
	v4 =	vsub.s32 v8, v43;
	v3 =	vadd.s32 v7, v3;
	[tilespmem:s17+$0xFFFFFFF0] =	vst v6;
	v6, _, _ =	vpop (xrf0)  }
0x196: {  	v9 =	vadd.s32 @p0 v10, v9;
	v46 =	vsub.s32 v16, v17;
	[tilespmem:s17+$0x0] =	vst v3;
	v3 =	vadd.s32 v6, v4  }
0x197: {  	[tilespmem:s18+$0x30] =	vst @p0 v9;
	v48 =	vadd.s32 v47, v46  }
0x198: {  	v5 =	vsub.s32 v5, v44;
	[tilespmem:s17+$0x20] =	vst v48;
	v4, _, _ =	vpop (xrf0)  }
0x199: {  	v2 =	vsub.s32 v2, v45;
	v4 =	vadd.s32 v4, v5;
	[tilespmem:s17+$0x10] =	vst v3;
	v3, _, _ =	vpop (xrf0)  }
0x19a: {  	[tilespmem:s17+$0xFFFFFFC0] =	vst v4;
	v2 =	vadd.s32 v3, v2  }
0x19b: {  	s31 =	simm.s32 $0x18020;
	[tilespmem:s17+$0x30] =	vst v2  }
0x19c: {  	v2 =	vld [tilespmem:s31+$0xFFFFFFE0]  }
0x19d: {  	v3 =	vld [tilespmem:s31+$0xFFFFFFF0]  }
0x19e: {  	v4 =	vld [tilespmem:s31+$0x0]  }
0x19f: {  	v5 =	vld [tilespmem:s31+$0x10]  }
0x1a0: {  	s18 =	simm.s32 $0x16000  }
0x1a1: {  	[tilespmem:s18+$0xFFFFE000] =	vst v2  }
0x1a2: {  	s17 =	simm.s32 $0x12000;
	[tilespmem:s18+$0xFFFFE010] =	vst v3  }
0x1a3: {  	[tilespmem:s18+$0xFFFFE020] =	vst v4;
	v6 =	vld [tilespmem:s17+$0xFFFFE000]  }
0x1a4: {  	[tilespmem:s18+$0xFFFFE030] =	vst v5;
	v7 =	vld [tilespmem:s17+$0xFFFFE010]  }
0x1a5: {  	[tilespmem:s17+$0xFFFFE010] =	vst v0;
	v52 =	vld [tilespmem:s17+$0xFFFFE020]  }
0x1a6: {  	[tilespmem:s17+$0xFFFFE000] =	vst v0  }
0x1a7: {  	[tilespmem:s17+$0xFFFFE020] =	vst v0  }
0x1a8: {  	v2 =	vadd.s32 v2, v6;
	v6 =	vld [tilespmem:s17+$0xFFFFE030];
	[tilespmem:s17+$0xFFFFE030] =	vst v0  }
0x1a9: {  	v3 =	vadd.s32 v3, v7;
	[tilespmem:s18+$0xFFFFE800] =	vst v2  }
0x1aa: {  	v4 =	vadd.s32 v4, v52;
	[tilespmem:s18+$0xFFFFE810] =	vst v3  }
0x1ab: {  	[tilespmem:s18+$0xFFFFE820] =	vst v4;
	v7 =	vld [tilespmem:s17+$0xFFFFE800]  }
0x1ac: {  	[tilespmem:s17+$0xFFFFE800] =	vst v0;
	v53 =	vld [tilespmem:s17+$0xFFFFE810]  }
0x1ad: {  	[tilespmem:s17+$0xFFFFE810] =	vst v0  }
0x1ae: {  	v5 =	vadd.s32 v5, v6;
	v6 =	vld [tilespmem:s17+$0xFFFFE820];
	[tilespmem:s17+$0xFFFFE820] =	vst v0  }
0x1af: {  	[tilespmem:s18+$0xFFFFE830] =	vst v5  }
0x1b0: {  	v2 =	vadd.s32 v2, v7;
	v7 =	vld [tilespmem:s17+$0xFFFFE830];
	[tilespmem:s17+$0xFFFFE830] =	vst v0  }
0x1b1: {  	v3 =	vadd.s32 v3, v53;
	[tilespmem:s18+$0xFFFFF000] =	vst v2  }
0x1b2: {  	[tilespmem:s18+$0xFFFFF010] =	vst v3  }
0x1b3: {  	v54 =	vld [tilespmem:s17+$0xFFFFF000];
	[tilespmem:s17+$0xFFFFF000] =	vst v0  }
0x1b4: {  	v55 =	vld [tilespmem:s17+$0xFFFFF010];
	[tilespmem:s17+$0xFFFFF010] =	vst v0;
	v4 =	vadd.s32 v4, v6  }
0x1b5: {  	[tilespmem:s18+$0xFFFFF020] =	vst v4;
	v5 =	vadd.s32 v5, v7  }
0x1b6: {  	v6 =	vld [tilespmem:s17+$0xFFFFF020];
	[tilespmem:s18+$0xFFFFF030] =	vst v5  }
0x1b7: {  	[tilespmem:s17+$0xFFFFF020] =	vst v0;
	v7 =	vld [tilespmem:s17+$0xFFFFF030]  }
0x1b8: {  	v2 =	vadd.s32 v2, v54;
	[tilespmem:s17+$0xFFFFF030] =	vst v0  }
0x1b9: {  	v3 =	vadd.s32 v3, v55;
	[tilespmem:s18+$0xFFFFF800] =	vst v2  }
0x1ba: {  	[tilespmem:s18+$0xFFFFF810] =	vst v3;
	v56 =	vld [tilespmem:s17+$0xFFFFF800]  }
0x1bb: {  	[tilespmem:s17+$0xFFFFF800] =	vst v0;
	v4 =	vadd.s32 v4, v6  }
0x1bc: {  	[tilespmem:s18+$0xFFFFF820] =	vst v4;
	v5 =	vadd.s32 v5, v7;
	v7 =	vld [tilespmem:s17+$0xFFFFF810]  }
0x1bd: {  	[tilespmem:s17+$0xFFFFF810] =	vst v0  }
0x1be: {  	[tilespmem:s18+$0xFFFFF830] =	vst v5  }
0x1bf: {  	v2 =	vadd.s32 v2, v56;
	v57 =	vld [tilespmem:s17+$0xFFFFF830];
	[tilespmem:s17+$0xFFFFF830] =	vst v0  }
0x1c0: {  	[tilespmem:s18+$0x0] =	vst v2  }
0x1c1: {  	v6 =	vld [tilespmem:s17+$0x0];
	[tilespmem:s17+$0x0] =	vst v0;
	v3 =	vadd.s32 v3, v7  }
0x1c2: {  	v7 =	vld [tilespmem:s17+$0xFFFFF820];
	[tilespmem:s18+$0x10] =	vst v3  }
0x1c3: {  	[tilespmem:s17+$0xFFFFF820] =	vst v0;
	v58 =	vld [tilespmem:s17+$0x10]  }
0x1c4: {  	v5 =	vadd.s32 v5, v57;
	[tilespmem:s17+$0x10] =	vst v0  }
0x1c5: {  	[tilespmem:s18+$0x30] =	vst v5  }
0x1c6: {  	v59 =	vld [tilespmem:s17+$0x30];
	[tilespmem:s17+$0x30] =	vst v0;
	v2 =	vadd.s32 v2, v6  }
0x1c7: {  	[tilespmem:s18+$0x800] =	vst v2;
	v4 =	vadd.s32 v4, v7  }
0x1c8: {  	[tilespmem:s18+$0x20] =	vst v4;
	v61 =	vld [tilespmem:s17+$0x800];
	v3 =	vadd.s32 v3, v58  }
0x1c9: {  	v6 =	vld [tilespmem:s17+$0x20];
	[tilespmem:s18+$0x810] =	vst v3  }
0x1ca: {  	[tilespmem:s17+$0x800] =	vst v0;
	v7 =	vld [tilespmem:s17+$0x810]  }
0x1cb: {  	[tilespmem:s17+$0x20] =	vst v0  }
0x1cc: {  	v5 =	vadd.s32 v5, v59;
	[tilespmem:s17+$0x810] =	vst v0  }
0x1cd: {  	[tilespmem:s18+$0x830] =	vst v5  }
0x1ce: {  	v60 =	vld [tilespmem:s17+$0x830];
	[tilespmem:s17+$0x830] =	vst v0;
	v4 =	vadd.s32 v4, v6  }
0x1cf: {  	[tilespmem:s18+$0x820] =	vst v4;
	v3 =	vadd.s32 v3, v7  }
0x1d0: {  	v62 =	vadd.s32 v2, v61;
	v6 =	vld [tilespmem:s17+$0x820];
	[tilespmem:s18+$0x1010] =	vst v3  }
0x1d1: {  	[tilespmem:s18+$0x1000] =	vst v62;
	v7 =	vld [tilespmem:s17+$0x1010]  }
0x1d2: {  	[tilespmem:s17+$0x820] =	vst v0  }
0x1d3: {  	v5 =	vadd.s32 v5, v60;
	[tilespmem:s17+$0x1010] =	vst v0  }
0x1d4: {  	[tilespmem:s18+$0x1030] =	vst v5  }
0x1d5: {  	v63 =	vld [tilespmem:s17+$0x1030];
	[tilespmem:s17+$0x1030] =	vst v0;
	v2 =	vadd.s32 v4, v6  }
0x1d6: {  	v4 =	vld [tilespmem:s17+$0x1000];
	[tilespmem:s18+$0x1020] =	vst v2;
	v3 =	vadd.s32 v3, v7  }
0x1d7: {  	[tilespmem:s18+$0x1810] =	vst v3;
	v3 =	vld [tilespmem:s17+$0x1020]  }
0x1d8: {  	[tilespmem:s17+$0x1000] =	vst v0  }
0x1d9: {  	[tilespmem:s17+$0x1020] =	vst v0  }
0x1da: {  	s22 =	simm.s32 $0x18060;
	v5 =	vadd.s32 v5, v63;
	[tilespmem:s17+$0x1810] =	vst v0  }
0x1db: {  	s23 =	simm.s32 $0x12000;
	s21 =	simm.s32 $0x16000;
	s20 =	simm.s32 $0x0;
	[tilespmem:s18+$0x1830] =	vst v5;
	v4 =	vadd.s32 v62, v4  }
.LBB2_21:
0x1dc: {  	v5 =	vld [tilespmem:s22+$0xFFFFFFE0];
	s20 =	sadd.s32 $0x4, s20;
	v2 =	vadd.s32 v2, v3;
	[tilespmem:s17+$0x1830] =	vst v0;
	s18 =	sadd.s32 $0x40, s18;
	s23 =	sadd.s32 $0x40, s23  }
0x1dd: {  	v3 =	vld [tilespmem:s22+$0xFFFFFFF0];
	p0 =	slt.u32 s20, $0x7C;
	[tilespmem:s21+$0x1800] =	vst v4  }
0x1de: {  	v4 =	vld [tilespmem:s22+$0x0];
	[tilespmem:s21+$0x1820] =	vst v2;
	s21 =	smov.u32 s18  }
0x1df: {  	v2 =	vld [tilespmem:s22+$0x10];
	[tilespmem:s17+$0x1820] =	vst v0  }
0x1e0: {  	[tilespmem:s17+$0x1800] =	vst v0;
	s17 =	smov.u32 s23  }
0x1e1: {  	[tilespmem:s18+$0xFFFFE000] =	vst v5  }
0x1e2: {  	v6 =	vld [tilespmem:s23+$0xFFFFE000];
	[tilespmem:s18+$0xFFFFE010] =	vst v3  }
0x1e3: {  	v7 =	vld [tilespmem:s23+$0xFFFFE010];
	[tilespmem:s18+$0xFFFFE020] =	vst v4  }
0x1e4: {  	[tilespmem:s23+$0xFFFFE010] =	vst v0;
	v8 =	vld [tilespmem:s23+$0xFFFFE020]  }
0x1e5: {  	[tilespmem:s18+$0xFFFFE030] =	vst v2  }
0x1e6: {  	[tilespmem:s23+$0xFFFFE000] =	vst v0;
	v9 =	vld [tilespmem:s23+$0xFFFFE030]  }
0x1e7: {  	v5 =	vadd.s32 v5, v6;
	[tilespmem:s23+$0xFFFFE020] =	vst v0  }
0x1e8: {  	[tilespmem:s18+$0xFFFFE800] =	vst v5;
	v3 =	vadd.s32 v3, v7  }
0x1e9: {  	v6 =	vld [tilespmem:s23+$0xFFFFE800];
	[tilespmem:s18+$0xFFFFE810] =	vst v3;
	v4 =	vadd.s32 v4, v8  }
0x1ea: {  	[tilespmem:s23+$0xFFFFE800] =	vst v0;
	v7 =	vld [tilespmem:s23+$0xFFFFE810]  }
0x1eb: {  	[tilespmem:s18+$0xFFFFE820] =	vst v4;
	v2 =	vadd.s32 v2, v9  }
0x1ec: {  	[tilespmem:s23+$0xFFFFE030] =	vst v0  }
0x1ed: {  	[tilespmem:s23+$0xFFFFE810] =	vst v0  }
0x1ee: {  	v5 =	vadd.s32 v5, v6;
	v6 =	vld [tilespmem:s23+$0xFFFFE820];
	[tilespmem:s18+$0xFFFFE830] =	vst v2  }
0x1ef: {  	[tilespmem:s18+$0xFFFFF000] =	vst v5;
	v3 =	vadd.s32 v3, v7;
	v7 =	vld [tilespmem:s23+$0xFFFFE830]  }
0x1f0: {  	v8 =	vld [tilespmem:s23+$0xFFFFF000];
	[tilespmem:s18+$0xFFFFF010] =	vst v3  }
0x1f1: {  	v9 =	vld [tilespmem:s23+$0xFFFFF010];
	[tilespmem:s23+$0xFFFFE820] =	vst v0  }
0x1f2: {  	[tilespmem:s23+$0xFFFFF000] =	vst v0  }
0x1f3: {  	[tilespmem:s23+$0xFFFFF010] =	vst v0  }
0x1f4: {  	v2 =	vadd.s32 v2, v7;
	[tilespmem:s23+$0xFFFFE830] =	vst v0  }
0x1f5: {  	v5 =	vadd.s32 v5, v8;
	[tilespmem:s18+$0xFFFFF030] =	vst v2  }
0x1f6: {  	[tilespmem:s18+$0xFFFFF800] =	vst v5;
	v3 =	vadd.s32 v3, v9;
	v7 =	vld [tilespmem:s23+$0xFFFFF030]  }
0x1f7: {  	v4 =	vadd.s32 v4, v6;
	v8 =	vld [tilespmem:s23+$0xFFFFF800];
	[tilespmem:s18+$0xFFFFF810] =	vst v3  }
0x1f8: {  	[tilespmem:s18+$0xFFFFF020] =	vst v4  }
0x1f9: {  	[tilespmem:s23+$0xFFFFF800] =	vst v0;
	v6 =	vld [tilespmem:s23+$0xFFFFF020]  }
0x1fa: {  	[tilespmem:s23+$0xFFFFF020] =	vst v0  }
0x1fb: {  	v2 =	vadd.s32 v2, v7;
	[tilespmem:s23+$0xFFFFF030] =	vst v0  }
0x1fc: {  	v5 =	vadd.s32 v5, v8;
	v7 =	vld [tilespmem:s23+$0xFFFFF810];
	[tilespmem:s18+$0xFFFFF830] =	vst v2  }
0x1fd: {  	[tilespmem:s18+$0x0] =	vst v5;
	v8 =	vld [tilespmem:s23+$0xFFFFF830]  }
0x1fe: {  	v9 =	vld [tilespmem:s23+$0x0];
	v4 =	vadd.s32 v4, v6;
	[tilespmem:s23+$0xFFFFF830] =	vst v0  }
0x1ff: {  	[tilespmem:s23+$0xFFFFF810] =	vst v0  }
0x200: {  	[tilespmem:s18+$0xFFFFF820] =	vst v4  }
0x201: {  	[tilespmem:s23+$0x0] =	vst v0;
	v3 =	vadd.s32 v3, v7  }
0x202: {  	[tilespmem:s18+$0x10] =	vst v3;
	v6 =	vld [tilespmem:s23+$0xFFFFF820];
	v2 =	vadd.s32 v2, v8  }
0x203: {  	v7 =	vld [tilespmem:s23+$0x10];
	[tilespmem:s18+$0x30] =	vst v2  }
0x204: {  	[tilespmem:s23+$0x10] =	vst v0;
	v8 =	vld [tilespmem:s23+$0x30]  }
0x205: {  	[tilespmem:s23+$0x30] =	vst v0  }
0x206: {  	v5 =	vadd.s32 v5, v9;
	[tilespmem:s23+$0xFFFFF820] =	vst v0  }
0x207: {  	[tilespmem:s18+$0x800] =	vst v5;
	v4 =	vadd.s32 v4, v6  }
0x208: {  	v6 =	vld [tilespmem:s23+$0x800];
	v3 =	vadd.s32 v3, v7;
	[tilespmem:s18+$0x20] =	vst v4  }
0x209: {  	[tilespmem:s18+$0x810] =	vst v3;
	v7 =	vld [tilespmem:s23+$0x20];
	v2 =	vadd.s32 v2, v8  }
0x20a: {  	v8 =	vld [tilespmem:s23+$0x810];
	[tilespmem:s18+$0x830] =	vst v2  }
0x20b: {  	[tilespmem:s23+$0x810] =	vst v0;
	v9 =	vld [tilespmem:s23+$0x830]  }
0x20c: {  	[tilespmem:s23+$0x830] =	vst v0  }
0x20d: {  	v5 =	vadd.s32 v5, v6;
	[tilespmem:s23+$0x20] =	vst v0  }
0x20e: {  	[tilespmem:s23+$0x800] =	vst v0;
	v4 =	vadd.s32 v4, v7  }
0x20f: {  	v3 =	vadd.s32 v3, v8;
	[tilespmem:s18+$0x820] =	vst v4  }
0x210: {  	[tilespmem:s18+$0x1010] =	vst v3;
	v6 =	vld [tilespmem:s23+$0x820];
	v7 =	vadd.s32 v2, v9  }
0x211: {  	v8 =	vld [tilespmem:s23+$0x1010];
	[tilespmem:s18+$0x1030] =	vst v7  }
0x212: {  	[tilespmem:s23+$0x1010] =	vst v0;
	v9 =	vld [tilespmem:s23+$0x1030]  }
0x213: {  	[tilespmem:s18+$0x1000] =	vst v5  }
0x214: {  	v10 =	vld [tilespmem:s23+$0x1000];
	[tilespmem:s23+$0x820] =	vst v0  }
0x215: {  	v2 =	vadd.s32 v4, v6;
	[tilespmem:s23+$0x1030] =	vst v0  }
0x216: {  	v3 =	vadd.s32 v3, v8;
	[tilespmem:s18+$0x1020] =	vst v2  }
.Ltmp11:
0x217: {  	[tilespmem:s18+$0x1810] =	vst v3;
	v3 =	vld [tilespmem:s23+$0x1020];
	v6 =	vadd.s32 v7, v9;
	(pc) =	sbr.rel @p0 .LBB2_21-.Ltmp11, $4  }
0x218: {  	[tilespmem:s23+$0x1020] =	vst v0  }
0x219: {  	v4 =	vadd.s32 v5, v10;
	[tilespmem:s23+$0x1810] =	vst v0  }
0x21a: {  	[tilespmem:s18+$0x1830] =	vst v6  }
0x21b: {  	s19 =	simm.s32 $0x0;
	s22 =	sadd.s32 $0x40, s22;
	[tilespmem:s23+$0x1000] =	vst v0  }
0x21c: {  	[tilespmem:s17+$0x1830] =	vst v0  }
0x21d: {  	v2 =	vadd.s32 v2, v3;
	[tilespmem:s21+$0x1800] =	vst v4  }
0x21e: {  	[tilespmem:s21+$0x1820] =	vst v2  }
0x21f: {  	[tilespmem:s17+$0x1800] =	vst v0  }
0x220: {  	[tilespmem:s17+$0x1820] =	vst v0  }
0x221: {  	v2 =	vld [tilespmem:s19+$0x0];
	_ =	sdelay $0x4  }
0x222: {  	v4 =	vshra.s32 v2, $0x1F  }
0x223: {  	v4 =	vor.u32 $0x80000000, v4  }
0x224: {  	v19 =	vxor.u32 v2, v4  }
0x225: {  	s17 =	sand.u32 $0xFF0, s19;
	v13 =	vand.u32 $0x7FF, v19  }
0x226: {  	v3 =	vld [tilespmem:s17+$0x2000];
	(xrf1) =	vunique.msk.u32 $0xffff, v13;
	_ =	sdelay $0x1  }
0x227: {  	v5 =	vld [tilespmem:s17+$0x1000];
	_ =	sdelay $0x1  }
0x228: {  	v4 =	vld [tilespmem:s17+$0x3000]  }
0x229: {  	v2 =	vshra.s32 v3, $0x1F  }
0x22a: {  	v2 =	vor.u32 $0x80000000, v2  }
0x22b: {  	v7 =	vld [tilespmem:s17+$0x7000];
	v6 =	vshra.s32 v5, $0x1F;
	v2 =	vxor.u32 v3, v2  }
0x22c: {  	v3 =	vor.u32 $0x80000000, v6;
	v6 =	vand.u32 $0x7FF, v2  }
0x22d: {  	v3 =	vxor.u32 v5, v3;
	v5 =	vor.u32 $0x1000, v6;
	v6 =	vshra.s32 v4, $0x1F  }
0x22e: {  	v8 =	vld [tilespmem:s17+$0x6000];
	v9 =	vand.u32 $0x7FF, v3;
	(xrf1) =	vunique.msk.u32 $0xffff, v5;
	v6 =	vor.u32 $0x80000000, v6  }
0x22f: {  	v9 =	vor.u32 $0x800, v9;
	v4 =	vxor.u32 v4, v6  }
0x230: {  	v11 =	vshra.s32 v7, $0x1F;
	(xrf1) =	vunique.msk.u32 $0xffff, v9;
	v6 =	vand.u32 $0xF80, v9;
	v9 =	vand.u32 $0x7FF, v4  }
0x231: {  	v10 =	vand.u32 $0x7F, v2;
	v5 =	vand.u32 $0x1780, v5;
	v14 =	vor.u32 $0x1800, v9  }
0x232: {  	v15 =	vld [tilespmem:s17+$0x5000];
	v11 =	vor.u32 $0x80000000, v11;
	v17 =	vand.u32 $0x7F, v4;
	v9 =	vor.u32 v10, v5;
	_, v21, vm1 =	vpop (xrf1);
	(xrf1) =	vunique.msk.u32 $0xffff, v14  }
0x233: {  	v18 =	vld [tilespmem:s17+$0x4000];
	v5 =	vxor.u32 v7, v11;
	v7 =	vand.u32 $0x7F, v3;
	v10 =	vshra.s32 v8, $0x1F  }
0x234: {  	v16 =	vld.idx.msk [tilespmem:v13+s13+$0x0], $0xffff;
	v11 =	vand.u32 $0x1F80, v14;
	v10 =	vor.u32 $0x80000000, v10;
	v20 =	vand.u32 $0x7FF, v5  }
0x235: {  	v12 =	vor.u32 v7, v6;
	v6 =	vxor.u32 v8, v10;
	v7 =	vor.u32 $0x3800, v20  }
0x236: {  	v11 =	vor.u32 v17, v11;
	v8 =	vand.u32 $0x7FF, v6;
	(xrf1) =	vunique.msk.u32 $0xffff, v7  }
0x237: {  	v17 =	vand.u32 $0x3F80, v7;
	v20 =	vor.u32 $0x3000, v8;
	v8 =	vshra.s32 v15, $0x1F  }
0x238: {  	v22 =	vand.u32 $0x7F, v6;
	v10 =	vand.u32 $0x3780, v20;
	v8 =	vor.u32 $0x80000000, v8;
	(xrf1) =	vunique.msk.u32 $0xffff, v20  }
0x239: {  	v23 =	vld.idx.msk [tilespmem:v9+s13+$0x0], $0xffff;
	v10 =	vor.u32 v22, v10;
	v21 =	vadd.s32 v16, v21;
	v16 =	vshra.s32 v18, $0x1F  }
0x23a: {  	v8 =	vxor.u32 v15, v8;
	v14 =	vand.u32 $0x7F, v5;
	v15 =	vor.u32 $0x80000000, v16  }
0x23b: {  	v62 =	vand.u32 $0x7FF, v8;
	v14 =	vor.u32 v14, v17;
	v16 =	vld.idx.msk [tilespmem:v12+s13+$0x0], $0xffff;
	v7 =	vxor.u32 v18, v15  }
0x23c: {  	v17 =	vor.u32 $0x2800, v62;
	v20 =	vand.u32 $0x7F, v8;
	v15 =	vld.idx.msk [tilespmem:v11+s13+$0x0], $0xffff;
	_, v63, vm0 =	vpop (xrf1);
	v18 =	vand.u32 $0x7FF, v7  }
0x23d: {  	s18 =	simm.s32 $0x8000;
	v24 =	vand.u32 $0x2F80, v17;
	(xrf1) =	vunique.msk.u32 $0xffff, v17;
	v18 =	vor.u32 $0x2000, v18;
	[tilespmem:v13+s13+$0x0] =	vst.idx.msk vm1, v21  }
0x23e: {  	s20 =	simm.s32 $0x10;
	v17 =	vadd.s32 v23, v63;
	v13 =	vor.u32 v20, v24;
	[tilespmem:v21+s18+$0x0] =	vst.idx.msk $0xffff, v19;
	_, v19, vm1 =	vpop (xrf1);
	(xrf1) =	vunique.msk.u32 $0xffff, v18  }
.LBB2_23:
0x23f: {  	p0 =	sne.s32 s20, $0xFF0  }
0x240: {  	v16 =	vadd.s32 v16, v19;
	v19 =	vld.idx.msk [tilespmem:v14+s13+$0x0], $0xffff;
	s19 =	sadd.s32 $0x10, s19;
	_, v20, vm2 =	vpop (xrf1);
	s21 =	smov.u32 s20;
	s20 =	sadd.s32 $0x10, s20  }
0x241: {  	v18 =	vand.u32 $0x2780, v18;
	s21 =	sand.u32 $0xFF0, s21;
	v15 =	vadd.s32 v15, v20;
	v20 =	vand.u32 $0x7F, v7;
	v21 =	vld.idx.msk [tilespmem:v10+s13+$0x0], $0xffff  }
0x242: {  	v22 =	vld [tilespmem:s19+$0x0];
	[tilespmem:v9+s13+$0x0] =	vst.idx.msk vm0, v17;
	v18 =	vor.u32 v20, v18  }
0x243: {  	[tilespmem:v17+s18+$0x0] =	vst.idx.msk $0xffff, v2;
	v9 =	vld.idx.msk [tilespmem:v13+s13+$0x0], $0xffff  }
0x244: {  	v2 =	vld [tilespmem:s21+$0x2000];
	_, v17, vm0 =	vpop (xrf1)  }
0x245: {  	[tilespmem:v12+s13+$0x0] =	vst.idx.msk vm1, v16  }
0x246: {  	[tilespmem:v16+s18+$0x0] =	vst.idx.msk $0xffff, v3;
	v3 =	vadd.s32 v19, v17;
	_, v12, vm1 =	vpop (xrf1)  }
0x247: {  	v16 =	vshra.s32 v22, $0x1F;
	v17 =	vld [tilespmem:s21+$0x1000];
	[tilespmem:v11+s13+$0x0] =	vst.idx.msk vm2, v15  }
0x248: {  	v11 =	vor.u32 $0x80000000, v16;
	[tilespmem:v15+s18+$0x0] =	vst.idx.msk $0xffff, v4;
	v15 =	vld.idx.msk [tilespmem:v18+s13+$0x0], $0xffff;
	v4 =	vadd.s32 v21, v12  }
0x249: {  	v19 =	vxor.u32 v22, v11;
	v11 =	vld [tilespmem:s21+$0x3000]  }
0x24a: {  	v12 =	vshra.s32 v2, $0x1F;
	v20 =	vand.u32 $0x7FF, v19;
	[tilespmem:v14+s13+$0x0] =	vst.idx.msk vm0, v3  }
0x24b: {  	v12 =	vor.u32 $0x80000000, v12;
	(xrf1) =	vunique.msk.u32 $0xffff, v20;
	[tilespmem:v3+s18+$0x0] =	vst.idx.msk $0xffff, v5;
	_, v3, vm0 =	vpop (xrf1)  }
0x24c: {  	v2 =	vxor.u32 v2, v12;
	v5 =	vshra.s32 v17, $0x1F;
	v12 =	vld [tilespmem:s21+$0x7000];
	v9 =	vadd.s32 v9, v3;
	[tilespmem:v10+s13+$0x0] =	vst.idx.msk vm1, v4  }
0x24d: {  	v10 =	vand.u32 $0x7F, v2;
	v3 =	vor.u32 $0x80000000, v5;
	v5 =	vand.u32 $0x7FF, v2;
	[tilespmem:v4+s18+$0x0] =	vst.idx.msk $0xffff, v6;
	_, v6, vm1 =	vpop (xrf1)  }
0x24e: {  	v3 =	vxor.u32 v17, v3;
	v4 =	vor.u32 $0x1000, v5;
	v5 =	vshra.s32 v11, $0x1F;
	v14 =	vld [tilespmem:s21+$0x6000]  }
0x24f: {  	v16 =	vand.u32 $0x7FF, v3;
	v17 =	vand.u32 $0x1780, v4;
	v5 =	vor.u32 $0x80000000, v5;
	(xrf1) =	vunique.msk.u32 $0xffff, v4  }
0x250: {  	v6 =	vadd.s32 v15, v6;
	v16 =	vor.u32 $0x800, v16;
	v4 =	vxor.u32 v11, v5  }
0x251: {  	v11 =	vand.u32 $0xF80, v16;
	v5 =	vand.u32 $0x7FF, v4;
	v15 =	vshra.s32 v12, $0x1F;
	[tilespmem:v13+s13+$0x0] =	vst.idx.msk vm0, v9  }
0x252: {  	v13 =	vor.u32 $0x1800, v5;
	v5 =	vor.u32 $0x80000000, v15;
	(xrf1) =	vunique.msk.u32 $0xffff, v16;
	[tilespmem:v9+s18+$0x0] =	vst.idx.msk $0xffff, v8  }
0x253: {  	v9 =	vor.u32 v10, v17;
	v5 =	vxor.u32 v12, v5;
	(xrf1) =	vunique.msk.u32 $0xffff, v13;
	[tilespmem:v18+s13+$0x0] =	vst.idx.msk vm1, v6  }
0x254: {  	v8 =	vand.u32 $0x7F, v3;
	v10 =	vand.u32 $0x1F80, v13;
	v12 =	vshra.s32 v14, $0x1F;
	v13 =	vld [tilespmem:s21+$0x5000]  }
0x255: {  	v16 =	vand.u32 $0x7F, v4;
	v17 =	vor.u32 $0x80000000, v12;
	v18 =	vand.u32 $0x7FF, v5;
	v15 =	vld.idx.msk [tilespmem:v20+s13+$0x0], $0xffff;
	[tilespmem:v6+s18+$0x0] =	vst.idx.msk $0xffff, v7  }
0x256: {  	v12 =	vor.u32 v8, v11;
	v6 =	vxor.u32 v14, v17;
	v8 =	vor.u32 $0x3800, v18;
	v7 =	vld [tilespmem:s21+$0x4000]  }
0x257: {  	v11 =	vor.u32 v16, v10;
	v10 =	vand.u32 $0x7FF, v6;
	v14 =	vand.u32 $0x3F80, v8;
	(xrf1) =	vunique.msk.u32 $0xffff, v8  }
0x258: {  	v8 =	vor.u32 $0x3000, v10;
	v17 =	vld.idx.msk [tilespmem:v9+s13+$0x0], $0xffff  }
0x259: {  	v18 =	vand.u32 $0x7F, v6;
	v16 =	vand.u32 $0x3780, v8;
	v10 =	vshra.s32 v13, $0x1F;
	_, v21, vm1 =	vpop (xrf1);
	(xrf1) =	vunique.msk.u32 $0xffff, v8  }
0x25a: {  	v23 =	vand.u32 $0x7F, v5;
	v8 =	vor.u32 $0x80000000, v10;
	v10 =	vor.u32 v18, v16  }
0x25b: {  	v21 =	vadd.s32 v15, v21;
	v16 =	vld.idx.msk [tilespmem:v12+s13+$0x0], $0xffff;
	v22 =	vshra.s32 v7, $0x1F;
	v8 =	vxor.u32 v13, v8  }
.Ltmp12:
0x25c: {  	v14 =	vor.u32 v23, v14;
	v15 =	vld.idx.msk [tilespmem:v11+s13+$0x0], $0xffff;
	v13 =	vor.u32 $0x80000000, v22;
	v22 =	vand.u32 $0x7FF, v8;
	(pc) =	sbr.rel @p0 .LBB2_23-.Ltmp12, $4  }
0x25d: {  	v7 =	vxor.u32 v7, v13;
	v13 =	vor.u32 $0x2800, v22;
	v22 =	vand.u32 $0x7F, v8;
	_, v18, vm0 =	vpop (xrf1)  }
0x25e: {  	v17 =	vadd.s32 v17, v18;
	v18 =	vand.u32 $0x7FF, v7;
	v23 =	vand.u32 $0x2F80, v13;
	(xrf1) =	vunique.msk.u32 $0xffff, v13  }
0x25f: {  	[tilespmem:v20+s13+$0x0] =	vst.idx.msk vm1, v21;
	v18 =	vor.u32 $0x2000, v18;
	v13 =	vor.u32 v22, v23  }
0x260: {  	[tilespmem:v21+s18+$0x0] =	vst.idx.msk $0xffff, v19;
	_, v19, vm1 =	vpop (xrf1);
	(xrf1) =	vunique.msk.u32 $0xffff, v18  }
0x261: {  	_ =	sdelay $0x3  }
0x262: {  	v20 =	vld.idx.msk [tilespmem:v14+s13+$0x0], $0xffff;
	v18 =	vand.u32 $0x2780, v18;
	v21 =	vand.u32 $0x7F, v7  }
0x263: {  	v16 =	vadd.s32 v16, v19;
	_, v57, vm2 =	vpop (xrf1);
	v18 =	vor.u32 v21, v18  }
0x264: {  	v58 =	vld.idx.msk [tilespmem:v10+s13+$0x0], $0xffff  }
0x265: {  	[tilespmem:v9+s13+$0x0] =	vst.idx.msk vm0, v17;
	v15 =	vadd.s32 v15, v57;
	_, v9, vm0 =	vpop (xrf1)  }
0x266: {  	[tilespmem:v17+s18+$0x0] =	vst.idx.msk $0xffff, v2;
	v2 =	vld.idx.msk [tilespmem:v13+s13+$0x0], $0xffff  }
0x267: {  	[tilespmem:v12+s13+$0x0] =	vst.idx.msk vm1, v16;
	v9 =	vadd.s32 v20, v9;
	_, v12, vm1 =	vpop (xrf1)  }
0x268: {  	[tilespmem:v16+s18+$0x0] =	vst.idx.msk $0xffff, v3;
	v3 =	vld.idx.msk [tilespmem:v18+s13+$0x0], $0xffff  }
0x269: {  	[tilespmem:v11+s13+$0x0] =	vst.idx.msk vm2, v15;
	v11 =	vadd.s32 v58, v12;
	_, v12, vm2 =	vpop (xrf1)  }
0x26a: {  	[tilespmem:v15+s18+$0x0] =	vst.idx.msk $0xffff, v4  }
0x26b: {  	[tilespmem:v14+s13+$0x0] =	vst.idx.msk vm0, v9;
	v2 =	vadd.s32 v2, v12;
	_, v4, vm0 =	vpop (xrf1)  }
0x26c: {  	[tilespmem:v9+s18+$0x0] =	vst.idx.msk $0xffff, v5  }
0x26d: {  	[tilespmem:v10+s13+$0x0] =	vst.idx.msk vm1, v11;
	v3 =	vadd.s32 v3, v4  }
0x26e: {  	[tilespmem:v11+s18+$0x0] =	vst.idx.msk $0xffff, v6  }
0x26f: {  	[tilespmem:v13+s13+$0x0] =	vst.idx.msk vm2, v2  }
0x270: {  	[tilespmem:v2+s18+$0x0] =	vst.idx.msk $0xffff, v8  }
0x271: {  	[tilespmem:v18+s13+$0x0] =	vst.idx.msk vm0, v3  }
0x272: {  	[tilespmem:v3+s18+$0x0] =	vst.idx.msk $0xffff, v7  }
0x273: {  	v2 =	vld [tilespmem:s18+$0x0];
	_ =	sdelay $0x4  }
0x274: {  	v2 =	vshrl.u32 v2, $0xB  }
0x275: {  	v3 =	vld [tilespmem:s17+$0xB000];
	v2 =	vand.u32 $0x7FF, v2  }
0x276: {  	v4 =	vld [tilespmem:s17+$0xC000];
	(xrf1) =	vunique.msk.u32 $0xffff, v2;
	_ =	sdelay $0x2  }
0x277: {  	v5 =	vld [tilespmem:s17+$0xF000]  }
0x278: {  	v3 =	vshrl.u32 v3, $0xB  }
0x279: {  	v6 =	vld [tilespmem:s17+$0xD000];
	v4 =	vshrl.u32 v4, $0xB;
	v7 =	vand.u32 $0x7FF, v3  }
0x27a: {  	v8 =	vand.u32 $0x7FF, v4;
	v7 =	vor.u32 $0x1800, v7  }
0x27b: {  	v8 =	vor.u32 $0x2000, v8;
	(xrf1) =	vunique.msk.u32 $0xffff, v7  }
0x27c: {  	v5 =	vshrl.u32 v5, $0xB;
	(xrf1) =	vunique.msk.u32 $0xffff, v8  }
0x27d: {  	v9 =	vand.u32 $0x7FF, v5  }
0x27e: {  	v6 =	vshrl.u32 v6, $0xB;
	v9 =	vor.u32 $0x3800, v9  }
0x27f: {  	v10 =	vand.u32 $0x7FF, v6;
	(xrf1) =	vunique.msk.u32 $0xffff, v9  }
0x280: {  	v10 =	vor.u32 $0x2800, v10  }
0x281: {  	(xrf1) =	vunique.msk.u32 $0xffff, v10  }
0x282: {  	v11 =	vld [tilespmem:s17+$0x9000];
	_, v12, vm0 =	vpop (xrf1)  }
0x283: {  	v13 =	vld [tilespmem:s17+$0xA000];
	_ =	sdelay $0x2  }
0x284: {  	v7 =	vand.u32 $0x1F80, v7  }
0x285: {  	v11 =	vshrl.u32 v11, $0xB  }
0x286: {  	v13 =	vshrl.u32 v13, $0xB;
	v14 =	vand.u32 $0x7FF, v11;
	[tilespmem:v2+s11+$0x0] =	vst.idx.add.s32.msk vm0, v12  }
0x287: {  	s18 =	simm.s32 $0x8010;
	v3 =	vand.u32 $0x7F, v3;
	v4 =	vand.u32 $0x7F, v4;
	v12 =	vor.u32 $0x800, v14;
	v2 =	vld [tilespmem:s17+$0xE000];
	_, v59, vm0 =	vpop (xrf1)  }
0x288: {  	v8 =	vand.u32 $0x2780, v8;
	v3 =	vor.u32 v3, v7;
	v14 =	vand.u32 $0x7FF, v13;
	(xrf1) =	vunique.msk.u32 $0xffff, v12;
	v15 =	vld [tilespmem:s18+$0x0];
	_, v7, vm1 =	vpop (xrf1)  }
0x289: {  	v4 =	vor.u32 v4, v8;
	v8 =	vand.u32 $0x3F80, v9;
	v14 =	vor.u32 $0x1000, v14  }
0x28a: {  	(xrf1) =	vunique.msk.u32 $0xffff, v14  }
0x28b: {  	v5 =	vand.u32 $0x7F, v5;
	v9 =	vand.u32 $0x2F80, v10;
	_, v10, vm2 =	vpop (xrf1)  }
0x28c: {  	v5 =	vor.u32 v5, v8  }
0x28d: {  	s31 =	simm.s32 $0x10;
	v6 =	vand.u32 $0x7F, v6;
	_, v8, vm3 =	vpop (xrf1);
	v60 =	vshrl.u32 v2, $0xB;
	v2 =	vshrl.u32 v15, $0xB;
	[tilespmem:v3+s11+$0x0] =	vst.idx.add.s32.msk vm0, v59  }
0x28e: {  	s17 =	sand.u32 $0xFF0, s31;
	v3 =	vor.u32 v6, v9;
	v6 =	vand.u32 $0x7FF, v60;
	v2 =	vand.u32 $0x7FF, v2;
	[tilespmem:v4+s11+$0x0] =	vst.idx.add.s32.msk vm1, v7  }
0x28f: {  	v4 =	vor.u32 $0x3000, v6;
	v6 =	vld [tilespmem:s17+$0xB000];
	(xrf1) =	vunique.msk.u32 $0xffff, v2  }
0x290: {  	v7 =	vld [tilespmem:s17+$0xC000];
	(xrf1) =	vunique.msk.u32 $0xffff, v4  }
0x291: {  	[tilespmem:v5+s11+$0x0] =	vst.idx.add.s32.msk vm2, v10  }
0x292: {  	v9 =	vld [tilespmem:s17+$0xF000]  }
0x293: {  	[tilespmem:v3+s11+$0x0] =	vst.idx.add.s32.msk vm3, v8  }
0x294: {  	v5 =	vand.u32 $0xF80, v12;
	v3 =	vand.u32 $0x7F, v11;
	v10 =	vld [tilespmem:s17+$0xD000]  }
0x295: {  	v8 =	vand.u32 $0x7F, v13;
	v12 =	vor.u32 v3, v5;
	v3 =	vshrl.u32 v6, $0xB  }
0x296: {  	v6 =	vand.u32 $0x3780, v4;
	v4 =	vand.u32 $0x7FF, v3;
	v7 =	vshrl.u32 v7, $0xB;
	_, v11, vm0 =	vpop (xrf1)  }
0x297: {  	v5 =	vand.u32 $0x1780, v14;
	v13 =	vor.u32 $0x1800, v4;
	v4 =	vand.u32 $0x7FF, v7  }
0x298: {  	v15 =	vor.u32 v8, v5;
	v8 =	vor.u32 $0x2000, v4;
	v4 =	vshrl.u32 v9, $0xB;
	(xrf1) =	vunique.msk.u32 $0xffff, v13;
	_, v14, vm1 =	vpop (xrf1)  }
0x299: {  	(xrf1) =	vunique.msk.u32 $0xffff, v8;
	v9 =	vshrl.u32 v10, $0xB;
	v10 =	vand.u32 $0x7FF, v4;
	_ =	sdelay $0x1  }
0x29a: {  	v5 =	vand.u32 $0x7F, v7  }
0x29b: {  	v7 =	vand.u32 $0x1F80, v13;
	v13 =	vand.u32 $0x7FF, v9;
	[tilespmem:v12+s11+$0x0] =	vst.idx.add.s32.msk vm0, v11;
	v12 =	vor.u32 $0x3800, v10  }
0x29c: {  	v61 =	vor.u32 $0x2800, v13;
	_, v10, vm0 =	vpop (xrf1);
	(xrf1) =	vunique.msk.u32 $0xffff, v12  }
0x29d: {  	v11 =	vand.u32 $0x7F, v60;
	[tilespmem:v15+s11+$0x0] =	vst.idx.add.s32.msk vm1, v14;
	(xrf1) =	vunique.msk.u32 $0xffff, v61;
	_, v14, vm1 =	vpop (xrf1)  }
0x29e: {  	v13 =	vld [tilespmem:s17+$0x9000];
	v11 =	vor.u32 v11, v6  }
0x29f: {  	v63 =	vand.u32 $0x7F, v9;
	v62 =	vand.u32 $0x2F80, v61  }
0x2a0: {  	s19 =	simm.s32 $0x20;
	v9 =	vand.u32 $0x3F80, v12;
	v6 =	vor.u32 v63, v62;
	v12 =	vld [tilespmem:s17+$0xA000]  }
.LBB2_25:
0x2a1: {  	p0 =	sne.s32 s19, $0xFF0  }
0x2a2: {  	[tilespmem:v2+s11+$0x0] =	vst.idx.add.s32.msk vm0, v10;
	s18 =	sadd.s32 $0x10, s18;
	s20 =	smov.u32 s19;
	s19 =	sadd.s32 $0x10, s19  }
0x2a3: {  	s20 =	sand.u32 $0xFF0, s20;
	v2 =	vshrl.u32 v13, $0xB;
	[tilespmem:v11+s11+$0x0] =	vst.idx.add.s32.msk vm1, v14  }
0x2a4: {  	v10 =	vand.u32 $0x7FF, v2;
	v2 =	vand.u32 $0x7F, v2;
	v11 =	vld [tilespmem:s17+$0xE000];
	s17 =	smov.u32 s20  }
0x2a5: {  	v3 =	vand.u32 $0x7F, v3;
	v8 =	vand.u32 $0x2780, v8;
	v13 =	vld [tilespmem:s18+$0x0];
	v10 =	vor.u32 $0x800, v10;
	_, v14, vm0 =	vpop (xrf1)  }
0x2a6: {  	v3 =	vor.u32 v3, v7;
	v5 =	vor.u32 v5, v8;
	v15 =	vand.u32 $0xF80, v10;
	(xrf1) =	vunique.msk.u32 $0xffff, v10;
	_, v7, vm1 =	vpop (xrf1)  }
0x2a7: {  	v10 =	vshrl.u32 v12, $0xB;
	v15 =	vor.u32 v2, v15  }
0x2a8: {  	v2 =	vand.u32 $0x7FF, v10  }
0x2a9: {  	v8 =	vor.u32 $0x1000, v2;
	v11 =	vshrl.u32 v11, $0xB  }
0x2aa: {  	v17 =	vand.u32 $0x7F, v4;
	v2 =	vshrl.u32 v13, $0xB;
	v12 =	vand.u32 $0x7FF, v11;
	(xrf1) =	vunique.msk.u32 $0xffff, v8;
	_, v13, vm2 =	vpop (xrf1)  }
0x2ab: {  	v16 =	vand.u32 $0x1780, v8;
	v2 =	vand.u32 $0x7FF, v2;
	[tilespmem:v3+s11+$0x0] =	vst.idx.add.s32.msk vm0, v14;
	v3 =	vor.u32 v17, v9;
	_, v4, vm0 =	vpop (xrf1)  }
0x2ac: {  	(xrf1) =	vunique.msk.u32 $0xffff, v2;
	[tilespmem:v5+s11+$0x0] =	vst.idx.add.s32.msk vm1, v7;
	v5 =	vor.u32 $0x3000, v12  }
0x2ad: {  	v7 =	vld [tilespmem:s17+$0xB000];
	v9 =	vand.u32 $0x3780, v5;
	(xrf1) =	vunique.msk.u32 $0xffff, v5  }
0x2ae: {  	v5 =	vld [tilespmem:s17+$0xC000];
	_ =	sdelay $0x1  }
0x2af: {  	[tilespmem:v3+s11+$0x0] =	vst.idx.add.s32.msk vm2, v13  }
0x2b0: {  	[tilespmem:v6+s11+$0x0] =	vst.idx.add.s32.msk vm0, v4  }
0x2b1: {  	v3 =	vshrl.u32 v7, $0xB;
	v4 =	vld [tilespmem:s17+$0xF000]  }
0x2b2: {  	v6 =	vand.u32 $0x7FF, v3;
	v5 =	vshrl.u32 v5, $0xB;
	v12 =	vld [tilespmem:s17+$0xD000]  }
0x2b3: {  	v6 =	vor.u32 $0x1800, v6;
	v8 =	vand.u32 $0x7FF, v5;
	v5 =	vand.u32 $0x7F, v5;
	_, v13, vm1 =	vpop (xrf1)  }
0x2b4: {  	v7 =	vand.u32 $0x1F80, v6;
	v8 =	vor.u32 $0x2000, v8;
	(xrf1) =	vunique.msk.u32 $0xffff, v6  }
0x2b5: {  	v6 =	vand.u32 $0x7F, v10;
	(xrf1) =	vunique.msk.u32 $0xffff, v8  }
0x2b6: {  	v16 =	vor.u32 v6, v16;
	v4 =	vshrl.u32 v4, $0xB  }
0x2b7: {  	v11 =	vand.u32 $0x7F, v11;
	v6 =	vshrl.u32 v12, $0xB;
	v18 =	vand.u32 $0x7FF, v4;
	_, v12, vm2 =	vpop (xrf1)  }
0x2b8: {  	v11 =	vor.u32 v11, v9;
	v19 =	vand.u32 $0x7FF, v6;
	v17 =	vor.u32 $0x3800, v18  }
0x2b9: {  	v18 =	vor.u32 $0x2800, v19;
	v9 =	vand.u32 $0x3F80, v17;
	_, v10, vm0 =	vpop (xrf1);
	(xrf1) =	vunique.msk.u32 $0xffff, v17;
	[tilespmem:v15+s11+$0x0] =	vst.idx.add.s32.msk vm1, v13  }
.Ltmp13:
0x2ba: {  	v6 =	vand.u32 $0x7F, v6;
	v15 =	vand.u32 $0x2F80, v18;
	(xrf1) =	vunique.msk.u32 $0xffff, v18;
	_, v14, vm1 =	vpop (xrf1);
	(pc) =	sbr.rel @p0 .LBB2_25-.Ltmp13, $3  }
0x2bb: {  	v13 =	vld [tilespmem:s17+$0x9000];
	v6 =	vor.u32 v6, v15;
	_ =	sdelay $0x1  }
0x2bc: {  	[tilespmem:v16+s11+$0x0] =	vst.idx.add.s32.msk vm2, v12  }
0x2bd: {  	v12 =	vld [tilespmem:s17+$0xA000]  }
0x2be: {  	_ =	sdelay $0x4  }
0x2bf: {  	[tilespmem:v11+s11+$0x0] =	vst.idx.add.s32.msk vm1, v14  }
0x2c0: {  	v11 =	vld [tilespmem:s17+$0xE000];
	_ =	sdelay $0x2  }
0x2c1: {  	v13 =	vshrl.u32 v13, $0xB  }
0x2c2: {  	v14 =	vand.u32 $0x7FF, v13;
	v12 =	vshrl.u32 v12, $0xB  }
0x2c3: {  	v14 =	vor.u32 $0x800, v14;
	v15 =	vand.u32 $0x7FF, v12;
	v11 =	vshrl.u32 v11, $0xB  }
0x2c4: {  	(xrf1) =	vunique.msk.u32 $0xffff, v14;
	v15 =	vor.u32 $0x1000, v15;
	v16 =	vand.u32 $0x7FF, v11  }
0x2c5: {  	(xrf1) =	vunique.msk.u32 $0xffff, v15;
	v16 =	vor.u32 $0x3000, v16  }
0x2c6: {  	(xrf1) =	vunique.msk.u32 $0xffff, v16;
	_ =	sdelay $0x6  }
0x2c7: {  	v8 =	vand.u32 $0x2780, v8  }
0x2c8: {  	v3 =	vand.u32 $0x7F, v3;
	_, v17, vm13 =	vpop (xrf1)  }
0x2c9: {  	v3 =	vor.u32 v3, v7;
	_, v18, vm2 =	vpop (xrf1)  }
0x2ca: {  	v4 =	vand.u32 $0x7F, v4;
	v5 =	vor.u32 v5, v8;
	_, v7, vm3 =	vpop (xrf1)  }
0x2cb: {  	v4 =	vor.u32 v4, v9;
	_, v8, vm4 =	vpop (xrf1)  }
0x2cc: {  	v9 =	vand.u32 $0x7F, v13;
	v13 =	vand.u32 $0xF80, v14;
	_, v14, vm5 =	vpop (xrf1)  }
0x2cd: {  	[tilespmem:v2+s11+$0x0] =	vst.idx.add.s32.msk vm0, v10;
	v2 =	vor.u32 v9, v13;
	v10 =	vand.u32 $0x7F, v12;
	v9 =	vand.u32 $0x1780, v15;
	_, v12, vm14 =	vpop (xrf1)  }
0x2ce: {  	v9 =	vor.u32 v10, v9;
	v10 =	vand.u32 $0x7F, v11;
	[tilespmem:v3+s11+$0x0] =	vst.idx.add.s32.msk vm13, v17;
	v3 =	vand.u32 $0x3780, v16;
	_, v11, vm15 =	vpop (xrf1)  }
0x2cf: {  	[tilespmem:v5+s11+$0x0] =	vst.idx.add.s32.msk vm2, v18;
	v3 =	vor.u32 v10, v3  }
0x2d0: {  	[tilespmem:v4+s11+$0x0] =	vst.idx.add.s32.msk vm3, v7  }
0x2d1: {  	[tilespmem:v6+s11+$0x0] =	vst.idx.add.s32.msk vm4, v8  }
0x2d2: {  	[tilespmem:v2+s11+$0x0] =	vst.idx.add.s32.msk vm5, v14  }
0x2d3: {  	[tilespmem:v9+s11+$0x0] =	vst.idx.add.s32.msk vm14, v12  }
0x2d4: {  	s25 =	simm.s32 $0x12000;
	[tilespmem:v3+s11+$0x0] =	vst.idx.add.s32.msk vm15, v11  }
0x2d5: {  	v2 =	vld [tilespmem:s25+$0xFFFFE070]  }
0x2d6: {  	v3 =	vld [tilespmem:s25+$0xFFFFE870]  }
0x2d7: {  	v4 =	vld [tilespmem:s25+$0xFFFFF070]  }
0x2d8: {  	v5 =	vld [tilespmem:s25+$0xFFFFF870]  }
0x2d9: {  	v6 =	vld [tilespmem:s25+$0x70]  }
0x2da: {  	v7 =	vld [tilespmem:s25+$0x870]  }
0x2db: {  	v8 =	vld [tilespmem:s25+$0x1070]  }
0x2dc: {  	v9 =	vld [tilespmem:s25+$0x1870]  }
0x2dd: {  	v10 =	vld [tilespmem:s25+$0xFFFFE800]  }
0x2de: {  	v11 =	vld [tilespmem:s25+$0xFFFFE010]  }
0x2df: {  	v12 =	vld [tilespmem:s25+$0xFFFFE810]  }
0x2e0: {  	v13 =	vld [tilespmem:s25+$0xFFFFE020]  }
0x2e1: {  	v14 =	vld [tilespmem:s25+$0xFFFFE820]  }
0x2e2: {  	v15 =	vld [tilespmem:s25+$0xFFFFE030]  }
0x2e3: {  	v16 =	vld [tilespmem:s25+$0xFFFFE830]  }
0x2e4: {  	v17 =	vld [tilespmem:s25+$0xFFFFE040]  }
0x2e5: {  	v18 =	vld [tilespmem:s25+$0xFFFFE840]  }
0x2e6: {  	v19 =	vld [tilespmem:s25+$0xFFFFE050]  }
0x2e7: {  	v20 =	vld [tilespmem:s25+$0xFFFFE850]  }
0x2e8: {  	v21 =	vld [tilespmem:s25+$0xFFFFE060]  }
0x2e9: {  	v22 =	vld [tilespmem:s25+$0xFFFFE860]  }
0x2ea: {  	v23 =	vld [tilespmem:s25+$0xFFFFE000]  }
0x2eb: {  	v24 =	vld [tilespmem:s25+$0xFFFFF000]  }
0x2ec: {  	v25 =	vld [tilespmem:s25+$0xFFFFF010]  }
0x2ed: {  	v26 =	vld [tilespmem:s25+$0xFFFFF020]  }
0x2ee: {  	v27 =	vld [tilespmem:s25+$0xFFFFF030]  }
0x2ef: {  	v28 =	vld [tilespmem:s25+$0xFFFFF040]  }
0x2f0: {  	v29 =	vld [tilespmem:s25+$0xFFFFF050]  }
0x2f1: {  	v30 =	vld [tilespmem:s25+$0xFFFFF060]  }
0x2f2: {  	v31 =	vld [tilespmem:s25+$0xFFFFF800]  }
0x2f3: {  	v32 =	vld [tilespmem:s25+$0xFFFFF810]  }
0x2f4: {  	v33 =	vld [tilespmem:s25+$0xFFFFF820]  }
0x2f5: {  	v34 =	vld [tilespmem:s25+$0xFFFFF830]  }
0x2f6: {  	v35 =	vld [tilespmem:s25+$0xFFFFF840]  }
0x2f7: {  	v36 =	vld [tilespmem:s25+$0xFFFFF850]  }
0x2f8: {  	v37 =	vld [tilespmem:s25+$0xFFFFF860]  }
0x2f9: {  	v38 =	vld [tilespmem:s25+$0x0]  }
0x2fa: {  	v39 =	vld [tilespmem:s25+$0x10]  }
0x2fb: {  	v54 =	vld [tilespmem:s25+$0x850]  }
0x2fc: {  	v55 =	vld [tilespmem:s25+$0x860]  }
0x2fd: {  	v56 =	vld [tilespmem:s25+$0x1000];
	v2 =	vadd.s32 v2, v3  }
0x2fe: {  	v57 =	vld [tilespmem:s25+$0x1010];
	v2 =	vadd.s32 v4, v2  }
0x2ff: {  	v3 =	vld [tilespmem:s25+$0x20];
	v2 =	vadd.s32 v5, v2  }
0x300: {  	s19 =	simm.s32 $0x2;
	v10 =	vadd.s32 v23, v10;
	v4 =	vld [tilespmem:s25+$0x30];
	v2 =	vadd.s32 v6, v2  }
0x301: {  	s20 =	simm.s32 $0x4;
	v62 =	vmov s19;
	v10 =	vadd.s32 v24, v10;
	v5 =	vld [tilespmem:s25+$0x40];
	v2 =	vadd.s32 v7, v2  }
0x302: {  	v63 =	vmov s20;
	v10 =	vadd.s32 v31, v10;
	v6 =	vld [tilespmem:s25+$0x50];
	v2 =	vadd.s32 v8, v2  }
0x303: {  	v10 =	vadd.s32 v38, v10;
	v7 =	vld [tilespmem:s25+$0x60];
	v2 =	vadd.s32 v9, v2;
	v9 =	vadd.s32 v11, v12  }
0x304: {  	v8 =	vld [tilespmem:s25+$0x800];
	v12 =	vadd.s32 v13, v14;
	v13 =	vadd.s32 v15, v16;
	v14 =	vadd.s32 v17, v18  }
0x305: {  	v11 =	vld [tilespmem:s25+$0x810];
	v16 =	vadd.s32 v19, v20;
	v17 =	vadd.s32 v21, v22;
	v9 =	vadd.s32 v25, v9  }
0x306: {  	v15 =	vld [tilespmem:s25+$0x820];
	v12 =	vadd.s32 v26, v12;
	v13 =	vadd.s32 v27, v13;
	v14 =	vadd.s32 v28, v14  }
0x307: {  	v18 =	vld [tilespmem:s25+$0x830];
	v16 =	vadd.s32 v29, v16;
	v17 =	vadd.s32 v30, v17;
	v9 =	vadd.s32 v32, v9  }
0x308: {  	v19 =	vld [tilespmem:s25+$0x840];
	(xrf0) =	vadd.scan.msk.s32 $0xffff, v2;
	v12 =	vadd.s32 v33, v12;
	v13 =	vadd.s32 v34, v13;
	v14 =	vadd.s32 v35, v14  }
0x309: {  	v16 =	vadd.s32 v36, v16;
	v17 =	vadd.s32 v37, v17;
	v3 =	vadd.s32 v3, v12;
	v12 =	vld [tilespmem:s25+$0x1020]  }
0x30a: {  	v9 =	vadd.s32 v39, v9;
	v4 =	vadd.s32 v4, v13;
	v5 =	vadd.s32 v5, v14;
	v14 =	vld [tilespmem:s25+$0x1030]  }
0x30b: {  	s18 =	simm.s32 $0x7;
	v6 =	vadd.s32 v6, v16;
	v7 =	vadd.s32 v7, v17;
	v8 =	vadd.s32 v8, v10;
	v10 =	vld [tilespmem:s25+$0x1040]  }
0x30c: {  	s31 =	simm.s32 $0x6;
	v16 =	vmov s18;
	s18 =	simm.s32 $0x18040;
	v7 =	vadd.s32 v55, v7;
	v9 =	vadd.s32 v11, v9;
	v11 =	vld [tilespmem:s25+$0x1050]  }
0x30d: {  	[tilespmem:s18+$0x30] =	vst v2;
	v2 =	vmov s31;
	v3 =	vadd.s32 v15, v3;
	v4 =	vadd.s32 v18, v4;
	v15 =	vld [tilespmem:s25+$0x1060]  }
0x30e: {  	s26 =	simm.s32 $0x0;
	v5 =	vadd.s32 v19, v5;
	v18 =	vadd.s32 v56, v8;
	v19 =	vld [tilespmem:s25+$0x1800];
	v9 =	vadd.s32 v57, v9;
	v13, _, _ =	vpop (xrf0)  }
0x30f: {  	s28 =	simm.s32 $0x1;
	v59 =	vld [tilespmem:s25+$0x1810];
	v17 =	vbroadcast v13, $0xF;
	v13 =	vadd.s32 v54, v6;
	v6 =	vmov s26  }
0x310: {  	s30 =	simm.s32 $0x5;
	v61 =	vld [tilespmem:s25+$0x1820];
	v58 =	vadd.s32 v12, v3;
	v60 =	vadd.s32 v14, v4;
	v14 =	vmov s28  }
0x311: {  	s29 =	simm.s32 $0x3;
	v4 =	vmov s30;
	v3 =	vand.u32 $0xFFFFFFF8, v6;
	v6 =	vadd.s32 v10, v5;
	v5 =	vld [tilespmem:s25+$0x1830]  }
0x312: {  	v10 =	vmov s29;
	v8 =	vadd.s32 v11, v13;
	v13 =	vld [tilespmem:s25+$0x1840];
	v12 =	vadd.s32 v15, v7  }
0x313: {  	[tilespmem:v16+s12+$0x0] =	vst.idx.msk $0x1, v17;
	v7 =	vadd.s32 v19, v18;
	v3 =	vbroadcast v3, $0x0;
	v11 =	vand.u32 $0xFFFFFFF9, v14;
	v14 =	vld [tilespmem:s25+$0x1850]  }
0x314: {  	s17 =	simm.s32 $0x12080;
	v17 =	vadd.s32 v59, v9;
	v9 =	vand.u32 $0xFFFFFFFA, v62;
	v15 =	vld [tilespmem:s25+$0x1860];
	[tilespmem:s18+$0xFFFFFFC0] =	vst v7;
	(xrf0) =	vadd.scan.msk.s32 $0xffff, v7  }
0x315: {  	v16 =	vld [tilespmem:s17+$0xFFFFE070];
	v18 =	vadd.s32 v61, v58;
	v10 =	vand.u32 $0xFFFFFFFB, v10;
	[tilespmem:s18+$0xFFFFFFD0] =	vst v17;
	(xrf0) =	vadd.scan.msk.s32 $0xffff, v17  }
0x316: {  	s19 =	simm.s32 $0x8;
	s20 =	simm.s32 $0x10;
	[tilespmem:s18+$0xFFFFFFE0] =	vst v18;
	v17 =	vld [tilespmem:s17+$0xFFFFE870];
	(xrf0) =	vadd.scan.msk.s32 $0xffff, v18;
	v7 =	vadd.s32 v5, v60;
	v5 =	vand.u32 $0xFFFFFFFC, v63  }
.LBB2_27:
0x317: {  	p0 =	slt.u32 s20, $0x78;
	v18 =	vld [tilespmem:s17+$0xFFFFF070];
	[tilespmem:s18+$0xFFFFFFF0] =	vst v7;
	v6 =	vadd.s32 v13, v6;
	v4 =	vand.u32 $0xFFFFFFFD, v4;
	(xrf0) =	vadd.scan.msk.s32 $0xffff, v7  }
0x318: {  	v11 =	vbroadcast v11, $0x0;
	v7 =	vld [tilespmem:s17+$0xFFFFF870];
	[tilespmem:s18+$0x0] =	vst v6;
	v8 =	vadd.s32 v14, v8;
	(xrf0) =	vadd.scan.msk.s32 $0xffff, v6  }
0x319: {  	v9 =	vbroadcast v9, $0x0;
	v6 =	vld [tilespmem:s17+$0x70];
	[tilespmem:s18+$0x10] =	vst v8;
	v12 =	vadd.s32 v15, v12;
	(xrf0) =	vadd.scan.msk.s32 $0xffff, v8  }
0x31a: {  	v10 =	vbroadcast v10, $0x0;
	v2 =	vand.u32 $0xFFFFFFFE, v2;
	v8 =	vld [tilespmem:s17+$0x870];
	[tilespmem:s18+$0x20] =	vst v12;
	v13, _, _ =	vpop (xrf0);
	(xrf0) =	vadd.scan.msk.s32 $0xffff, v12  }
0x31b: {  	v5 =	vbroadcast v5, $0x0;
	v20 =	vadd.s32 v16, v17;
	v14 =	vld [tilespmem:s17+$0x1070];
	v13 =	vbroadcast v13, $0xF;
	v15, _, _ =	vpop (xrf0)  }
0x31c: {  	v4 =	vbroadcast v4, $0x0;
	v19 =	vadd.s32 v18, v20;
	v16 =	vld [tilespmem:s17+$0x1870];
	v15 =	vbroadcast v15, $0xF;
	v17, _, _ =	vpop (xrf0)  }
0x31d: {  	v2 =	vbroadcast v2, $0x0;
	v18 =	vld [tilespmem:s17+$0xFFFFE800];
	v7 =	vadd.s32 v7, v19;
	[tilespmem:v3+s12+$0x0] =	vst.idx.msk $0x1, v13;
	v3 =	vbroadcast v17, $0xF;
	v12, _, _ =	vpop (xrf0)  }
0x31e: {  	v13 =	vld [tilespmem:s17+$0xFFFFE010];
	v6 =	vadd.s32 v6, v7;
	[tilespmem:v11+s12+$0x0] =	vst.idx.msk $0x1, v15;
	v7 =	vbroadcast v12, $0xF;
	v11, _, _ =	vpop (xrf0)  }
0x31f: {  	v12 =	vld [tilespmem:s17+$0xFFFFE810];
	v6 =	vadd.s32 v8, v6;
	[tilespmem:v9+s12+$0x0] =	vst.idx.msk $0x1, v3;
	v3 =	vbroadcast v11, $0xF;
	v8, _, _ =	vpop (xrf0)  }
0x320: {  	v9 =	vld [tilespmem:s17+$0xFFFFE020];
	v6 =	vadd.s32 v14, v6;
	[tilespmem:v10+s12+$0x0] =	vst.idx.msk $0x1, v7;
	v7 =	vbroadcast v8, $0xF;
	v8, _, _ =	vpop (xrf0)  }
0x321: {  	v10 =	vld [tilespmem:s17+$0xFFFFE820];
	v6 =	vadd.s32 v16, v6;
	[tilespmem:v5+s12+$0x0] =	vst.idx.msk $0x1, v3;
	v3 =	vbroadcast v8, $0xF  }
0x322: {  	v5 =	vld [tilespmem:s17+$0xFFFFE030];
	(xrf0) =	vadd.scan.msk.s32 $0xffff, v6;
	[tilespmem:v4+s12+$0x0] =	vst.idx.msk $0x1, v7  }
0x323: {  	v4 =	vld [tilespmem:s17+$0xFFFFE830];
	[tilespmem:v2+s12+$0x0] =	vst.idx.msk $0x1, v3  }
0x324: {  	v2 =	vadd.s32 v13, v12;
	v3 =	vld [tilespmem:s17+$0xFFFFE040]  }
0x325: {  	s21 =	sadd.s32 $0x7, s19;
	v7 =	vld [tilespmem:s17+$0xFFFFE840]  }
0x326: {  	v8 =	vadd.s32 v9, v10;
	v9 =	vld [tilespmem:s17+$0xFFFFE050];
	v10 =	vmov s21  }
0x327: {  	v11 =	vld [tilespmem:s17+$0xFFFFE850]  }
0x328: {  	v4 =	vadd.s32 v5, v4;
	v5 =	vld [tilespmem:s17+$0xFFFFE060];
	v12, _, _ =	vpop (xrf0)  }
0x329: {  	s18 =	sadd.s32 $0x80, s18;
	v13 =	vld [tilespmem:s17+$0xFFFFE860];
	v12 =	vbroadcast v12, $0xF  }
0x32a: {  	v14 =	vld [tilespmem:s17+$0xFFFFE000];
	v3 =	vadd.s32 v3, v7;
	[tilespmem:s18+$0x30] =	vst v6  }
0x32b: {  	v6 =	vld [tilespmem:s17+$0xFFFFF000];
	[tilespmem:v10+s12+$0x0] =	vst.idx.msk $0x1, v12  }
0x32c: {  	v7 =	vld [tilespmem:s17+$0xFFFFF010];
	v9 =	vadd.s32 v9, v11  }
0x32d: {  	v10 =	vld [tilespmem:s17+$0xFFFFF020]  }
0x32e: {  	v11 =	vld [tilespmem:s17+$0xFFFFF030];
	v5 =	vadd.s32 v5, v13  }
0x32f: {  	v12 =	vadd.s32 v14, v18;
	v13 =	vld [tilespmem:s17+$0xFFFFF040]  }
0x330: {  	v6 =	vadd.s32 v6, v12;
	v12 =	vld [tilespmem:s17+$0xFFFFF050]  }
0x331: {  	v2 =	vadd.s32 v7, v2;
	v7 =	vld [tilespmem:s17+$0xFFFFF060]  }
0x332: {  	v14 =	vld [tilespmem:s17+$0xFFFFF800];
	v8 =	vadd.s32 v10, v8  }
0x333: {  	v10 =	vld [tilespmem:s17+$0xFFFFF810];
	v4 =	vadd.s32 v11, v4  }
0x334: {  	v11 =	vld [tilespmem:s17+$0xFFFFF820];
	v3 =	vadd.s32 v13, v3  }
0x335: {  	v13 =	vld [tilespmem:s17+$0xFFFFF830];
	v9 =	vadd.s32 v12, v9  }
0x336: {  	v12 =	vld [tilespmem:s17+$0xFFFFF840];
	v5 =	vadd.s32 v7, v5  }
0x337: {  	v6 =	vadd.s32 v14, v6;
	v7 =	vld [tilespmem:s17+$0xFFFFF850]  }
0x338: {  	v2 =	vadd.s32 v10, v2;
	v10 =	vld [tilespmem:s17+$0xFFFFF860]  }
0x339: {  	v14 =	vld [tilespmem:s17+$0x0];
	v8 =	vadd.s32 v11, v8  }
0x33a: {  	v11 =	vld [tilespmem:s17+$0x10];
	v4 =	vadd.s32 v13, v4  }
0x33b: {  	v13 =	vld [tilespmem:s17+$0x20];
	v3 =	vadd.s32 v12, v3  }
0x33c: {  	v12 =	vld [tilespmem:s17+$0x30];
	v7 =	vadd.s32 v7, v9  }
0x33d: {  	v9 =	vld [tilespmem:s17+$0x40];
	v5 =	vadd.s32 v10, v5  }
0x33e: {  	v6 =	vadd.s32 v14, v6;
	v10 =	vld [tilespmem:s17+$0x50]  }
0x33f: {  	v2 =	vadd.s32 v11, v2;
	v11 =	vld [tilespmem:s17+$0x60]  }
0x340: {  	v14 =	vld [tilespmem:s17+$0x800];
	v8 =	vadd.s32 v13, v8  }
0x341: {  	v13 =	vld [tilespmem:s17+$0x810];
	v4 =	vadd.s32 v12, v4  }
0x342: {  	v12 =	vld [tilespmem:s17+$0x820];
	v3 =	vadd.s32 v9, v3  }
0x343: {  	v9 =	vld [tilespmem:s17+$0x830];
	v7 =	vadd.s32 v10, v7  }
0x344: {  	v10 =	vld [tilespmem:s17+$0x840];
	v5 =	vadd.s32 v11, v5  }
0x345: {  	v6 =	vadd.s32 v14, v6;
	v11 =	vld [tilespmem:s17+$0x850]  }
0x346: {  	v2 =	vadd.s32 v13, v2;
	v13 =	vld [tilespmem:s17+$0x860]  }
0x347: {  	v14 =	vld [tilespmem:s17+$0x1000];
	v8 =	vadd.s32 v12, v8  }
0x348: {  	v12 =	vld [tilespmem:s17+$0x1010];
	v4 =	vadd.s32 v9, v4  }
0x349: {  	v9 =	vld [tilespmem:s17+$0x1020];
	v3 =	vadd.s32 v10, v3  }
0x34a: {  	v10 =	vld [tilespmem:s17+$0x1030];
	v7 =	vadd.s32 v11, v7  }
0x34b: {  	v11 =	vld [tilespmem:s17+$0x1040];
	v5 =	vadd.s32 v13, v5  }
0x34c: {  	v14 =	vadd.s32 v14, v6;
	v13 =	vld [tilespmem:s17+$0x1050]  }
0x34d: {  	v15 =	vadd.s32 v12, v2;
	v2 =	vld [tilespmem:s17+$0x1060]  }
0x34e: {  	v6 =	vmov s19;
	v16 =	vld [tilespmem:s17+$0x1800];
	v17 =	vadd.s32 v9, v8  }
0x34f: {  	s22 =	sadd.s32 $0x2, s19;
	s21 =	sadd.s32 $0x1, s19;
	v9 =	vand.u32 $0xFFFFFFF8, v6;
	v18 =	vld [tilespmem:s17+$0x1810];
	v19 =	vadd.s32 v10, v4  }
0x350: {  	v21 =	vmov s22;
	s22 =	sadd.s32 $0x4, s19;
	v10 =	vmov s21;
	s21 =	sadd.s32 $0x3, s19;
	v20 =	vld [tilespmem:s17+$0x1820];
	v6 =	vadd.s32 v11, v3  }
0x351: {  	v24 =	vmov s22;
	s22 =	sadd.s32 $0x6, s19;
	v23 =	vmov s21;
	s21 =	sadd.s32 $0x5, s19;
	s19 =	smov.u32 s20;
	v22 =	vld [tilespmem:s17+$0x1830];
	v8 =	vadd.s32 v13, v7  }
.Ltmp14:
0x352: {  	v4 =	vmov s21;
	v13 =	vld [tilespmem:s17+$0x1840];
	v12 =	vadd.s32 v2, v5;
	v2 =	vmov s22;
	(pc) =	sbr.rel @p0 .LBB2_27-.Ltmp14, $4  }
0x353: {  	v3 =	vbroadcast v9, $0x0;
	v11 =	vand.u32 $0xFFFFFFF9, v10;
	v5 =	vadd.s32 v16, v14;
	v14 =	vld [tilespmem:s17+$0x1850]  }
0x354: {  	v9 =	vand.u32 $0xFFFFFFFA, v21;
	[tilespmem:s18+$0xFFFFFFC0] =	vst v5;
	v7 =	vadd.s32 v18, v15;
	v15 =	vld [tilespmem:s17+$0x1860];
	s17 =	sadd.s32 $0x80, s17;
	(xrf0) =	vadd.scan.msk.s32 $0xffff, v5  }
0x355: {  	v10 =	vand.u32 $0xFFFFFFFB, v23;
	v16 =	vld [tilespmem:s17+$0xFFFFE070];
	[tilespmem:s18+$0xFFFFFFD0] =	vst v7;
	v18 =	vadd.s32 v20, v17;
	(xrf0) =	vadd.scan.msk.s32 $0xffff, v7  }
0x356: {  	s20 =	sadd.s32 $0x8, s20;
	v5 =	vand.u32 $0xFFFFFFFC, v24;
	v17 =	vld [tilespmem:s17+$0xFFFFE870];
	[tilespmem:s18+$0xFFFFFFE0] =	vst v18;
	v7 =	vadd.s32 v22, v19;
	(xrf0) =	vadd.scan.msk.s32 $0xffff, v18  }
0x357: {  	v18 =	vld [tilespmem:s17+$0xFFFFF070]  }
0x358: {  	v19 =	vld [tilespmem:s17+$0xFFFFF870]  }
0x359: {  	v20 =	vld [tilespmem:s17+$0x70]  }
0x35a: {  	v21 =	vld [tilespmem:s17+$0x870]  }
0x35b: {  	v22 =	vld [tilespmem:s17+$0x1070]  }
0x35c: {  	v23 =	vld [tilespmem:s17+$0x1870]  }
0x35d: {  	v24 =	vld [tilespmem:s17+$0xFFFFE800]  }
0x35e: {  	v25 =	vld [tilespmem:s17+$0xFFFFE010]  }
0x35f: {  	v26 =	vld [tilespmem:s17+$0xFFFFE810]  }
0x360: {  	v27 =	vld [tilespmem:s17+$0xFFFFE020]  }
0x361: {  	v28 =	vld [tilespmem:s17+$0xFFFFE820]  }
0x362: {  	v29 =	vld [tilespmem:s17+$0xFFFFE030]  }
0x363: {  	v30 =	vld [tilespmem:s17+$0xFFFFE830]  }
0x364: {  	v31 =	vld [tilespmem:s17+$0xFFFFE040]  }
0x365: {  	v32 =	vld [tilespmem:s17+$0xFFFFE840]  }
0x366: {  	v33 =	vld [tilespmem:s17+$0xFFFFE050]  }
0x367: {  	v34 =	vld [tilespmem:s17+$0xFFFFE850]  }
0x368: {  	v35 =	vld [tilespmem:s17+$0xFFFFE060]  }
0x369: {  	v36 =	vld [tilespmem:s17+$0xFFFFE860]  }
0x36a: {  	v37 =	vld [tilespmem:s17+$0xFFFFE000]  }
0x36b: {  	v38 =	vld [tilespmem:s17+$0xFFFFF000]  }
0x36c: {  	v39 =	vld [tilespmem:s17+$0xFFFFF010]  }
0x36d: {  	v40 =	vld [tilespmem:s17+$0xFFFFF020]  }
0x36e: {  	v41 =	vld [tilespmem:s17+$0xFFFFF030]  }
0x36f: {  	v42 =	vld [tilespmem:s17+$0xFFFFF040]  }
0x370: {  	v43 =	vld [tilespmem:s17+$0xFFFFF050]  }
0x371: {  	v44 =	vld [tilespmem:s17+$0xFFFFF060]  }
0x372: {  	v45 =	vld [tilespmem:s17+$0xFFFFF800]  }
0x373: {  	v46 =	vld [tilespmem:s17+$0xFFFFF810]  }
0x374: {  	v47 =	vld [tilespmem:s17+$0xFFFFF820]  }
0x375: {  	v48 =	vld [tilespmem:s17+$0xFFFFF830]  }
0x376: {  	v49 =	vld [tilespmem:s17+$0xFFFFF840]  }
0x377: {  	v51 =	vld [tilespmem:s17+$0x30]  }
0x378: {  	v52 =	vld [tilespmem:s17+$0x40]  }
0x379: {  	v56 =	vld [tilespmem:s17+$0x50]  }
0x37a: {  	v59 =	vld [tilespmem:s17+$0x60]  }
0x37b: {  	v6 =	vadd.s32 v13, v6;
	v62 =	vld [tilespmem:s17+$0x800];
	v11 =	vbroadcast v11, $0x0;
	v9 =	vbroadcast v9, $0x0  }
0x37c: {  	v63 =	vld [tilespmem:s17+$0x810];
	v4 =	vand.u32 $0xFFFFFFFD, v4;
	v10 =	vbroadcast v10, $0x0;
	v5 =	vbroadcast v5, $0x0  }
0x37d: {  	v2 =	vand.u32 $0xFFFFFFFE, v2;
	v8 =	vadd.s32 v14, v8;
	v16 =	vadd.s32 v16, v17;
	v17 =	vld [tilespmem:s17+$0xFFFFF850]  }
0x37e: {  	v4 =	vbroadcast v4, $0x0;
	v2 =	vbroadcast v2, $0x0;
	v16 =	vadd.s32 v18, v16;
	v18 =	vld [tilespmem:s17+$0xFFFFF860]  }
0x37f: {  	v12 =	vadd.s32 v15, v12;
	v53 =	vadd.s32 v25, v26;
	v60 =	vadd.s32 v35, v36;
	v36 =	vld [tilespmem:s17+$0x820]  }
0x380: {  	v61, _, _ =	vpop (xrf0);
	v54 =	vadd.s32 v27, v28;
	v55 =	vadd.s32 v29, v30;
	v24 =	vadd.s32 v37, v24;
	v37 =	vld [tilespmem:s17+$0x830]  }
0x381: {  	(xrf0) =	vadd.scan.msk.s32 $0xffff, v7;
	v57 =	vadd.s32 v31, v32;
	v58 =	vadd.s32 v33, v34;
	v30 =	vbroadcast v61, $0xF;
	v61 =	vld [tilespmem:s17+$0x1050]  }
0x382: {  	(xrf0) =	vadd.scan.msk.s32 $0xffff, v6;
	v29 =	vld [tilespmem:s17+$0x1060];
	v33 =	vmov s19;
	v16 =	vadd.s32 v19, v16;
	v24 =	vadd.s32 v38, v24  }
0x383: {  	[tilespmem:s18+$0x0] =	vst v6;
	v31 =	vld [tilespmem:s17+$0x1800];
	v15 =	vadd.s32 v39, v53;
	v26 =	vadd.s32 v42, v57;
	v27 =	vadd.s32 v43, v58  }
0x384: {  	v19 =	vld [tilespmem:s17+$0x0];
	v6 =	vand.u32 $0xFFFFFFF8, v33;
	v16 =	vadd.s32 v20, v16;
	[tilespmem:v3+s12+$0x0] =	vst.idx.msk $0x1, v30;
	v3 =	vadd.s32 v44, v60  }
0x385: {  	s20 =	sadd.s32 $0x7, s19;
	v38 =	vld [tilespmem:s17+$0x840];
	v39, _, _ =	vpop (xrf0);
	v24 =	vadd.s32 v45, v24;
	v15 =	vadd.s32 v46, v15;
	v26 =	vadd.s32 v49, v26  }
0x386: {  	v20 =	vld [tilespmem:s17+$0x10];
	v34 =	vbroadcast v39, $0xF;
	v30 =	vmov s20;
	v16 =	vadd.s32 v21, v16  }
0x387: {  	v42 =	vld [tilespmem:s17+$0x860];
	v6 =	vbroadcast v6, $0x0;
	v50 =	vadd.s32 v22, v16;
	v22 =	vadd.s32 v40, v54  }
0x388: {  	v21 =	vld [tilespmem:s17+$0x20];
	v17 =	vadd.s32 v17, v27;
	v13 =	vadd.s32 v23, v50;
	v23 =	vadd.s32 v41, v55  }
0x389: {  	[tilespmem:s18+$0xFFFFFFF0] =	vst v7;
	v43 =	vld [tilespmem:s17+$0x1000];
	v22 =	vadd.s32 v47, v22;
	v41, _, _ =	vpop (xrf0);
	v3 =	vadd.s32 v18, v3;
	v17 =	vadd.s32 v56, v17  }
0x38a: {  	s28 =	sadd.s32 $0x4, s19;
	(xrf0) =	vadd.scan.msk.s32 $0xffff, v8;
	v53 =	vld [tilespmem:s17+$0x1030];
	v23 =	vadd.s32 v48, v23;
	v27 =	vbroadcast v41, $0xF;
	v19 =	vadd.s32 v19, v24  }
0x38b: {  	[tilespmem:s18+$0x10] =	vst v8;
	v57 =	vld [tilespmem:s17+$0x1040];
	v45, _, _ =	vpop (xrf0);
	v3 =	vadd.s32 v59, v3;
	v41 =	vmov s28;
	v44 =	vadd.s32 v20, v15  }
0x38c: {  	(xrf0) =	vadd.scan.msk.s32 $0xffff, v12;
	v40 =	vld [tilespmem:s17+$0x850];
	v48 =	vbroadcast v45, $0xF;
	v49 =	vadd.s32 v51, v23;
	v51 =	vadd.s32 v52, v26  }
0x38d: {  	[tilespmem:s18+$0x20] =	vst v12;
	v47 =	vld [tilespmem:s17+$0x1010];
	v52, _, _ =	vpop (xrf0);
	v56 =	vadd.s32 v62, v19;
	v3 =	vadd.s32 v42, v3;
	v46 =	vadd.s32 v21, v22  }
0x38e: {  	s24 =	sadd.s32 $0x1, s19;
	[tilespmem:v11+s12+$0x0] =	vst.idx.msk $0x1, v34;
	v50 =	vld [tilespmem:s17+$0x1020];
	v54 =	vbroadcast v52, $0xF;
	v59 =	vadd.s32 v63, v44;
	v63 =	vadd.s32 v37, v49  }
0x38f: {  	s21 =	sadd.s32 $0x2, s19;
	s25 =	sadd.s32 $0x80, s18;
	s29 =	sadd.s32 $0x5, s19;
	v39 =	vld [tilespmem:s17+$0x1830];
	(xrf0) =	vadd.scan.msk.s32 $0xffff, v13;
	v7 =	vadd.s32 v38, v51;
	v32 =	vadd.s32 v43, v56;
	v37 =	vmov s24  }
0x390: {  	v34 =	vld [tilespmem:s17+$0x1810];
	[tilespmem:s25+$0x30] =	vst v13;
	v55, _, _ =	vpop (xrf0);
	v38 =	vmov s21;
	v44 =	vmov s29;
	v3 =	vadd.s32 v29, v3  }
0x391: {  	s26 =	sadd.s32 $0x3, s19;
	s30 =	sadd.s32 $0x6, s19;
	[tilespmem:v9+s12+$0x0] =	vst.idx.msk $0x1, v27;
	v58 =	vbroadcast v55, $0xF;
	v20 =	vadd.s32 v36, v46;
	v17 =	vadd.s32 v40, v17;
	v36 =	vld [tilespmem:s17+$0x1820]  }
0x392: {  	v42 =	vld [tilespmem:s17+$0x1840];
	[tilespmem:v10+s12+$0x0] =	vst.idx.msk $0x1, v48;
	v60, _, _ =	vpop (xrf0);
	v7 =	vadd.s32 v57, v7;
	v40 =	vmov s26;
	v46 =	vmov s30  }
0x393: {  	v45 =	vld [tilespmem:s17+$0x1850];
	[tilespmem:v5+s12+$0x0] =	vst.idx.msk $0x1, v54;
	v62 =	vbroadcast v60, $0xF;
	v10 =	vadd.s32 v47, v59;
	v35 =	vadd.s32 v50, v20  }
0x394: {  	v48 =	vand.u32 $0xFFFFFFFA, v38;
	v43 =	vadd.s32 v61, v17;
	[tilespmem:v4+s12+$0x0] =	vst.idx.msk $0x1, v58;
	v4 =	vadd.s32 v31, v32  }
0x395: {  	v47 =	vld [tilespmem:s17+$0x1860];
	v5 =	vand.u32 $0xFFFFFFF9, v37;
	v10 =	vadd.s32 v34, v10;
	[tilespmem:v2+s12+$0x0] =	vst.idx.msk $0x1, v62;
	(xrf0) =	vadd.scan.msk.s32 $0xffff, v4  }
0x396: {  	v2 =	vadd.s32 v53, v63;
	[tilespmem:s25+$0xFFFFFFC0] =	vst v4;
	(xrf0) =	vadd.scan.msk.s32 $0xffff, v10;
	v12 =	vadd.s32 v36, v35  }
0x397: {  	[tilespmem:s25+$0xFFFFFFD0] =	vst v10;
	v7 =	vadd.s32 v42, v7;
	v2 =	vadd.s32 v39, v2;
	(xrf0) =	vadd.scan.msk.s32 $0xffff, v12  }
0x398: {  	v49 =	vand.u32 $0xFFFFFFFB, v40;
	v28, _, _ =	vpop (xrf0);
	v8 =	vadd.s32 v45, v43;
	[tilespmem:s25+$0x0] =	vst v7;
	(xrf0) =	vadd.scan.msk.s32 $0xffff, v2  }
0x399: {  	v5 =	vbroadcast v5, $0x0;
	v11 =	vbroadcast v28, $0xF;
	[tilespmem:s25+$0x10] =	vst v8;
	(xrf0) =	vadd.scan.msk.s32 $0xffff, v7  }
0x39a: {  	[tilespmem:s25+$0xFFFFFFF0] =	vst v2;
	v3 =	vadd.s32 v47, v3;
	v2 =	vbroadcast v48, $0x0;
	(xrf0) =	vadd.scan.msk.s32 $0xffff, v8  }
0x39b: {  	v50 =	vand.u32 $0xFFFFFFFC, v41;
	v51 =	vbroadcast v49, $0x0;
	[tilespmem:v30+s12+$0x0] =	vst.idx.msk $0x1, v11;
	v52, _, _ =	vpop (xrf0);
	(xrf0) =	vadd.scan.msk.s32 $0xffff, v3  }
0x39c: {  	v53 =	vand.u32 $0xFFFFFFFD, v44;
	v4 =	vbroadcast v50, $0x0;
	[tilespmem:s25+$0xFFFFFFE0] =	vst v12;
	v54 =	vbroadcast v52, $0xF;
	v55, _, _ =	vpop (xrf0)  }
0x39d: {  	v10 =	vbroadcast v53, $0x0;
	[tilespmem:s25+$0x20] =	vst v3;
	v3 =	vand.u32 $0xFFFFFFFE, v46;
	v9 =	vbroadcast v55, $0xF;
	v56, _, _ =	vpop (xrf0)  }
0x39e: {  	v3 =	vbroadcast v3, $0x0;
	[tilespmem:v6+s12+$0x0] =	vst.idx.msk $0x1, v54;
	v57 =	vbroadcast v56, $0xF;
	v58, _, _ =	vpop (xrf0)  }
0x39f: {  	[tilespmem:v5+s12+$0x0] =	vst.idx.msk $0x1, v9;
	v59 =	vbroadcast v58, $0xF;
	v60, _, _ =	vpop (xrf0)  }
0x3a0: {  	[tilespmem:v2+s12+$0x0] =	vst.idx.msk $0x1, v57;
	v2 =	vbroadcast v60, $0xF;
	v61, _, _ =	vpop (xrf0)  }
0x3a1: {  	[tilespmem:v51+s12+$0x0] =	vst.idx.msk $0x1, v59;
	v62 =	vbroadcast v61, $0xF;
	v63, _, _ =	vpop (xrf0)  }
0x3a2: {  	[tilespmem:v4+s12+$0x0] =	vst.idx.msk $0x1, v2;
	v2 =	vbroadcast v63, $0xF  }
0x3a3: {  	[tilespmem:v10+s12+$0x0] =	vst.idx.msk $0x1, v62  }
0x3a4: {  	s31 =	simm.s32 $0x0;
	[tilespmem:v3+s12+$0x0] =	vst.idx.msk $0x1, v2  }
0x3a5: {  	v2 =	vld [tilespmem:s31+$0x18800];
	_ =	sdelay $0x4  }
0x3a6: {  	(xrf0) =	vadd.scan.msk.s32 $0xffff, v2;
	_ =	sdelay $0x5  }
0x3a7: {  	v3, _, _ =	vpop (xrf0)  }
0x3a8: {  	s18 =	simm.s32 $0xFFFFFFFF;
	(v2sf) =	vpush v3, $0xF  }
0x3a9: {  	v2 =	vsub.s32 s18, v2  }
0x3aa: {  	v2 =	vadd.s32 v3, v2  }
0x3ab: {  	s19 =	simm.s32 $0x80;
	s17 =	simm.s32 $0x10;
	[tilespmem:s31+$0x18800] =	vst v2  }
.LBB2_29:
0x3ac: {  	p0 =	sne.s32 s19, $0x1C0;
	v2 =	vld [tilespmem:s17+$0x18800];
	_ =	sdelay $0x4  }
0x3ad: {  	(xrf0) =	vadd.scan.msk.s32 $0xffff, v2;
	_ =	sdelay $0x5  }
.Ltmp15:
0x3ae: {  	v3, _, _ =	vpop (xrf0);
	s20 =	spop (v2sf);
	(pc) =	sbr.rel @p0 .LBB2_29-.Ltmp15, $4  }
0x3af: {  	(v2sf) =	vpush v3, $0xF;
	s18 =	sadd.s32 s18, s20  }
0x3b0: {  	v2 =	vsub.s32 s18, v2  }
0x3b1: {  	v2 =	vadd.s32 v3, v2  }
0x3b2: {  	[tilespmem:s17+$0x18800] =	vst v2;
	s17 =	sshra.s32 s19, $0x2;
	s19 =	sadd.s32 $0x40, s19  }
0x3b3: {  	_ =	sdelay $0x1  }
0x3b4: {  	v2 =	vld [tilespmem:s17+$0x18800];
	_ =	sdelay $0x4  }
0x3b5: {  	(xrf0) =	vadd.scan.msk.s32 $0xffff, v2  }
0x3b6: {  	s26 =	simm.s32 $0x0;
	s28 =	simm.s32 $0x1;
	s29 =	simm.s32 $0x7  }
0x3b7: {  	s30 =	simm.s32 $0x2;
	s31 =	simm.s32 $0x3;
	v4 =	vmov s26;
	v5 =	vmov s28;
	v6 =	vmov s29  }
0x3b8: {  	s20 =	simm.s32 $0x4;
	v7 =	vmov s30;
	v8 =	vmov s31;
	v4 =	vand.u32 $0xFFFFFFF8, v4  }
0x3b9: {  	s21 =	simm.s32 $0x5;
	v9 =	vmov s20;
	v5 =	vand.u32 $0xFFFFFFF9, v5;
	v4 =	vbroadcast v4, $0x0;
	s19 =	spop (v2sf)  }
0x3ba: {  	v10 =	vmov s21;
	v7 =	vand.u32 $0xFFFFFFFA, v7;
	v5 =	vbroadcast v5, $0x0;
	s18 =	sadd.s32 s18, s19  }
0x3bb: {  	v8 =	vand.u32 $0xFFFFFFFB, v8;
	v7 =	vbroadcast v7, $0x0;
	v3, _, _ =	vpop (xrf0);
	v2 =	vsub.s32 s18, v2  }
0x3bc: {  	v9 =	vand.u32 $0xFFFFFFFC, v9;
	v8 =	vbroadcast v8, $0x0;
	v2 =	vadd.s32 v3, v2  }
0x3bd: {  	v9 =	vbroadcast v9, $0x0;
	[tilespmem:s17+$0x18800] =	vst v2;
	v2 =	vand.u32 $0xFFFFFFFD, v10  }
0x3be: {  	v10 =	vbroadcast v2, $0x0;
	v2 =	vld.idx.msk [tilespmem:v6+s12+$0x0], $0xffff  }
0x3bf: {  	v17 =	vld.idx.msk [tilespmem:v4+s12+$0x0], $0xffff  }
0x3c0: {  	v4 =	vld.idx.msk [tilespmem:v5+s12+$0x0], $0xffff  }
0x3c1: {  	s22 =	simm.s32 $0x6;
	(v2sf) =	vpush v3, $0xF;
	v3 =	vld.idx.msk [tilespmem:v7+s12+$0x0], $0xffff  }
0x3c2: {  	v6 =	vld.idx.msk [tilespmem:v8+s12+$0x0], $0xffff;
	v5 =	vmov s22  }
0x3c3: {  	s17 =	simm.s32 $0x18040;
	v7 =	vld.idx.msk [tilespmem:v9+s12+$0x0], $0xffff;
	v5 =	vand.u32 $0xFFFFFFFE, v5  }
0x3c4: {  	v15 =	vld [tilespmem:s17+$0x20];
	v5 =	vbroadcast v5, $0x0  }
0x3c5: {  	v11 =	vld [tilespmem:s17+$0xFFFFFFE0]  }
0x3c6: {  	v9 =	vld [tilespmem:s17+$0xFFFFFFD0]  }
0x3c7: {  	s23 =	simm.s32 $0x8;
	s24 =	simm.s32 $0x9;
	s25 =	simm.s32 $0xF;
	v18 =	vld [tilespmem:s17+$0xFFFFFFF0]  }
0x3c8: {  	v12 =	vmov s24;
	s26 =	simm.s32 $0xA;
	v16 =	vmov s25;
	s29 =	simm.s32 $0xC;
	v8 =	vld.idx.msk [tilespmem:v10+s12+$0x0], $0xffff;
	v10 =	vmov s23  }
0x3c9: {  	v13 =	vmov s26;
	v25 =	vmov s29;
	v20 =	vld [tilespmem:s17+$0x0];
	v10 =	vand.u32 $0xFFFFFFF8, v10  }
0x3ca: {  	s28 =	simm.s32 $0xB;
	v14 =	vsub.s32 v3, v11;
	v19 =	vbroadcast v10, $0x0;
	v10 =	vand.u32 $0xFFFFFFF9, v12;
	v22 =	vld.idx.msk [tilespmem:v5+s12+$0x0], $0xffff  }
0x3cb: {  	s30 =	simm.s32 $0xD;
	(xrf0) =	vadd.scan.msk.s32 $0xffff, v15;
	v5 =	vmov s28;
	v21 =	vbroadcast v10, $0x0;
	v10 =	vand.u32 $0xFFFFFFFA, v13  }
0x3cc: {  	v24 =	vld [tilespmem:s17+$0x10];
	v3 =	vmov s30;
	(xrf0) =	vadd.scan.msk.s32 $0xffff, v9;
	v5 =	vand.u32 $0xFFFFFFFB, v5;
	v23 =	vbroadcast v10, $0x0  }
0x3cd: {  	v26 =	vld [tilespmem:s17+$0xFFFFFFC0];
	(xrf0) =	vadd.scan.msk.s32 $0xffff, v11;
	v13 =	vsub.s32 v4, v9;
	v4 =	vand.u32 $0xFFFFFFFC, v25;
	v12 =	vbroadcast v5, $0x0  }
0x3ce: {  	(xrf0) =	vadd.scan.msk.s32 $0xffff, v18;
	v10 =	vld [tilespmem:s17+$0x30];
	v9 =	vbroadcast v4, $0x0;
	v4 =	vand.u32 $0xFFFFFFFD, v3  }
0x3cf: {  	(xrf0) =	vadd.scan.msk.s32 $0xffff, v20;
	v5 =	vld.idx.msk [tilespmem:v16+s12+$0x0], $0xffff;
	v16 =	vsub.s32 v6, v18;
	v18 =	vsub.s32 v22, v15;
	v15 =	vbroadcast v4, $0x0  }
0x3d0: {  	v6 =	vld.idx.msk [tilespmem:v19+s12+$0x0], $0xffff  }
0x3d1: {  	s20 =	simm.s32 $0xE;
	v11 =	vsub.s32 v7, v20;
	(xrf0) =	vadd.scan.msk.s32 $0xffff, v24;
	v7 =	vsub.s32 v8, v24;
	v19, _, _ =	vpop (xrf0);
	v3 =	vld.idx.msk [tilespmem:v21+s12+$0x0], $0xffff  }
0x3d2: {  	s19 =	simm.s32 $0x10;
	s18 =	simm.s32 $0x18040;
	s31 =	spop (v2sf);
	v8 =	vsub.s32 v17, v26;
	(xrf0) =	vadd.scan.msk.s32 $0xffff, v26;
	v18 =	vadd.s32 v19, v18;
	v17, _, _ =	vpop (xrf0);
	v4 =	vld.idx.msk [tilespmem:v23+s12+$0x0], $0xffff  }
.LBB2_31:
0x3d3: {  	p0 =	slt.u32 s19, $0x78;
	v19 =	vld.idx.msk [tilespmem:v12+s12+$0x0], $0xffff;
	v12 =	vmov s20;
	[tilespmem:s17+$0x20] =	vst v18;
	v18 =	vsub.s32 v2, v10;
	v2, _, _ =	vpop (xrf0);
	(xrf0) =	vadd.scan.msk.s32 $0xffff, v10  }
0x3d4: {  	v10 =	vadd.s32 v17, v13;
	v20 =	vld.idx.msk [tilespmem:v9+s12+$0x0], $0xffff;
	v9 =	vand.u32 $0xFFFFFFFE, v12;
	v12 =	vadd.s32 v2, v14;
	v2, _, _ =	vpop (xrf0)  }
0x3d5: {  	s17 =	sadd.s32 $0x80, s17;
	v17 =	vld.idx.msk [tilespmem:v15+s12+$0x0], $0xffff;
	v9 =	vbroadcast v9, $0x0;
	[tilespmem:s18+$0xFFFFFFD0] =	vst v10;
	v14 =	vadd.s32 v2, v16;
	v13, _, _ =	vpop (xrf0);
	v2 =	vmov v5  }
0x3d6: {  	s20 =	sadd.s32 $0x1, s19;
	s21 =	sadd.s32 $0x7, s19;
	v5 =	vmov s19;
	v22 =	vmov v6;
	v21 =	vld [tilespmem:s17+$0x20];
	[tilespmem:s18+$0xFFFFFFE0] =	vst v12;
	v11 =	vadd.s32 v13, v11  }
0x3d7: {  	s22 =	sadd.s32 $0x3, s19;
	v23 =	vmov s21;
	v6 =	vmov s20;
	s20 =	sadd.s32 $0x2, s19;
	v5 =	vand.u32 $0xFFFFFFF8, v5;
	v12 =	vld [tilespmem:s17+$0xFFFFFFD0];
	[tilespmem:s18+$0xFFFFFFF0] =	vst v14;
	v10, _, _ =	vpop (xrf0)  }
0x3d8: {  	s21 =	sadd.s32 $0x5, s19;
	v13 =	vmov s20;
	s20 =	sadd.s32 $0x4, s19;
	v14 =	vmov s22;
	v15 =	vld [tilespmem:s17+$0xFFFFFFE0];
	[tilespmem:s18+$0x0] =	vst v11;
	v25 =	vadd.s32 v10, v7;
	v10, _, _ =	vpop (xrf0)  }
0x3d9: {  	v16 =	vmov s21;
	v11 =	vmov s20;
	v24 =	vld [tilespmem:s17+$0xFFFFFFF0];
	v8 =	vadd.s32 v10, v8;
	[tilespmem:s18+$0x10] =	vst v25;
	v7, _, _ =	vpop (xrf0)  }
0x3da: {  	v25 =	vbroadcast v5, $0x0;
	v5 =	vand.u32 $0xFFFFFFF9, v6;
	v6 =	vld [tilespmem:s17+$0x0];
	[tilespmem:s18+$0xFFFFFFC0] =	vst v8;
	v7 =	vadd.s32 v7, v18  }
0x3db: {  	v8 =	vbroadcast v5, $0x0;
	v5 =	vand.u32 $0xFFFFFFFA, v13;
	v18 =	vld.idx.msk [tilespmem:v9+s12+$0x0], $0xffff;
	(xrf0) =	vadd.scan.msk.s32 $0xffff, v21;
	[tilespmem:s18+$0x30] =	vst v7;
	s18 =	smov.u32 s17  }
0x3dc: {  	v26 =	vbroadcast v5, $0x0;
	v5 =	vand.u32 $0xFFFFFFFB, v14;
	v13 =	vsub.s32 v3, v12;
	v27 =	vld [tilespmem:s17+$0x10];
	(xrf0) =	vadd.scan.msk.s32 $0xffff, v12  }
0x3dd: {  	v12 =	vbroadcast v5, $0x0;
	v3 =	vand.u32 $0xFFFFFFFC, v11;
	v28 =	vld [tilespmem:s17+$0xFFFFFFC0];
	v14 =	vsub.s32 v4, v15;
	(xrf0) =	vadd.scan.msk.s32 $0xffff, v15  }
.Ltmp16:
0x3de: {  	v9 =	vbroadcast v3, $0x0;
	v3 =	vand.u32 $0xFFFFFFFD, v16;
	v16 =	vsub.s32 v19, v24;
	v10 =	vld [tilespmem:s17+$0x30];
	(xrf0) =	vadd.scan.msk.s32 $0xffff, v24;
	(pc) =	sbr.rel @p0 .LBB2_31-.Ltmp16, $4  }
0x3df: {  	v15 =	vbroadcast v3, $0x0;
	v5 =	vld.idx.msk [tilespmem:v23+s12+$0x0], $0xffff;
	v11 =	vsub.s32 v20, v6;
	(xrf0) =	vadd.scan.msk.s32 $0xffff, v6  }
0x3e0: {  	v6 =	vld.idx.msk [tilespmem:v25+s12+$0x0], $0xffff  }
0x3e1: {  	v19 =	vsub.s32 v18, v21;
	v3 =	vld.idx.msk [tilespmem:v8+s12+$0x0], $0xffff;
	v7 =	vsub.s32 v17, v27;
	(xrf0) =	vadd.scan.msk.s32 $0xffff, v27;
	v18, _, _ =	vpop (xrf0)  }
0x3e2: {  	s20 =	sadd.s32 $0x6, s19;
	s19 =	sadd.s32 $0x8, s19;
	v4 =	vld.idx.msk [tilespmem:v26+s12+$0x0], $0xffff;
	v8 =	vsub.s32 v22, v28;
	v18 =	vadd.s32 v18, v19;
	(xrf0) =	vadd.scan.msk.s32 $0xffff, v28;
	v17, _, _ =	vpop (xrf0)  }
0x3e3: {  	v19 =	vmov s20  }
0x3e4: {  	s19 =	sadd.s32 $0x80, s17;
	v19 =	vand.u32 $0xFFFFFFFE, v19  }
0x3e5: {  	v20 =	vld [tilespmem:s19+$0x20];
	v19 =	vbroadcast v19, $0x0;
	_ =	sdelay $0x2  }
0x3e6: {  	v41, _, _ =	vpop (xrf0);
	v21 =	vld [tilespmem:s19+$0xFFFFFFD0]  }
0x3e7: {  	(xrf0) =	vadd.scan.msk.s32 $0xffff, v10;
	v22 =	vld [tilespmem:s19+$0xFFFFFFE0];
	v43, _, _ =	vpop (xrf0)  }
0x3e8: {  	v23 =	vld [tilespmem:s19+$0xFFFFFFF0];
	v45, _, _ =	vpop (xrf0);
	(xrf0) =	vadd.scan.msk.s32 $0xffff, v20  }
0x3e9: {  	v47, _, _ =	vpop (xrf0);
	v19 =	vld.idx.msk [tilespmem:v19+s12+$0x0], $0xffff  }
0x3ea: {  	v7 =	vadd.s32 v47, v7  }
0x3eb: {  	v24 =	vld [tilespmem:s19+$0x0];
	(xrf0) =	vadd.scan.msk.s32 $0xffff, v21  }
0x3ec: {  	v42 =	vld [tilespmem:s19+$0x10];
	v49, _, _ =	vpop (xrf0);
	(xrf0) =	vadd.scan.msk.s32 $0xffff, v22  }
0x3ed: {  	v2 =	vsub.s32 v2, v10;
	[tilespmem:s18+$0x10] =	vst v7;
	v7, _, _ =	vpop (xrf0);
	(xrf0) =	vadd.scan.msk.s32 $0xffff, v23  }
0x3ee: {  	v48 =	vld.idx.msk [tilespmem:v12+s12+$0x0], $0xffff;
	v2 =	vadd.s32 v7, v2;
	v51, _, _ =	vpop (xrf0);
	v7 =	vsub.s32 v19, v20  }
0x3ef: {  	v44 =	vld [tilespmem:s19+$0xFFFFFFC0];
	[tilespmem:s18+$0x30] =	vst v2;
	v2 =	vsub.s32 v3, v21;
	v3 =	vadd.s32 v51, v7  }
0x3f0: {  	[tilespmem:s17+$0x20] =	vst v18;
	v13 =	vadd.s32 v17, v13;
	v46 =	vld [tilespmem:s19+$0x30];
	v4 =	vsub.s32 v4, v22;
	(xrf0) =	vadd.scan.msk.s32 $0xffff, v24  }
0x3f1: {  	v9 =	vld.idx.msk [tilespmem:v9+s12+$0x0], $0xffff;
	[tilespmem:s18+$0xFFFFFFD0] =	vst v13;
	(xrf0) =	vadd.scan.msk.s32 $0xffff, v42;
	v7, _, _ =	vpop (xrf0)  }
0x3f2: {  	v50 =	vld.idx.msk [tilespmem:v15+s12+$0x0], $0xffff;
	v14 =	vadd.s32 v41, v14;
	v16 =	vadd.s32 v43, v16;
	[tilespmem:s19+$0x20] =	vst v3;
	v3, _, _ =	vpop (xrf0)  }
0x3f3: {  	[tilespmem:s18+$0xFFFFFFE0] =	vst v14;
	v2 =	vadd.s32 v7, v2;
	v7 =	vsub.s32 v48, v23;
	v3 =	vadd.s32 v3, v4;
	v4, _, _ =	vpop (xrf0)  }
0x3f4: {  	[tilespmem:s18+$0xFFFFFFF0] =	vst v16;
	(xrf0) =	vadd.scan.msk.s32 $0xffff, v44;
	v4 =	vadd.s32 v4, v7  }
0x3f5: {  	(xrf0) =	vadd.scan.msk.s32 $0xffff, v46;
	[tilespmem:s19+$0xFFFFFFD0] =	vst v2  }
0x3f6: {  	v2 =	vsub.s32 v9, v24;
	[tilespmem:s19+$0xFFFFFFE0] =	vst v3;
	v7, _, _ =	vpop (xrf0)  }
0x3f7: {  	v3 =	vsub.s32 v50, v42;
	[tilespmem:s19+$0xFFFFFFF0] =	vst v4;
	v2 =	vadd.s32 v7, v2;
	v4, _, _ =	vpop (xrf0)  }
0x3f8: {  	v11 =	vadd.s32 v45, v11;
	[tilespmem:s19+$0x0] =	vst v2;
	v2 =	vadd.s32 v4, v3  }
0x3f9: {  	[tilespmem:s18+$0x0] =	vst v11;
	v8 =	vadd.s32 v49, v8  }
0x3fa: {  	v6 =	vsub.s32 v6, v44;
	[tilespmem:s18+$0xFFFFFFC0] =	vst v8;
	v3, _, _ =	vpop (xrf0)  }
0x3fb: {  	v4 =	vsub.s32 v5, v46;
	v3 =	vadd.s32 v3, v6;
	[tilespmem:s19+$0x10] =	vst v2;
	v2, _, _ =	vpop (xrf0)  }
0x3fc: {  	[tilespmem:s19+$0xFFFFFFC0] =	vst v3;
	v2 =	vadd.s32 v2, v4  }
0x3fd: {  	s31 =	simm.s32 $0x18020;
	[tilespmem:s19+$0x30] =	vst v2  }
0x3fe: {  	v2 =	vld [tilespmem:s31+$0xFFFFFFE0]  }
0x3ff: {  	v3 =	vld [tilespmem:s31+$0xFFFFFFF0]  }
0x400: {  	v4 =	vld [tilespmem:s31+$0x0]  }
0x401: {  	v5 =	vld [tilespmem:s31+$0x10]  }
0x402: {  	s18 =	simm.s32 $0x16000  }
0x403: {  	s17 =	simm.s32 $0x12000;
	[tilespmem:s18+$0xFFFFE000] =	vst v2  }
0x404: {  	[tilespmem:s18+$0xFFFFE010] =	vst v3;
	v6 =	vld [tilespmem:s17+$0xFFFFE000]  }
0x405: {  	[tilespmem:s18+$0xFFFFE020] =	vst v4  }
0x406: {  	[tilespmem:s18+$0xFFFFE030] =	vst v5;
	v7 =	vld [tilespmem:s17+$0xFFFFE010]  }
0x407: {  	[tilespmem:s17+$0xFFFFE010] =	vst v0;
	v52 =	vld [tilespmem:s17+$0xFFFFE020]  }
0x408: {  	[tilespmem:s17+$0xFFFFE000] =	vst v0  }
0x409: {  	[tilespmem:s17+$0xFFFFE020] =	vst v0;
	v2 =	vadd.s32 v2, v6;
	v6 =	vld [tilespmem:s17+$0xFFFFE030]  }
0x40a: {  	[tilespmem:s17+$0xFFFFE030] =	vst v0  }
0x40b: {  	v3 =	vadd.s32 v3, v7;
	[tilespmem:s18+$0xFFFFE800] =	vst v2  }
0x40c: {  	v4 =	vadd.s32 v4, v52;
	[tilespmem:s18+$0xFFFFE810] =	vst v3;
	v7 =	vld [tilespmem:s17+$0xFFFFE800]  }
0x40d: {  	[tilespmem:s18+$0xFFFFE820] =	vst v4  }
0x40e: {  	[tilespmem:s17+$0xFFFFE800] =	vst v0;
	v53 =	vld [tilespmem:s17+$0xFFFFE810];
	v5 =	vadd.s32 v5, v6  }
0x40f: {  	[tilespmem:s18+$0xFFFFE830] =	vst v5  }
0x410: {  	[tilespmem:s17+$0xFFFFE810] =	vst v0;
	v6 =	vld [tilespmem:s17+$0xFFFFE830]  }
0x411: {  	v2 =	vadd.s32 v2, v7;
	v7 =	vld [tilespmem:s17+$0xFFFFE820];
	[tilespmem:s17+$0xFFFFE820] =	vst v0  }
0x412: {  	[tilespmem:s17+$0xFFFFE830] =	vst v0  }
0x413: {  	v3 =	vadd.s32 v3, v53;
	[tilespmem:s18+$0xFFFFF000] =	vst v2  }
0x414: {  	[tilespmem:s18+$0xFFFFF010] =	vst v3  }
0x415: {  	v54 =	vld [tilespmem:s17+$0xFFFFF000];
	[tilespmem:s17+$0xFFFFF000] =	vst v0  }
0x416: {  	v55 =	vld [tilespmem:s17+$0xFFFFF010];
	[tilespmem:s17+$0xFFFFF010] =	vst v0;
	v5 =	vadd.s32 v5, v6  }
0x417: {  	v4 =	vadd.s32 v4, v7;
	[tilespmem:s18+$0xFFFFF030] =	vst v5  }
0x418: {  	[tilespmem:s18+$0xFFFFF020] =	vst v4;
	v6 =	vld [tilespmem:s17+$0xFFFFF030]  }
0x419: {  	v7 =	vld [tilespmem:s17+$0xFFFFF020];
	[tilespmem:s17+$0xFFFFF020] =	vst v0  }
0x41a: {  	v2 =	vadd.s32 v2, v54;
	[tilespmem:s17+$0xFFFFF030] =	vst v0  }
0x41b: {  	v3 =	vadd.s32 v3, v55;
	[tilespmem:s18+$0xFFFFF800] =	vst v2  }
0x41c: {  	[tilespmem:s18+$0xFFFFF810] =	vst v3;
	v56 =	vld [tilespmem:s17+$0xFFFFF800]  }
0x41d: {  	[tilespmem:s17+$0xFFFFF800] =	vst v0  }
0x41e: {  	v5 =	vadd.s32 v5, v6;
	v6 =	vld [tilespmem:s17+$0xFFFFF810];
	[tilespmem:s17+$0xFFFFF810] =	vst v0  }
0x41f: {  	v4 =	vadd.s32 v4, v7;
	[tilespmem:s18+$0xFFFFF830] =	vst v5  }
0x420: {  	[tilespmem:s18+$0xFFFFF820] =	vst v4  }
0x421: {  	v2 =	vadd.s32 v2, v56;
	v57 =	vld [tilespmem:s17+$0xFFFFF830];
	[tilespmem:s17+$0xFFFFF830] =	vst v0  }
0x422: {  	[tilespmem:s18+$0x0] =	vst v2  }
0x423: {  	v7 =	vld [tilespmem:s17+$0x0];
	[tilespmem:s17+$0x0] =	vst v0;
	v3 =	vadd.s32 v3, v6  }
0x424: {  	v6 =	vld [tilespmem:s17+$0xFFFFF820];
	[tilespmem:s18+$0x10] =	vst v3  }
0x425: {  	[tilespmem:s17+$0xFFFFF820] =	vst v0;
	v58 =	vld [tilespmem:s17+$0x10]  }
0x426: {  	v5 =	vadd.s32 v5, v57;
	[tilespmem:s17+$0x10] =	vst v0  }
0x427: {  	[tilespmem:s18+$0x30] =	vst v5  }
0x428: {  	v59 =	vld [tilespmem:s17+$0x30];
	[tilespmem:s17+$0x30] =	vst v0;
	v2 =	vadd.s32 v2, v7  }
0x429: {  	[tilespmem:s18+$0x800] =	vst v2;
	v4 =	vadd.s32 v4, v6  }
0x42a: {  	[tilespmem:s18+$0x20] =	vst v4;
	v61 =	vld [tilespmem:s17+$0x800];
	v3 =	vadd.s32 v3, v58  }
0x42b: {  	v6 =	vld [tilespmem:s17+$0x20];
	[tilespmem:s18+$0x810] =	vst v3  }
0x42c: {  	[tilespmem:s17+$0x800] =	vst v0;
	v7 =	vld [tilespmem:s17+$0x810]  }
0x42d: {  	[tilespmem:s17+$0x20] =	vst v0  }
0x42e: {  	v5 =	vadd.s32 v5, v59;
	[tilespmem:s17+$0x810] =	vst v0  }
0x42f: {  	[tilespmem:s18+$0x830] =	vst v5  }
0x430: {  	v60 =	vld [tilespmem:s17+$0x830];
	[tilespmem:s17+$0x830] =	vst v0;
	v4 =	vadd.s32 v4, v6  }
0x431: {  	[tilespmem:s18+$0x820] =	vst v4;
	v3 =	vadd.s32 v3, v7  }
0x432: {  	v62 =	vadd.s32 v2, v61;
	v6 =	vld [tilespmem:s17+$0x820];
	[tilespmem:s18+$0x1010] =	vst v3  }
0x433: {  	[tilespmem:s18+$0x1000] =	vst v62;
	v7 =	vld [tilespmem:s17+$0x1010]  }
0x434: {  	[tilespmem:s17+$0x820] =	vst v0  }
0x435: {  	v5 =	vadd.s32 v5, v60;
	[tilespmem:s17+$0x1010] =	vst v0  }
0x436: {  	[tilespmem:s18+$0x1030] =	vst v5  }
0x437: {  	v63 =	vld [tilespmem:s17+$0x1030];
	[tilespmem:s17+$0x1030] =	vst v0;
	v2 =	vadd.s32 v4, v6  }
0x438: {  	v4 =	vld [tilespmem:s17+$0x1000];
	[tilespmem:s18+$0x1020] =	vst v2;
	v3 =	vadd.s32 v3, v7  }
0x439: {  	[tilespmem:s18+$0x1810] =	vst v3;
	v3 =	vld [tilespmem:s17+$0x1020]  }
0x43a: {  	[tilespmem:s17+$0x1000] =	vst v0  }
0x43b: {  	[tilespmem:s17+$0x1020] =	vst v0  }
0x43c: {  	s20 =	simm.s32 $0x0;
	v5 =	vadd.s32 v5, v63;
	[tilespmem:s17+$0x1810] =	vst v0  }
0x43d: {  	s22 =	simm.s32 $0x18060;
	s23 =	simm.s32 $0x12000;
	s21 =	simm.s32 $0x16000;
	[tilespmem:s18+$0x1830] =	vst v5;
	v4 =	vadd.s32 v62, v4  }
.LBB2_33:
0x43e: {  	v5 =	vld [tilespmem:s22+$0xFFFFFFE0];
	s20 =	sadd.s32 $0x4, s20;
	v2 =	vadd.s32 v2, v3;
	[tilespmem:s17+$0x1830] =	vst v0;
	s18 =	sadd.s32 $0x40, s18;
	s23 =	sadd.s32 $0x40, s23  }
0x43f: {  	v3 =	vld [tilespmem:s22+$0xFFFFFFF0];
	p0 =	slt.u32 s20, $0x7C;
	[tilespmem:s21+$0x1800] =	vst v4  }
0x440: {  	v4 =	vld [tilespmem:s22+$0x0];
	[tilespmem:s21+$0x1820] =	vst v2;
	s21 =	smov.u32 s18  }
0x441: {  	v2 =	vld [tilespmem:s22+$0x10];
	[tilespmem:s17+$0x1820] =	vst v0  }
0x442: {  	[tilespmem:s17+$0x1800] =	vst v0;
	s17 =	smov.u32 s23  }
0x443: {  	[tilespmem:s18+$0xFFFFE000] =	vst v5  }
0x444: {  	v6 =	vld [tilespmem:s23+$0xFFFFE000];
	[tilespmem:s18+$0xFFFFE010] =	vst v3  }
0x445: {  	v7 =	vld [tilespmem:s23+$0xFFFFE010];
	[tilespmem:s18+$0xFFFFE020] =	vst v4  }
0x446: {  	[tilespmem:s23+$0xFFFFE010] =	vst v0;
	v8 =	vld [tilespmem:s23+$0xFFFFE020]  }
0x447: {  	[tilespmem:s18+$0xFFFFE030] =	vst v2  }
0x448: {  	[tilespmem:s23+$0xFFFFE000] =	vst v0  }
0x449: {  	v5 =	vadd.s32 v5, v6;
	[tilespmem:s23+$0xFFFFE020] =	vst v0;
	v6 =	vld [tilespmem:s23+$0xFFFFE030]  }
0x44a: {  	[tilespmem:s18+$0xFFFFE800] =	vst v5;
	v3 =	vadd.s32 v3, v7  }
0x44b: {  	v7 =	vld [tilespmem:s23+$0xFFFFE800];
	[tilespmem:s18+$0xFFFFE810] =	vst v3;
	v4 =	vadd.s32 v4, v8  }
0x44c: {  	[tilespmem:s23+$0xFFFFE800] =	vst v0;
	v8 =	vld [tilespmem:s23+$0xFFFFE810]  }
0x44d: {  	[tilespmem:s18+$0xFFFFE820] =	vst v4  }
0x44e: {  	v2 =	vadd.s32 v2, v6;
	[tilespmem:s23+$0xFFFFE030] =	vst v0  }
0x44f: {  	[tilespmem:s18+$0xFFFFE830] =	vst v2  }
0x450: {  	v5 =	vadd.s32 v5, v7;
	[tilespmem:s23+$0xFFFFE810] =	vst v0;
	v6 =	vld [tilespmem:s23+$0xFFFFE830]  }
0x451: {  	[tilespmem:s18+$0xFFFFF000] =	vst v5;
	v3 =	vadd.s32 v3, v8;
	v7 =	vld [tilespmem:s23+$0xFFFFE820]  }
0x452: {  	v8 =	vld [tilespmem:s23+$0xFFFFF000];
	[tilespmem:s18+$0xFFFFF010] =	vst v3  }
0x453: {  	v9 =	vld [tilespmem:s23+$0xFFFFF010];
	[tilespmem:s23+$0xFFFFE820] =	vst v0  }
0x454: {  	[tilespmem:s23+$0xFFFFF000] =	vst v0  }
0x455: {  	[tilespmem:s23+$0xFFFFF010] =	vst v0  }
0x456: {  	v2 =	vadd.s32 v2, v6;
	[tilespmem:s23+$0xFFFFE830] =	vst v0  }
0x457: {  	v5 =	vadd.s32 v5, v8;
	[tilespmem:s18+$0xFFFFF030] =	vst v2  }
0x458: {  	[tilespmem:s18+$0xFFFFF800] =	vst v5;
	v3 =	vadd.s32 v3, v9;
	v6 =	vld [tilespmem:s23+$0xFFFFF030]  }
0x459: {  	v4 =	vadd.s32 v4, v7;
	v8 =	vld [tilespmem:s23+$0xFFFFF800];
	[tilespmem:s18+$0xFFFFF810] =	vst v3  }
0x45a: {  	[tilespmem:s18+$0xFFFFF020] =	vst v4  }
0x45b: {  	[tilespmem:s23+$0xFFFFF800] =	vst v0;
	v7 =	vld [tilespmem:s23+$0xFFFFF020]  }
0x45c: {  	[tilespmem:s23+$0xFFFFF020] =	vst v0  }
0x45d: {  	v2 =	vadd.s32 v2, v6;
	[tilespmem:s23+$0xFFFFF030] =	vst v0  }
0x45e: {  	v5 =	vadd.s32 v5, v8;
	v6 =	vld [tilespmem:s23+$0xFFFFF810];
	[tilespmem:s18+$0xFFFFF830] =	vst v2  }
0x45f: {  	[tilespmem:s18+$0x0] =	vst v5;
	v8 =	vld [tilespmem:s23+$0xFFFFF830]  }
0x460: {  	v9 =	vld [tilespmem:s23+$0x0];
	v4 =	vadd.s32 v4, v7;
	[tilespmem:s23+$0xFFFFF830] =	vst v0  }
0x461: {  	[tilespmem:s23+$0xFFFFF810] =	vst v0  }
0x462: {  	[tilespmem:s18+$0xFFFFF820] =	vst v4  }
0x463: {  	[tilespmem:s23+$0x0] =	vst v0;
	v3 =	vadd.s32 v3, v6  }
0x464: {  	[tilespmem:s18+$0x10] =	vst v3;
	v6 =	vld [tilespmem:s23+$0xFFFFF820];
	v2 =	vadd.s32 v2, v8  }
0x465: {  	v7 =	vld [tilespmem:s23+$0x10];
	[tilespmem:s18+$0x30] =	vst v2  }
0x466: {  	[tilespmem:s23+$0x10] =	vst v0;
	v8 =	vld [tilespmem:s23+$0x30]  }
0x467: {  	[tilespmem:s23+$0x30] =	vst v0  }
0x468: {  	v5 =	vadd.s32 v5, v9;
	[tilespmem:s23+$0xFFFFF820] =	vst v0  }
0x469: {  	[tilespmem:s18+$0x800] =	vst v5;
	v4 =	vadd.s32 v4, v6  }
0x46a: {  	v6 =	vld [tilespmem:s23+$0x800];
	v3 =	vadd.s32 v3, v7;
	[tilespmem:s18+$0x20] =	vst v4  }
0x46b: {  	[tilespmem:s18+$0x810] =	vst v3;
	v7 =	vld [tilespmem:s23+$0x20];
	v2 =	vadd.s32 v2, v8  }
0x46c: {  	v8 =	vld [tilespmem:s23+$0x810];
	[tilespmem:s18+$0x830] =	vst v2  }
0x46d: {  	[tilespmem:s23+$0x810] =	vst v0;
	v9 =	vld [tilespmem:s23+$0x830]  }
0x46e: {  	[tilespmem:s23+$0x830] =	vst v0  }
0x46f: {  	v5 =	vadd.s32 v5, v6;
	[tilespmem:s23+$0x20] =	vst v0  }
0x470: {  	[tilespmem:s23+$0x800] =	vst v0;
	v4 =	vadd.s32 v4, v7  }
0x471: {  	v3 =	vadd.s32 v3, v8;
	[tilespmem:s18+$0x820] =	vst v4  }
0x472: {  	[tilespmem:s18+$0x1010] =	vst v3;
	v6 =	vld [tilespmem:s23+$0x820];
	v7 =	vadd.s32 v2, v9  }
0x473: {  	v8 =	vld [tilespmem:s23+$0x1010];
	[tilespmem:s18+$0x1030] =	vst v7  }
0x474: {  	[tilespmem:s23+$0x1010] =	vst v0;
	v9 =	vld [tilespmem:s23+$0x1030]  }
0x475: {  	[tilespmem:s18+$0x1000] =	vst v5  }
0x476: {  	v10 =	vld [tilespmem:s23+$0x1000];
	[tilespmem:s23+$0x820] =	vst v0  }
0x477: {  	v2 =	vadd.s32 v4, v6;
	[tilespmem:s23+$0x1030] =	vst v0  }
0x478: {  	v3 =	vadd.s32 v3, v8;
	[tilespmem:s18+$0x1020] =	vst v2  }
.Ltmp17:
0x479: {  	[tilespmem:s18+$0x1810] =	vst v3;
	v3 =	vld [tilespmem:s23+$0x1020];
	v6 =	vadd.s32 v7, v9;
	(pc) =	sbr.rel @p0 .LBB2_33-.Ltmp17, $4  }
0x47a: {  	[tilespmem:s23+$0x1020] =	vst v0  }
0x47b: {  	v4 =	vadd.s32 v5, v10;
	[tilespmem:s23+$0x1810] =	vst v0  }
0x47c: {  	[tilespmem:s18+$0x1830] =	vst v6  }
0x47d: {  	s19 =	simm.s32 $0x0;
	s24 =	simm.s32 $0x8000;
	s22 =	sadd.s32 $0x40, s22;
	[tilespmem:s23+$0x1000] =	vst v0  }
0x47e: {  	[tilespmem:s17+$0x1830] =	vst v0  }
0x47f: {  	v2 =	vadd.s32 v2, v3;
	[tilespmem:s21+$0x1800] =	vst v4  }
0x480: {  	[tilespmem:s21+$0x1820] =	vst v2  }
0x481: {  	[tilespmem:s17+$0x1800] =	vst v0  }
0x482: {  	[tilespmem:s17+$0x1820] =	vst v0  }
0x483: {  	s31 =	sand.u32 $0xFF0, s19;
	v8 =	vld [tilespmem:s24+$0x0]  }
0x484: {  	v7 =	vld [tilespmem:s31+$0x9000];
	_ =	sdelay $0x1  }
0x485: {  	v4 =	vld [tilespmem:s31+$0xA000];
	_ =	sdelay $0x1  }
0x486: {  	v3 =	vld [tilespmem:s31+$0xB000];
	v5 =	vshrl.u32 v8, $0xB  }
0x487: {  	v9 =	vshrl.u32 v7, $0xB;
	v10 =	vand.u32 $0x7FF, v5  }
0x488: {  	v2 =	vld [tilespmem:s31+$0xC000];
	v5 =	vand.u32 $0x7FF, v9;
	(xrf1) =	vunique.msk.u32 $0xffff, v10  }
0x489: {  	v13 =	vshrl.u32 v4, $0xB;
	v16 =	vor.u32 $0x800, v5  }
0x48a: {  	v6 =	vand.u32 $0x7FF, v13;
	v5 =	vld [tilespmem:s31+$0xD000];
	(xrf1) =	vunique.msk.u32 $0xffff, v16  }
0x48b: {  	v12 =	vshrl.u32 v3, $0xB;
	v15 =	vor.u32 $0x1000, v6  }
0x48c: {  	v11 =	vand.u32 $0x7FF, v12;
	v6 =	vld [tilespmem:s31+$0xE000];
	(xrf1) =	vunique.msk.u32 $0xffff, v15  }
0x48d: {  	v14 =	vor.u32 $0x1800, v11;
	v11 =	vshrl.u32 v2, $0xB  }
0x48e: {  	s17 =	simm.s32 $0x10;
	v17 =	vand.u32 $0x7F, v9;
	v9 =	vld [tilespmem:s31+$0xF000];
	v16 =	vand.u32 $0xF80, v16;
	v18 =	vand.u32 $0x7FF, v11;
	(xrf1) =	vunique.msk.u32 $0xffff, v14  }
.LBB2_35:
0x48f: {  	p0 =	sne.s32 s17, $0xFF0;
	v16 =	vor.u32 v17, v16;
	v17 =	vor.u32 $0x2000, v18;
	v18 =	vshrl.u32 v5, $0xB  }
0x490: {  	v15 =	vand.u32 $0x1780, v15;
	v13 =	vand.u32 $0x7F, v13;
	v19 =	vand.u32 $0x7FF, v18;
	(xrf1) =	vunique.msk.u32 $0xffff, v17  }
0x491: {  	v13 =	vor.u32 v13, v15;
	v15 =	vor.u32 $0x2800, v19;
	v19 =	vshrl.u32 v6, $0xB  }
0x492: {  	v14 =	vand.u32 $0x1F80, v14;
	v12 =	vand.u32 $0x7F, v12;
	v20 =	vld.idx.msk [tilespmem:v10+s13+$0x0], $0xffff;
	v21 =	vand.u32 $0x7FF, v19;
	(xrf1) =	vunique.msk.u32 $0xffff, v15  }
0x493: {  	v12 =	vor.u32 v12, v14;
	v14 =	vor.u32 $0x3000, v21;
	v21 =	vshrl.u32 v9, $0xB  }
0x494: {  	v11 =	vand.u32 $0x7F, v11;
	v17 =	vand.u32 $0x2780, v17;
	v22 =	vld.idx.msk [tilespmem:v16+s13+$0x0], $0xffff;
	v23 =	vand.u32 $0x7FF, v21;
	(xrf1) =	vunique.msk.u32 $0xffff, v14  }
0x495: {  	v11 =	vor.u32 v11, v17;
	v17 =	vor.u32 $0x3800, v23  }
0x496: {  	v18 =	vand.u32 $0x7F, v18;
	v15 =	vand.u32 $0x2F80, v15;
	v23 =	vld.idx.msk [tilespmem:v13+s13+$0x0], $0xffff;
	_, v24, vm0 =	vpop (xrf1);
	(xrf1) =	vunique.msk.u32 $0xffff, v17  }
0x497: {  	v15 =	vor.u32 v18, v15  }
0x498: {  	v19 =	vand.u32 $0x7F, v19;
	v14 =	vand.u32 $0x3780, v14;
	v18 =	vadd.s32 v20, v24;
	v20 =	vld.idx.msk [tilespmem:v12+s13+$0x0], $0xffff;
	_, v24, vm1 =	vpop (xrf1)  }
0x499: {  	v14 =	vor.u32 v19, v14  }
0x49a: {  	v21 =	vand.u32 $0x7F, v21;
	v17 =	vand.u32 $0x3F80, v17;
	v19 =	vadd.s32 v22, v24;
	v22 =	vld.idx.msk [tilespmem:v11+s13+$0x0], $0xffff;
	_, v24, vm2 =	vpop (xrf1)  }
0x49b: {  	v17 =	vor.u32 v21, v17  }
0x49c: {  	[tilespmem:v10+s13+$0x0] =	vst.idx.msk vm0, v18;
	v10 =	vadd.s32 v23, v24;
	v21 =	vld.idx.msk [tilespmem:v15+s13+$0x0], $0xffff;
	_, v23, vm0 =	vpop (xrf1)  }
0x49d: {  	[tilespmem:v18+s19+$0x0] =	vst.idx.msk $0xffff, v8  }
0x49e: {  	s24 =	sadd.s32 $0x10, s24;
	[tilespmem:v16+s13+$0x0] =	vst.idx.msk vm1, v19;
	v16 =	vadd.s32 v20, v23;
	v18 =	vld.idx.msk [tilespmem:v14+s13+$0x0], $0xffff;
	_, v20, vm1 =	vpop (xrf1)  }
0x49f: {  	v8 =	vld [tilespmem:s24+$0x0];
	[tilespmem:v19+s19+$0x0] =	vst.idx.msk $0xffff, v7  }
0x4a0: {  	s18 =	sand.u32 $0xFF0, s17;
	[tilespmem:v13+s13+$0x0] =	vst.idx.msk vm2, v10;
	v13 =	vadd.s32 v22, v20;
	v19 =	vld.idx.msk [tilespmem:v17+s13+$0x0], $0xffff;
	_, v20, vm2 =	vpop (xrf1)  }
0x4a1: {  	v7 =	vld [tilespmem:s18+$0x9000];
	[tilespmem:v10+s19+$0x0] =	vst.idx.msk $0xffff, v4  }
0x4a2: {  	[tilespmem:v12+s13+$0x0] =	vst.idx.msk vm0, v16;
	v12 =	vadd.s32 v21, v20;
	_, v10, vm0 =	vpop (xrf1)  }
0x4a3: {  	v4 =	vld [tilespmem:s18+$0xA000];
	[tilespmem:v16+s19+$0x0] =	vst.idx.msk $0xffff, v3  }
0x4a4: {  	[tilespmem:v11+s13+$0x0] =	vst.idx.msk vm1, v13;
	v11 =	vadd.s32 v18, v10;
	_, v16, vm1 =	vpop (xrf1)  }
0x4a5: {  	v10 =	vshrl.u32 v8, $0xB;
	v3 =	vld [tilespmem:s18+$0xB000];
	[tilespmem:v13+s19+$0x0] =	vst.idx.msk $0xffff, v2  }
0x4a6: {  	v10 =	vand.u32 $0x7FF, v10;
	v16 =	vadd.s32 v19, v16;
	v18 =	vshrl.u32 v7, $0xB;
	[tilespmem:v15+s13+$0x0] =	vst.idx.msk vm2, v12  }
0x4a7: {  	v13 =	vand.u32 $0x7FF, v18;
	v2 =	vld [tilespmem:s18+$0xC000];
	(xrf1) =	vunique.msk.u32 $0xffff, v10;
	[tilespmem:v12+s19+$0x0] =	vst.idx.msk $0xffff, v5  }
0x4a8: {  	v19 =	vor.u32 $0x800, v13;
	v13 =	vshrl.u32 v4, $0xB;
	[tilespmem:v14+s13+$0x0] =	vst.idx.msk vm0, v11  }
.Ltmp18:
0x4a9: {  	v12 =	vand.u32 $0x7FF, v13;
	v5 =	vld [tilespmem:s18+$0xD000];
	(xrf1) =	vunique.msk.u32 $0xffff, v19;
	[tilespmem:v11+s19+$0x0] =	vst.idx.msk $0xffff, v6;
	(pc) =	sbr.rel @p0 .LBB2_35-.Ltmp18, $4  }
0x4aa: {  	v15 =	vor.u32 $0x1000, v12;
	v12 =	vshrl.u32 v3, $0xB;
	[tilespmem:v17+s13+$0x0] =	vst.idx.msk vm1, v16  }
0x4ab: {  	v11 =	vand.u32 $0x7FF, v12;
	v6 =	vld [tilespmem:s18+$0xE000];
	(xrf1) =	vunique.msk.u32 $0xffff, v15;
	[tilespmem:v16+s19+$0x0] =	vst.idx.msk $0xffff, v9  }
0x4ac: {  	v14 =	vor.u32 $0x1800, v11;
	v11 =	vshrl.u32 v2, $0xB  }
0x4ad: {  	s17 =	sadd.s32 $0x10, s17;
	v17 =	vand.u32 $0x7F, v18;
	v16 =	vand.u32 $0xF80, v19;
	v18 =	vand.u32 $0x7FF, v11;
	v9 =	vld [tilespmem:s18+$0xF000];
	(xrf1) =	vunique.msk.u32 $0xffff, v14  }
0x4ae: {  	v18 =	vor.u32 $0x2000, v18;
	v19 =	vshrl.u32 v5, $0xB  }
0x4af: {  	v16 =	vor.u32 v17, v16;
	v15 =	vand.u32 $0x1780, v15;
	v54 =	vand.u32 $0x7FF, v19;
	(xrf1) =	vunique.msk.u32 $0xffff, v18  }
0x4b0: {  	v13 =	vand.u32 $0x7F, v13;
	v17 =	vor.u32 $0x2800, v54;
	v20 =	vshrl.u32 v6, $0xB  }
0x4b1: {  	v14 =	vand.u32 $0x1F80, v14;
	v13 =	vor.u32 v13, v15;
	v15 =	vand.u32 $0x7FF, v20;
	(xrf1) =	vunique.msk.u32 $0xffff, v17  }
0x4b2: {  	v21 =	vld.idx.msk [tilespmem:v10+s13+$0x0], $0xffff;
	v12 =	vand.u32 $0x7F, v12;
	v15 =	vor.u32 $0x3000, v15;
	v22 =	vshrl.u32 v9, $0xB  }
0x4b3: {  	v12 =	vor.u32 v12, v14;
	v14 =	vand.u32 $0x7FF, v22;
	(xrf1) =	vunique.msk.u32 $0xffff, v15  }
0x4b4: {  	v11 =	vand.u32 $0x7F, v11;
	v18 =	vand.u32 $0x2780, v18;
	v23 =	vld.idx.msk [tilespmem:v16+s13+$0x0], $0xffff;
	v14 =	vor.u32 $0x3800, v14  }
0x4b5: {  	v11 =	vor.u32 v11, v18;
	_, v55, vm0 =	vpop (xrf1);
	(xrf1) =	vunique.msk.u32 $0xffff, v14  }
0x4b6: {  	v19 =	vand.u32 $0x7F, v19;
	v17 =	vand.u32 $0x2F80, v17;
	v24 =	vld.idx.msk [tilespmem:v13+s13+$0x0], $0xffff  }
0x4b7: {  	v17 =	vor.u32 v19, v17;
	v18 =	vadd.s32 v21, v55;
	_, v56, vm1 =	vpop (xrf1)  }
0x4b8: {  	v20 =	vand.u32 $0x7F, v20;
	v15 =	vand.u32 $0x3780, v15;
	v57 =	vld.idx.msk [tilespmem:v12+s13+$0x0], $0xffff  }
0x4b9: {  	v15 =	vor.u32 v20, v15;
	v19 =	vadd.s32 v23, v56;
	_, v58, vm2 =	vpop (xrf1)  }
0x4ba: {  	v22 =	vand.u32 $0x7F, v22;
	v59 =	vld.idx.msk [tilespmem:v11+s13+$0x0], $0xffff;
	v14 =	vand.u32 $0x3F80, v14  }
0x4bb: {  	v14 =	vor.u32 v22, v14;
	[tilespmem:v10+s13+$0x0] =	vst.idx.msk vm0, v18;
	v10 =	vadd.s32 v24, v58;
	_, v60, vm0 =	vpop (xrf1)  }
0x4bc: {  	v61 =	vld.idx.msk [tilespmem:v17+s13+$0x0], $0xffff;
	[tilespmem:v18+s19+$0x0] =	vst.idx.msk $0xffff, v8  }
0x4bd: {  	v8 =	vadd.s32 v57, v60;
	[tilespmem:v16+s13+$0x0] =	vst.idx.msk vm1, v19;
	_, v16, vm1 =	vpop (xrf1)  }
0x4be: {  	v62 =	vld.idx.msk [tilespmem:v15+s13+$0x0], $0xffff;
	[tilespmem:v19+s19+$0x0] =	vst.idx.msk $0xffff, v7  }
0x4bf: {  	v7 =	vadd.s32 v59, v16;
	[tilespmem:v13+s13+$0x0] =	vst.idx.msk vm2, v10;
	_, v13, vm2 =	vpop (xrf1)  }
0x4c0: {  	v63 =	vld.idx.msk [tilespmem:v14+s13+$0x0], $0xffff;
	[tilespmem:v10+s19+$0x0] =	vst.idx.msk $0xffff, v4  }
0x4c1: {  	v4 =	vadd.s32 v61, v13;
	[tilespmem:v12+s13+$0x0] =	vst.idx.msk vm0, v8;
	_, v10, vm0 =	vpop (xrf1)  }
0x4c2: {  	[tilespmem:v8+s19+$0x0] =	vst.idx.msk $0xffff, v3  }
0x4c3: {  	v3 =	vadd.s32 v62, v10;
	[tilespmem:v11+s13+$0x0] =	vst.idx.msk vm1, v7;
	_, v8, vm1 =	vpop (xrf1)  }
0x4c4: {  	[tilespmem:v7+s19+$0x0] =	vst.idx.msk $0xffff, v2  }
0x4c5: {  	v2 =	vadd.s32 v63, v8;
	[tilespmem:v17+s13+$0x0] =	vst.idx.msk vm2, v4  }
0x4c6: {  	[tilespmem:v4+s19+$0x0] =	vst.idx.msk $0xffff, v5  }
0x4c7: {  	[tilespmem:v15+s13+$0x0] =	vst.idx.msk vm0, v3  }
0x4c8: {  	[tilespmem:v3+s19+$0x0] =	vst.idx.msk $0xffff, v6  }
0x4c9: {  	[tilespmem:v14+s13+$0x0] =	vst.idx.msk vm1, v2  }
0x4ca: {  	[tilespmem:v2+s19+$0x0] =	vst.idx.msk $0xffff, v9  }
0x4cb: {  	s18 =	sand.u32 $0xFF0, s19;
	v2 =	vld [tilespmem:s19+$0x0]  }
0x4cc: {  	v3 =	vld [tilespmem:s18+$0x7000];
	_ =	sdelay $0x3  }
0x4cd: {  	v2 =	vshrl.u32 v2, $0x16  }
0x4ce: {  	v3 =	vshrl.u32 v3, $0x16;
	(xrf1) =	vunique.msk.u32 $0xffff, v2  }
0x4cf: {  	v3 =	vor.u32 $0x3800, v3  }
0x4d0: {  	v4 =	vld [tilespmem:s18+$0x2000];
	(xrf1) =	vunique.msk.u32 $0xffff, v3;
	_ =	sdelay $0x2  }
0x4d1: {  	v5 =	vld [tilespmem:s18+$0x3000];
	_ =	sdelay $0x1  }
0x4d2: {  	v4 =	vshrl.u32 v4, $0x16  }
0x4d3: {  	v7 =	vor.u32 $0x1000, v4  }
0x4d4: {  	(xrf1) =	vunique.msk.u32 $0xffff, v7  }
0x4d5: {  	v4 =	vshrl.u32 v5, $0x16;
	v5 =	vld [tilespmem:s18+$0x4000]  }
0x4d6: {  	v9 =	vld [tilespmem:s18+$0x5000];
	_ =	sdelay $0x2  }
0x4d7: {  	_, v10, vm0 =	vpop (xrf1)  }
0x4d8: {  	v8 =	vor.u32 $0x1800, v4;
	v4 =	vld [tilespmem:s18+$0x1000];
	v5 =	vshrl.u32 v5, $0x16  }
0x4d9: {  	(xrf1) =	vunique.msk.u32 $0xffff, v8;
	v6 =	vor.u32 $0x2000, v5;
	v5 =	vshrl.u32 v9, $0x16;
	_, v9, vm1 =	vpop (xrf1)  }
0x4da: {  	(xrf1) =	vunique.msk.u32 $0xffff, v6;
	_ =	sdelay $0x2  }
0x4db: {  	s17 =	simm.s32 $0x10;
	v4 =	vshrl.u32 v4, $0x16;
	[tilespmem:v2+s11+$0x0] =	vst.idx.add.s32.msk vm0, v10  }
0x4dc: {  	v4 =	vor.u32 $0x800, v4;
	v2 =	vld [tilespmem:s17+$0x0]  }
0x4dd: {  	(xrf1) =	vunique.msk.u32 $0xffff, v4;
	[tilespmem:v3+s11+$0x0] =	vst.idx.add.s32.msk vm1, v9  }
0x4de: {  	_, v3, vm0 =	vpop (xrf1);
	s17 =	sand.u32 $0xFF0, s17;
	v9 =	vld [tilespmem:s18+$0x6000]  }
0x4df: {  	v11 =	vld [tilespmem:s17+$0x7000]  }
0x4e0: {  	v5 =	vor.u32 $0x2800, v5  }
0x4e1: {  	(xrf1) =	vunique.msk.u32 $0xffff, v5;
	v2 =	vshrl.u32 v2, $0x16  }
0x4e2: {  	(xrf1) =	vunique.msk.u32 $0xffff, v2  }
0x4e3: {  	v9 =	vshrl.u32 v9, $0x16  }
0x4e4: {  	[tilespmem:v7+s11+$0x0] =	vst.idx.add.s32.msk vm0, v3;
	v3 =	vshrl.u32 v11, $0x16;
	v7 =	vor.u32 $0x3000, v9  }
0x4e5: {  	_, v10, vm1 =	vpop (xrf1);
	v3 =	vor.u32 $0x3800, v3;
	(xrf1) =	vunique.msk.u32 $0xffff, v7  }
0x4e6: {  	_, v11, vm2 =	vpop (xrf1);
	(xrf1) =	vunique.msk.u32 $0xffff, v3;
	_ =	sdelay $0x4  }
0x4e7: {  	_, v12, vm3 =	vpop (xrf1)  }
0x4e8: {  	[tilespmem:v8+s11+$0x0] =	vst.idx.add.s32.msk vm1, v10  }
0x4e9: {  	v9 =	vld [tilespmem:s17+$0x2000]  }
0x4ea: {  	v8 =	vld [tilespmem:s17+$0x3000]  }
0x4eb: {  	s19 =	simm.s32 $0x20;
	s18 =	simm.s32 $0x20;
	_, v10, vm0 =	vpop (xrf1)  }
.LBB2_37:
0x4ec: {  	p0 =	sne.s32 s18, $0xFF0;
	_, v13, vm1 =	vpop (xrf1);
	[tilespmem:v6+s11+$0x0] =	vst.idx.add.s32.msk vm2, v11;
	s20 =	smov.u32 s18;
	s18 =	sadd.s32 $0x10, s18  }
0x4ed: {  	s20 =	sand.u32 $0xFF0, s20;
	[tilespmem:v4+s11+$0x0] =	vst.idx.add.s32.msk vm3, v12  }
0x4ee: {  	v4 =	vshrl.u32 v9, $0x16;
	v6 =	vld [tilespmem:s17+$0x4000]  }
0x4ef: {  	v9 =	vld [tilespmem:s17+$0x1000];
	v12 =	vor.u32 $0x1000, v4;
	v4 =	vshrl.u32 v8, $0x16;
	_, v8, vm2 =	vpop (xrf1)  }
0x4f0: {  	v14 =	vor.u32 $0x1800, v4;
	(xrf1) =	vunique.msk.u32 $0xffff, v12;
	_, v11, vm3 =	vpop (xrf1)  }
0x4f1: {  	(xrf1) =	vunique.msk.u32 $0xffff, v14;
	[tilespmem:v5+s11+$0x0] =	vst.idx.add.s32.msk vm0, v10  }
0x4f2: {  	[tilespmem:v2+s11+$0x0] =	vst.idx.add.s32.msk vm1, v13  }
0x4f3: {  	v2 =	vshrl.u32 v6, $0x16;
	v5 =	vld [tilespmem:s17+$0x5000]  }
0x4f4: {  	v10 =	vld [tilespmem:s19+$0x0];
	v4 =	vshrl.u32 v9, $0x16;
	v6 =	vor.u32 $0x2000, v2  }
0x4f5: {  	v4 =	vor.u32 $0x800, v4;
	(xrf1) =	vunique.msk.u32 $0xffff, v6;
	[tilespmem:v7+s11+$0x0] =	vst.idx.add.s32.msk vm2, v8  }
0x4f6: {  	[tilespmem:v3+s11+$0x0] =	vst.idx.add.s32.msk vm3, v11;
	(xrf1) =	vunique.msk.u32 $0xffff, v4  }
0x4f7: {  	v3 =	vld [tilespmem:s17+$0x6000];
	s17 =	smov.u32 s20  }
0x4f8: {  	v7 =	vld [tilespmem:s17+$0x7000];
	v2 =	vshrl.u32 v5, $0x16  }
0x4f9: {  	v5 =	vor.u32 $0x2800, v2  }
0x4fa: {  	v2 =	vshrl.u32 v10, $0x16;
	(xrf1) =	vunique.msk.u32 $0xffff, v5  }
0x4fb: {  	(xrf1) =	vunique.msk.u32 $0xffff, v2  }
0x4fc: {  	v3 =	vshrl.u32 v3, $0x16  }
0x4fd: {  	v10 =	vshrl.u32 v7, $0x16;
	v7 =	vor.u32 $0x3000, v3  }
0x4fe: {  	v3 =	vor.u32 $0x3800, v10;
	_, v8, vm0 =	vpop (xrf1);
	(xrf1) =	vunique.msk.u32 $0xffff, v7  }
0x4ff: {  	(xrf1) =	vunique.msk.u32 $0xffff, v3;
	_, v9, vm1 =	vpop (xrf1);
	_ =	sdelay $0x3  }
0x500: {  	_, v11, vm2 =	vpop (xrf1)  }
.Ltmp19:
0x501: {  	[tilespmem:v12+s11+$0x0] =	vst.idx.add.s32.msk vm0, v8;
	_, v12, vm3 =	vpop (xrf1);
	(pc) =	sbr.rel @p0 .LBB2_37-.Ltmp19, $4  }
0x502: {  	[tilespmem:v14+s11+$0x0] =	vst.idx.add.s32.msk vm1, v9  }
0x503: {  	v9 =	vld [tilespmem:s17+$0x2000]  }
0x504: {  	v8 =	vld [tilespmem:s17+$0x3000]  }
0x505: {  	s19 =	sadd.s32 $0x10, s19;
	_, v10, vm0 =	vpop (xrf1)  }
0x506: {  	_ =	sdelay $0x3  }
0x507: {  	_, v13, vm1 =	vpop (xrf1)  }
0x508: {  	[tilespmem:v6+s11+$0x0] =	vst.idx.add.s32.msk vm2, v11;
	_, v6, vm2 =	vpop (xrf1)  }
0x509: {  	[tilespmem:v4+s11+$0x0] =	vst.idx.add.s32.msk vm3, v12  }
0x50a: {  	[tilespmem:v5+s11+$0x0] =	vst.idx.add.s32.msk vm0, v10  }
0x50b: {  	v4 =	vld [tilespmem:s17+$0x4000]  }
0x50c: {  	v11 =	vld [tilespmem:s17+$0x1000]  }
0x50d: {  	v5 =	vld [tilespmem:s17+$0x5000]  }
0x50e: {  	[tilespmem:v7+s11+$0x0] =	vst.idx.add.s32.msk vm2, v6  }
0x50f: {  	v6 =	vshrl.u32 v9, $0x16;
	v7 =	vld [tilespmem:s17+$0x6000]  }
0x510: {  	v8 =	vshrl.u32 v8, $0x16;
	v6 =	vor.u32 $0x1000, v6  }
0x511: {  	v8 =	vor.u32 $0x1800, v8;
	v4 =	vshrl.u32 v4, $0x16;
	(xrf1) =	vunique.msk.u32 $0xffff, v6  }
0x512: {  	v4 =	vor.u32 $0x2000, v4;
	v9 =	vshrl.u32 v11, $0x16;
	(xrf1) =	vunique.msk.u32 $0xffff, v8  }
0x513: {  	v5 =	vshrl.u32 v5, $0x16;
	v9 =	vor.u32 $0x800, v9;
	(xrf1) =	vunique.msk.u32 $0xffff, v4  }
0x514: {  	v5 =	vor.u32 $0x2800, v5;
	(xrf1) =	vunique.msk.u32 $0xffff, v9;
	v7 =	vshrl.u32 v7, $0x16  }
0x515: {  	(xrf1) =	vunique.msk.u32 $0xffff, v5;
	v7 =	vor.u32 $0x3000, v7  }
0x516: {  	(xrf1) =	vunique.msk.u32 $0xffff, v7;
	_ =	sdelay $0x7  }
0x517: {  	_, v10, vm0 =	vpop (xrf1)  }
0x518: {  	_, v11, vm15 =	vpop (xrf1)  }
0x519: {  	_, v12, vm3 =	vpop (xrf1)  }
0x51a: {  	_, v14, vm4 =	vpop (xrf1)  }
0x51b: {  	_, v15, vm5 =	vpop (xrf1)  }
0x51c: {  	[tilespmem:v2+s11+$0x0] =	vst.idx.add.s32.msk vm1, v13;
	_, v2, vm1 =	vpop (xrf1)  }
0x51d: {  	[tilespmem:v3+s11+$0x0] =	vst.idx.add.s32.msk vm0, v10;
	_, v3, vm0 =	vpop (xrf1)  }
0x51e: {  	[tilespmem:v6+s11+$0x0] =	vst.idx.add.s32.msk vm15, v11  }
0x51f: {  	[tilespmem:v8+s11+$0x0] =	vst.idx.add.s32.msk vm3, v12  }
0x520: {  	[tilespmem:v4+s11+$0x0] =	vst.idx.add.s32.msk vm4, v14  }
0x521: {  	[tilespmem:v9+s11+$0x0] =	vst.idx.add.s32.msk vm5, v15  }
0x522: {  	[tilespmem:v5+s11+$0x0] =	vst.idx.add.s32.msk vm1, v2  }
0x523: {  	s25 =	simm.s32 $0x12000;
	[tilespmem:v7+s11+$0x0] =	vst.idx.add.s32.msk vm0, v3  }
0x524: {  	v2 =	vld [tilespmem:s25+$0xFFFFE070]  }
0x525: {  	v3 =	vld [tilespmem:s25+$0xFFFFE870]  }
0x526: {  	v4 =	vld [tilespmem:s25+$0xFFFFF070]  }
0x527: {  	v5 =	vld [tilespmem:s25+$0xFFFFF870]  }
0x528: {  	v6 =	vld [tilespmem:s25+$0x70]  }
0x529: {  	v7 =	vld [tilespmem:s25+$0x870]  }
0x52a: {  	v8 =	vld [tilespmem:s25+$0x1070]  }
0x52b: {  	v9 =	vld [tilespmem:s25+$0x1870]  }
0x52c: {  	v10 =	vld [tilespmem:s25+$0xFFFFE800]  }
0x52d: {  	v11 =	vld [tilespmem:s25+$0xFFFFE010]  }
0x52e: {  	v12 =	vld [tilespmem:s25+$0xFFFFE810]  }
0x52f: {  	v13 =	vld [tilespmem:s25+$0xFFFFE020]  }
0x530: {  	v14 =	vld [tilespmem:s25+$0xFFFFE820]  }
0x531: {  	v15 =	vld [tilespmem:s25+$0xFFFFE030]  }
0x532: {  	v16 =	vld [tilespmem:s25+$0xFFFFE830]  }
0x533: {  	v17 =	vld [tilespmem:s25+$0xFFFFE040]  }
0x534: {  	v18 =	vld [tilespmem:s25+$0xFFFFE840]  }
0x535: {  	v19 =	vld [tilespmem:s25+$0xFFFFE050]  }
0x536: {  	v20 =	vld [tilespmem:s25+$0xFFFFE850]  }
0x537: {  	v21 =	vld [tilespmem:s25+$0xFFFFE060]  }
0x538: {  	v22 =	vld [tilespmem:s25+$0xFFFFE860]  }
0x539: {  	v23 =	vld [tilespmem:s25+$0xFFFFE000]  }
0x53a: {  	v24 =	vld [tilespmem:s25+$0xFFFFF000]  }
0x53b: {  	v25 =	vld [tilespmem:s25+$0xFFFFF010]  }
0x53c: {  	v26 =	vld [tilespmem:s25+$0xFFFFF020]  }
0x53d: {  	v27 =	vld [tilespmem:s25+$0xFFFFF030]  }
0x53e: {  	v28 =	vld [tilespmem:s25+$0xFFFFF040]  }
0x53f: {  	v29 =	vld [tilespmem:s25+$0xFFFFF050]  }
0x540: {  	v30 =	vld [tilespmem:s25+$0xFFFFF060]  }
0x541: {  	v31 =	vld [tilespmem:s25+$0xFFFFF800]  }
0x542: {  	v32 =	vld [tilespmem:s25+$0xFFFFF810]  }
0x543: {  	v33 =	vld [tilespmem:s25+$0xFFFFF820]  }
0x544: {  	v34 =	vld [tilespmem:s25+$0xFFFFF830]  }
0x545: {  	v35 =	vld [tilespmem:s25+$0xFFFFF840]  }
0x546: {  	v36 =	vld [tilespmem:s25+$0xFFFFF850]  }
0x547: {  	v37 =	vld [tilespmem:s25+$0xFFFFF860]  }
0x548: {  	v38 =	vld [tilespmem:s25+$0x0]  }
0x549: {  	v39 =	vld [tilespmem:s25+$0x10]  }
0x54a: {  	v54 =	vld [tilespmem:s25+$0x850]  }
0x54b: {  	v55 =	vld [tilespmem:s25+$0x860]  }
0x54c: {  	v56 =	vld [tilespmem:s25+$0x1000];
	v2 =	vadd.s32 v2, v3  }
0x54d: {  	v57 =	vld [tilespmem:s25+$0x1010];
	v2 =	vadd.s32 v4, v2  }
0x54e: {  	v3 =	vld [tilespmem:s25+$0x20];
	v2 =	vadd.s32 v5, v2  }
0x54f: {  	s19 =	simm.s32 $0x2;
	v10 =	vadd.s32 v23, v10;
	v4 =	vld [tilespmem:s25+$0x30];
	v2 =	vadd.s32 v6, v2  }
0x550: {  	s20 =	simm.s32 $0x4;
	v62 =	vmov s19;
	v10 =	vadd.s32 v24, v10;
	v5 =	vld [tilespmem:s25+$0x40];
	v2 =	vadd.s32 v7, v2  }
0x551: {  	v63 =	vmov s20;
	v10 =	vadd.s32 v31, v10;
	v6 =	vld [tilespmem:s25+$0x50];
	v2 =	vadd.s32 v8, v2  }
0x552: {  	v10 =	vadd.s32 v38, v10;
	v7 =	vld [tilespmem:s25+$0x60];
	v2 =	vadd.s32 v9, v2;
	v9 =	vadd.s32 v11, v12  }
0x553: {  	v8 =	vld [tilespmem:s25+$0x800];
	v12 =	vadd.s32 v13, v14;
	v13 =	vadd.s32 v15, v16;
	v14 =	vadd.s32 v17, v18  }
0x554: {  	v11 =	vld [tilespmem:s25+$0x810];
	v16 =	vadd.s32 v19, v20;
	v17 =	vadd.s32 v21, v22;
	v9 =	vadd.s32 v25, v9  }
0x555: {  	v15 =	vld [tilespmem:s25+$0x820];
	v12 =	vadd.s32 v26, v12;
	v13 =	vadd.s32 v27, v13;
	v14 =	vadd.s32 v28, v14  }
0x556: {  	v18 =	vld [tilespmem:s25+$0x830];
	v16 =	vadd.s32 v29, v16;
	v17 =	vadd.s32 v30, v17;
	v9 =	vadd.s32 v32, v9  }
0x557: {  	v19 =	vld [tilespmem:s25+$0x840];
	(xrf0) =	vadd.scan.msk.s32 $0xffff, v2;
	v12 =	vadd.s32 v33, v12;
	v13 =	vadd.s32 v34, v13;
	v14 =	vadd.s32 v35, v14  }
0x558: {  	v16 =	vadd.s32 v36, v16;
	v17 =	vadd.s32 v37, v17;
	v3 =	vadd.s32 v3, v12;
	v12 =	vld [tilespmem:s25+$0x1020]  }
0x559: {  	v9 =	vadd.s32 v39, v9;
	v4 =	vadd.s32 v4, v13;
	v5 =	vadd.s32 v5, v14;
	v14 =	vld [tilespmem:s25+$0x1030]  }
0x55a: {  	s18 =	simm.s32 $0x7;
	v6 =	vadd.s32 v6, v16;
	v7 =	vadd.s32 v7, v17;
	v8 =	vadd.s32 v8, v10;
	v10 =	vld [tilespmem:s25+$0x1040]  }
0x55b: {  	s31 =	simm.s32 $0x6;
	v16 =	vmov s18;
	s18 =	simm.s32 $0x18040;
	v7 =	vadd.s32 v55, v7;
	v9 =	vadd.s32 v11, v9;
	v11 =	vld [tilespmem:s25+$0x1050]  }
0x55c: {  	[tilespmem:s18+$0x30] =	vst v2;
	v2 =	vmov s31;
	v3 =	vadd.s32 v15, v3;
	v4 =	vadd.s32 v18, v4;
	v15 =	vld [tilespmem:s25+$0x1060]  }
0x55d: {  	s26 =	simm.s32 $0x0;
	v5 =	vadd.s32 v19, v5;
	v18 =	vadd.s32 v56, v8;
	v19 =	vld [tilespmem:s25+$0x1800];
	v9 =	vadd.s32 v57, v9;
	v13, _, _ =	vpop (xrf0)  }
0x55e: {  	s28 =	simm.s32 $0x1;
	v59 =	vld [tilespmem:s25+$0x1810];
	v17 =	vbroadcast v13, $0xF;
	v13 =	vadd.s32 v54, v6;
	v6 =	vmov s26  }
0x55f: {  	s30 =	simm.s32 $0x5;
	v61 =	vld [tilespmem:s25+$0x1820];
	v58 =	vadd.s32 v12, v3;
	v60 =	vadd.s32 v14, v4;
	v14 =	vmov s28  }
0x560: {  	s29 =	simm.s32 $0x3;
	v4 =	vmov s30;
	v3 =	vand.u32 $0xFFFFFFF8, v6;
	v6 =	vadd.s32 v10, v5;
	v5 =	vld [tilespmem:s25+$0x1830]  }
0x561: {  	v10 =	vmov s29;
	v8 =	vadd.s32 v11, v13;
	v13 =	vld [tilespmem:s25+$0x1840];
	v12 =	vadd.s32 v15, v7  }
0x562: {  	[tilespmem:v16+s12+$0x0] =	vst.idx.msk $0x1, v17;
	v7 =	vadd.s32 v19, v18;
	v3 =	vbroadcast v3, $0x0;
	v11 =	vand.u32 $0xFFFFFFF9, v14;
	v14 =	vld [tilespmem:s25+$0x1850]  }
0x563: {  	s17 =	simm.s32 $0x12080;
	v17 =	vadd.s32 v59, v9;
	v9 =	vand.u32 $0xFFFFFFFA, v62;
	v15 =	vld [tilespmem:s25+$0x1860];
	[tilespmem:s18+$0xFFFFFFC0] =	vst v7;
	(xrf0) =	vadd.scan.msk.s32 $0xffff, v7  }
0x564: {  	v16 =	vld [tilespmem:s17+$0xFFFFE070];
	v18 =	vadd.s32 v61, v58;
	v10 =	vand.u32 $0xFFFFFFFB, v10;
	[tilespmem:s18+$0xFFFFFFD0] =	vst v17;
	(xrf0) =	vadd.scan.msk.s32 $0xffff, v17  }
0x565: {  	s19 =	simm.s32 $0x8;
	s20 =	simm.s32 $0x10;
	[tilespmem:s18+$0xFFFFFFE0] =	vst v18;
	v17 =	vld [tilespmem:s17+$0xFFFFE870];
	(xrf0) =	vadd.scan.msk.s32 $0xffff, v18;
	v7 =	vadd.s32 v5, v60;
	v5 =	vand.u32 $0xFFFFFFFC, v63  }
.LBB2_39:
0x566: {  	p0 =	slt.u32 s20, $0x38;
	v18 =	vld [tilespmem:s17+$0xFFFFF070];
	[tilespmem:s18+$0xFFFFFFF0] =	vst v7;
	v6 =	vadd.s32 v13, v6;
	v4 =	vand.u32 $0xFFFFFFFD, v4;
	(xrf0) =	vadd.scan.msk.s32 $0xffff, v7  }
0x567: {  	v11 =	vbroadcast v11, $0x0;
	v7 =	vld [tilespmem:s17+$0xFFFFF870];
	[tilespmem:s18+$0x0] =	vst v6;
	v8 =	vadd.s32 v14, v8;
	(xrf0) =	vadd.scan.msk.s32 $0xffff, v6  }
0x568: {  	v9 =	vbroadcast v9, $0x0;
	v6 =	vld [tilespmem:s17+$0x70];
	[tilespmem:s18+$0x10] =	vst v8;
	v12 =	vadd.s32 v15, v12;
	(xrf0) =	vadd.scan.msk.s32 $0xffff, v8  }
0x569: {  	v10 =	vbroadcast v10, $0x0;
	v2 =	vand.u32 $0xFFFFFFFE, v2;
	v8 =	vld [tilespmem:s17+$0x870];
	[tilespmem:s18+$0x20] =	vst v12;
	v13, _, _ =	vpop (xrf0);
	(xrf0) =	vadd.scan.msk.s32 $0xffff, v12  }
0x56a: {  	v5 =	vbroadcast v5, $0x0;
	v20 =	vadd.s32 v16, v17;
	v14 =	vld [tilespmem:s17+$0x1070];
	v13 =	vbroadcast v13, $0xF;
	v15, _, _ =	vpop (xrf0)  }
0x56b: {  	v4 =	vbroadcast v4, $0x0;
	v19 =	vadd.s32 v18, v20;
	v16 =	vld [tilespmem:s17+$0x1870];
	v15 =	vbroadcast v15, $0xF;
	v17, _, _ =	vpop (xrf0)  }
0x56c: {  	v2 =	vbroadcast v2, $0x0;
	v18 =	vld [tilespmem:s17+$0xFFFFE800];
	v7 =	vadd.s32 v7, v19;
	[tilespmem:v3+s12+$0x0] =	vst.idx.msk $0x1, v13;
	v3 =	vbroadcast v17, $0xF;
	v12, _, _ =	vpop (xrf0)  }
0x56d: {  	v13 =	vld [tilespmem:s17+$0xFFFFE010];
	v6 =	vadd.s32 v6, v7;
	[tilespmem:v11+s12+$0x0] =	vst.idx.msk $0x1, v15;
	v7 =	vbroadcast v12, $0xF;
	v11, _, _ =	vpop (xrf0)  }
0x56e: {  	v12 =	vld [tilespmem:s17+$0xFFFFE810];
	v6 =	vadd.s32 v8, v6;
	[tilespmem:v9+s12+$0x0] =	vst.idx.msk $0x1, v3;
	v3 =	vbroadcast v11, $0xF;
	v8, _, _ =	vpop (xrf0)  }
0x56f: {  	v9 =	vld [tilespmem:s17+$0xFFFFE020];
	v6 =	vadd.s32 v14, v6;
	[tilespmem:v10+s12+$0x0] =	vst.idx.msk $0x1, v7;
	v7 =	vbroadcast v8, $0xF;
	v8, _, _ =	vpop (xrf0)  }
0x570: {  	v10 =	vld [tilespmem:s17+$0xFFFFE820];
	v6 =	vadd.s32 v16, v6;
	[tilespmem:v5+s12+$0x0] =	vst.idx.msk $0x1, v3;
	v3 =	vbroadcast v8, $0xF  }
0x571: {  	v5 =	vld [tilespmem:s17+$0xFFFFE030];
	(xrf0) =	vadd.scan.msk.s32 $0xffff, v6;
	[tilespmem:v4+s12+$0x0] =	vst.idx.msk $0x1, v7  }
0x572: {  	v4 =	vld [tilespmem:s17+$0xFFFFE830];
	[tilespmem:v2+s12+$0x0] =	vst.idx.msk $0x1, v3  }
0x573: {  	v2 =	vadd.s32 v13, v12;
	v3 =	vld [tilespmem:s17+$0xFFFFE040]  }
0x574: {  	s21 =	sadd.s32 $0x7, s19;
	v7 =	vld [tilespmem:s17+$0xFFFFE840]  }
0x575: {  	v8 =	vadd.s32 v9, v10;
	v9 =	vld [tilespmem:s17+$0xFFFFE050];
	v10 =	vmov s21  }
0x576: {  	v11 =	vld [tilespmem:s17+$0xFFFFE850]  }
0x577: {  	v4 =	vadd.s32 v5, v4;
	v5 =	vld [tilespmem:s17+$0xFFFFE060];
	v12, _, _ =	vpop (xrf0)  }
0x578: {  	s18 =	sadd.s32 $0x80, s18;
	v13 =	vld [tilespmem:s17+$0xFFFFE860];
	v12 =	vbroadcast v12, $0xF  }
0x579: {  	v14 =	vld [tilespmem:s17+$0xFFFFE000];
	v3 =	vadd.s32 v3, v7;
	[tilespmem:s18+$0x30] =	vst v6  }
0x57a: {  	v6 =	vld [tilespmem:s17+$0xFFFFF000];
	[tilespmem:v10+s12+$0x0] =	vst.idx.msk $0x1, v12  }
0x57b: {  	v7 =	vld [tilespmem:s17+$0xFFFFF010];
	v9 =	vadd.s32 v9, v11  }
0x57c: {  	v10 =	vld [tilespmem:s17+$0xFFFFF020]  }
0x57d: {  	v11 =	vld [tilespmem:s17+$0xFFFFF030];
	v5 =	vadd.s32 v5, v13  }
0x57e: {  	v12 =	vadd.s32 v14, v18;
	v13 =	vld [tilespmem:s17+$0xFFFFF040]  }
0x57f: {  	v6 =	vadd.s32 v6, v12;
	v12 =	vld [tilespmem:s17+$0xFFFFF050]  }
0x580: {  	v2 =	vadd.s32 v7, v2;
	v7 =	vld [tilespmem:s17+$0xFFFFF060]  }
0x581: {  	v14 =	vld [tilespmem:s17+$0xFFFFF800];
	v8 =	vadd.s32 v10, v8  }
0x582: {  	v10 =	vld [tilespmem:s17+$0xFFFFF810];
	v4 =	vadd.s32 v11, v4  }
0x583: {  	v11 =	vld [tilespmem:s17+$0xFFFFF820];
	v3 =	vadd.s32 v13, v3  }
0x584: {  	v13 =	vld [tilespmem:s17+$0xFFFFF830];
	v9 =	vadd.s32 v12, v9  }
0x585: {  	v12 =	vld [tilespmem:s17+$0xFFFFF840];
	v5 =	vadd.s32 v7, v5  }
0x586: {  	v6 =	vadd.s32 v14, v6;
	v7 =	vld [tilespmem:s17+$0xFFFFF850]  }
0x587: {  	v2 =	vadd.s32 v10, v2;
	v10 =	vld [tilespmem:s17+$0xFFFFF860]  }
0x588: {  	v14 =	vld [tilespmem:s17+$0x0];
	v8 =	vadd.s32 v11, v8  }
0x589: {  	v11 =	vld [tilespmem:s17+$0x10];
	v4 =	vadd.s32 v13, v4  }
0x58a: {  	v13 =	vld [tilespmem:s17+$0x20];
	v3 =	vadd.s32 v12, v3  }
0x58b: {  	v12 =	vld [tilespmem:s17+$0x30];
	v7 =	vadd.s32 v7, v9  }
0x58c: {  	v9 =	vld [tilespmem:s17+$0x40];
	v5 =	vadd.s32 v10, v5  }
0x58d: {  	v6 =	vadd.s32 v14, v6;
	v10 =	vld [tilespmem:s17+$0x50]  }
0x58e: {  	v2 =	vadd.s32 v11, v2;
	v11 =	vld [tilespmem:s17+$0x60]  }
0x58f: {  	v14 =	vld [tilespmem:s17+$0x800];
	v8 =	vadd.s32 v13, v8  }
0x590: {  	v13 =	vld [tilespmem:s17+$0x810];
	v4 =	vadd.s32 v12, v4  }
0x591: {  	v12 =	vld [tilespmem:s17+$0x820];
	v3 =	vadd.s32 v9, v3  }
0x592: {  	v9 =	vld [tilespmem:s17+$0x830];
	v7 =	vadd.s32 v10, v7  }
0x593: {  	v10 =	vld [tilespmem:s17+$0x840];
	v5 =	vadd.s32 v11, v5  }
0x594: {  	v6 =	vadd.s32 v14, v6;
	v11 =	vld [tilespmem:s17+$0x850]  }
0x595: {  	v2 =	vadd.s32 v13, v2;
	v13 =	vld [tilespmem:s17+$0x860]  }
0x596: {  	v14 =	vld [tilespmem:s17+$0x1000];
	v8 =	vadd.s32 v12, v8  }
0x597: {  	v12 =	vld [tilespmem:s17+$0x1010];
	v4 =	vadd.s32 v9, v4  }
0x598: {  	v9 =	vld [tilespmem:s17+$0x1020];
	v3 =	vadd.s32 v10, v3  }
0x599: {  	v10 =	vld [tilespmem:s17+$0x1030];
	v7 =	vadd.s32 v11, v7  }
0x59a: {  	v11 =	vld [tilespmem:s17+$0x1040];
	v5 =	vadd.s32 v13, v5  }
0x59b: {  	v14 =	vadd.s32 v14, v6;
	v13 =	vld [tilespmem:s17+$0x1050]  }
0x59c: {  	v15 =	vadd.s32 v12, v2;
	v2 =	vld [tilespmem:s17+$0x1060]  }
0x59d: {  	v6 =	vmov s19;
	v16 =	vld [tilespmem:s17+$0x1800];
	v17 =	vadd.s32 v9, v8  }
0x59e: {  	s22 =	sadd.s32 $0x2, s19;
	s21 =	sadd.s32 $0x1, s19;
	v9 =	vand.u32 $0xFFFFFFF8, v6;
	v18 =	vld [tilespmem:s17+$0x1810];
	v19 =	vadd.s32 v10, v4  }
0x59f: {  	v21 =	vmov s22;
	s22 =	sadd.s32 $0x4, s19;
	v10 =	vmov s21;
	s21 =	sadd.s32 $0x3, s19;
	v20 =	vld [tilespmem:s17+$0x1820];
	v6 =	vadd.s32 v11, v3  }
0x5a0: {  	v24 =	vmov s22;
	s22 =	sadd.s32 $0x6, s19;
	v23 =	vmov s21;
	s21 =	sadd.s32 $0x5, s19;
	s19 =	smov.u32 s20;
	v22 =	vld [tilespmem:s17+$0x1830];
	v8 =	vadd.s32 v13, v7  }
.Ltmp20:
0x5a1: {  	v4 =	vmov s21;
	v13 =	vld [tilespmem:s17+$0x1840];
	v12 =	vadd.s32 v2, v5;
	v2 =	vmov s22;
	(pc) =	sbr.rel @p0 .LBB2_39-.Ltmp20, $4  }
0x5a2: {  	v3 =	vbroadcast v9, $0x0;
	v11 =	vand.u32 $0xFFFFFFF9, v10;
	v5 =	vadd.s32 v16, v14;
	v14 =	vld [tilespmem:s17+$0x1850]  }
0x5a3: {  	v9 =	vand.u32 $0xFFFFFFFA, v21;
	[tilespmem:s18+$0xFFFFFFC0] =	vst v5;
	v7 =	vadd.s32 v18, v15;
	v15 =	vld [tilespmem:s17+$0x1860];
	s17 =	sadd.s32 $0x80, s17;
	(xrf0) =	vadd.scan.msk.s32 $0xffff, v5  }
0x5a4: {  	v10 =	vand.u32 $0xFFFFFFFB, v23;
	v16 =	vld [tilespmem:s17+$0xFFFFE070];
	[tilespmem:s18+$0xFFFFFFD0] =	vst v7;
	v18 =	vadd.s32 v20, v17;
	(xrf0) =	vadd.scan.msk.s32 $0xffff, v7  }
0x5a5: {  	s20 =	sadd.s32 $0x8, s20;
	v5 =	vand.u32 $0xFFFFFFFC, v24;
	v17 =	vld [tilespmem:s17+$0xFFFFE870];
	[tilespmem:s18+$0xFFFFFFE0] =	vst v18;
	v7 =	vadd.s32 v22, v19;
	(xrf0) =	vadd.scan.msk.s32 $0xffff, v18  }
0x5a6: {  	v18 =	vld [tilespmem:s17+$0xFFFFF070]  }
0x5a7: {  	v19 =	vld [tilespmem:s17+$0xFFFFF870]  }
0x5a8: {  	v20 =	vld [tilespmem:s17+$0x70]  }
0x5a9: {  	v21 =	vld [tilespmem:s17+$0x870]  }
0x5aa: {  	v22 =	vld [tilespmem:s17+$0x1070]  }
0x5ab: {  	v23 =	vld [tilespmem:s17+$0x1870]  }
0x5ac: {  	v24 =	vld [tilespmem:s17+$0xFFFFE800]  }
0x5ad: {  	v25 =	vld [tilespmem:s17+$0xFFFFE010]  }
0x5ae: {  	v26 =	vld [tilespmem:s17+$0xFFFFE810]  }
0x5af: {  	v27 =	vld [tilespmem:s17+$0xFFFFE020]  }
0x5b0: {  	v28 =	vld [tilespmem:s17+$0xFFFFE820]  }
0x5b1: {  	v29 =	vld [tilespmem:s17+$0xFFFFE030]  }
0x5b2: {  	v30 =	vld [tilespmem:s17+$0xFFFFE830]  }
0x5b3: {  	v31 =	vld [tilespmem:s17+$0xFFFFE040]  }
0x5b4: {  	v32 =	vld [tilespmem:s17+$0xFFFFE840]  }
0x5b5: {  	v33 =	vld [tilespmem:s17+$0xFFFFE050]  }
0x5b6: {  	v34 =	vld [tilespmem:s17+$0xFFFFE850]  }
0x5b7: {  	v35 =	vld [tilespmem:s17+$0xFFFFE060]  }
0x5b8: {  	v36 =	vld [tilespmem:s17+$0xFFFFE860]  }
0x5b9: {  	v37 =	vld [tilespmem:s17+$0xFFFFE000]  }
0x5ba: {  	v38 =	vld [tilespmem:s17+$0xFFFFF000]  }
0x5bb: {  	v39 =	vld [tilespmem:s17+$0xFFFFF010]  }
0x5bc: {  	v40 =	vld [tilespmem:s17+$0xFFFFF020]  }
0x5bd: {  	v41 =	vld [tilespmem:s17+$0xFFFFF030]  }
0x5be: {  	v42 =	vld [tilespmem:s17+$0xFFFFF040]  }
0x5bf: {  	v43 =	vld [tilespmem:s17+$0xFFFFF050]  }
0x5c0: {  	v44 =	vld [tilespmem:s17+$0xFFFFF060]  }
0x5c1: {  	v45 =	vld [tilespmem:s17+$0xFFFFF800]  }
0x5c2: {  	v46 =	vld [tilespmem:s17+$0xFFFFF810]  }
0x5c3: {  	v47 =	vld [tilespmem:s17+$0xFFFFF820]  }
0x5c4: {  	v48 =	vld [tilespmem:s17+$0xFFFFF830]  }
0x5c5: {  	v49 =	vld [tilespmem:s17+$0xFFFFF840]  }
0x5c6: {  	v57 =	vld [tilespmem:s17+$0x20]  }
0x5c7: {  	v60 =	vld [tilespmem:s17+$0x50]  }
0x5c8: {  	v63 =	vld [tilespmem:s17+$0x60]  }
0x5c9: {  	v50 =	vld [tilespmem:s17+$0x840]  }
0x5ca: {  	v6 =	vadd.s32 v13, v6;
	v11 =	vbroadcast v11, $0x0;
	v52 =	vld [tilespmem:s17+$0x850]  }
0x5cb: {  	v9 =	vbroadcast v9, $0x0;
	v4 =	vand.u32 $0xFFFFFFFD, v4;
	v10 =	vbroadcast v10, $0x0;
	v54 =	vld [tilespmem:s17+$0x1000]  }
0x5cc: {  	v5 =	vbroadcast v5, $0x0;
	v2 =	vand.u32 $0xFFFFFFFE, v2;
	v55 =	vld [tilespmem:s17+$0x1010];
	v8 =	vadd.s32 v14, v8  }
0x5cd: {  	v56 =	vld [tilespmem:s17+$0x1030];
	v4 =	vbroadcast v4, $0x0;
	v12 =	vadd.s32 v15, v12;
	v16 =	vadd.s32 v16, v17  }
0x5ce: {  	v14 =	vld [tilespmem:s17+$0x40];
	v16 =	vadd.s32 v18, v16;
	v15 =	vadd.s32 v25, v26;
	v58 =	vadd.s32 v27, v28  }
0x5cf: {  	v17 =	vld [tilespmem:s17+$0xFFFFF850];
	v59 =	vadd.s32 v29, v30;
	v61 =	vadd.s32 v31, v32;
	v62 =	vadd.s32 v33, v34  }
0x5d0: {  	v18 =	vld [tilespmem:s17+$0xFFFFF860];
	v24 =	vadd.s32 v37, v24;
	v37 =	vadd.s32 v35, v36;
	v16 =	vadd.s32 v19, v16  }
0x5d1: {  	(xrf0) =	vadd.scan.msk.s32 $0xffff, v7;
	v19 =	vld [tilespmem:s17+$0x0];
	v24 =	vadd.s32 v38, v24;
	v38, _, _ =	vpop (xrf0);
	v15 =	vadd.s32 v39, v15;
	v26 =	vadd.s32 v42, v61  }
0x5d2: {  	[tilespmem:s18+$0xFFFFFFF0] =	vst v7;
	v27 =	vadd.s32 v43, v62;
	v16 =	vadd.s32 v20, v16;
	v20 =	vld [tilespmem:s17+$0x10];
	v30 =	vbroadcast v38, $0xF  }
0x5d3: {  	(xrf0) =	vadd.scan.msk.s32 $0xffff, v6;
	v39 =	vld [tilespmem:s17+$0x800];
	v24 =	vadd.s32 v45, v24;
	v26 =	vadd.s32 v49, v26;
	v16 =	vadd.s32 v21, v16  }
0x5d4: {  	(xrf0) =	vadd.scan.msk.s32 $0xffff, v8;
	v15 =	vadd.s32 v46, v15;
	v51, _, _ =	vpop (xrf0);
	v7 =	vadd.s32 v14, v26;
	v13 =	vadd.s32 v22, v16;
	v16 =	vld [tilespmem:s17+$0x30]  }
0x5d5: {  	v43 =	vld [tilespmem:s17+$0x820];
	v34 =	vbroadcast v51, $0xF;
	v53, _, _ =	vpop (xrf0);
	v22 =	vadd.s32 v40, v58;
	[tilespmem:v3+s12+$0x0] =	vst.idx.msk $0x1, v30;
	v3 =	vadd.s32 v44, v37  }
0x5d6: {  	[tilespmem:s18+$0x0] =	vst v6;
	v45 =	vld [tilespmem:s17+$0x830];
	v17 =	vadd.s32 v17, v27;
	v27 =	vbroadcast v53, $0xF;
	v13 =	vadd.s32 v23, v13  }
0x5d7: {  	(xrf0) =	vadd.scan.msk.s32 $0xffff, v12;
	v58 =	vld [tilespmem:s17+$0x1800];
	v23 =	vadd.s32 v41, v59;
	[tilespmem:v11+s12+$0x0] =	vst.idx.msk $0x1, v34;
	v11 =	vadd.s32 v20, v15;
	v15, _, _ =	vpop (xrf0)  }
0x5d8: {  	v7 =	vadd.s32 v50, v7;
	v41 =	vld [tilespmem:s17+$0x810];
	v23 =	vadd.s32 v48, v23;
	[tilespmem:v9+s12+$0x0] =	vst.idx.msk $0x1, v27;
	v9 =	vbroadcast v15, $0xF  }
0x5d9: {  	v22 =	vadd.s32 v47, v22;
	v3 =	vadd.s32 v18, v3;
	(xrf0) =	vadd.scan.msk.s32 $0xffff, v13;
	v14, _, _ =	vpop (xrf0);
	v15 =	vadd.s32 v16, v23;
	v16 =	vld [tilespmem:s17+$0x1020]  }
0x5da: {  	v2 =	vbroadcast v2, $0x0;
	v18 =	vld [tilespmem:s17+$0x860];
	v17 =	vadd.s32 v60, v17;
	v19 =	vadd.s32 v19, v24;
	[tilespmem:v10+s12+$0x0] =	vst.idx.msk $0x1, v9;
	v10, _, _ =	vpop (xrf0)  }
0x5db: {  	[tilespmem:s18+$0x10] =	vst v8;
	v3 =	vadd.s32 v63, v3;
	v20 =	vadd.s32 v57, v22;
	v57 =	vld [tilespmem:s17+$0x1050];
	v6 =	vbroadcast v10, $0xF  }
0x5dc: {  	s20 =	sadd.s32 $0x7, s19;
	[tilespmem:s18+$0x20] =	vst v12;
	v17 =	vadd.s32 v52, v17;
	v9 =	vbroadcast v14, $0xF;
	v14 =	vadd.s32 v39, v19;
	v19 =	vld [tilespmem:s17+$0x1040]  }
0x5dd: {  	s29 =	sadd.s32 $0x80, s18;
	s30 =	sadd.s32 $0x3, s19;
	v8 =	vmov s20;
	v20 =	vadd.s32 v43, v20;
	[tilespmem:v4+s12+$0x0] =	vst.idx.msk $0x1, v6;
	v4 =	vadd.s32 v54, v14;
	v14 =	vld [tilespmem:s17+$0x1810]  }
0x5de: {  	[tilespmem:s29+$0x30] =	vst v13;
	v13 =	vmov s30;
	v10 =	vadd.s32 v41, v11;
	v11, _, _ =	vpop (xrf0);
	v12 =	vadd.s32 v16, v20;
	v16 =	vld [tilespmem:s17+$0x1820]  }
0x5df: {  	v3 =	vadd.s32 v18, v3;
	v18 =	vld [tilespmem:s17+$0x1830];
	[tilespmem:v5+s12+$0x0] =	vst.idx.msk $0x1, v9;
	v5 =	vbroadcast v11, $0xF;
	v9 =	vadd.s32 v45, v15;
	v11, _, _ =	vpop (xrf0)  }
0x5e0: {  	v15 =	vld [tilespmem:s17+$0x1060];
	v10 =	vadd.s32 v55, v10;
	v11 =	vbroadcast v11, $0xF;
	v6 =	vmov s19  }
0x5e1: {  	v6 =	vand.u32 $0xFFFFFFF8, v6;
	[tilespmem:v2+s12+$0x0] =	vst.idx.msk $0x1, v5;
	v2 =	vadd.s32 v56, v9;
	v20 =	vld [tilespmem:s17+$0x1840];
	v4 =	vadd.s32 v58, v4  }
0x5e2: {  	s28 =	sadd.s32 $0x1, s19;
	s21 =	sadd.s32 $0x2, s19;
	[tilespmem:v8+s12+$0x0] =	vst.idx.msk $0x1, v11;
	v8 =	vadd.s32 v57, v17;
	v17 =	vld [tilespmem:s17+$0x1850];
	(xrf0) =	vadd.scan.msk.s32 $0xffff, v4;
	v10 =	vadd.s32 v14, v10  }
0x5e3: {  	v5 =	vmov s28;
	v9 =	vmov s21;
	v12 =	vadd.s32 v16, v12;
	(xrf0) =	vadd.scan.msk.s32 $0xffff, v10  }
0x5e4: {  	v7 =	vadd.s32 v19, v7;
	v6 =	vbroadcast v6, $0x0;
	v5 =	vand.u32 $0xFFFFFFF9, v5;
	v14 =	vld [tilespmem:s17+$0x1860];
	(xrf0) =	vadd.scan.msk.s32 $0xffff, v12  }
0x5e5: {  	s31 =	sadd.s32 $0x4, s19;
	s22 =	sadd.s32 $0x5, s19;
	[tilespmem:s29+$0xFFFFFFC0] =	vst v4;
	v4 =	vand.u32 $0xFFFFFFFA, v9;
	v2 =	vadd.s32 v18, v2;
	v9 =	vand.u32 $0xFFFFFFFB, v13  }
0x5e6: {  	v19 =	vmov s31;
	v11 =	vmov s22;
	v5 =	vbroadcast v5, $0x0;
	[tilespmem:s29+$0xFFFFFFF0] =	vst v2  }
0x5e7: {  	v3 =	vadd.s32 v15, v3;
	v7 =	vadd.s32 v20, v7;
	v8 =	vadd.s32 v17, v8;
	(xrf0) =	vadd.scan.msk.s32 $0xffff, v2  }
0x5e8: {  	[tilespmem:s29+$0x0] =	vst v7;
	v2 =	vbroadcast v4, $0x0;
	(xrf0) =	vadd.scan.msk.s32 $0xffff, v7;
	v7 =	vbroadcast v9, $0x0;
	v9, _, _ =	vpop (xrf0)  }
0x5e9: {  	[tilespmem:s29+$0x10] =	vst v8;
	v3 =	vadd.s32 v14, v3;
	(xrf0) =	vadd.scan.msk.s32 $0xffff, v8;
	v8 =	vbroadcast v9, $0xF;
	v9, _, _ =	vpop (xrf0)  }
0x5ea: {  	s23 =	sadd.s32 $0x6, s19;
	[tilespmem:s29+$0xFFFFFFD0] =	vst v10;
	v10 =	vand.u32 $0xFFFFFFFD, v11;
	v4 =	vand.u32 $0xFFFFFFFC, v19;
	(xrf0) =	vadd.scan.msk.s32 $0xffff, v3;
	v11, _, _ =	vpop (xrf0)  }
0x5eb: {  	v15 =	vmov s23;
	v4 =	vbroadcast v4, $0x0;
	[tilespmem:v6+s12+$0x0] =	vst.idx.msk $0x1, v8;
	v6 =	vbroadcast v11, $0xF  }
0x5ec: {  	v10 =	vbroadcast v10, $0x0;
	[tilespmem:s29+$0x20] =	vst v3;
	v3 =	vand.u32 $0xFFFFFFFE, v15;
	v9 =	vbroadcast v9, $0xF  }
0x5ed: {  	[tilespmem:s29+$0xFFFFFFE0] =	vst v12;
	v3 =	vbroadcast v3, $0x0;
	v8, _, _ =	vpop (xrf0)  }
0x5ee: {  	[tilespmem:v5+s12+$0x0] =	vst.idx.msk $0x1, v9;
	v5 =	vbroadcast v8, $0xF;
	v8, _, _ =	vpop (xrf0)  }
0x5ef: {  	[tilespmem:v2+s12+$0x0] =	vst.idx.msk $0x1, v6;
	v2 =	vbroadcast v8, $0xF;
	v6, _, _ =	vpop (xrf0)  }
0x5f0: {  	[tilespmem:v7+s12+$0x0] =	vst.idx.msk $0x1, v5;
	v5 =	vbroadcast v6, $0xF;
	v6, _, _ =	vpop (xrf0)  }
0x5f1: {  	[tilespmem:v4+s12+$0x0] =	vst.idx.msk $0x1, v2;
	v2 =	vbroadcast v6, $0xF  }
0x5f2: {  	[tilespmem:v10+s12+$0x0] =	vst.idx.msk $0x1, v5  }
0x5f3: {  	[tilespmem:v3+s12+$0x0] =	vst.idx.msk $0x1, v2  }
0x5f4: {  	v2 =	vld [tilespmem:$0x18800]  }
0x5f5: {  	v3 =	vld [tilespmem:$0x18810]  }
0x5f6: {  	v4 =	vld [tilespmem:$0x18820];
	_ =	sdelay $0x2  }
0x5f7: {  	(xrf0) =	vadd.scan.msk.s32 $0xffff, v2  }
0x5f8: {  	(xrf0) =	vadd.scan.msk.s32 $0xffff, v3  }
0x5f9: {  	(xrf0) =	vadd.scan.msk.s32 $0xffff, v4;
	_ =	sdelay $0x3  }
0x5fa: {  	v5, _, _ =	vpop (xrf0)  }
0x5fb: {  	(v2sf) =	vpush v5, $0xF;
	v6, _, _ =	vpop (xrf0)  }
0x5fc: {  	(v2sf) =	vpush v6, $0xF;
	v7, _, _ =	vpop (xrf0)  }
0x5fd: {  	(v2sf) =	vpush v7, $0xF;
	_ =	sdelay $0x5  }
0x5fe: {  	v8 =	vld [tilespmem:$0x18830];
	_ =	sdelay $0x4  }
0x5ff: {  	(xrf0) =	vadd.scan.msk.s32 $0xffff, v8;
	_ =	sdelay $0x1  }
0x600: {  	s24 =	spop (v2sf)  }
0x601: {  	s25 =	spop (v2sf);
	s17 =	sadd.s32 $0xFFFFFFFF, s24  }
0x602: {  	s19 =	simm.s32 $0x2;
	s18 =	sadd.s32 s17, s25;
	s26 =	spop (v2sf)  }
0x603: {  	v9 =	vmov s19;
	v2 =	vxor.u32 $0xFFFFFFFF, v2;
	v3 =	vsub.s32 s17, v3;
	s28 =	sadd.s32 s18, s26  }
0x604: {  	s29 =	simm.s32 $0x0;
	v2 =	vadd.s32 v2, v5;
	v5, _, _ =	vpop (xrf0);
	v3 =	vadd.s32 v6, v3;
	v6 =	vsub.s32 s28, v8  }
0x605: {  	s20 =	simm.s32 $0x3;
	v9 =	vand.u32 $0xFFFFFFFA, v9;
	v5 =	vadd.s32 v5, v6;
	v6 =	vmov s29  }
0x606: {  	s31 =	simm.s32 $0x7;
	[tilespmem:$0x18800] =	vst v2;
	v2 =	vmov s20;
	v4 =	vsub.s32 s18, v4;
	v6 =	vand.u32 $0xFFFFFFF8, v6  }
0x607: {  	v4 =	vadd.s32 v7, v4;
	v8 =	vmov s31;
	[tilespmem:$0x18810] =	vst v3;
	v6 =	vbroadcast v6, $0x0  }
0x608: {  	s30 =	simm.s32 $0x1;
	s21 =	simm.s32 $0x4;
	v9 =	vbroadcast v9, $0x0;
	v2 =	vand.u32 $0xFFFFFFFB, v2;
	[tilespmem:$0x18820] =	vst v4  }
0x609: {  	s22 =	simm.s32 $0x5;
	v10 =	vbroadcast v2, $0x0;
	s17 =	simm.s32 $0x18040;
	v7 =	vmov s30;
	v3 =	vmov s21;
	[tilespmem:$0x18830] =	vst v5  }
0x60a: {  	v7 =	vand.u32 $0xFFFFFFF9, v7;
	v4 =	vmov s22;
	v2 =	vand.u32 $0xFFFFFFFC, v3;
	v14 =	vld [tilespmem:s17+$0x20]  }
0x60b: {  	v7 =	vbroadcast v7, $0x0;
	v3 =	vbroadcast v2, $0x0;
	v2 =	vand.u32 $0xFFFFFFFD, v4;
	v12 =	vld [tilespmem:s17+$0xFFFFFFE0]  }
0x60c: {  	v4 =	vbroadcast v2, $0x0;
	v2 =	vld.idx.msk [tilespmem:v8+s12+$0x0], $0xffff  }
0x60d: {  	s23 =	simm.s32 $0x6;
	v8 =	vld.idx.msk [tilespmem:v6+s12+$0x0], $0xffff  }
0x60e: {  	v6 =	vld.idx.msk [tilespmem:v9+s12+$0x0], $0xffff;
	v9 =	vmov s23  }
0x60f: {  	v17 =	vld [tilespmem:s17+$0xFFFFFFF0];
	v9 =	vand.u32 $0xFFFFFFFE, v9  }
0x610: {  	v19 =	vld [tilespmem:s17+$0x0];
	v9 =	vbroadcast v9, $0x0  }
0x611: {  	v5 =	vld.idx.msk [tilespmem:v7+s12+$0x0], $0xffff  }
0x612: {  	s24 =	simm.s32 $0x8;
	v7 =	vld.idx.msk [tilespmem:v10+s12+$0x0], $0xffff  }
0x613: {  	v11 =	vmov s24;
	s25 =	simm.s32 $0x9;
	s26 =	simm.s32 $0xF;
	v10 =	vld [tilespmem:s17+$0xFFFFFFD0]  }
0x614: {  	v11 =	vand.u32 $0xFFFFFFF8, v11;
	v13 =	vmov s25;
	s28 =	simm.s32 $0xA;
	v16 =	vmov s26;
	v61 =	vld [tilespmem:s17+$0x10]  }
0x615: {  	v18 =	vbroadcast v11, $0x0;
	v11 =	vand.u32 $0xFFFFFFF9, v13;
	v15 =	vmov s28;
	v62 =	vld [tilespmem:s17+$0xFFFFFFC0]  }
0x616: {  	s31 =	simm.s32 $0xD;
	v20 =	vbroadcast v11, $0x0;
	s29 =	simm.s32 $0xB;
	v11 =	vand.u32 $0xFFFFFFFA, v15;
	v59 =	vld.idx.msk [tilespmem:v9+s12+$0x0], $0xffff  }
0x617: {  	s30 =	simm.s32 $0xC;
	v63 =	vmov s31;
	v60 =	vbroadcast v11, $0x0;
	v3 =	vld.idx.msk [tilespmem:v3+s12+$0x0], $0xffff;
	(xrf0) =	vadd.scan.msk.s32 $0xffff, v14;
	v9 =	vmov s29  }
0x618: {  	v11 =	vmov s30;
	v4 =	vld.idx.msk [tilespmem:v4+s12+$0x0], $0xffff;
	(xrf0) =	vadd.scan.msk.s32 $0xffff, v10;
	v13 =	vsub.s32 v5, v10;
	v9 =	vand.u32 $0xFFFFFFFB, v9  }
0x619: {  	v10 =	vld [tilespmem:s17+$0x30];
	v15 =	vsub.s32 v6, v12;
	(xrf0) =	vadd.scan.msk.s32 $0xffff, v12;
	v6 =	vand.u32 $0xFFFFFFFC, v11;
	v12 =	vbroadcast v9, $0x0  }
0x61a: {  	v5 =	vld.idx.msk [tilespmem:v16+s12+$0x0], $0xffff;
	v16 =	vsub.s32 v7, v17;
	(xrf0) =	vadd.scan.msk.s32 $0xffff, v17;
	v17 =	vand.u32 $0xFFFFFFFD, v63;
	v9 =	vbroadcast v6, $0x0  }
0x61b: {  	(xrf0) =	vadd.scan.msk.s32 $0xffff, v19;
	v6 =	vld.idx.msk [tilespmem:v18+s12+$0x0], $0xffff;
	v18 =	vsub.s32 v59, v14;
	v14 =	vbroadcast v17, $0x0;
	_ =	sdelay $0x1  }
0x61c: {  	v11 =	vsub.s32 v3, v19;
	v3 =	vld.idx.msk [tilespmem:v20+s12+$0x0], $0xffff;
	v7 =	vsub.s32 v4, v61;
	v19, _, _ =	vpop (xrf0);
	(xrf0) =	vadd.scan.msk.s32 $0xffff, v61  }
0x61d: {  	s19 =	simm.s32 $0x10;
	s20 =	simm.s32 $0xE;
	s18 =	simm.s32 $0x18040;
	v4 =	vld.idx.msk [tilespmem:v60+s12+$0x0], $0xffff;
	v8 =	vsub.s32 v8, v62;
	(xrf0) =	vadd.scan.msk.s32 $0xffff, v62;
	v17, _, _ =	vpop (xrf0);
	v18 =	vadd.s32 v19, v18  }
.LBB2_41:
0x61e: {  	p0 =	slt.u32 s19, $0x38;
	v19 =	vld.idx.msk [tilespmem:v12+s12+$0x0], $0xffff;
	v12 =	vmov s20;
	[tilespmem:s17+$0x20] =	vst v18;
	v18 =	vsub.s32 v2, v10;
	v2, _, _ =	vpop (xrf0);
	(xrf0) =	vadd.scan.msk.s32 $0xffff, v10  }
0x61f: {  	v10 =	vadd.s32 v17, v13;
	v20 =	vld.idx.msk [tilespmem:v9+s12+$0x0], $0xffff;
	v9 =	vand.u32 $0xFFFFFFFE, v12;
	v12 =	vadd.s32 v2, v15;
	v2, _, _ =	vpop (xrf0)  }
0x620: {  	s17 =	sadd.s32 $0x80, s17;
	v17 =	vld.idx.msk [tilespmem:v14+s12+$0x0], $0xffff;
	v9 =	vbroadcast v9, $0x0;
	[tilespmem:s18+$0xFFFFFFD0] =	vst v10;
	v14 =	vadd.s32 v2, v16;
	v13, _, _ =	vpop (xrf0);
	v2 =	vmov v5  }
0x621: {  	s20 =	sadd.s32 $0x1, s19;
	s21 =	sadd.s32 $0x7, s19;
	v5 =	vmov s19;
	v22 =	vmov v6;
	v21 =	vld [tilespmem:s17+$0x20];
	[tilespmem:s18+$0xFFFFFFE0] =	vst v12;
	v11 =	vadd.s32 v13, v11  }
0x622: {  	s22 =	sadd.s32 $0x3, s19;
	v23 =	vmov s21;
	v6 =	vmov s20;
	s20 =	sadd.s32 $0x2, s19;
	v5 =	vand.u32 $0xFFFFFFF8, v5;
	v12 =	vld [tilespmem:s17+$0xFFFFFFD0];
	[tilespmem:s18+$0xFFFFFFF0] =	vst v14;
	v10, _, _ =	vpop (xrf0)  }
0x623: {  	s21 =	sadd.s32 $0x5, s19;
	v13 =	vmov s20;
	s20 =	sadd.s32 $0x4, s19;
	v14 =	vmov s22;
	v16 =	vld [tilespmem:s17+$0xFFFFFFE0];
	[tilespmem:s18+$0x0] =	vst v11;
	v15 =	vadd.s32 v10, v7;
	v10, _, _ =	vpop (xrf0)  }
0x624: {  	v24 =	vmov s21;
	v11 =	vmov s20;
	v25 =	vld [tilespmem:s17+$0xFFFFFFF0];
	v8 =	vadd.s32 v10, v8;
	[tilespmem:s18+$0x10] =	vst v15;
	v7, _, _ =	vpop (xrf0)  }
0x625: {  	v26 =	vbroadcast v5, $0x0;
	v5 =	vand.u32 $0xFFFFFFF9, v6;
	v6 =	vld [tilespmem:s17+$0x0];
	[tilespmem:s18+$0xFFFFFFC0] =	vst v8;
	v7 =	vadd.s32 v7, v18  }
0x626: {  	v8 =	vbroadcast v5, $0x0;
	v5 =	vand.u32 $0xFFFFFFFA, v13;
	v18 =	vld.idx.msk [tilespmem:v9+s12+$0x0], $0xffff;
	(xrf0) =	vadd.scan.msk.s32 $0xffff, v21;
	[tilespmem:s18+$0x30] =	vst v7;
	s18 =	smov.u32 s17  }
0x627: {  	v27 =	vbroadcast v5, $0x0;
	v5 =	vand.u32 $0xFFFFFFFB, v14;
	v13 =	vsub.s32 v3, v12;
	v28 =	vld [tilespmem:s17+$0x10];
	(xrf0) =	vadd.scan.msk.s32 $0xffff, v12  }
0x628: {  	v12 =	vbroadcast v5, $0x0;
	v3 =	vand.u32 $0xFFFFFFFC, v11;
	v29 =	vld [tilespmem:s17+$0xFFFFFFC0];
	v15 =	vsub.s32 v4, v16;
	(xrf0) =	vadd.scan.msk.s32 $0xffff, v16  }
.Ltmp21:
0x629: {  	v9 =	vbroadcast v3, $0x0;
	v3 =	vand.u32 $0xFFFFFFFD, v24;
	v16 =	vsub.s32 v19, v25;
	v10 =	vld [tilespmem:s17+$0x30];
	(xrf0) =	vadd.scan.msk.s32 $0xffff, v25;
	(pc) =	sbr.rel @p0 .LBB2_41-.Ltmp21, $4  }
0x62a: {  	v14 =	vbroadcast v3, $0x0;
	v5 =	vld.idx.msk [tilespmem:v23+s12+$0x0], $0xffff;
	v11 =	vsub.s32 v20, v6;
	(xrf0) =	vadd.scan.msk.s32 $0xffff, v6  }
0x62b: {  	v6 =	vld.idx.msk [tilespmem:v26+s12+$0x0], $0xffff  }
0x62c: {  	v19 =	vsub.s32 v18, v21;
	v3 =	vld.idx.msk [tilespmem:v8+s12+$0x0], $0xffff;
	v7 =	vsub.s32 v17, v28;
	(xrf0) =	vadd.scan.msk.s32 $0xffff, v28;
	v18, _, _ =	vpop (xrf0)  }
0x62d: {  	s20 =	sadd.s32 $0x6, s19;
	s19 =	sadd.s32 $0x8, s19;
	v4 =	vld.idx.msk [tilespmem:v27+s12+$0x0], $0xffff;
	v8 =	vsub.s32 v22, v29;
	v18 =	vadd.s32 v18, v19;
	(xrf0) =	vadd.scan.msk.s32 $0xffff, v29;
	v17, _, _ =	vpop (xrf0)  }
0x62e: {  	v19 =	vmov s20  }
0x62f: {  	s19 =	sadd.s32 $0x80, s17;
	v19 =	vand.u32 $0xFFFFFFFE, v19  }
0x630: {  	v20 =	vld [tilespmem:s19+$0x20];
	v19 =	vbroadcast v19, $0x0;
	_ =	sdelay $0x2  }
0x631: {  	v41, _, _ =	vpop (xrf0);
	v21 =	vld [tilespmem:s19+$0xFFFFFFD0]  }
0x632: {  	(xrf0) =	vadd.scan.msk.s32 $0xffff, v10;
	v22 =	vld [tilespmem:s19+$0xFFFFFFE0];
	v43, _, _ =	vpop (xrf0)  }
0x633: {  	v23 =	vld [tilespmem:s19+$0xFFFFFFF0];
	v45, _, _ =	vpop (xrf0);
	(xrf0) =	vadd.scan.msk.s32 $0xffff, v20  }
0x634: {  	v47, _, _ =	vpop (xrf0);
	v19 =	vld.idx.msk [tilespmem:v19+s12+$0x0], $0xffff  }
0x635: {  	v7 =	vadd.s32 v47, v7  }
0x636: {  	v24 =	vld [tilespmem:s19+$0x0];
	(xrf0) =	vadd.scan.msk.s32 $0xffff, v21  }
0x637: {  	v42 =	vld [tilespmem:s19+$0x10];
	v49, _, _ =	vpop (xrf0);
	(xrf0) =	vadd.scan.msk.s32 $0xffff, v22  }
0x638: {  	v2 =	vsub.s32 v2, v10;
	[tilespmem:s18+$0x10] =	vst v7;
	v7, _, _ =	vpop (xrf0);
	(xrf0) =	vadd.scan.msk.s32 $0xffff, v23  }
0x639: {  	v48 =	vld.idx.msk [tilespmem:v12+s12+$0x0], $0xffff;
	v2 =	vadd.s32 v7, v2;
	v51, _, _ =	vpop (xrf0);
	v7 =	vsub.s32 v19, v20  }
0x63a: {  	v44 =	vld [tilespmem:s19+$0xFFFFFFC0];
	[tilespmem:s18+$0x30] =	vst v2;
	v2 =	vsub.s32 v3, v21;
	v3 =	vadd.s32 v51, v7  }
0x63b: {  	[tilespmem:s17+$0x20] =	vst v18;
	v13 =	vadd.s32 v17, v13;
	v46 =	vld [tilespmem:s19+$0x30];
	v4 =	vsub.s32 v4, v22;
	(xrf0) =	vadd.scan.msk.s32 $0xffff, v24  }
0x63c: {  	v9 =	vld.idx.msk [tilespmem:v9+s12+$0x0], $0xffff;
	[tilespmem:s18+$0xFFFFFFD0] =	vst v13;
	(xrf0) =	vadd.scan.msk.s32 $0xffff, v42;
	v7, _, _ =	vpop (xrf0)  }
0x63d: {  	v50 =	vld.idx.msk [tilespmem:v14+s12+$0x0], $0xffff;
	v15 =	vadd.s32 v41, v15;
	v16 =	vadd.s32 v43, v16;
	[tilespmem:s19+$0x20] =	vst v3;
	v3, _, _ =	vpop (xrf0)  }
0x63e: {  	[tilespmem:s18+$0xFFFFFFE0] =	vst v15;
	v2 =	vadd.s32 v7, v2;
	v7 =	vsub.s32 v48, v23;
	v3 =	vadd.s32 v3, v4;
	v4, _, _ =	vpop (xrf0)  }
0x63f: {  	[tilespmem:s18+$0xFFFFFFF0] =	vst v16;
	(xrf0) =	vadd.scan.msk.s32 $0xffff, v44;
	v4 =	vadd.s32 v4, v7  }
0x640: {  	(xrf0) =	vadd.scan.msk.s32 $0xffff, v46;
	[tilespmem:s19+$0xFFFFFFD0] =	vst v2  }
0x641: {  	v2 =	vsub.s32 v9, v24;
	[tilespmem:s19+$0xFFFFFFE0] =	vst v3;
	v7, _, _ =	vpop (xrf0)  }
0x642: {  	v3 =	vsub.s32 v50, v42;
	[tilespmem:s19+$0xFFFFFFF0] =	vst v4;
	v2 =	vadd.s32 v7, v2;
	v4, _, _ =	vpop (xrf0)  }
0x643: {  	v11 =	vadd.s32 v45, v11;
	[tilespmem:s19+$0x0] =	vst v2;
	v2 =	vadd.s32 v4, v3  }
0x644: {  	[tilespmem:s18+$0x0] =	vst v11;
	v8 =	vadd.s32 v49, v8  }
0x645: {  	v6 =	vsub.s32 v6, v44;
	[tilespmem:s18+$0xFFFFFFC0] =	vst v8;
	v3, _, _ =	vpop (xrf0)  }
0x646: {  	v4 =	vsub.s32 v5, v46;
	v3 =	vadd.s32 v3, v6;
	[tilespmem:s19+$0x10] =	vst v2;
	v2, _, _ =	vpop (xrf0)  }
0x647: {  	[tilespmem:s19+$0xFFFFFFC0] =	vst v3;
	v2 =	vadd.s32 v2, v4  }
0x648: {  	s31 =	simm.s32 $0x18020;
	[tilespmem:s19+$0x30] =	vst v2  }
0x649: {  	v2 =	vld [tilespmem:s31+$0xFFFFFFE0]  }
0x64a: {  	v3 =	vld [tilespmem:s31+$0xFFFFFFF0]  }
0x64b: {  	v4 =	vld [tilespmem:s31+$0x0]  }
0x64c: {  	v5 =	vld [tilespmem:s31+$0x10]  }
0x64d: {  	s18 =	simm.s32 $0x16000  }
0x64e: {  	[tilespmem:s18+$0xFFFFE000] =	vst v2  }
0x64f: {  	s17 =	simm.s32 $0x12000;
	[tilespmem:s18+$0xFFFFE010] =	vst v3  }
0x650: {  	[tilespmem:s18+$0xFFFFE020] =	vst v4;
	v6 =	vld [tilespmem:s17+$0xFFFFE000]  }
0x651: {  	[tilespmem:s18+$0xFFFFE030] =	vst v5;
	v7 =	vld [tilespmem:s17+$0xFFFFE010]  }
0x652: {  	[tilespmem:s17+$0xFFFFE010] =	vst v0;
	v52 =	vld [tilespmem:s17+$0xFFFFE020]  }
0x653: {  	[tilespmem:s17+$0xFFFFE000] =	vst v0  }
0x654: {  	[tilespmem:s17+$0xFFFFE020] =	vst v0  }
0x655: {  	v2 =	vadd.s32 v2, v6;
	v6 =	vld [tilespmem:s17+$0xFFFFE030];
	[tilespmem:s17+$0xFFFFE030] =	vst v0  }
0x656: {  	v3 =	vadd.s32 v3, v7;
	[tilespmem:s18+$0xFFFFE800] =	vst v2  }
0x657: {  	v4 =	vadd.s32 v4, v52;
	[tilespmem:s18+$0xFFFFE810] =	vst v3  }
0x658: {  	[tilespmem:s18+$0xFFFFE820] =	vst v4;
	v7 =	vld [tilespmem:s17+$0xFFFFE800]  }
0x659: {  	[tilespmem:s17+$0xFFFFE800] =	vst v0;
	v53 =	vld [tilespmem:s17+$0xFFFFE810]  }
0x65a: {  	[tilespmem:s17+$0xFFFFE810] =	vst v0  }
0x65b: {  	v5 =	vadd.s32 v5, v6;
	v6 =	vld [tilespmem:s17+$0xFFFFE820];
	[tilespmem:s17+$0xFFFFE820] =	vst v0  }
0x65c: {  	[tilespmem:s18+$0xFFFFE830] =	vst v5  }
0x65d: {  	v2 =	vadd.s32 v2, v7;
	v7 =	vld [tilespmem:s17+$0xFFFFE830];
	[tilespmem:s17+$0xFFFFE830] =	vst v0  }
0x65e: {  	v3 =	vadd.s32 v3, v53;
	[tilespmem:s18+$0xFFFFF000] =	vst v2  }
0x65f: {  	[tilespmem:s18+$0xFFFFF010] =	vst v3  }
0x660: {  	v54 =	vld [tilespmem:s17+$0xFFFFF000];
	[tilespmem:s17+$0xFFFFF000] =	vst v0  }
0x661: {  	v55 =	vld [tilespmem:s17+$0xFFFFF010];
	[tilespmem:s17+$0xFFFFF010] =	vst v0;
	v4 =	vadd.s32 v4, v6  }
0x662: {  	[tilespmem:s18+$0xFFFFF020] =	vst v4;
	v5 =	vadd.s32 v5, v7  }
0x663: {  	v6 =	vld [tilespmem:s17+$0xFFFFF020];
	[tilespmem:s18+$0xFFFFF030] =	vst v5  }
0x664: {  	[tilespmem:s17+$0xFFFFF020] =	vst v0;
	v7 =	vld [tilespmem:s17+$0xFFFFF030]  }
0x665: {  	v2 =	vadd.s32 v2, v54;
	[tilespmem:s17+$0xFFFFF030] =	vst v0  }
0x666: {  	v3 =	vadd.s32 v3, v55;
	[tilespmem:s18+$0xFFFFF800] =	vst v2  }
0x667: {  	[tilespmem:s18+$0xFFFFF810] =	vst v3;
	v56 =	vld [tilespmem:s17+$0xFFFFF800]  }
0x668: {  	[tilespmem:s17+$0xFFFFF800] =	vst v0;
	v4 =	vadd.s32 v4, v6  }
0x669: {  	[tilespmem:s18+$0xFFFFF820] =	vst v4;
	v5 =	vadd.s32 v5, v7;
	v7 =	vld [tilespmem:s17+$0xFFFFF810]  }
0x66a: {  	[tilespmem:s17+$0xFFFFF810] =	vst v0  }
0x66b: {  	[tilespmem:s18+$0xFFFFF830] =	vst v5  }
0x66c: {  	v2 =	vadd.s32 v2, v56;
	v57 =	vld [tilespmem:s17+$0xFFFFF830];
	[tilespmem:s17+$0xFFFFF830] =	vst v0  }
0x66d: {  	[tilespmem:s18+$0x0] =	vst v2  }
0x66e: {  	v6 =	vld [tilespmem:s17+$0x0];
	[tilespmem:s17+$0x0] =	vst v0;
	v3 =	vadd.s32 v3, v7  }
0x66f: {  	v7 =	vld [tilespmem:s17+$0xFFFFF820];
	[tilespmem:s18+$0x10] =	vst v3  }
0x670: {  	[tilespmem:s17+$0xFFFFF820] =	vst v0;
	v58 =	vld [tilespmem:s17+$0x10]  }
0x671: {  	v5 =	vadd.s32 v5, v57;
	[tilespmem:s17+$0x10] =	vst v0  }
0x672: {  	[tilespmem:s18+$0x30] =	vst v5  }
0x673: {  	v59 =	vld [tilespmem:s17+$0x30];
	[tilespmem:s17+$0x30] =	vst v0;
	v2 =	vadd.s32 v2, v6  }
0x674: {  	[tilespmem:s18+$0x800] =	vst v2;
	v4 =	vadd.s32 v4, v7  }
0x675: {  	[tilespmem:s18+$0x20] =	vst v4;
	v61 =	vld [tilespmem:s17+$0x800];
	v3 =	vadd.s32 v3, v58  }
0x676: {  	v6 =	vld [tilespmem:s17+$0x20];
	[tilespmem:s18+$0x810] =	vst v3  }
0x677: {  	[tilespmem:s17+$0x800] =	vst v0;
	v7 =	vld [tilespmem:s17+$0x810]  }
0x678: {  	[tilespmem:s17+$0x20] =	vst v0  }
0x679: {  	v5 =	vadd.s32 v5, v59;
	[tilespmem:s17+$0x810] =	vst v0  }
0x67a: {  	[tilespmem:s18+$0x830] =	vst v5  }
0x67b: {  	v60 =	vld [tilespmem:s17+$0x830];
	[tilespmem:s17+$0x830] =	vst v0;
	v4 =	vadd.s32 v4, v6  }
0x67c: {  	[tilespmem:s18+$0x820] =	vst v4;
	v3 =	vadd.s32 v3, v7  }
0x67d: {  	v62 =	vadd.s32 v2, v61;
	v6 =	vld [tilespmem:s17+$0x820];
	[tilespmem:s18+$0x1010] =	vst v3  }
0x67e: {  	[tilespmem:s18+$0x1000] =	vst v62;
	v7 =	vld [tilespmem:s17+$0x1010]  }
0x67f: {  	[tilespmem:s17+$0x820] =	vst v0  }
0x680: {  	v5 =	vadd.s32 v5, v60;
	[tilespmem:s17+$0x1010] =	vst v0  }
0x681: {  	[tilespmem:s18+$0x1030] =	vst v5  }
0x682: {  	v63 =	vld [tilespmem:s17+$0x1030];
	[tilespmem:s17+$0x1030] =	vst v0;
	v2 =	vadd.s32 v4, v6  }
0x683: {  	v4 =	vld [tilespmem:s17+$0x1000];
	[tilespmem:s18+$0x1020] =	vst v2;
	v3 =	vadd.s32 v3, v7  }
0x684: {  	[tilespmem:s18+$0x1810] =	vst v3;
	v3 =	vld [tilespmem:s17+$0x1020]  }
0x685: {  	[tilespmem:s17+$0x1000] =	vst v0  }
0x686: {  	[tilespmem:s17+$0x1020] =	vst v0  }
0x687: {  	s21 =	simm.s32 $0x18060;
	v5 =	vadd.s32 v5, v63;
	[tilespmem:s17+$0x1810] =	vst v0  }
0x688: {  	s22 =	simm.s32 $0x12000;
	s20 =	simm.s32 $0x16000;
	s19 =	simm.s32 $0x0;
	[tilespmem:s18+$0x1830] =	vst v5;
	v4 =	vadd.s32 v62, v4  }
.LBB2_43:
0x689: {  	v5 =	vld [tilespmem:s21+$0xFFFFFFE0];
	s19 =	sadd.s32 $0x4, s19;
	v2 =	vadd.s32 v2, v3;
	[tilespmem:s17+$0x1830] =	vst v0;
	s18 =	sadd.s32 $0x40, s18;
	s22 =	sadd.s32 $0x40, s22  }
0x68a: {  	v3 =	vld [tilespmem:s21+$0xFFFFFFF0];
	p0 =	slt.u32 s19, $0x3C;
	[tilespmem:s20+$0x1800] =	vst v4  }
0x68b: {  	v4 =	vld [tilespmem:s21+$0x0];
	[tilespmem:s20+$0x1820] =	vst v2;
	s20 =	smov.u32 s18  }
0x68c: {  	v2 =	vld [tilespmem:s21+$0x10];
	[tilespmem:s17+$0x1820] =	vst v0  }
0x68d: {  	[tilespmem:s17+$0x1800] =	vst v0;
	s17 =	smov.u32 s22  }
0x68e: {  	[tilespmem:s18+$0xFFFFE000] =	vst v5  }
0x68f: {  	v6 =	vld [tilespmem:s22+$0xFFFFE000];
	[tilespmem:s18+$0xFFFFE010] =	vst v3  }
0x690: {  	v7 =	vld [tilespmem:s22+$0xFFFFE010];
	[tilespmem:s18+$0xFFFFE020] =	vst v4  }
0x691: {  	[tilespmem:s22+$0xFFFFE010] =	vst v0;
	v8 =	vld [tilespmem:s22+$0xFFFFE020]  }
0x692: {  	[tilespmem:s18+$0xFFFFE030] =	vst v2  }
0x693: {  	[tilespmem:s22+$0xFFFFE000] =	vst v0;
	v9 =	vld [tilespmem:s22+$0xFFFFE030]  }
0x694: {  	v5 =	vadd.s32 v5, v6;
	[tilespmem:s22+$0xFFFFE020] =	vst v0  }
0x695: {  	[tilespmem:s18+$0xFFFFE800] =	vst v5;
	v3 =	vadd.s32 v3, v7  }
0x696: {  	v6 =	vld [tilespmem:s22+$0xFFFFE800];
	[tilespmem:s18+$0xFFFFE810] =	vst v3;
	v4 =	vadd.s32 v4, v8  }
0x697: {  	[tilespmem:s22+$0xFFFFE800] =	vst v0;
	v7 =	vld [tilespmem:s22+$0xFFFFE810]  }
0x698: {  	[tilespmem:s18+$0xFFFFE820] =	vst v4;
	v2 =	vadd.s32 v2, v9  }
0x699: {  	[tilespmem:s22+$0xFFFFE030] =	vst v0  }
0x69a: {  	[tilespmem:s22+$0xFFFFE810] =	vst v0  }
0x69b: {  	v5 =	vadd.s32 v5, v6;
	v6 =	vld [tilespmem:s22+$0xFFFFE820];
	[tilespmem:s18+$0xFFFFE830] =	vst v2  }
0x69c: {  	[tilespmem:s18+$0xFFFFF000] =	vst v5;
	v3 =	vadd.s32 v3, v7;
	v7 =	vld [tilespmem:s22+$0xFFFFE830]  }
0x69d: {  	v8 =	vld [tilespmem:s22+$0xFFFFF000];
	[tilespmem:s18+$0xFFFFF010] =	vst v3  }
0x69e: {  	v9 =	vld [tilespmem:s22+$0xFFFFF010];
	[tilespmem:s22+$0xFFFFE820] =	vst v0  }
0x69f: {  	[tilespmem:s22+$0xFFFFF000] =	vst v0  }
0x6a0: {  	[tilespmem:s22+$0xFFFFF010] =	vst v0  }
0x6a1: {  	v2 =	vadd.s32 v2, v7;
	[tilespmem:s22+$0xFFFFE830] =	vst v0  }
0x6a2: {  	v5 =	vadd.s32 v5, v8;
	[tilespmem:s18+$0xFFFFF030] =	vst v2  }
0x6a3: {  	[tilespmem:s18+$0xFFFFF800] =	vst v5;
	v3 =	vadd.s32 v3, v9;
	v7 =	vld [tilespmem:s22+$0xFFFFF030]  }
0x6a4: {  	v4 =	vadd.s32 v4, v6;
	v8 =	vld [tilespmem:s22+$0xFFFFF800];
	[tilespmem:s18+$0xFFFFF810] =	vst v3  }
0x6a5: {  	[tilespmem:s18+$0xFFFFF020] =	vst v4  }
0x6a6: {  	[tilespmem:s22+$0xFFFFF800] =	vst v0;
	v6 =	vld [tilespmem:s22+$0xFFFFF020]  }
0x6a7: {  	[tilespmem:s22+$0xFFFFF020] =	vst v0  }
0x6a8: {  	v2 =	vadd.s32 v2, v7;
	[tilespmem:s22+$0xFFFFF030] =	vst v0  }
0x6a9: {  	v5 =	vadd.s32 v5, v8;
	v7 =	vld [tilespmem:s22+$0xFFFFF810];
	[tilespmem:s18+$0xFFFFF830] =	vst v2  }
0x6aa: {  	[tilespmem:s18+$0x0] =	vst v5;
	v8 =	vld [tilespmem:s22+$0xFFFFF830]  }
0x6ab: {  	v9 =	vld [tilespmem:s22+$0x0];
	v4 =	vadd.s32 v4, v6;
	[tilespmem:s22+$0xFFFFF830] =	vst v0  }
0x6ac: {  	[tilespmem:s22+$0xFFFFF810] =	vst v0  }
0x6ad: {  	[tilespmem:s18+$0xFFFFF820] =	vst v4  }
0x6ae: {  	[tilespmem:s22+$0x0] =	vst v0;
	v3 =	vadd.s32 v3, v7  }
0x6af: {  	[tilespmem:s18+$0x10] =	vst v3;
	v6 =	vld [tilespmem:s22+$0xFFFFF820];
	v2 =	vadd.s32 v2, v8  }
0x6b0: {  	v7 =	vld [tilespmem:s22+$0x10];
	[tilespmem:s18+$0x30] =	vst v2  }
0x6b1: {  	[tilespmem:s22+$0x10] =	vst v0;
	v8 =	vld [tilespmem:s22+$0x30]  }
0x6b2: {  	[tilespmem:s22+$0x30] =	vst v0  }
0x6b3: {  	v5 =	vadd.s32 v5, v9;
	[tilespmem:s22+$0xFFFFF820] =	vst v0  }
0x6b4: {  	[tilespmem:s18+$0x800] =	vst v5;
	v4 =	vadd.s32 v4, v6  }
0x6b5: {  	v6 =	vld [tilespmem:s22+$0x800];
	v3 =	vadd.s32 v3, v7;
	[tilespmem:s18+$0x20] =	vst v4  }
0x6b6: {  	[tilespmem:s18+$0x810] =	vst v3;
	v7 =	vld [tilespmem:s22+$0x20];
	v2 =	vadd.s32 v2, v8  }
0x6b7: {  	v8 =	vld [tilespmem:s22+$0x810];
	[tilespmem:s18+$0x830] =	vst v2  }
0x6b8: {  	[tilespmem:s22+$0x810] =	vst v0;
	v9 =	vld [tilespmem:s22+$0x830]  }
0x6b9: {  	[tilespmem:s22+$0x830] =	vst v0  }
0x6ba: {  	v5 =	vadd.s32 v5, v6;
	[tilespmem:s22+$0x20] =	vst v0  }
0x6bb: {  	[tilespmem:s22+$0x800] =	vst v0;
	v4 =	vadd.s32 v4, v7  }
0x6bc: {  	v3 =	vadd.s32 v3, v8;
	[tilespmem:s18+$0x820] =	vst v4  }
0x6bd: {  	[tilespmem:s18+$0x1010] =	vst v3;
	v6 =	vld [tilespmem:s22+$0x820];
	v7 =	vadd.s32 v2, v9  }
0x6be: {  	v8 =	vld [tilespmem:s22+$0x1010];
	[tilespmem:s18+$0x1030] =	vst v7  }
0x6bf: {  	[tilespmem:s22+$0x1010] =	vst v0;
	v9 =	vld [tilespmem:s22+$0x1030]  }
0x6c0: {  	[tilespmem:s18+$0x1000] =	vst v5  }
0x6c1: {  	v10 =	vld [tilespmem:s22+$0x1000];
	[tilespmem:s22+$0x820] =	vst v0  }
0x6c2: {  	v2 =	vadd.s32 v4, v6;
	[tilespmem:s22+$0x1030] =	vst v0  }
0x6c3: {  	v3 =	vadd.s32 v3, v8;
	[tilespmem:s18+$0x1020] =	vst v2  }
.Ltmp22:
0x6c4: {  	[tilespmem:s18+$0x1810] =	vst v3;
	v3 =	vld [tilespmem:s22+$0x1020];
	v6 =	vadd.s32 v7, v9;
	(pc) =	sbr.rel @p0 .LBB2_43-.Ltmp22, $4  }
0x6c5: {  	[tilespmem:s22+$0x1020] =	vst v0  }
0x6c6: {  	v4 =	vadd.s32 v5, v10;
	[tilespmem:s22+$0x1810] =	vst v0  }
0x6c7: {  	[tilespmem:s18+$0x1830] =	vst v6  }
0x6c8: {  	s23 =	simm.s32 $0x0;
	s21 =	sadd.s32 $0x40, s21;
	[tilespmem:s22+$0x1000] =	vst v0  }
0x6c9: {  	[tilespmem:s17+$0x1830] =	vst v0  }
0x6ca: {  	v2 =	vadd.s32 v2, v3;
	[tilespmem:s20+$0x1800] =	vst v4  }
0x6cb: {  	[tilespmem:s20+$0x1820] =	vst v2  }
0x6cc: {  	[tilespmem:s17+$0x1800] =	vst v0  }
0x6cd: {  	[tilespmem:s17+$0x1820] =	vst v0  }
0x6ce: {  	s31 =	sand.u32 $0xFF0, s23;
	v2 =	vld [tilespmem:s23+$0x0]  }
0x6cf: {  	v3 =	vld [tilespmem:s31+$0x7000];
	_ =	sdelay $0x4  }
0x6d0: {  	v4 =	vshrl.u32 v2, $0x16;
	v5 =	vshrl.u32 v3, $0x16  }
0x6d1: {  	(xrf1) =	vunique.msk.u32 $0xffff, v4;
	v5 =	vor.u32 $0x3800, v5  }
0x6d2: {  	(xrf1) =	vunique.msk.u32 $0xffff, v5;
	_ =	sdelay $0x6  }
0x6d3: {  	v7 =	vld [tilespmem:s31+$0x6000]  }
0x6d4: {  	v9 =	vld [tilespmem:s31+$0x5000]  }
0x6d5: {  	v10 =	vld [tilespmem:s31+$0x4000]  }
0x6d6: {  	v8 =	vld.idx.msk [tilespmem:v4+s13+$0x0], $0xffff  }
0x6d7: {  	v6 =	vld.idx.msk [tilespmem:v5+s13+$0x0], $0xffff  }
0x6d8: {  	v12 =	vshrl.u32 v7, $0x16  }
0x6d9: {  	v12 =	vor.u32 $0x3000, v12;
	_, v11, vm0 =	vpop (xrf1)  }
0x6da: {  	v14 =	vshrl.u32 v9, $0x16;
	(xrf1) =	vunique.msk.u32 $0xffff, v12;
	_, v13, vm1 =	vpop (xrf1)  }
0x6db: {  	v14 =	vor.u32 $0x2800, v14;
	v8 =	vadd.s32 v8, v11;
	v11 =	vld [tilespmem:s31+$0x3000]  }
0x6dc: {  	(xrf1) =	vunique.msk.u32 $0xffff, v14;
	v6 =	vadd.s32 v6, v13;
	v13 =	vshrl.u32 v10, $0x16  }
0x6dd: {  	v15 =	vld [tilespmem:s31+$0x2000];
	v13 =	vor.u32 $0x2000, v13  }
0x6de: {  	vm2 =	vgt.s32 v2, $0xFFFFFFFF;
	(xrf1) =	vunique.msk.u32 $0xffff, v13  }
0x6df: {  	v16 =	vsel vm2, $0xFFFFFFFF, v1;
	vm2 =	vgt.s32 v3, $0xFFFFFFFF;
	[tilespmem:v4+s13+$0x0] =	vst.idx.msk vm0, v8;
	v4 =	vld [tilespmem:s31+$0x1000]  }
0x6e0: {  	v2 =	vxor.u32 v2, v16;
	v16 =	vsel vm2, $0xFFFFFFFF, v1;
	[tilespmem:v5+s13+$0x0] =	vst.idx.msk vm1, v6;
	v5 =	vshrl.u32 v11, $0x16  }
0x6e1: {  	s18 =	simm.s32 $0x10;
	v3 =	vxor.u32 v3, v16;
	[tilespmem:v8+s14+$0x0] =	vst.idx.msk $0xffff, v2;
	v16 =	vor.u32 $0x1800, v5  }
0x6e2: {  	s17 =	sand.u32 $0xFF0, s18;
	v2 =	vshrl.u32 v15, $0x16;
	v5 =	vld [tilespmem:s18+$0x0];
	[tilespmem:v6+s14+$0x0] =	vst.idx.msk $0xffff, v3;
	(xrf1) =	vunique.msk.u32 $0xffff, v16  }
0x6e3: {  	v17 =	vor.u32 $0x1000, v2;
	v6 =	vld [tilespmem:s17+$0x7000]  }
0x6e4: {  	(xrf1) =	vunique.msk.u32 $0xffff, v17;
	v3 =	vshrl.u32 v4, $0x16  }
0x6e5: {  	v8 =	vld.idx.msk [tilespmem:v12+s13+$0x0], $0xffff;
	v18 =	vor.u32 $0x800, v3  }
0x6e6: {  	(xrf1) =	vunique.msk.u32 $0xffff, v18  }
0x6e7: {  	v19 =	vld.idx.msk [tilespmem:v14+s13+$0x0], $0xffff;
	v2 =	vshrl.u32 v5, $0x16  }
0x6e8: {  	v3 =	vshrl.u32 v6, $0x16;
	(xrf1) =	vunique.msk.u32 $0xffff, v2;
	_, v20, vm0 =	vpop (xrf1)  }
0x6e9: {  	v3 =	vor.u32 $0x3800, v3  }
0x6ea: {  	v21 =	vld.idx.msk [tilespmem:v13+s13+$0x0], $0xffff;
	v8 =	vadd.s32 v8, v20;
	_, v56, vm2 =	vpop (xrf1);
	(xrf1) =	vunique.msk.u32 $0xffff, v3  }
0x6eb: {  	vm1 =	vgt.s32 v7, $0xFFFFFFFF  }
0x6ec: {  	v22 =	vsel vm1, $0xFFFFFFFF, v1;
	v19 =	vadd.s32 v19, v56;
	_, v23, vm1 =	vpop (xrf1)  }
0x6ed: {  	vm3 =	vgt.s32 v9, $0xFFFFFFFF;
	vm4 =	vgt.s32 v10, $0xFFFFFFFF;
	v57 =	vld.idx.msk [tilespmem:v16+s13+$0x0], $0xffff  }
0x6ee: {  	v24 =	vsel vm3, $0xFFFFFFFF, v1;
	v58 =	vsel vm4, $0xFFFFFFFF, v1;
	v7 =	vxor.u32 v7, v22;
	[tilespmem:v12+s13+$0x0] =	vst.idx.msk vm0, v8  }
0x6ef: {  	v9 =	vxor.u32 v9, v24;
	v59 =	vld.idx.msk [tilespmem:v17+s13+$0x0], $0xffff;
	v21 =	vadd.s32 v21, v23;
	[tilespmem:v8+s14+$0x0] =	vst.idx.msk $0xffff, v7  }
0x6f0: {  	v10 =	vxor.u32 v10, v58;
	vm14 =	vgt.s32 v4, $0xFFFFFFFF;
	v60 =	vld.idx.msk [tilespmem:v18+s13+$0x0], $0xffff;
	vm0 =	vgt.s32 v11, $0xFFFFFFFF;
	[tilespmem:v14+s13+$0x0] =	vst.idx.msk vm2, v19;
	_, v12, vm3 =	vpop (xrf1)  }
0x6f1: {  	v61 =	vld.idx.msk [tilespmem:v2+s13+$0x0], $0xffff;
	v7 =	vsel vm0, $0xFFFFFFFF, v1;
	vm0 =	vgt.s32 v15, $0xFFFFFFFF;
	v8 =	vsel vm14, $0xFFFFFFFF, v1;
	[tilespmem:v19+s14+$0x0] =	vst.idx.msk $0xffff, v9  }
0x6f2: {  	v7 =	vxor.u32 v11, v7;
	v62 =	vld [tilespmem:s17+$0x6000];
	v11 =	vsel vm0, $0xFFFFFFFF, v1;
	v12 =	vadd.s32 v57, v12;
	[tilespmem:v13+s13+$0x0] =	vst.idx.msk vm1, v21;
	_, v13, vm2 =	vpop (xrf1)  }
0x6f3: {  	v8 =	vxor.u32 v4, v8;
	vm0 =	vgt.s32 v5, $0xFFFFFFFF;
	v19 =	vxor.u32 v15, v11;
	v11 =	vld [tilespmem:s17+$0x5000]  }
0x6f4: {  	v14 =	vld.idx.msk [tilespmem:v3+s13+$0x0], $0xffff;
	v4 =	vsel vm0, $0xFFFFFFFF, v1;
	vm0 =	vgt.s32 v6, $0xFFFFFFFF;
	[tilespmem:v21+s14+$0x0] =	vst.idx.msk $0xffff, v10;
	v63 =	vadd.s32 v59, v13;
	_, v9, vm15 =	vpop (xrf1)  }
0x6f5: {  	v4 =	vxor.u32 v5, v4;
	v5 =	vsel vm0, $0xFFFFFFFF, v1;
	v10 =	vld [tilespmem:s17+$0x4000]  }
0x6f6: {  	v5 =	vxor.u32 v6, v5;
	_, v6, vm0 =	vpop (xrf1);
	v15 =	vadd.s32 v60, v9;
	[tilespmem:v16+s13+$0x0] =	vst.idx.msk vm3, v12  }
0x6f7: {  	v13 =	vadd.s32 v61, v6;
	v6 =	vshrl.u32 v62, $0x16;
	vm3 =	vgt.s32 v62, $0xFFFFFFFF;
	[tilespmem:v12+s14+$0x0] =	vst.idx.msk $0xffff, v7  }
0x6f8: {  	_, v7, vm1 =	vpop (xrf1);
	v6 =	vor.u32 $0x3000, v6;
	v9 =	vsel vm3, $0xFFFFFFFF, v1;
	[tilespmem:v17+s13+$0x0] =	vst.idx.msk vm2, v63;
	vm2 =	vgt.s32 v11, $0xFFFFFFFF;
	v12 =	vld [tilespmem:s17+$0x3000]  }
0x6f9: {  	v14 =	vadd.s32 v14, v7;
	v7 =	vshrl.u32 v11, $0x16;
	(xrf1) =	vunique.msk.u32 $0xffff, v6;
	[tilespmem:v63+s14+$0x0] =	vst.idx.msk $0xffff, v19  }
0x6fa: {  	s19 =	simm.s32 $0x20;
	v16 =	vshrl.u32 v10, $0x16;
	v9 =	vxor.u32 v62, v9;
	v7 =	vor.u32 $0x2800, v7;
	[tilespmem:v18+s13+$0x0] =	vst.idx.msk vm15, v15  }
.LBB2_45:
0x6fb: {  	p0 =	sne.s32 s19, $0xFF0  }
0x6fc: {  	v17 =	vld [tilespmem:s17+$0x2000];
	v16 =	vor.u32 $0x2000, v16;
	vm3 =	vgt.s32 v10, $0xFFFFFFFF;
	s18 =	sadd.s32 $0x10, s18;
	(xrf1) =	vunique.msk.u32 $0xffff, v7;
	[tilespmem:v15+s14+$0x0] =	vst.idx.msk $0xffff, v8;
	s20 =	smov.u32 s19;
	s19 =	sadd.s32 $0x10, s19  }
0x6fd: {  	v15 =	vsel vm2, $0xFFFFFFFF, v1;
	[tilespmem:v2+s13+$0x0] =	vst.idx.msk vm0, v13;
	v2 =	vld [tilespmem:s17+$0x1000];
	s17 =	sand.u32 $0xFF0, s20;
	v8 =	vshrl.u32 v12, $0x16;
	(xrf1) =	vunique.msk.u32 $0xffff, v16  }
0x6fe: {  	v11 =	vxor.u32 v11, v15;
	v18 =	vor.u32 $0x1800, v8;
	v8 =	vsel vm3, $0xFFFFFFFF, v1;
	[tilespmem:v3+s13+$0x0] =	vst.idx.msk vm1, v14  }
0x6ff: {  	vm0 =	vgt.s32 v12, $0xFFFFFFFF;
	[tilespmem:v13+s14+$0x0] =	vst.idx.msk $0xffff, v4;
	v10 =	vxor.u32 v10, v8;
	(xrf1) =	vunique.msk.u32 $0xffff, v18  }
0x700: {  	v4 =	vsel vm0, $0xFFFFFFFF, v1;
	v3 =	vld [tilespmem:s18+$0x0];
	[tilespmem:v14+s14+$0x0] =	vst.idx.msk $0xffff, v5  }
0x701: {  	v12 =	vxor.u32 v12, v4;
	v5 =	vld [tilespmem:s17+$0x7000];
	v8 =	vshrl.u32 v17, $0x16;
	vm0 =	vgt.s32 v17, $0xFFFFFFFF  }
0x702: {  	v4 =	vshrl.u32 v2, $0x16;
	vm1 =	vgt.s32 v2, $0xFFFFFFFF;
	v19 =	vor.u32 $0x1000, v8  }
0x703: {  	v13 =	vsel vm0, $0xFFFFFFFF, v1;
	v20 =	vor.u32 $0x800, v4;
	v4 =	vsel vm1, $0xFFFFFFFF, v1;
	v14 =	vld.idx.msk [tilespmem:v18+s13+$0x0], $0xffff;
	(xrf1) =	vunique.msk.u32 $0xffff, v19  }
0x704: {  	v17 =	vxor.u32 v17, v13;
	v8 =	vxor.u32 v2, v4;
	v13 =	vld.idx.msk [tilespmem:v6+s13+$0x0], $0xffff;
	(xrf1) =	vunique.msk.u32 $0xffff, v20  }
0x705: {  	v2 =	vshrl.u32 v3, $0x16;
	vm0 =	vgt.s32 v3, $0xFFFFFFFF  }
0x706: {  	v4 =	vsel vm0, $0xFFFFFFFF, v1;
	v24 =	vshrl.u32 v5, $0x16;
	vm0 =	vgt.s32 v5, $0xFFFFFFFF;
	(xrf1) =	vunique.msk.u32 $0xffff, v2;
	v21 =	vld.idx.msk [tilespmem:v7+s13+$0x0], $0xffff  }
0x707: {  	v4 =	vxor.u32 v3, v4;
	v3 =	vor.u32 $0x3800, v24;
	v23 =	vsel vm0, $0xFFFFFFFF, v1;
	v22 =	vld.idx.msk [tilespmem:v16+s13+$0x0], $0xffff  }
0x708: {  	v5 =	vxor.u32 v5, v23;
	(xrf1) =	vunique.msk.u32 $0xffff, v3;
	_, v15, vm0 =	vpop (xrf1);
	_ =	sdelay $0x1  }
0x709: {  	v13 =	vadd.s32 v13, v15;
	_, v15, vm1 =	vpop (xrf1)  }
0x70a: {  	_, v23, vm2 =	vpop (xrf1);
	_ =	sdelay $0x1  }
0x70b: {  	v15 =	vadd.s32 v21, v15;
	v22 =	vadd.s32 v22, v23;
	v24 =	vld.idx.msk [tilespmem:v19+s13+$0x0], $0xffff;
	_, v21, vm3 =	vpop (xrf1)  }
0x70c: {  	v23 =	vld.idx.msk [tilespmem:v20+s13+$0x0], $0xffff;
	[tilespmem:v6+s13+$0x0] =	vst.idx.msk vm0, v13  }
0x70d: {  	v25 =	vld.idx.msk [tilespmem:v3+s13+$0x0], $0xffff;
	[tilespmem:v13+s14+$0x0] =	vst.idx.msk $0xffff, v9  }
0x70e: {  	v9 =	vadd.s32 v14, v21;
	v6 =	vld.idx.msk [tilespmem:v2+s13+$0x0], $0xffff;
	[tilespmem:v7+s13+$0x0] =	vst.idx.msk vm1, v15  }
0x70f: {  	v21 =	vld [tilespmem:s17+$0x6000];
	[tilespmem:v16+s13+$0x0] =	vst.idx.msk vm2, v22;
	_, v7, vm2 =	vpop (xrf1)  }
0x710: {  	[tilespmem:v15+s14+$0x0] =	vst.idx.msk $0xffff, v11;
	_, v13, vm4 =	vpop (xrf1)  }
0x711: {  	v11 =	vld [tilespmem:s17+$0x5000];
	[tilespmem:v22+s14+$0x0] =	vst.idx.msk $0xffff, v10  }
0x712: {  	v15 =	vadd.s32 v23, v13;
	v22 =	vadd.s32 v24, v7;
	v10 =	vld [tilespmem:s17+$0x4000];
	_, v14, vm0 =	vpop (xrf1);
	[tilespmem:v18+s13+$0x0] =	vst.idx.msk vm3, v9  }
.Ltmp23:
0x713: {  	[tilespmem:v9+s14+$0x0] =	vst.idx.msk $0xffff, v12;
	(pc) =	sbr.rel @p0 .LBB2_45-.Ltmp23, $4  }
0x714: {  	v13 =	vadd.s32 v6, v14;
	v12 =	vld [tilespmem:s17+$0x3000];
	v6 =	vshrl.u32 v21, $0x16;
	vm3 =	vgt.s32 v21, $0xFFFFFFFF;
	_, v7, vm1 =	vpop (xrf1)  }
0x715: {  	v6 =	vor.u32 $0x3000, v6;
	v9 =	vsel vm3, $0xFFFFFFFF, v1;
	v14 =	vadd.s32 v25, v7;
	[tilespmem:v19+s13+$0x0] =	vst.idx.msk vm2, v22  }
0x716: {  	v7 =	vshrl.u32 v11, $0x16;
	vm2 =	vgt.s32 v11, $0xFFFFFFFF;
	(xrf1) =	vunique.msk.u32 $0xffff, v6;
	[tilespmem:v20+s13+$0x0] =	vst.idx.msk vm4, v15  }
0x717: {  	v9 =	vxor.u32 v21, v9;
	v16 =	vshrl.u32 v10, $0x16;
	v7 =	vor.u32 $0x2800, v7;
	[tilespmem:v22+s14+$0x0] =	vst.idx.msk $0xffff, v17  }
0x718: {  	_ =	sdelay $0x3  }
0x719: {  	v17 =	vld [tilespmem:s17+$0x2000];
	[tilespmem:v15+s14+$0x0] =	vst.idx.msk $0xffff, v8  }
0x71a: {  	v52 =	vor.u32 $0x2000, v16;
	(xrf1) =	vunique.msk.u32 $0xffff, v7;
	v15 =	vld [tilespmem:s17+$0x1000]  }
0x71b: {  	(xrf1) =	vunique.msk.u32 $0xffff, v52  }
0x71c: {  	v53 =	vshrl.u32 v12, $0x16  }
0x71d: {  	v16 =	vor.u32 $0x1800, v53  }
0x71e: {  	(xrf1) =	vunique.msk.u32 $0xffff, v16;
	v18 =	vshrl.u32 v17, $0x16  }
0x71f: {  	v19 =	vshrl.u32 v15, $0x16;
	v18 =	vor.u32 $0x1000, v18  }
0x720: {  	v19 =	vor.u32 $0x800, v19;
	(xrf1) =	vunique.msk.u32 $0xffff, v18  }
0x721: {  	(xrf1) =	vunique.msk.u32 $0xffff, v19;
	_ =	sdelay $0x1  }
0x722: {  	v20 =	vld.idx.msk [tilespmem:v6+s13+$0x0], $0xffff;
	_ =	sdelay $0x2  }
0x723: {  	v21 =	vld.idx.msk [tilespmem:v7+s13+$0x0], $0xffff;
	_, v22, vm3 =	vpop (xrf1)  }
0x724: {  	v23 =	vld.idx.msk [tilespmem:v52+s13+$0x0], $0xffff  }
0x725: {  	[tilespmem:v2+s13+$0x0] =	vst.idx.msk vm0, v13;
	v2 =	vadd.s32 v20, v22;
	_, v54, vm9 =	vpop (xrf1)  }
0x726: {  	[tilespmem:v3+s13+$0x0] =	vst.idx.msk vm1, v14;
	v3 =	vld.idx.msk [tilespmem:v16+s13+$0x0], $0xffff;
	_, v55, vm10 =	vpop (xrf1)  }
0x727: {  	[tilespmem:v13+s14+$0x0] =	vst.idx.msk $0xffff, v4  }
0x728: {  	[tilespmem:v14+s14+$0x0] =	vst.idx.msk $0xffff, v5;
	v56 =	vadd.s32 v21, v54  }
0x729: {  	v57 =	vld.idx.msk [tilespmem:v18+s13+$0x0], $0xffff;
	v58 =	vadd.s32 v23, v55;
	[tilespmem:v6+s13+$0x0] =	vst.idx.msk vm3, v2;
	_, v6, vm3 =	vpop (xrf1)  }
0x72a: {  	v59 =	vld.idx.msk [tilespmem:v19+s13+$0x0], $0xffff;
	[tilespmem:v2+s14+$0x0] =	vst.idx.msk $0xffff, v9  }
0x72b: {  	vm11 =	vgt.s32 v10, $0xFFFFFFFF;
	v2 =	vsel vm2, $0xFFFFFFFF, v1;
	v3 =	vadd.s32 v3, v6;
	[tilespmem:v7+s13+$0x0] =	vst.idx.msk vm9, v56;
	_, v60, vm12 =	vpop (xrf1)  }
0x72c: {  	v61 =	vsel vm11, $0xFFFFFFFF, v1;
	v2 =	vxor.u32 v11, v2;
	[tilespmem:v52+s13+$0x0] =	vst.idx.msk vm10, v58;
	_, v8, vm1 =	vpop (xrf1)  }
0x72d: {  	vm13 =	vgt.s32 v12, $0xFFFFFFFF;
	v7 =	vxor.u32 v10, v61;
	[tilespmem:v56+s14+$0x0] =	vst.idx.msk $0xffff, v2  }
0x72e: {  	v2 =	vsel vm13, $0xFFFFFFFF, v1;
	[tilespmem:v58+s14+$0x0] =	vst.idx.msk $0xffff, v7;
	v62 =	vadd.s32 v57, v60  }
0x72f: {  	v2 =	vxor.u32 v12, v2;
	v63 =	vadd.s32 v59, v8;
	[tilespmem:v16+s13+$0x0] =	vst.idx.msk vm3, v3  }
0x730: {  	vm14 =	vgt.s32 v17, $0xFFFFFFFF;
	[tilespmem:v3+s14+$0x0] =	vst.idx.msk $0xffff, v2  }
0x731: {  	vm15 =	vgt.s32 v15, $0xFFFFFFFF;
	v2 =	vsel vm14, $0xFFFFFFFF, v1;
	[tilespmem:v18+s13+$0x0] =	vst.idx.msk vm12, v62  }
0x732: {  	v3 =	vsel vm15, $0xFFFFFFFF, v1;
	v2 =	vxor.u32 v17, v2;
	[tilespmem:v19+s13+$0x0] =	vst.idx.msk vm1, v63  }
0x733: {  	s15 =	sadd.s32 $0x1, s15;
	v3 =	vxor.u32 v15, v3;
	[tilespmem:v62+s14+$0x0] =	vst.idx.msk $0xffff, v2  }
0x734: {  	s16 =	sadd.s32 s4, s16;
	p0 =	slt.u32 s15, s6;
	[tilespmem:v63+s14+$0x0] =	vst.idx.msk $0xffff, v3  }
0x735: {  	[hbm4b:s16+s8] =	stream.strided.scatter [tilespmem:s14], [sflag:$0x1], $0x8000, s9, s8, $0x38;
	[tilespmem:$0x18880] =	vst v63  }
.Ltmp24:
0x736: {  	_ = 	snop;
	(pc) =	sbr.rel @p0 .LBB2_4-.Ltmp24, $4  }
.Ltmp25:
0x737: {  	_ = 	snop;
	(pc) =	sbr.rel @!p0 .LBB2_47-.Ltmp25, $4  }
0x738: {  	_ =	swait.ge [sflag:s10], $0x8000  }
0x739: {  	[sflag:s10] =	ssyncset.done $0x0  }
0x73a: {  	[sflag:s10] =	ssyncadd.s32 $0xFFFF8000  }
0x73b: {  	_ = 	snop  }
.LBB2_9:
.Ltmp26:
0x73c: {  	(pc) =	sbr.rel .LBB2_14-.Ltmp26, $2  }
0x73d: {  	_ =	sdelay $0x2  }
0x73e: {  	s19 =	simm.s32 $0xFFFFFFFF;
	p1 =	por $0x0, $0x0  }
.LBB2_15:
.Ltmp27:
0x73f: {  	(pc) =	sbr.rel .LBB2_20-.Ltmp27, $2  }
0x740: {  	_ =	sdelay $0x2  }
0x741: {  	s19 =	simm.s32 $0x18040  }
.LBB2_11:
.Ltmp28:
0x742: {  	(pc) =	sbr.rel .LBB2_14-.Ltmp28, $2  }
0x743: {  	_ =	sdelay $0x2  }
0x744: {  	s20 =	simm.s32 $0x10;
	s19 =	simm.s32 $0xFFFFFFFF  }
.LBB2_17:
.Ltmp29:
0x745: {  	(pc) =	sbr.rel .LBB2_20-.Ltmp29, $2  }
0x746: {  	_ =	sdelay $0x2  }
0x747: {  	v18 =	vmov v2;
	s19 =	simm.s32 $0x18040;
	s18 =	simm.s32 $0x18040;
	v2 =	vmov v17;
	v5 =	vmov v16  }
.LBB2_48:
0x748: {  	_ =	sfence.sel $0x180000  }
0x749: {  	[bflag:$0x0] =	sbarrier.arrive $0xFFFF  }
0x74a: {  	p0 =	sne.s32 s3, $0x0;
	_ =	strace $0x90000047  }
0x74b: {  	s0 =	sadd.s32 @!p0 $0x100000, s0;
	[bflag:$0x2] =	sbarrier.arrive $0xFFFF  }
0x74c: {  	[sflag:s0] =	ssyncadd.tile.s32 @!p0 $0x1;
	_ =	shalt  }
.Lfunc_end2:
_tile_overlayer_lowered:
.L_overlay_start_2:
0x74d: {  	(tag) =	ssettag $0x2  }
0x74e: {  	s0 =	rddreg [dreg:$0x0];
	s2 =	stileid.u32  }
0x74f: {  	s1 =	rddreg [dreg:$0x1];
	p0 =	sne.s32 s2, $0x0  }
0x750: {  	s3 =	rddreg [dreg:$0x2];
	[bflag:$0x3] =	sbarrier.arrive $0xFFFF;
	s2 =	simm.s32 @!p0 $0x1C01  }
0x751: {  	[timem:s3], [sflag:s2] =	dma.local @!p0 [hbm:s0], s1  }
0x752: {  	s0 =	simm.s32 @!p0 $0x1  }
0x753: {  	_ =	swait.ge @!p0 [sflag:s0], s1  }
0x754: {  	s1 =	ssub.s32 @!p0 $0x0, s1;
	[sflag:s0] =	ssyncset.done @!p0 $0x0  }
0x755: {  	[sflag:s0] =	ssyncadd.s32 @!p0 s1  }
0x756: {  	[bflag:$0x3] =	sbarrier.arrive $0xFFFF  }
0x757: {  	_ =	shalt  }

</sc_bundles>
